<compile_context>
chip_gen: v7x
topology: tpu7x:2x2x1
jax: 0.10.2.dev20260603
libtpu: 0.0.44.dev20260713+nightly
codegen_flags: <defaults>
</compile_context>

<pallas_src>
import jax
import jax.numpy as jnp
from jax import lax
from jax.experimental import pallas as pl
from jax.experimental.pallas import tpu as pltpu
from jax.experimental.pallas import tpu_sc as plsc

N, E, F, R, P = 10000, 320000, 128, 16, 2
NC, NS = 2, 16
NW = NC * NS
EPW = E // NW
CHUNK = 40
NCHUNK = EPW // CHUNK
NBUF = 4
RPT = 624
TAIL = N - NS * RPT
NBLK = 1000
EBLK = 8000


def _node_fwd_body(emb_ref, wi_ref, bi_ref, wj_ref, bj_ref, hi0h_ref, hjp_ref):
    emb = emb_ref[...]
    hi = jnp.maximum(
        jnp.dot(emb, wi_ref[...], preferred_element_type=jnp.float32)
        + bi_ref[...], 0.0)
    hi0h_ref[...] = hi * 0.5
    hjp_ref[...] = jnp.maximum(
        jnp.dot(emb, wj_ref[...], preferred_element_type=jnp.float32)
        + bj_ref[...], 0.0)


def _node_fwd(emb, Wi, bi, Wj, bj):
    grid = (N // NBLK,)
    row = pl.BlockSpec((NBLK, F), lambda i: (i, 0))
    full = pl.BlockSpec((F, F), lambda i: (0, 0))
    vec = pl.BlockSpec((1, F), lambda i: (0, 0))
    return pl.pallas_call(
        _node_fwd_body,
        grid=grid,
        in_specs=[row, full, vec, full, vec],
        out_specs=[row, row],
        out_shape=[jax.ShapeDtypeStruct((N, F), jnp.float32),
                   jax.ShapeDtypeStruct((N, F), jnp.float32)],
    )(emb, Wi, bi.reshape(1, F), Wj, bj.reshape(1, F))


def _g_body(f_hbm, wglo_ref, wghi_ref, g_ref, fb0, fb1, sem):
    i = pl.program_id(0)
    nsteps = pl.num_programs(0)
    fbufs = [fb0, fb1]

    @pl.when(i == 0)
    def _():
        pltpu.async_copy(f_hbm.at[pl.ds(0, EBLK)], fb0, sem.at[0])

    @pl.when(i + 1 < nsteps)
    def _():
        for b in range(2):
            @pl.when(lax.rem(i + 1, 2) == b)
            def _():
                pltpu.async_copy(f_hbm.at[pl.ds((i + 1) * EBLK, EBLK)],
                                 fbufs[b], sem.at[b])

    for b in range(2):
        @pl.when(lax.rem(i, 2) == b)
        def _():
            pltpu.make_async_copy(f_hbm.at[pl.ds(0, EBLK)], fbufs[b],
                                  sem.at[b]).wait()
    f = jnp.where(lax.rem(i, 2) == 0, fb0[...], fb1[...])
    ga = jnp.dot(f, wglo_ref[...], preferred_element_type=jnp.float32)
    gb = jnp.dot(f, wghi_ref[...], preferred_element_type=jnp.float32)
    lo = jax.lax.bitcast_convert_type(
        ga.astype(jnp.bfloat16), jnp.uint16).astype(jnp.uint32)
    hi = jax.lax.bitcast_convert_type(
        gb.astype(jnp.bfloat16), jnp.uint16).astype(jnp.uint32)
    gi = jax.lax.bitcast_convert_type(lo | (hi << 16), jnp.int32)
    g_ref[...] = gi.reshape(EBLK // CHUNK, CHUNK, F // 2)


def _edge_gate(f_ij, Wg):
    plo = [32 * (c // 16) + (c % 16) for c in range(F // 2)]
    phi = [32 * (c // 16) + 16 + (c % 16) for c in range(F // 2)]
    wg_lo = Wg[:, jnp.asarray(plo)]
    wg_hi = Wg[:, jnp.asarray(phi)]
    grid = (E // EBLK,)
    return pl.pallas_call(
        _g_body,
        grid=grid,
        in_specs=[pl.BlockSpec(memory_space=pltpu.MemorySpace.HBM),
                  pl.BlockSpec((R, F // 2), lambda i: (0, 0)),
                  pl.BlockSpec((R, F // 2), lambda i: (0, 0))],
        out_specs=pl.BlockSpec((EBLK // CHUNK, CHUNK, F // 2),
                               lambda i: (i, 0, 0)),
        out_shape=jax.ShapeDtypeStruct((E // CHUNK, CHUNK, F // 2), jnp.int32),
        scratch_shapes=[pltpu.VMEM((EBLK, R), jnp.float32),
                        pltpu.VMEM((EBLK, R), jnp.float32),
                        pltpu.SemaphoreType.DMA((2,))],
    )(f_ij, wg_lo, wg_hi)


def _sc_edge_body(hi0h, hjp, g, pair, out,
                  acc, idxj_v, idxi_v, rows_v, g_v, si, sr, sg, ss):
    c = lax.axis_index("c")
    s = lax.axis_index("s")
    wid = c * NS + s

    pltpu.sync_copy(hi0h.at[pl.ds(s * RPT, RPT)], acc.at[pl.ds(s * RPT, RPT)])

    @pl.when(s == NS - 1)
    def _():
        pltpu.sync_copy(hi0h.at[pl.ds(NS * RPT, TAIL)],
                        acc.at[pl.ds(NS * RPT, TAIL)])

    plsc.subcore_barrier()

    def issue_idx(t, b):
        pltpu.async_copy(pair.at[1, wid, t], idxj_v[b], si.at[b])
        pltpu.async_copy(pair.at[0, wid, t], idxi_v[b], si.at[b])

    def wait_idx(b):
        pltpu.make_async_copy(pair.at[1, wid, 0], idxj_v[b], si.at[b]).wait()
        pltpu.make_async_copy(pair.at[0, wid, 0], idxi_v[b], si.at[b]).wait()

    def issue_main(t, b):
        pltpu.async_copy(hjp.at[idxj_v[b]], rows_v[b], sr.at[b])
        pltpu.async_copy(g.at[wid * NCHUNK + t], g_v[b], sg.at[b])

    def wait_main(b):
        pltpu.make_async_copy(hjp.at[idxj_v[b]], rows_v[b], sr.at[b]).wait()
        pltpu.make_async_copy(g.at[0], g_v[b], sg.at[b]).wait()

    def wait_scat(b):
        pltpu.make_async_copy(rows_v[b], acc.at[idxi_v[b]], ss.at[b]).wait()

    def mul(b):
        def mrow(r, c2):
            for k in range(F // 32):
                w = g_v[b][r, pl.ds(k * 16, 16)]
                ga = jax.lax.bitcast_convert_type(w << 16, jnp.float32)
                gb = jax.lax.bitcast_convert_type(w & jnp.int32(-65536),
                                                  jnp.float32)
                sa = pl.ds(k * 32, 16)
                sb = pl.ds(k * 32 + 16, 16)
                rows_v[b][r, sa] = rows_v[b][r, sa] * ga
                rows_v[b][r, sb] = rows_v[b][r, sb] * gb
            return c2
        lax.fori_loop(0, CHUNK, mrow, 0)

    def half(t, b, *, w_scat=True, nxt=True, nxt2=True):
        y = (b + 1) % NBUF
        z = (b + 2) % NBUF
        if nxt:
            wait_idx(y)
            issue_main(t + 1, y)
        if w_scat:
            wait_scat(z)
        if nxt2:
            issue_idx(t + 2, z)
        wait_main(b)
        mul(b)
        pltpu.async_copy(rows_v[b], acc.at[idxi_v[b]], ss.at[b], add=True)

    issue_idx(0, 0)
    issue_idx(1, 1)
    wait_idx(0)
    issue_main(0, 0)
    half(0, 0, w_scat=False)
    half(1, 1, w_scat=False)

    def quad(u, carry):
        t = 2 + u * NBUF
        for r in range(NBUF):
            half(t + r, (2 + r) % NBUF)
        return carry

    lax.fori_loop(0, (NCHUNK - 2) // NBUF - 1, quad, 0)
    tt = 2 + ((NCHUNK - 2) // NBUF - 1) * NBUF
    for r in range(NBUF):
        t = tt + r
        half(t, t % NBUF, nxt=t + 1 < NCHUNK, nxt2=t + 2 < NCHUNK)
    wait_scat((NCHUNK - 2) % NBUF)
    wait_scat((NCHUNK - 1) % NBUF)
    plsc.subcore_barrier()

    pltpu.sync_copy(acc.at[pl.ds(s * RPT, RPT)],
                    out.at[c, pl.ds(s * RPT, RPT)])

    @pl.when(s == NS - 1)
    def _():
        pltpu.sync_copy(acc.at[pl.ds(NS * RPT, TAIL)],
                        out.at[c, pl.ds(NS * RPT, TAIL)])


def _sc_edge(hi0h, hjp, g, pair):
    mesh = plsc.VectorSubcoreMesh(core_axis_name="c", subcore_axis_name="s")
    kern = pl.kernel(
        _sc_edge_body,
        out_type=jax.ShapeDtypeStruct((NC, N, F), jnp.float32),
        mesh=mesh,
        scratch_types=[
            pltpu.VMEM_SHARED((N, F), jnp.float32),
            [pltpu.VMEM((CHUNK,), jnp.int32) for _ in range(NBUF)],
            [pltpu.VMEM((CHUNK,), jnp.int32) for _ in range(NBUF)],
            [pltpu.VMEM((CHUNK, F), jnp.float32) for _ in range(NBUF)],
            [pltpu.VMEM((CHUNK, F // 2), jnp.int32) for _ in range(NBUF)],
            pltpu.SemaphoreType.DMA((NBUF,)),
            pltpu.SemaphoreType.DMA((NBUF,)),
            pltpu.SemaphoreType.DMA((NBUF,)),
            pltpu.SemaphoreType.DMA((NBUF,)),
        ],
    )
    return kern(hi0h, hjp, g, pair.reshape(2, NW, NCHUNK, CHUNK))


def _tail_body(emb_ref, a0_ref, a1_ref,
               iw10, ib10, iw20, ib20, iw11, ib11, iw21, ib21,
               wv, bv_, gate_, ow1, ob1, ow2, ob2, woutp, boutp,
               upd_ref, predp_ref):
    def res(x, w1, b1, w2, b2):
        t = jnp.maximum(x, 0.0)
        u = jnp.maximum(
            jnp.dot(t, w1[...], preferred_element_type=jnp.float32)
            + b1[...], 0.0)
        return x + jnp.dot(u, w2[...], preferred_element_type=jnp.float32) \
            + b2[...]

    h = a0_ref[0] + a1_ref[0]
    h = res(h, iw10, ib10, iw20, ib20)
    h = res(h, iw11, ib11, iw21, ib21)
    upd = gate_[...] * emb_ref[...] + jnp.dot(
        jnp.maximum(h, 0.0), wv[...],
        preferred_element_type=jnp.float32) + bv_[...]
    upd_ref[...] = upd
    y = res(upd, ow1, ob1, ow2, ob2)
    predp_ref[...] = jnp.dot(y, woutp[...],
                             preferred_element_type=jnp.float32) + boutp[...]


def _tail(emb, acc, ir0_W1, ir0_b1, ir0_W2, ir0_b2,
          ir1_W1, ir1_b1, ir1_W2, ir1_b2, Wv, bv, gate,
          or0_W1, or0_b1, or0_W2, or0_b2, Wout, bout):
    woutp = jnp.zeros((F, F), jnp.float32).at[:, :P].set(Wout)
    boutp = jnp.zeros((F,), jnp.float32).at[:P].set(bout)
    grid = (N // NBLK,)
    row = pl.BlockSpec((NBLK, F), lambda i: (i, 0))
    full = pl.BlockSpec((F, F), lambda i: (0, 0))
    vec = pl.BlockSpec((1, F), lambda i: (0, 0))
    a0s = pl.BlockSpec((1, NBLK, F), lambda i: (0, i, 0))
    a1s = pl.BlockSpec((1, NBLK, F), lambda i: (1, i, 0))
    upd, predp = pl.pallas_call(
        _tail_body,
        grid=grid,
        in_specs=[row, a0s, a1s,
                  full, vec, full, vec, full, vec, full, vec,
                  full, vec, vec, full, vec, full, vec, full, vec],
        out_specs=[row, row],
        out_shape=[jax.ShapeDtypeStruct((N, F), jnp.float32),
                   jax.ShapeDtypeStruct((N, F), jnp.float32)],
    )(emb, acc, acc,
      ir0_W1, ir0_b1.reshape(1, F), ir0_W2, ir0_b2.reshape(1, F),
      ir1_W1, ir1_b1.reshape(1, F), ir1_W2, ir1_b2.reshape(1, F),
      Wv, bv.reshape(1, F), gate.reshape(1, F),
      or0_W1, or0_b1.reshape(1, F), or0_W2, or0_b2.reshape(1, F),
      woutp, boutp.reshape(1, F))
    return predp[:, :P], upd


def kernel(atomic_embedding, pair_indices, f_ij, Wi, bi, Wj, bj, Wg, Wv, bv,
           gate, ir0_W1, ir0_b1, ir0_W2, ir0_b2, ir1_W1, ir1_b1, ir1_W2,
           ir1_b2, or0_W1, or0_b1, or0_W2, or0_b2, Wout, bout):
    pair = pair_indices.astype(jnp.int32)
    hi0h, hjp = _node_fwd(atomic_embedding, Wi, bi, Wj, bj)
    g = _edge_gate(f_ij, Wg)
    acc = _sc_edge(hi0h, hjp, g, pair)
    prediction, updated = _tail(
        atomic_embedding, acc,
        ir0_W1, ir0_b1, ir0_W2, ir0_b2, ir1_W1, ir1_b1, ir1_W2, ir1_b2,
        Wv, bv, gate, or0_W1, or0_b1, or0_W2, or0_b2, Wout, bout)
    return (prediction, updated)

# --- scband reference (transcript-rebuilt; emitter-appended) ---
"""Pipeline reference for scband-phys-net-core-53395033424547 (READ-ONLY COPY).

The authoritative reference and input builder live on the scoring server;
editing this copy changes nothing except your own understanding.
"""

import jax, jax.numpy as jnp
import numpy as np

N, E, F, R, P = 10000, 320000, 128, 16, 2

def setup_inputs(seed: int = 0) -> dict:
    key = jax.random.key(seed)
    ks = jax.random.split(key, 30)
    inp = {}
    inp['atomic_embedding'] = jax.random.normal(ks[0], (N, F), dtype=jnp.float32)
    inp['pair_indices'] = jax.random.randint(ks[1], (2, E), 0, N)
    inp['f_ij'] = jax.random.uniform(ks[2], (E, R), dtype=jnp.float32)
    s = 0.05
    inp['Wi'] = jax.random.normal(ks[3], (F, F), dtype=jnp.float32) * s
    inp['bi'] = jnp.zeros((F,), dtype=jnp.float32)
    inp['Wj'] = jax.random.normal(ks[4], (F, F), dtype=jnp.float32) * s
    inp['bj'] = jnp.zeros((F,), dtype=jnp.float32)
    inp['Wg'] = jax.random.normal(ks[5], (R, F), dtype=jnp.float32) * s
    inp['Wv'] = jax.random.normal(ks[6], (F, F), dtype=jnp.float32) * s
    inp['bv'] = jnp.zeros((F,), dtype=jnp.float32)
    inp['gate'] = jnp.ones((F,), dtype=jnp.float32)
    inp['ir0_W1'] = jax.random.normal(ks[7], (F, F), dtype=jnp.float32) * s
    inp['ir0_b1'] = jnp.zeros((F,), dtype=jnp.float32)
    inp['ir0_W2'] = jax.random.normal(ks[8], (F, F), dtype=jnp.float32) * s
    inp['ir0_b2'] = jnp.zeros((F,), dtype=jnp.float32)
    inp['ir1_W1'] = jax.random.normal(ks[9], (F, F), dtype=jnp.float32) * s
    inp['ir1_b1'] = jnp.zeros((F,), dtype=jnp.float32)
    inp['ir1_W2'] = jax.random.normal(ks[10], (F, F), dtype=jnp.float32) * s
    inp['ir1_b2'] = jnp.zeros((F,), dtype=jnp.float32)
    inp['or0_W1'] = jax.random.normal(ks[11], (F, F), dtype=jnp.float32) * s
    inp['or0_b1'] = jnp.zeros((F,), dtype=jnp.float32)
    inp['or0_W2'] = jax.random.normal(ks[12], (F, F), dtype=jnp.float32) * s
    inp['or0_b2'] = jnp.zeros((F,), dtype=jnp.float32)
    inp['Wout'] = jax.random.normal(ks[13], (F, P), dtype=jnp.float32) * s
    inp['bout'] = jnp.zeros((P,), dtype=jnp.float32)
    return inp

def _residual(x, W1, b1, W2, b2):
    act = jax.nn.relu
    return x + (act(act(x) @ W1 + b1) @ W2 + b2)

def reference(atomic_embedding, pair_indices, f_ij, Wi, bi, Wj, bj, Wg, Wv, bv, gate, ir0_W1, ir0_b1, ir0_W2, ir0_b2, ir1_W1, ir1_b1, ir1_W2, ir1_b2, or0_W1, or0_b1, or0_W2, or0_b2, Wout, bout):
    act = jax.nn.relu
    idx_i = pair_indices[0]
    idx_j = pair_indices[1]
    emb = atomic_embedding
    # interaction_i / interaction_j are Dense(act) wrapped in an extra activation
    h_i = act(act(emb @ Wi + bi))
    g = f_ij @ Wg  # attention mask, bias=False
    h_j = act(act(emb @ Wj + bj))[idx_j]
    upd_j = g * h_j
    h_i = h_i.at[idx_i].add(upd_j)  # scatter_add over nodes
    h_i = _residual(h_i, ir0_W1, ir0_b1, ir0_W2, ir0_b2)
    h_i = _residual(h_i, ir1_W1, ir1_b1, ir1_W2, ir1_b2)
    # dropout p=0.05 -> identity in eval mode
    updated_embedding = gate * emb + (act(h_i) @ Wv + bv)
    y = _residual(updated_embedding, or0_W1, or0_b1, or0_W2, or0_b2)
    prediction = y @ Wout + bout
    return (prediction, updated_embedding)

if __name__ == "__main__":
    import jax
    _d = setup_inputs()
    print(jax.jit(kernel)(*tuple(_d.values())))

</pallas_src>

<mosaic_0001>
#map = affine_map<(d0, d1) -> (0, 0)>
#map1 = affine_map<(d0, d1) -> (0, 0, 0)>
#map2 = affine_map<(d0, d1) -> (0, 0, 0, 0)>
module attributes {stable_mosaic.version = 14 : i64} {
  func.func @_sc_edge_body(%arg0: i32, %arg1: i32, %arg2: memref<10000x128xf32, #tpu.memory_space<hbm>>, %arg3: memref<10000x128xf32, #tpu.memory_space<hbm>>, %arg4: memref<8000x40x64xi32, #tpu.memory_space<hbm>>, %arg5: memref<2x32x250x40xi32, #tpu.memory_space<hbm>>, %arg6: memref<2x10000x128xf32, #tpu.memory_space<hbm>>, %arg7: memref<10000x128xf32, #tpu.memory_space<vmem_shared>>, %arg8: memref<40xi32, #tpu.memory_space<vmem>>, %arg9: memref<40xi32, #tpu.memory_space<vmem>>, %arg10: memref<40xi32, #tpu.memory_space<vmem>>, %arg11: memref<40xi32, #tpu.memory_space<vmem>>, %arg12: memref<40xi32, #tpu.memory_space<vmem>>, %arg13: memref<40xi32, #tpu.memory_space<vmem>>, %arg14: memref<40xi32, #tpu.memory_space<vmem>>, %arg15: memref<40xi32, #tpu.memory_space<vmem>>, %arg16: memref<40x128xf32, #tpu.memory_space<vmem>>, %arg17: memref<40x128xf32, #tpu.memory_space<vmem>>, %arg18: memref<40x128xf32, #tpu.memory_space<vmem>>, %arg19: memref<40x128xf32, #tpu.memory_space<vmem>>, %arg20: memref<40x64xi32, #tpu.memory_space<vmem>>, %arg21: memref<40x64xi32, #tpu.memory_space<vmem>>, %arg22: memref<40x64xi32, #tpu.memory_space<vmem>>, %arg23: memref<40x64xi32, #tpu.memory_space<vmem>>, %arg24: memref<4x!tpu.dma_semaphore, #tpu.memory_space<semaphore_mem>>, %arg25: memref<4x!tpu.dma_semaphore, #tpu.memory_space<semaphore_mem>>, %arg26: memref<4x!tpu.dma_semaphore, #tpu.memory_space<semaphore_mem>>, %arg27: memref<4x!tpu.dma_semaphore, #tpu.memory_space<semaphore_mem>>) attributes {dimension_semantics = [#tpu.dimension_semantics<core_parallel>, #tpu.dimension_semantics<subcore_parallel>], iteration_bounds = array<i64: 2, 16>, scalar_prefetch = 0 : i64, scratch_operands = 21 : i64, tpu.core_type = #tpu.core_type<sc_vector_subcore>, window_params = [{transform_indices = #map}, {transform_indices = #map}, {transform_indices = #map1}, {transform_indices = #map2}, {transform_indices = #map1}]} {
    %mul3A = arith.constant 16 : i32
    %mul3A_0 = arith.muli %arg0, %mul3A : i32
    %add3A = arith.addi %mul3A_0, %arg1 : i32
    %mul3A_1 = arith.constant 624 : i32
    %mul3A_2 = arith.muli %arg1, %mul3A_1 : i32
    %mul3A_3 = arith.constant 624 : i32
    %mul3A_4 = arith.muli %arg1, %mul3A_3 : i32
    "tpu.region"() ({
      %run_scoped3A = tpu.sem_alloc : memref<!tpu.dma_semaphore, #tpu.memory_space<semaphore_mem>>
      %dma_start3A_626 = arith.constant 0 : i32
      %dma_start3A_627 = tpu.memref_slice %arg7[%mul3A_4, %dma_start3A_626] : memref<10000x128xf32, #tpu.memory_space<vmem_shared>> -> memref<624x128xf32, #tpu.memory_space<vmem_shared>>
      %dma_start3A_628 = arith.constant 0 : i32
      %dma_start3A_629 = tpu.memref_slice %arg2[%mul3A_2, %dma_start3A_628] : memref<10000x128xf32, #tpu.memory_space<hbm>> -> memref<624x128xf32, #tpu.memory_space<hbm>>
      tpu.enqueue_dma source(%dma_start3A_629 : memref<624x128xf32, #tpu.memory_space<hbm>>) target(%dma_start3A_627 : memref<624x128xf32, #tpu.memory_space<vmem_shared>>) target_semaphore(%run_scoped3A : memref<!tpu.dma_semaphore, #tpu.memory_space<semaphore_mem>>)
      %dma_wait3A_630 = arith.constant 0 : i32
      %dma_wait3A_631 = tpu.memref_slice %arg7[%mul3A_4, %dma_wait3A_630] : memref<10000x128xf32, #tpu.memory_space<vmem_shared>> -> memref<624x128xf32, #tpu.memory_space<vmem_shared>>
      %dma_wait3A_632 = arith.constant 0 : i32
      %dma_wait3A_633 = tpu.memref_slice %arg2[%mul3A_2, %dma_wait3A_632] : memref<10000x128xf32, #tpu.memory_space<hbm>> -> memref<624x128xf32, #tpu.memory_space<hbm>>
      tpu.wait_dma2 semaphore(%run_scoped3A : memref<!tpu.dma_semaphore, #tpu.memory_space<semaphore_mem>>) src(%dma_wait3A_633 : memref<624x128xf32, #tpu.memory_space<hbm>>) dst(%dma_wait3A_631 : memref<624x128xf32, #tpu.memory_space<vmem_shared>>)
      tpu.yield
    }) : () -> ()
    %eq3A = arith.constant 15 : i32
    %eq3A_5 = arith.cmpi eq, %arg1, %eq3A : i32
    %convert_element_type3A = arith.extui %eq3A_5 : i1 to i32
    %cond3A = arith.constant 0 : i32
    %cond3A_6 = arith.cmpi ne, %convert_element_type3A, %cond3A : i32
    scf.if %cond3A_6 {
      "tpu.region"() ({
        %run_scoped3A = tpu.sem_alloc : memref<!tpu.dma_semaphore, #tpu.memory_space<semaphore_mem>>
        %dma_start3A_626 = arith.constant 9984 : i32
        %dma_start3A_627 = arith.constant 0 : i32
        %dma_start3A_628 = tpu.memref_slice %arg7[%dma_start3A_626, %dma_start3A_627] : memref<10000x128xf32, #tpu.memory_space<vmem_shared>> -> memref<16x128xf32, #tpu.memory_space<vmem_shared>>
        %dma_start3A_629 = arith.constant 9984 : i32
        %dma_start3A_630 = arith.constant 0 : i32
        %dma_start3A_631 = tpu.memref_slice %arg2[%dma_start3A_629, %dma_start3A_630] : memref<10000x128xf32, #tpu.memory_space<hbm>> -> memref<16x128xf32, #tpu.memory_space<hbm>>
        tpu.enqueue_dma source(%dma_start3A_631 : memref<16x128xf32, #tpu.memory_space<hbm>>) target(%dma_start3A_628 : memref<16x128xf32, #tpu.memory_space<vmem_shared>>) target_semaphore(%run_scoped3A : memref<!tpu.dma_semaphore, #tpu.memory_space<semaphore_mem>>)
        %dma_wait3A_632 = arith.constant 9984 : i32
        %dma_wait3A_633 = arith.constant 0 : i32
        %dma_wait3A_634 = tpu.memref_slice %arg7[%dma_wait3A_632, %dma_wait3A_633] : memref<10000x128xf32, #tpu.memory_space<vmem_shared>> -> memref<16x128xf32, #tpu.memory_space<vmem_shared>>
        %dma_wait3A_635 = arith.constant 9984 : i32
        %dma_wait3A_636 = arith.constant 0 : i32
        %dma_wait3A_637 = tpu.memref_slice %arg2[%dma_wait3A_635, %dma_wait3A_636] : memref<10000x128xf32, #tpu.memory_space<hbm>> -> memref<16x128xf32, #tpu.memory_space<hbm>>
        tpu.wait_dma2 semaphore(%run_scoped3A : memref<!tpu.dma_semaphore, #tpu.memory_space<semaphore_mem>>) src(%dma_wait3A_637 : memref<16x128xf32, #tpu.memory_space<hbm>>) dst(%dma_wait3A_634 : memref<16x128xf32, #tpu.memory_space<vmem_shared>>)
        tpu.yield
      }) : () -> ()
    } else {
    }
    %barrier3A = arith.constant 0 : index
    tpu.barrier barrier_id(%barrier3A)
    %dma_start3A = arith.constant 1 : i32
    %dma_start3A_7 = arith.constant 0 : i32
    %dma_start3A_8 = arith.constant 0 : i32
    %dma_start3A_9 = arith.constant 0 : i32
    %dma_start3A_10 = tpu.memref_slice %arg5[%dma_start3A, %add3A, %dma_start3A_7, %dma_start3A_9] : memref<2x32x250x40xi32, #tpu.memory_space<hbm>> -> memref<1x1x1x40xi32, #tpu.memory_space<hbm>>
    %dma_start3A_11 = tpu.memref_squeeze %dma_start3A_10 : memref<1x1x1x40xi32, #tpu.memory_space<hbm>> -> memref<40xi32, #tpu.memory_space<hbm>>
    %dma_start3A_12 = tpu.memref_slice %arg24[%dma_start3A_8] : memref<4x!tpu.dma_semaphore, #tpu.memory_space<semaphore_mem>> -> memref<1x!tpu.dma_semaphore, #tpu.memory_space<semaphore_mem>>
    %dma_start3A_13 = tpu.memref_squeeze %dma_start3A_12 : memref<1x!tpu.dma_semaphore, #tpu.memory_space<semaphore_mem>> -> memref<!tpu.dma_semaphore, #tpu.memory_space<semaphore_mem>>
    %dma_start3A_14 = arith.constant 0 : i32
    %dma_start3A_15 = tpu.memref_slice %arg5[%dma_start3A, %add3A, %dma_start3A_7, %dma_start3A_14] : memref<2x32x250x40xi32, #tpu.memory_space<hbm>> -> memref<1x1x1x40xi32, #tpu.memory_space<hbm>>
    %dma_start3A_16 = tpu.memref_squeeze %dma_start3A_15 : memref<1x1x1x40xi32, #tpu.memory_space<hbm>> -> memref<40xi32, #tpu.memory_space<hbm>>
    tpu.enqueue_dma source(%dma_start3A_16 : memref<40xi32, #tpu.memory_space<hbm>>) target(%arg8 : memref<40xi32, #tpu.memory_space<vmem>>) target_semaphore(%dma_start3A_13 : memref<!tpu.dma_semaphore, #tpu.memory_space<semaphore_mem>>)
    %dma_start3A_17 = arith.constant 0 : i32
    %dma_start3A_18 = arith.constant 0 : i32
    %dma_start3A_19 = arith.constant 0 : i32
    %dma_start3A_20 = arith.constant 0 : i32
    %dma_start3A_21 = tpu.memref_slice %arg5[%dma_start3A_17, %add3A, %dma_start3A_18, %dma_start3A_20] : memref<2x32x250x40xi32, #tpu.memory_space<hbm>> -> memref<1x1x1x40xi32, #tpu.memory_space<hbm>>
    %dma_start3A_22 = tpu.memref_squeeze %dma_start3A_21 : memref<1x1x1x40xi32, #tpu.memory_space<hbm>> -> memref<40xi32, #tpu.memory_space<hbm>>
    %dma_start3A_23 = tpu.memref_slice %arg24[%dma_start3A_19] : memref<4x!tpu.dma_semaphore, #tpu.memory_space<semaphore_mem>> -> memref<1x!tpu.dma_semaphore, #tpu.memory_space<semaphore_mem>>
    %dma_start3A_24 = tpu.memref_squeeze %dma_start3A_23 : memref<1x!tpu.dma_semaphore, #tpu.memory_space<semaphore_mem>> -> memref<!tpu.dma_semaphore, #tpu.memory_space<semaphore_mem>>
    %dma_start3A_25 = arith.constant 0 : i32
    %dma_start3A_26 = tpu.memref_slice %arg5[%dma_start3A_17, %add3A, %dma_start3A_18, %dma_start3A_25] : memref<2x32x250x40xi32, #tpu.memory_space<hbm>> -> memref<1x1x1x40xi32, #tpu.memory_space<hbm>>
    %dma_start3A_27 = tpu.memref_squeeze %dma_start3A_26 : memref<1x1x1x40xi32, #tpu.memory_space<hbm>> -> memref<40xi32, #tpu.memory_space<hbm>>
    tpu.enqueue_dma source(%dma_start3A_27 : memref<40xi32, #tpu.memory_space<hbm>>) target(%arg12 : memref<40xi32, #tpu.memory_space<vmem>>) target_semaphore(%dma_start3A_24 : memref<!tpu.dma_semaphore, #tpu.memory_space<semaphore_mem>>)
    %dma_start3A_28 = arith.constant 1 : i32
    %dma_start3A_29 = arith.constant 1 : i32
    %dma_start3A_30 = arith.constant 1 : i32
    %dma_start3A_31 = arith.constant 0 : i32
    %dma_start3A_32 = tpu.memref_slice %arg5[%dma_start3A_28, %add3A, %dma_start3A_29, %dma_start3A_31] : memref<2x32x250x40xi32, #tpu.memory_space<hbm>> -> memref<1x1x1x40xi32, #tpu.memory_space<hbm>>
    %dma_start3A_33 = tpu.memref_squeeze %dma_start3A_32 : memref<1x1x1x40xi32, #tpu.memory_space<hbm>> -> memref<40xi32, #tpu.memory_space<hbm>>
    %dma_start3A_34 = tpu.memref_slice %arg24[%dma_start3A_30] : memref<4x!tpu.dma_semaphore, #tpu.memory_space<semaphore_mem>> -> memref<1x!tpu.dma_semaphore, #tpu.memory_space<semaphore_mem>>
    %dma_start3A_35 = tpu.memref_squeeze %dma_start3A_34 : memref<1x!tpu.dma_semaphore, #tpu.memory_space<semaphore_mem>> -> memref<!tpu.dma_semaphore, #tpu.memory_space<semaphore_mem>>
    %dma_start3A_36 = arith.constant 0 : i32
    %dma_start3A_37 = tpu.memref_slice %arg5[%dma_start3A_28, %add3A, %dma_start3A_29, %dma_start3A_36] : memref<2x32x250x40xi32, #tpu.memory_space<hbm>> -> memref<1x1x1x40xi32, #tpu.memory_space<hbm>>
    %dma_start3A_38 = tpu.memref_squeeze %dma_start3A_37 : memref<1x1x1x40xi32, #tpu.memory_space<hbm>> -> memref<40xi32, #tpu.memory_space<hbm>>
    tpu.enqueue_dma source(%dma_start3A_38 : memref<40xi32, #tpu.memory_space<hbm>>) target(%arg9 : memref<40xi32, #tpu.memory_space<vmem>>) target_semaphore(%dma_start3A_35 : memref<!tpu.dma_semaphore, #tpu.memory_space<semaphore_mem>>)
    %dma_start3A_39 = arith.constant 0 : i32
    %dma_start3A_40 = arith.constant 1 : i32
    %dma_start3A_41 = arith.constant 1 : i32
    %dma_start3A_42 = arith.constant 0 : i32
    %dma_start3A_43 = tpu.memref_slice %arg5[%dma_start3A_39, %add3A, %dma_start3A_40, %dma_start3A_42] : memref<2x32x250x40xi32, #tpu.memory_space<hbm>> -> memref<1x1x1x40xi32, #tpu.memory_space<hbm>>
    %dma_start3A_44 = tpu.memref_squeeze %dma_start3A_43 : memref<1x1x1x40xi32, #tpu.memory_space<hbm>> -> memref<40xi32, #tpu.memory_space<hbm>>
    %dma_start3A_45 = tpu.memref_slice %arg24[%dma_start3A_41] : memref<4x!tpu.dma_semaphore, #tpu.memory_space<semaphore_mem>> -> memref<1x!tpu.dma_semaphore, #tpu.memory_space<semaphore_mem>>
    %dma_start3A_46 = tpu.memref_squeeze %dma_start3A_45 : memref<1x!tpu.dma_semaphore, #tpu.memory_space<semaphore_mem>> -> memref<!tpu.dma_semaphore, #tpu.memory_space<semaphore_mem>>
    %dma_start3A_47 = arith.constant 0 : i32
    %dma_start3A_48 = tpu.memref_slice %arg5[%dma_start3A_39, %add3A, %dma_start3A_40, %dma_start3A_47] : memref<2x32x250x40xi32, #tpu.memory_space<hbm>> -> memref<1x1x1x40xi32, #tpu.memory_space<hbm>>
    %dma_start3A_49 = tpu.memref_squeeze %dma_start3A_48 : memref<1x1x1x40xi32, #tpu.memory_space<hbm>> -> memref<40xi32, #tpu.memory_space<hbm>>
    tpu.enqueue_dma source(%dma_start3A_49 : memref<40xi32, #tpu.memory_space<hbm>>) target(%arg13 : memref<40xi32, #tpu.memory_space<vmem>>) target_semaphore(%dma_start3A_46 : memref<!tpu.dma_semaphore, #tpu.memory_space<semaphore_mem>>)
    %dma_wait3A = arith.constant 1 : i32
    %dma_wait3A_50 = arith.constant 0 : i32
    %dma_wait3A_51 = arith.constant 0 : i32
    %dma_wait3A_52 = arith.constant 0 : i32
    %dma_wait3A_53 = tpu.memref_slice %arg5[%dma_wait3A, %add3A, %dma_wait3A_50, %dma_wait3A_52] : memref<2x32x250x40xi32, #tpu.memory_space<hbm>> -> memref<1x1x1x40xi32, #tpu.memory_space<hbm>>
    %dma_wait3A_54 = tpu.memref_squeeze %dma_wait3A_53 : memref<1x1x1x40xi32, #tpu.memory_space<hbm>> -> memref<40xi32, #tpu.memory_space<hbm>>
    %dma_wait3A_55 = tpu.memref_slice %arg24[%dma_wait3A_51] : memref<4x!tpu.dma_semaphore, #tpu.memory_space<semaphore_mem>> -> memref<1x!tpu.dma_semaphore, #tpu.memory_space<semaphore_mem>>
    %dma_wait3A_56 = tpu.memref_squeeze %dma_wait3A_55 : memref<1x!tpu.dma_semaphore, #tpu.memory_space<semaphore_mem>> -> memref<!tpu.dma_semaphore, #tpu.memory_space<semaphore_mem>>
    %dma_wait3A_57 = arith.constant 0 : i32
    %dma_wait3A_58 = tpu.memref_slice %arg5[%dma_wait3A, %add3A, %dma_wait3A_50, %dma_wait3A_57] : memref<2x32x250x40xi32, #tpu.memory_space<hbm>> -> memref<1x1x1x40xi32, #tpu.memory_space<hbm>>
    %dma_wait3A_59 = tpu.memref_squeeze %dma_wait3A_58 : memref<1x1x1x40xi32, #tpu.memory_space<hbm>> -> memref<40xi32, #tpu.memory_space<hbm>>
    tpu.wait_dma2 semaphore(%dma_wait3A_56 : memref<!tpu.dma_semaphore, #tpu.memory_space<semaphore_mem>>) src(%dma_wait3A_59 : memref<40xi32, #tpu.memory_space<hbm>>) dst(%arg8 : memref<40xi32, #tpu.memory_space<vmem>>)
    %dma_wait3A_60 = arith.constant 0 : i32
    %dma_wait3A_61 = arith.constant 0 : i32
    %dma_wait3A_62 = arith.constant 0 : i32
    %dma_wait3A_63 = arith.constant 0 : i32
    %dma_wait3A_64 = tpu.memref_slice %arg5[%dma_wait3A_60, %add3A, %dma_wait3A_61, %dma_wait3A_63] : memref<2x32x250x40xi32, #tpu.memory_space<hbm>> -> memref<1x1x1x40xi32, #tpu.memory_space<hbm>>
    %dma_wait3A_65 = tpu.memref_squeeze %dma_wait3A_64 : memref<1x1x1x40xi32, #tpu.memory_space<hbm>> -> memref<40xi32, #tpu.memory_space<hbm>>
    %dma_wait3A_66 = tpu.memref_slice %arg24[%dma_wait3A_62] : memref<4x!tpu.dma_semaphore, #tpu.memory_space<semaphore_mem>> -> memref<1x!tpu.dma_semaphore, #tpu.memory_space<semaphore_mem>>
    %dma_wait3A_67 = tpu.memref_squeeze %dma_wait3A_66 : memref<1x!tpu.dma_semaphore, #tpu.memory_space<semaphore_mem>> -> memref<!tpu.dma_semaphore, #tpu.memory_space<semaphore_mem>>
    %dma_wait3A_68 = arith.constant 0 : i32
    %dma_wait3A_69 = tpu.memref_slice %arg5[%dma_wait3A_60, %add3A, %dma_wait3A_61, %dma_wait3A_68] : memref<2x32x250x40xi32, #tpu.memory_space<hbm>> -> memref<1x1x1x40xi32, #tpu.memory_space<hbm>>
    %dma_wait3A_70 = tpu.memref_squeeze %dma_wait3A_69 : memref<1x1x1x40xi32, #tpu.memory_space<hbm>> -> memref<40xi32, #tpu.memory_space<hbm>>
    tpu.wait_dma2 semaphore(%dma_wait3A_67 : memref<!tpu.dma_semaphore, #tpu.memory_space<semaphore_mem>>) src(%dma_wait3A_70 : memref<40xi32, #tpu.memory_space<hbm>>) dst(%arg12 : memref<40xi32, #tpu.memory_space<vmem>>)
    %dma_start3A_71 = arith.constant 0 : i32
    %dma_start3A_72 = arith.constant 0 : i32
    %dma_start3A_73 = arith.constant 0 : i32
    %dma_start3A_74 = tpu.memref_slice %arg3[%dma_start3A_72, %dma_start3A_73] : memref<10000x128xf32, #tpu.memory_space<hbm>> -> memref<10000x128xf32, #tpu.memory_space<hbm>>
    %dma_start3A_75 = tpu.memref_slice %arg25[%dma_start3A_71] : memref<4x!tpu.dma_semaphore, #tpu.memory_space<semaphore_mem>> -> memref<1x!tpu.dma_semaphore, #tpu.memory_space<semaphore_mem>>
    %dma_start3A_76 = tpu.memref_squeeze %dma_start3A_75 : memref<1x!tpu.dma_semaphore, #tpu.memory_space<semaphore_mem>> -> memref<!tpu.dma_semaphore, #tpu.memory_space<semaphore_mem>>
    tpu.enqueue_indirect_dma source(%dma_start3A_74 : memref<10000x128xf32, #tpu.memory_space<hbm>>) target(%arg16 : memref<40x128xf32, #tpu.memory_space<vmem>>) offsets(%arg8 : memref<40xi32, #tpu.memory_space<vmem>>) semaphore(%dma_start3A_76 : memref<!tpu.dma_semaphore, #tpu.memory_space<semaphore_mem>>)
    %mul3A_77 = arith.constant 250 : i32
    %mul3A_78 = arith.muli %add3A, %mul3A_77 : i32
    %add3A_79 = arith.constant 0 : i32
    %add3A_80 = arith.addi %mul3A_78, %add3A_79 : i32
    %dma_start3A_81 = arith.constant 0 : i32
    %dma_start3A_82 = arith.constant 0 : i32
    %dma_start3A_83 = arith.constant 0 : i32
    %dma_start3A_84 = tpu.memref_slice %arg4[%add3A_80, %dma_start3A_82, %dma_start3A_83] : memref<8000x40x64xi32, #tpu.memory_space<hbm>> -> memref<1x40x64xi32, #tpu.memory_space<hbm>>
    %dma_start3A_85 = tpu.memref_squeeze %dma_start3A_84 : memref<1x40x64xi32, #tpu.memory_space<hbm>> -> memref<40x64xi32, #tpu.memory_space<hbm>>
    %dma_start3A_86 = tpu.memref_slice %arg26[%dma_start3A_81] : memref<4x!tpu.dma_semaphore, #tpu.memory_space<semaphore_mem>> -> memref<1x!tpu.dma_semaphore, #tpu.memory_space<semaphore_mem>>
    %dma_start3A_87 = tpu.memref_squeeze %dma_start3A_86 : memref<1x!tpu.dma_semaphore, #tpu.memory_space<semaphore_mem>> -> memref<!tpu.dma_semaphore, #tpu.memory_space<semaphore_mem>>
    %dma_start3A_88 = arith.constant 0 : i32
    %dma_start3A_89 = arith.constant 0 : i32
    %dma_start3A_90 = tpu.memref_slice %arg4[%add3A_80, %dma_start3A_88, %dma_start3A_89] : memref<8000x40x64xi32, #tpu.memory_space<hbm>> -> memref<1x40x64xi32, #tpu.memory_space<hbm>>
    %dma_start3A_91 = tpu.memref_squeeze %dma_start3A_90 : memref<1x40x64xi32, #tpu.memory_space<hbm>> -> memref<40x64xi32, #tpu.memory_space<hbm>>
    tpu.enqueue_dma source(%dma_start3A_91 : memref<40x64xi32, #tpu.memory_space<hbm>>) target(%arg20 : memref<40x64xi32, #tpu.memory_space<vmem>>) target_semaphore(%dma_start3A_87 : memref<!tpu.dma_semaphore, #tpu.memory_space<semaphore_mem>>)
    %dma_wait3A_92 = arith.constant 1 : i32
    %dma_wait3A_93 = arith.constant 0 : i32
    %dma_wait3A_94 = arith.constant 1 : i32
    %dma_wait3A_95 = arith.constant 0 : i32
    %dma_wait3A_96 = tpu.memref_slice %arg5[%dma_wait3A_92, %add3A, %dma_wait3A_93, %dma_wait3A_95] : memref<2x32x250x40xi32, #tpu.memory_space<hbm>> -> memref<1x1x1x40xi32, #tpu.memory_space<hbm>>
    %dma_wait3A_97 = tpu.memref_squeeze %dma_wait3A_96 : memref<1x1x1x40xi32, #tpu.memory_space<hbm>> -> memref<40xi32, #tpu.memory_space<hbm>>
    %dma_wait3A_98 = tpu.memref_slice %arg24[%dma_wait3A_94] : memref<4x!tpu.dma_semaphore, #tpu.memory_space<semaphore_mem>> -> memref<1x!tpu.dma_semaphore, #tpu.memory_space<semaphore_mem>>
    %dma_wait3A_99 = tpu.memref_squeeze %dma_wait3A_98 : memref<1x!tpu.dma_semaphore, #tpu.memory_space<semaphore_mem>> -> memref<!tpu.dma_semaphore, #tpu.memory_space<semaphore_mem>>
    %dma_wait3A_100 = arith.constant 0 : i32
    %dma_wait3A_101 = tpu.memref_slice %arg5[%dma_wait3A_92, %add3A, %dma_wait3A_93, %dma_wait3A_100] : memref<2x32x250x40xi32, #tpu.memory_space<hbm>> -> memref<1x1x1x40xi32, #tpu.memory_space<hbm>>
    %dma_wait3A_102 = tpu.memref_squeeze %dma_wait3A_101 : memref<1x1x1x40xi32, #tpu.memory_space<hbm>> -> memref<40xi32, #tpu.memory_space<hbm>>
    tpu.wait_dma2 semaphore(%dma_wait3A_99 : memref<!tpu.dma_semaphore, #tpu.memory_space<semaphore_mem>>) src(%dma_wait3A_102 : memref<40xi32, #tpu.memory_space<hbm>>) dst(%arg9 : memref<40xi32, #tpu.memory_space<vmem>>)
    %dma_wait3A_103 = arith.constant 0 : i32
    %dma_wait3A_104 = arith.constant 0 : i32
    %dma_wait3A_105 = arith.constant 1 : i32
    %dma_wait3A_106 = arith.constant 0 : i32
    %dma_wait3A_107 = tpu.memref_slice %arg5[%dma_wait3A_103, %add3A, %dma_wait3A_104, %dma_wait3A_106] : memref<2x32x250x40xi32, #tpu.memory_space<hbm>> -> memref<1x1x1x40xi32, #tpu.memory_space<hbm>>
    %dma_wait3A_108 = tpu.memref_squeeze %dma_wait3A_107 : memref<1x1x1x40xi32, #tpu.memory_space<hbm>> -> memref<40xi32, #tpu.memory_space<hbm>>
    %dma_wait3A_109 = tpu.memref_slice %arg24[%dma_wait3A_105] : memref<4x!tpu.dma_semaphore, #tpu.memory_space<semaphore_mem>> -> memref<1x!tpu.dma_semaphore, #tpu.memory_space<semaphore_mem>>
    %dma_wait3A_110 = tpu.memref_squeeze %dma_wait3A_109 : memref<1x!tpu.dma_semaphore, #tpu.memory_space<semaphore_mem>> -> memref<!tpu.dma_semaphore, #tpu.memory_space<semaphore_mem>>
    %dma_wait3A_111 = arith.constant 0 : i32
    %dma_wait3A_112 = tpu.memref_slice %arg5[%dma_wait3A_103, %add3A, %dma_wait3A_104, %dma_wait3A_111] : memref<2x32x250x40xi32, #tpu.memory_space<hbm>> -> memref<1x1x1x40xi32, #tpu.memory_space<hbm>>
    %dma_wait3A_113 = tpu.memref_squeeze %dma_wait3A_112 : memref<1x1x1x40xi32, #tpu.memory_space<hbm>> -> memref<40xi32, #tpu.memory_space<hbm>>
    tpu.wait_dma2 semaphore(%dma_wait3A_110 : memref<!tpu.dma_semaphore, #tpu.memory_space<semaphore_mem>>) src(%dma_wait3A_113 : memref<40xi32, #tpu.memory_space<hbm>>) dst(%arg13 : memref<40xi32, #tpu.memory_space<vmem>>)
    %dma_start3A_114 = arith.constant 1 : i32
    %dma_start3A_115 = arith.constant 0 : i32
    %dma_start3A_116 = arith.constant 0 : i32
    %dma_start3A_117 = tpu.memref_slice %arg3[%dma_start3A_115, %dma_start3A_116] : memref<10000x128xf32, #tpu.memory_space<hbm>> -> memref<10000x128xf32, #tpu.memory_space<hbm>>
    %dma_start3A_118 = tpu.memref_slice %arg25[%dma_start3A_114] : memref<4x!tpu.dma_semaphore, #tpu.memory_space<semaphore_mem>> -> memref<1x!tpu.dma_semaphore, #tpu.memory_space<semaphore_mem>>
    %dma_start3A_119 = tpu.memref_squeeze %dma_start3A_118 : memref<1x!tpu.dma_semaphore, #tpu.memory_space<semaphore_mem>> -> memref<!tpu.dma_semaphore, #tpu.memory_space<semaphore_mem>>
    tpu.enqueue_indirect_dma source(%dma_start3A_117 : memref<10000x128xf32, #tpu.memory_space<hbm>>) target(%arg17 : memref<40x128xf32, #tpu.memory_space<vmem>>) offsets(%arg9 : memref<40xi32, #tpu.memory_space<vmem>>) semaphore(%dma_start3A_119 : memref<!tpu.dma_semaphore, #tpu.memory_space<semaphore_mem>>)
    %mul3A_120 = arith.constant 250 : i32
    %mul3A_121 = arith.muli %add3A, %mul3A_120 : i32
    %add3A_122 = arith.constant 1 : i32
    %add3A_123 = arith.addi %mul3A_121, %add3A_122 : i32
    %dma_start3A_124 = arith.constant 1 : i32
    %dma_start3A_125 = arith.constant 0 : i32
    %dma_start3A_126 = arith.constant 0 : i32
    %dma_start3A_127 = tpu.memref_slice %arg4[%add3A_123, %dma_start3A_125, %dma_start3A_126] : memref<8000x40x64xi32, #tpu.memory_space<hbm>> -> memref<1x40x64xi32, #tpu.memory_space<hbm>>
    %dma_start3A_128 = tpu.memref_squeeze %dma_start3A_127 : memref<1x40x64xi32, #tpu.memory_space<hbm>> -> memref<40x64xi32, #tpu.memory_space<hbm>>
    %dma_start3A_129 = tpu.memref_slice %arg26[%dma_start3A_124] : memref<4x!tpu.dma_semaphore, #tpu.memory_space<semaphore_mem>> -> memref<1x!tpu.dma_semaphore, #tpu.memory_space<semaphore_mem>>
    %dma_start3A_130 = tpu.memref_squeeze %dma_start3A_129 : memref<1x!tpu.dma_semaphore, #tpu.memory_space<semaphore_mem>> -> memref<!tpu.dma_semaphore, #tpu.memory_space<semaphore_mem>>
    %dma_start3A_131 = arith.constant 0 : i32
    %dma_start3A_132 = arith.constant 0 : i32
    %dma_start3A_133 = tpu.memref_slice %arg4[%add3A_123, %dma_start3A_131, %dma_start3A_132] : memref<8000x40x64xi32, #tpu.memory_space<hbm>> -> memref<1x40x64xi32, #tpu.memory_space<hbm>>
    %dma_start3A_134 = tpu.memref_squeeze %dma_start3A_133 : memref<1x40x64xi32, #tpu.memory_space<hbm>> -> memref<40x64xi32, #tpu.memory_space<hbm>>
    tpu.enqueue_dma source(%dma_start3A_134 : memref<40x64xi32, #tpu.memory_space<hbm>>) target(%arg21 : memref<40x64xi32, #tpu.memory_space<vmem>>) target_semaphore(%dma_start3A_130 : memref<!tpu.dma_semaphore, #tpu.memory_space<semaphore_mem>>)
    %dma_start3A_135 = arith.constant 1 : i32
    %dma_start3A_136 = arith.constant 2 : i32
    %dma_start3A_137 = arith.constant 2 : i32
    %dma_start3A_138 = arith.constant 0 : i32
    %dma_start3A_139 = tpu.memref_slice %arg5[%dma_start3A_135, %add3A, %dma_start3A_136, %dma_start3A_138] : memref<2x32x250x40xi32, #tpu.memory_space<hbm>> -> memref<1x1x1x40xi32, #tpu.memory_space<hbm>>
    %dma_start3A_140 = tpu.memref_squeeze %dma_start3A_139 : memref<1x1x1x40xi32, #tpu.memory_space<hbm>> -> memref<40xi32, #tpu.memory_space<hbm>>
    %dma_start3A_141 = tpu.memref_slice %arg24[%dma_start3A_137] : memref<4x!tpu.dma_semaphore, #tpu.memory_space<semaphore_mem>> -> memref<1x!tpu.dma_semaphore, #tpu.memory_space<semaphore_mem>>
    %dma_start3A_142 = tpu.memref_squeeze %dma_start3A_141 : memref<1x!tpu.dma_semaphore, #tpu.memory_space<semaphore_mem>> -> memref<!tpu.dma_semaphore, #tpu.memory_space<semaphore_mem>>
    %dma_start3A_143 = arith.constant 0 : i32
    %dma_start3A_144 = tpu.memref_slice %arg5[%dma_start3A_135, %add3A, %dma_start3A_136, %dma_start3A_143] : memref<2x32x250x40xi32, #tpu.memory_space<hbm>> -> memref<1x1x1x40xi32, #tpu.memory_space<hbm>>
    %dma_start3A_145 = tpu.memref_squeeze %dma_start3A_144 : memref<1x1x1x40xi32, #tpu.memory_space<hbm>> -> memref<40xi32, #tpu.memory_space<hbm>>
    tpu.enqueue_dma source(%dma_start3A_145 : memref<40xi32, #tpu.memory_space<hbm>>) target(%arg10 : memref<40xi32, #tpu.memory_space<vmem>>) target_semaphore(%dma_start3A_142 : memref<!tpu.dma_semaphore, #tpu.memory_space<semaphore_mem>>)
    %dma_start3A_146 = arith.constant 0 : i32
    %dma_start3A_147 = arith.constant 2 : i32
    %dma_start3A_148 = arith.constant 2 : i32
    %dma_start3A_149 = arith.constant 0 : i32
    %dma_start3A_150 = tpu.memref_slice %arg5[%dma_start3A_146, %add3A, %dma_start3A_147, %dma_start3A_149] : memref<2x32x250x40xi32, #tpu.memory_space<hbm>> -> memref<1x1x1x40xi32, #tpu.memory_space<hbm>>
    %dma_start3A_151 = tpu.memref_squeeze %dma_start3A_150 : memref<1x1x1x40xi32, #tpu.memory_space<hbm>> -> memref<40xi32, #tpu.memory_space<hbm>>
    %dma_start3A_152 = tpu.memref_slice %arg24[%dma_start3A_148] : memref<4x!tpu.dma_semaphore, #tpu.memory_space<semaphore_mem>> -> memref<1x!tpu.dma_semaphore, #tpu.memory_space<semaphore_mem>>
    %dma_start3A_153 = tpu.memref_squeeze %dma_start3A_152 : memref<1x!tpu.dma_semaphore, #tpu.memory_space<semaphore_mem>> -> memref<!tpu.dma_semaphore, #tpu.memory_space<semaphore_mem>>
    %dma_start3A_154 = arith.constant 0 : i32
    %dma_start3A_155 = tpu.memref_slice %arg5[%dma_start3A_146, %add3A, %dma_start3A_147, %dma_start3A_154] : memref<2x32x250x40xi32, #tpu.memory_space<hbm>> -> memref<1x1x1x40xi32, #tpu.memory_space<hbm>>
    %dma_start3A_156 = tpu.memref_squeeze %dma_start3A_155 : memref<1x1x1x40xi32, #tpu.memory_space<hbm>> -> memref<40xi32, #tpu.memory_space<hbm>>
    tpu.enqueue_dma source(%dma_start3A_156 : memref<40xi32, #tpu.memory_space<hbm>>) target(%arg14 : memref<40xi32, #tpu.memory_space<vmem>>) target_semaphore(%dma_start3A_153 : memref<!tpu.dma_semaphore, #tpu.memory_space<semaphore_mem>>)
    %dma_wait3A_157 = arith.constant 0 : i32
    %dma_wait3A_158 = arith.constant 0 : i32
    %dma_wait3A_159 = arith.constant 0 : i32
    %dma_wait3A_160 = tpu.memref_slice %arg3[%dma_wait3A_158, %dma_wait3A_159] : memref<10000x128xf32, #tpu.memory_space<hbm>> -> memref<10000x128xf32, #tpu.memory_space<hbm>>
    %dma_wait3A_161 = tpu.memref_slice %arg25[%dma_wait3A_157] : memref<4x!tpu.dma_semaphore, #tpu.memory_space<semaphore_mem>> -> memref<1x!tpu.dma_semaphore, #tpu.memory_space<semaphore_mem>>
    %dma_wait3A_162 = tpu.memref_squeeze %dma_wait3A_161 : memref<1x!tpu.dma_semaphore, #tpu.memory_space<semaphore_mem>> -> memref<!tpu.dma_semaphore, #tpu.memory_space<semaphore_mem>>
    tpu.wait_indirect_dma semaphore(%dma_wait3A_162 : memref<!tpu.dma_semaphore, #tpu.memory_space<semaphore_mem>>) src(%dma_wait3A_160 : memref<10000x128xf32, #tpu.memory_space<hbm>>) dst(%arg16 : memref<40x128xf32, #tpu.memory_space<vmem>>)
    %dma_wait3A_163 = arith.constant 0 : i32
    %dma_wait3A_164 = arith.constant 0 : i32
    %dma_wait3A_165 = arith.constant 0 : i32
    %dma_wait3A_166 = arith.constant 0 : i32
    %dma_wait3A_167 = tpu.memref_slice %arg4[%dma_wait3A_163, %dma_wait3A_165, %dma_wait3A_166] : memref<8000x40x64xi32, #tpu.memory_space<hbm>> -> memref<1x40x64xi32, #tpu.memory_space<hbm>>
    %dma_wait3A_168 = tpu.memref_squeeze %dma_wait3A_167 : memref<1x40x64xi32, #tpu.memory_space<hbm>> -> memref<40x64xi32, #tpu.memory_space<hbm>>
    %dma_wait3A_169 = tpu.memref_slice %arg26[%dma_wait3A_164] : memref<4x!tpu.dma_semaphore, #tpu.memory_space<semaphore_mem>> -> memref<1x!tpu.dma_semaphore, #tpu.memory_space<semaphore_mem>>
    %dma_wait3A_170 = tpu.memref_squeeze %dma_wait3A_169 : memref<1x!tpu.dma_semaphore, #tpu.memory_space<semaphore_mem>> -> memref<!tpu.dma_semaphore, #tpu.memory_space<semaphore_mem>>
    %dma_wait3A_171 = arith.constant 0 : i32
    %dma_wait3A_172 = arith.constant 0 : i32
    %dma_wait3A_173 = tpu.memref_slice %arg4[%dma_wait3A_163, %dma_wait3A_171, %dma_wait3A_172] : memref<8000x40x64xi32, #tpu.memory_space<hbm>> -> memref<1x40x64xi32, #tpu.memory_space<hbm>>
    %dma_wait3A_174 = tpu.memref_squeeze %dma_wait3A_173 : memref<1x40x64xi32, #tpu.memory_space<hbm>> -> memref<40x64xi32, #tpu.memory_space<hbm>>
    tpu.wait_dma2 semaphore(%dma_wait3A_170 : memref<!tpu.dma_semaphore, #tpu.memory_space<semaphore_mem>>) src(%dma_wait3A_174 : memref<40x64xi32, #tpu.memory_space<hbm>>) dst(%arg20 : memref<40x64xi32, #tpu.memory_space<vmem>>)
    %scan3A = arith.constant 0 : i32
    %scan3A_175 = arith.constant 0 : i32
    %scan3A_176 = arith.constant 40 : i32
    %scan3A_177 = arith.addi %scan3A_175, %scan3A_176 : i32
    %scan3A_178 = arith.constant 1 : i32
    scf.for %scan3A_626 = %scan3A_175 to %scan3A_177 step %scan3A_178  : i32 {
      %get3A = arith.index_cast %scan3A_626 : i32 to index
      %get3A_627 = arith.constant 0 : index
      %get3A_628 = tpu.vector_load %arg20[%get3A, %get3A_627] {strides = array<i32>} : memref<40x64xi32, #tpu.memory_space<vmem>>, vector<1x16xi32>,
      %get3A_629 = vector.shape_cast %get3A_628 : vector<1x16xi32> to vector<16xi32>
      %shift_left3A = arith.constant 16 : i32
      %shift_left3A_630 = vector.broadcast %shift_left3A : i32 to vector<16xi32>
      %shift_left3A_631 = arith.shli %get3A_629, %shift_left3A_630 : vector<16xi32>
      %bitcast_convert_type3A = tpu.bitcast %shift_left3A_631 : vector<16xi32> -> vector<16xf32>
      %and3A = arith.constant -65536 : i32
      %and3A_632 = vector.broadcast %and3A : i32 to vector<16xi32>
      %and3A_633 = arith.andi %get3A_629, %and3A_632 : vector<16xi32>
      %bitcast_convert_type3A_634 = tpu.bitcast %and3A_633 : vector<16xi32> -> vector<16xf32>
      %get3A_635 = arith.index_cast %scan3A_626 : i32 to index
      %get3A_636 = arith.constant 0 : index
      %get3A_637 = tpu.vector_load %arg16[%get3A_635, %get3A_636] {strides = array<i32>} : memref<40x128xf32, #tpu.memory_space<vmem>>, vector<1x16xf32>,
      %get3A_638 = vector.shape_cast %get3A_637 : vector<1x16xf32> to vector<16xf32>
      %mul3A_639 = arith.mulf %get3A_638, %bitcast_convert_type3A : vector<16xf32>
      %swap3A = arith.index_cast %scan3A_626 : i32 to index
      %swap3A_640 = arith.constant 0 : index
      %swap3A_641 = tpu.vector_load %arg16[%swap3A, %swap3A_640] {strides = array<i32>} : memref<40x128xf32, #tpu.memory_space<vmem>>, vector<1x16xf32>,
      %swap3A_642 = vector.shape_cast %swap3A_641 : vector<1x16xf32> to vector<16xf32>
      %swap3A_643 = vector.shape_cast %mul3A_639 : vector<16xf32> to vector<1x16xf32>
      tpu.vector_store %arg16[%swap3A, %swap3A_640], %swap3A_643 {strides = array<i32>} : memref<40x128xf32, #tpu.memory_space<vmem>>, vector<1x16xf32>,
      %get3A_644 = arith.index_cast %scan3A_626 : i32 to index
      %get3A_645 = arith.constant 16 : index
      %get3A_646 = tpu.vector_load %arg16[%get3A_644, %get3A_645] {strides = array<i32>} : memref<40x128xf32, #tpu.memory_space<vmem>>, vector<1x16xf32>,
      %get3A_647 = vector.shape_cast %get3A_646 : vector<1x16xf32> to vector<16xf32>
      %mul3A_648 = arith.mulf %get3A_647, %bitcast_convert_type3A_634 : vector<16xf32>
      %swap3A_649 = arith.index_cast %scan3A_626 : i32 to index
      %swap3A_650 = arith.constant 16 : index
      %swap3A_651 = tpu.vector_load %arg16[%swap3A_649, %swap3A_650] {strides = array<i32>} : memref<40x128xf32, #tpu.memory_space<vmem>>, vector<1x16xf32>,
      %swap3A_652 = vector.shape_cast %swap3A_651 : vector<1x16xf32> to vector<16xf32>
      %swap3A_653 = vector.shape_cast %mul3A_648 : vector<16xf32> to vector<1x16xf32>
      tpu.vector_store %arg16[%swap3A_649, %swap3A_650], %swap3A_653 {strides = array<i32>} : memref<40x128xf32, #tpu.memory_space<vmem>>, vector<1x16xf32>,
      %get3A_654 = arith.index_cast %scan3A_626 : i32 to index
      %get3A_655 = arith.constant 16 : index
      %get3A_656 = tpu.vector_load %arg20[%get3A_654, %get3A_655] {strides = array<i32>} : memref<40x64xi32, #tpu.memory_space<vmem>>, vector<1x16xi32>,
      %get3A_657 = vector.shape_cast %get3A_656 : vector<1x16xi32> to vector<16xi32>
      %shift_left3A_658 = arith.constant 16 : i32
      %shift_left3A_659 = vector.broadcast %shift_left3A_658 : i32 to vector<16xi32>
      %shift_left3A_660 = arith.shli %get3A_657, %shift_left3A_659 : vector<16xi32>
      %bitcast_convert_type3A_661 = tpu.bitcast %shift_left3A_660 : vector<16xi32> -> vector<16xf32>
      %and3A_662 = arith.constant -65536 : i32
      %and3A_663 = vector.broadcast %and3A_662 : i32 to vector<16xi32>
      %and3A_664 = arith.andi %get3A_657, %and3A_663 : vector<16xi32>
      %bitcast_convert_type3A_665 = tpu.bitcast %and3A_664 : vector<16xi32> -> vector<16xf32>
      %get3A_666 = arith.index_cast %scan3A_626 : i32 to index
      %get3A_667 = arith.constant 32 : index
      %get3A_668 = tpu.vector_load %arg16[%get3A_666, %get3A_667] {strides = array<i32>} : memref<40x128xf32, #tpu.memory_space<vmem>>, vector<1x16xf32>,
      %get3A_669 = vector.shape_cast %get3A_668 : vector<1x16xf32> to vector<16xf32>
      %mul3A_670 = arith.mulf %get3A_669, %bitcast_convert_type3A_661 : vector<16xf32>
      %swap3A_671 = arith.index_cast %scan3A_626 : i32 to index
      %swap3A_672 = arith.constant 32 : index
      %swap3A_673 = tpu.vector_load %arg16[%swap3A_671, %swap3A_672] {strides = array<i32>} : memref<40x128xf32, #tpu.memory_space<vmem>>, vector<1x16xf32>,
      %swap3A_674 = vector.shape_cast %swap3A_673 : vector<1x16xf32> to vector<16xf32>
      %swap3A_675 = vector.shape_cast %mul3A_670 : vector<16xf32> to vector<1x16xf32>
      tpu.vector_store %arg16[%swap3A_671, %swap3A_672], %swap3A_675 {strides = array<i32>} : memref<40x128xf32, #tpu.memory_space<vmem>>, vector<1x16xf32>,
      %get3A_676 = arith.index_cast %scan3A_626 : i32 to index
      %get3A_677 = arith.constant 48 : index
      %get3A_678 = tpu.vector_load %arg16[%get3A_676, %get3A_677] {strides = array<i32>} : memref<40x128xf32, #tpu.memory_space<vmem>>, vector<1x16xf32>,
      %get3A_679 = vector.shape_cast %get3A_678 : vector<1x16xf32> to vector<16xf32>
      %mul3A_680 = arith.mulf %get3A_679, %bitcast_convert_type3A_665 : vector<16xf32>
      %swap3A_681 = arith.index_cast %scan3A_626 : i32 to index
      %swap3A_682 = arith.constant 48 : index
      %swap3A_683 = tpu.vector_load %arg16[%swap3A_681, %swap3A_682] {strides = array<i32>} : memref<40x128xf32, #tpu.memory_space<vmem>>, vector<1x16xf32>,
      %swap3A_684 = vector.shape_cast %swap3A_683 : vector<1x16xf32> to vector<16xf32>
      %swap3A_685 = vector.shape_cast %mul3A_680 : vector<16xf32> to vector<1x16xf32>
      tpu.vector_store %arg16[%swap3A_681, %swap3A_682], %swap3A_685 {strides = array<i32>} : memref<40x128xf32, #tpu.memory_space<vmem>>, vector<1x16xf32>,
      %get3A_686 = arith.index_cast %scan3A_626 : i32 to index
      %get3A_687 = arith.constant 32 : index
      %get3A_688 = tpu.vector_load %arg20[%get3A_686, %get3A_687] {strides = array<i32>} : memref<40x64xi32, #tpu.memory_space<vmem>>, vector<1x16xi32>,
      %get3A_689 = vector.shape_cast %get3A_688 : vector<1x16xi32> to vector<16xi32>
      %shift_left3A_690 = arith.constant 16 : i32
      %shift_left3A_691 = vector.broadcast %shift_left3A_690 : i32 to vector<16xi32>
      %shift_left3A_692 = arith.shli %get3A_689, %shift_left3A_691 : vector<16xi32>
      %bitcast_convert_type3A_693 = tpu.bitcast %shift_left3A_692 : vector<16xi32> -> vector<16xf32>
      %and3A_694 = arith.constant -65536 : i32
      %and3A_695 = vector.broadcast %and3A_694 : i32 to vector<16xi32>
      %and3A_696 = arith.andi %get3A_689, %and3A_695 : vector<16xi32>
      %bitcast_convert_type3A_697 = tpu.bitcast %and3A_696 : vector<16xi32> -> vector<16xf32>
      %get3A_698 = arith.index_cast %scan3A_626 : i32 to index
      %get3A_699 = arith.constant 64 : index
      %get3A_700 = tpu.vector_load %arg16[%get3A_698, %get3A_699] {strides = array<i32>} : memref<40x128xf32, #tpu.memory_space<vmem>>, vector<1x16xf32>,
      %get3A_701 = vector.shape_cast %get3A_700 : vector<1x16xf32> to vector<16xf32>
      %mul3A_702 = arith.mulf %get3A_701, %bitcast_convert_type3A_693 : vector<16xf32>
      %swap3A_703 = arith.index_cast %scan3A_626 : i32 to index
      %swap3A_704 = arith.constant 64 : index
      %swap3A_705 = tpu.vector_load %arg16[%swap3A_703, %swap3A_704] {strides = array<i32>} : memref<40x128xf32, #tpu.memory_space<vmem>>, vector<1x16xf32>,
      %swap3A_706 = vector.shape_cast %swap3A_705 : vector<1x16xf32> to vector<16xf32>
      %swap3A_707 = vector.shape_cast %mul3A_702 : vector<16xf32> to vector<1x16xf32>
      tpu.vector_store %arg16[%swap3A_703, %swap3A_704], %swap3A_707 {strides = array<i32>} : memref<40x128xf32, #tpu.memory_space<vmem>>, vector<1x16xf32>,
      %get3A_708 = arith.index_cast %scan3A_626 : i32 to index
      %get3A_709 = arith.constant 80 : index
      %get3A_710 = tpu.vector_load %arg16[%get3A_708, %get3A_709] {strides = array<i32>} : memref<40x128xf32, #tpu.memory_space<vmem>>, vector<1x16xf32>,
      %get3A_711 = vector.shape_cast %get3A_710 : vector<1x16xf32> to vector<16xf32>
      %mul3A_712 = arith.mulf %get3A_711, %bitcast_convert_type3A_697 : vector<16xf32>
      %swap3A_713 = arith.index_cast %scan3A_626 : i32 to index
      %swap3A_714 = arith.constant 80 : index
      %swap3A_715 = tpu.vector_load %arg16[%swap3A_713, %swap3A_714] {strides = array<i32>} : memref<40x128xf32, #tpu.memory_space<vmem>>, vector<1x16xf32>,
      %swap3A_716 = vector.shape_cast %swap3A_715 : vector<1x16xf32> to vector<16xf32>
      %swap3A_717 = vector.shape_cast %mul3A_712 : vector<16xf32> to vector<1x16xf32>
      tpu.vector_store %arg16[%swap3A_713, %swap3A_714], %swap3A_717 {strides = array<i32>} : memref<40x128xf32, #tpu.memory_space<vmem>>, vector<1x16xf32>,
      %get3A_718 = arith.index_cast %scan3A_626 : i32 to index
      %get3A_719 = arith.constant 48 : index
      %get3A_720 = tpu.vector_load %arg20[%get3A_718, %get3A_719] {strides = array<i32>} : memref<40x64xi32, #tpu.memory_space<vmem>>, vector<1x16xi32>,
      %get3A_721 = vector.shape_cast %get3A_720 : vector<1x16xi32> to vector<16xi32>
      %shift_left3A_722 = arith.constant 16 : i32
      %shift_left3A_723 = vector.broadcast %shift_left3A_722 : i32 to vector<16xi32>
      %shift_left3A_724 = arith.shli %get3A_721, %shift_left3A_723 : vector<16xi32>
      %bitcast_convert_type3A_725 = tpu.bitcast %shift_left3A_724 : vector<16xi32> -> vector<16xf32>
      %and3A_726 = arith.constant -65536 : i32
      %and3A_727 = vector.broadcast %and3A_726 : i32 to vector<16xi32>
      %and3A_728 = arith.andi %get3A_721, %and3A_727 : vector<16xi32>
      %bitcast_convert_type3A_729 = tpu.bitcast %and3A_728 : vector<16xi32> -> vector<16xf32>
      %get3A_730 = arith.index_cast %scan3A_626 : i32 to index
      %get3A_731 = arith.constant 96 : index
      %get3A_732 = tpu.vector_load %arg16[%get3A_730, %get3A_731] {strides = array<i32>} : memref<40x128xf32, #tpu.memory_space<vmem>>, vector<1x16xf32>,
      %get3A_733 = vector.shape_cast %get3A_732 : vector<1x16xf32> to vector<16xf32>
      %mul3A_734 = arith.mulf %get3A_733, %bitcast_convert_type3A_725 : vector<16xf32>
      %swap3A_735 = arith.index_cast %scan3A_626 : i32 to index
      %swap3A_736 = arith.constant 96 : index
      %swap3A_737 = tpu.vector_load %arg16[%swap3A_735, %swap3A_736] {strides = array<i32>} : memref<40x128xf32, #tpu.memory_space<vmem>>, vector<1x16xf32>,
      %swap3A_738 = vector.shape_cast %swap3A_737 : vector<1x16xf32> to vector<16xf32>
      %swap3A_739 = vector.shape_cast %mul3A_734 : vector<16xf32> to vector<1x16xf32>
      tpu.vector_store %arg16[%swap3A_735, %swap3A_736], %swap3A_739 {strides = array<i32>} : memref<40x128xf32, #tpu.memory_space<vmem>>, vector<1x16xf32>,
      %get3A_740 = arith.index_cast %scan3A_626 : i32 to index
      %get3A_741 = arith.constant 112 : index
      %get3A_742 = tpu.vector_load %arg16[%get3A_740, %get3A_741] {strides = array<i32>} : memref<40x128xf32, #tpu.memory_space<vmem>>, vector<1x16xf32>,
      %get3A_743 = vector.shape_cast %get3A_742 : vector<1x16xf32> to vector<16xf32>
      %mul3A_744 = arith.mulf %get3A_743, %bitcast_convert_type3A_729 : vector<16xf32>
      %swap3A_745 = arith.index_cast %scan3A_626 : i32 to index
      %swap3A_746 = arith.constant 112 : index
      %swap3A_747 = tpu.vector_load %arg16[%swap3A_745, %swap3A_746] {strides = array<i32>} : memref<40x128xf32, #tpu.memory_space<vmem>>, vector<1x16xf32>,
      %swap3A_748 = vector.shape_cast %swap3A_747 : vector<1x16xf32> to vector<16xf32>
      %swap3A_749 = vector.shape_cast %mul3A_744 : vector<16xf32> to vector<1x16xf32>
      tpu.vector_store %arg16[%swap3A_745, %swap3A_746], %swap3A_749 {strides = array<i32>} : memref<40x128xf32, #tpu.memory_space<vmem>>, vector<1x16xf32>,
    }
    %scan3A_179 = arith.constant 40 : i32
    %dma_start3A_180 = arith.constant 0 : i32
    %dma_start3A_181 = arith.constant 0 : i32
    %dma_start3A_182 = arith.constant 0 : i32
    %dma_start3A_183 = tpu.memref_slice %arg7[%dma_start3A_181, %dma_start3A_182] : memref<10000x128xf32, #tpu.memory_space<vmem_shared>> -> memref<10000x128xf32, #tpu.memory_space<vmem_shared>>
    %dma_start3A_184 = tpu.memref_slice %arg27[%dma_start3A_180] : memref<4x!tpu.dma_semaphore, #tpu.memory_space<semaphore_mem>> -> memref<1x!tpu.dma_semaphore, #tpu.memory_space<semaphore_mem>>
    %dma_start3A_185 = tpu.memref_squeeze %dma_start3A_184 : memref<1x!tpu.dma_semaphore, #tpu.memory_space<semaphore_mem>> -> memref<!tpu.dma_semaphore, #tpu.memory_space<semaphore_mem>>
    tpu.enqueue_indirect_dma source(%arg16 : memref<40x128xf32, #tpu.memory_space<vmem>>) target(%dma_start3A_183 : memref<10000x128xf32, #tpu.memory_space<vmem_shared>>) offsets(%arg12 : memref<40xi32, #tpu.memory_space<vmem>>) semaphore(%dma_start3A_185 : memref<!tpu.dma_semaphore, #tpu.memory_space<semaphore_mem>>) {add = true}
    %dma_wait3A_186 = arith.constant 1 : i32
    %dma_wait3A_187 = arith.constant 0 : i32
    %dma_wait3A_188 = arith.constant 2 : i32
    %dma_wait3A_189 = arith.constant 0 : i32
    %dma_wait3A_190 = tpu.memref_slice %arg5[%dma_wait3A_186, %add3A, %dma_wait3A_187, %dma_wait3A_189] : memref<2x32x250x40xi32, #tpu.memory_space<hbm>> -> memref<1x1x1x40xi32, #tpu.memory_space<hbm>>
    %dma_wait3A_191 = tpu.memref_squeeze %dma_wait3A_190 : memref<1x1x1x40xi32, #tpu.memory_space<hbm>> -> memref<40xi32, #tpu.memory_space<hbm>>
    %dma_wait3A_192 = tpu.memref_slice %arg24[%dma_wait3A_188] : memref<4x!tpu.dma_semaphore, #tpu.memory_space<semaphore_mem>> -> memref<1x!tpu.dma_semaphore, #tpu.memory_space<semaphore_mem>>
    %dma_wait3A_193 = tpu.memref_squeeze %dma_wait3A_192 : memref<1x!tpu.dma_semaphore, #tpu.memory_space<semaphore_mem>> -> memref<!tpu.dma_semaphore, #tpu.memory_space<semaphore_mem>>
    %dma_wait3A_194 = arith.constant 0 : i32
    %dma_wait3A_195 = tpu.memref_slice %arg5[%dma_wait3A_186, %add3A, %dma_wait3A_187, %dma_wait3A_194] : memref<2x32x250x40xi32, #tpu.memory_space<hbm>> -> memref<1x1x1x40xi32, #tpu.memory_space<hbm>>
    %dma_wait3A_196 = tpu.memref_squeeze %dma_wait3A_195 : memref<1x1x1x40xi32, #tpu.memory_space<hbm>> -> memref<40xi32, #tpu.memory_space<hbm>>
    tpu.wait_dma2 semaphore(%dma_wait3A_193 : memref<!tpu.dma_semaphore, #tpu.memory_space<semaphore_mem>>) src(%dma_wait3A_196 : memref<40xi32, #tpu.memory_space<hbm>>) dst(%arg10 : memref<40xi32, #tpu.memory_space<vmem>>)
    %dma_wait3A_197 = arith.constant 0 : i32
    %dma_wait3A_198 = arith.constant 0 : i32
    %dma_wait3A_199 = arith.constant 2 : i32
    %dma_wait3A_200 = arith.constant 0 : i32
    %dma_wait3A_201 = tpu.memref_slice %arg5[%dma_wait3A_197, %add3A, %dma_wait3A_198, %dma_wait3A_200] : memref<2x32x250x40xi32, #tpu.memory_space<hbm>> -> memref<1x1x1x40xi32, #tpu.memory_space<hbm>>
    %dma_wait3A_202 = tpu.memref_squeeze %dma_wait3A_201 : memref<1x1x1x40xi32, #tpu.memory_space<hbm>> -> memref<40xi32, #tpu.memory_space<hbm>>
    %dma_wait3A_203 = tpu.memref_slice %arg24[%dma_wait3A_199] : memref<4x!tpu.dma_semaphore, #tpu.memory_space<semaphore_mem>> -> memref<1x!tpu.dma_semaphore, #tpu.memory_space<semaphore_mem>>
    %dma_wait3A_204 = tpu.memref_squeeze %dma_wait3A_203 : memref<1x!tpu.dma_semaphore, #tpu.memory_space<semaphore_mem>> -> memref<!tpu.dma_semaphore, #tpu.memory_space<semaphore_mem>>
    %dma_wait3A_205 = arith.constant 0 : i32
    %dma_wait3A_206 = tpu.memref_slice %arg5[%dma_wait3A_197, %add3A, %dma_wait3A_198, %dma_wait3A_205] : memref<2x32x250x40xi32, #tpu.memory_space<hbm>> -> memref<1x1x1x40xi32, #tpu.memory_space<hbm>>
    %dma_wait3A_207 = tpu.memref_squeeze %dma_wait3A_206 : memref<1x1x1x40xi32, #tpu.memory_space<hbm>> -> memref<40xi32, #tpu.memory_space<hbm>>
    tpu.wait_dma2 semaphore(%dma_wait3A_204 : memref<!tpu.dma_semaphore, #tpu.memory_space<semaphore_mem>>) src(%dma_wait3A_207 : memref<40xi32, #tpu.memory_space<hbm>>) dst(%arg14 : memref<40xi32, #tpu.memory_space<vmem>>)
    %dma_start3A_208 = arith.constant 2 : i32
    %dma_start3A_209 = arith.constant 0 : i32
    %dma_start3A_210 = arith.constant 0 : i32
    %dma_start3A_211 = tpu.memref_slice %arg3[%dma_start3A_209, %dma_start3A_210] : memref<10000x128xf32, #tpu.memory_space<hbm>> -> memref<10000x128xf32, #tpu.memory_space<hbm>>
    %dma_start3A_212 = tpu.memref_slice %arg25[%dma_start3A_208] : memref<4x!tpu.dma_semaphore, #tpu.memory_space<semaphore_mem>> -> memref<1x!tpu.dma_semaphore, #tpu.memory_space<semaphore_mem>>
    %dma_start3A_213 = tpu.memref_squeeze %dma_start3A_212 : memref<1x!tpu.dma_semaphore, #tpu.memory_space<semaphore_mem>> -> memref<!tpu.dma_semaphore, #tpu.memory_space<semaphore_mem>>
    tpu.enqueue_indirect_dma source(%dma_start3A_211 : memref<10000x128xf32, #tpu.memory_space<hbm>>) target(%arg18 : memref<40x128xf32, #tpu.memory_space<vmem>>) offsets(%arg10 : memref<40xi32, #tpu.memory_space<vmem>>) semaphore(%dma_start3A_213 : memref<!tpu.dma_semaphore, #tpu.memory_space<semaphore_mem>>)
    %mul3A_214 = arith.constant 250 : i32
    %mul3A_215 = arith.muli %add3A, %mul3A_214 : i32
    %add3A_216 = arith.constant 2 : i32
    %add3A_217 = arith.addi %mul3A_215, %add3A_216 : i32
    %dma_start3A_218 = arith.constant 2 : i32
    %dma_start3A_219 = arith.constant 0 : i32
    %dma_start3A_220 = arith.constant 0 : i32
    %dma_start3A_221 = tpu.memref_slice %arg4[%add3A_217, %dma_start3A_219, %dma_start3A_220] : memref<8000x40x64xi32, #tpu.memory_space<hbm>> -> memref<1x40x64xi32, #tpu.memory_space<hbm>>
    %dma_start3A_222 = tpu.memref_squeeze %dma_start3A_221 : memref<1x40x64xi32, #tpu.memory_space<hbm>> -> memref<40x64xi32, #tpu.memory_space<hbm>>
    %dma_start3A_223 = tpu.memref_slice %arg26[%dma_start3A_218] : memref<4x!tpu.dma_semaphore, #tpu.memory_space<semaphore_mem>> -> memref<1x!tpu.dma_semaphore, #tpu.memory_space<semaphore_mem>>
    %dma_start3A_224 = tpu.memref_squeeze %dma_start3A_223 : memref<1x!tpu.dma_semaphore, #tpu.memory_space<semaphore_mem>> -> memref<!tpu.dma_semaphore, #tpu.memory_space<semaphore_mem>>
    %dma_start3A_225 = arith.constant 0 : i32
    %dma_start3A_226 = arith.constant 0 : i32
    %dma_start3A_227 = tpu.memref_slice %arg4[%add3A_217, %dma_start3A_225, %dma_start3A_226] : memref<8000x40x64xi32, #tpu.memory_space<hbm>> -> memref<1x40x64xi32, #tpu.memory_space<hbm>>
    %dma_start3A_228 = tpu.memref_squeeze %dma_start3A_227 : memref<1x40x64xi32, #tpu.memory_space<hbm>> -> memref<40x64xi32, #tpu.memory_space<hbm>>
    tpu.enqueue_dma source(%dma_start3A_228 : memref<40x64xi32, #tpu.memory_space<hbm>>) target(%arg22 : memref<40x64xi32, #tpu.memory_space<vmem>>) target_semaphore(%dma_start3A_224 : memref<!tpu.dma_semaphore, #tpu.memory_space<semaphore_mem>>)
    %dma_start3A_229 = arith.constant 1 : i32
    %dma_start3A_230 = arith.constant 3 : i32
    %dma_start3A_231 = arith.constant 3 : i32
    %dma_start3A_232 = arith.constant 0 : i32
    %dma_start3A_233 = tpu.memref_slice %arg5[%dma_start3A_229, %add3A, %dma_start3A_230, %dma_start3A_232] : memref<2x32x250x40xi32, #tpu.memory_space<hbm>> -> memref<1x1x1x40xi32, #tpu.memory_space<hbm>>
    %dma_start3A_234 = tpu.memref_squeeze %dma_start3A_233 : memref<1x1x1x40xi32, #tpu.memory_space<hbm>> -> memref<40xi32, #tpu.memory_space<hbm>>
    %dma_start3A_235 = tpu.memref_slice %arg24[%dma_start3A_231] : memref<4x!tpu.dma_semaphore, #tpu.memory_space<semaphore_mem>> -> memref<1x!tpu.dma_semaphore, #tpu.memory_space<semaphore_mem>>
    %dma_start3A_236 = tpu.memref_squeeze %dma_start3A_235 : memref<1x!tpu.dma_semaphore, #tpu.memory_space<semaphore_mem>> -> memref<!tpu.dma_semaphore, #tpu.memory_space<semaphore_mem>>
    %dma_start3A_237 = arith.constant 0 : i32
    %dma_start3A_238 = tpu.memref_slice %arg5[%dma_start3A_229, %add3A, %dma_start3A_230, %dma_start3A_237] : memref<2x32x250x40xi32, #tpu.memory_space<hbm>> -> memref<1x1x1x40xi32, #tpu.memory_space<hbm>>
    %dma_start3A_239 = tpu.memref_squeeze %dma_start3A_238 : memref<1x1x1x40xi32, #tpu.memory_space<hbm>> -> memref<40xi32, #tpu.memory_space<hbm>>
    tpu.enqueue_dma source(%dma_start3A_239 : memref<40xi32, #tpu.memory_space<hbm>>) target(%arg11 : memref<40xi32, #tpu.memory_space<vmem>>) target_semaphore(%dma_start3A_236 : memref<!tpu.dma_semaphore, #tpu.memory_space<semaphore_mem>>)
    %dma_start3A_240 = arith.constant 0 : i32
    %dma_start3A_241 = arith.constant 3 : i32
    %dma_start3A_242 = arith.constant 3 : i32
    %dma_start3A_243 = arith.constant 0 : i32
    %dma_start3A_244 = tpu.memref_slice %arg5[%dma_start3A_240, %add3A, %dma_start3A_241, %dma_start3A_243] : memref<2x32x250x40xi32, #tpu.memory_space<hbm>> -> memref<1x1x1x40xi32, #tpu.memory_space<hbm>>
    %dma_start3A_245 = tpu.memref_squeeze %dma_start3A_244 : memref<1x1x1x40xi32, #tpu.memory_space<hbm>> -> memref<40xi32, #tpu.memory_space<hbm>>
    %dma_start3A_246 = tpu.memref_slice %arg24[%dma_start3A_242] : memref<4x!tpu.dma_semaphore, #tpu.memory_space<semaphore_mem>> -> memref<1x!tpu.dma_semaphore, #tpu.memory_space<semaphore_mem>>
    %dma_start3A_247 = tpu.memref_squeeze %dma_start3A_246 : memref<1x!tpu.dma_semaphore, #tpu.memory_space<semaphore_mem>> -> memref<!tpu.dma_semaphore, #tpu.memory_space<semaphore_mem>>
    %dma_start3A_248 = arith.constant 0 : i32
    %dma_start3A_249 = tpu.memref_slice %arg5[%dma_start3A_240, %add3A, %dma_start3A_241, %dma_start3A_248] : memref<2x32x250x40xi32, #tpu.memory_space<hbm>> -> memref<1x1x1x40xi32, #tpu.memory_space<hbm>>
    %dma_start3A_250 = tpu.memref_squeeze %dma_start3A_249 : memref<1x1x1x40xi32, #tpu.memory_space<hbm>> -> memref<40xi32, #tpu.memory_space<hbm>>
    tpu.enqueue_dma source(%dma_start3A_250 : memref<40xi32, #tpu.memory_space<hbm>>) target(%arg15 : memref<40xi32, #tpu.memory_space<vmem>>) target_semaphore(%dma_start3A_247 : memref<!tpu.dma_semaphore, #tpu.memory_space<semaphore_mem>>)
    %dma_wait3A_251 = arith.constant 1 : i32
    %dma_wait3A_252 = arith.constant 0 : i32
    %dma_wait3A_253 = arith.constant 0 : i32
    %dma_wait3A_254 = tpu.memref_slice %arg3[%dma_wait3A_252, %dma_wait3A_253] : memref<10000x128xf32, #tpu.memory_space<hbm>> -> memref<10000x128xf32, #tpu.memory_space<hbm>>
    %dma_wait3A_255 = tpu.memref_slice %arg25[%dma_wait3A_251] : memref<4x!tpu.dma_semaphore, #tpu.memory_space<semaphore_mem>> -> memref<1x!tpu.dma_semaphore, #tpu.memory_space<semaphore_mem>>
    %dma_wait3A_256 = tpu.memref_squeeze %dma_wait3A_255 : memref<1x!tpu.dma_semaphore, #tpu.memory_space<semaphore_mem>> -> memref<!tpu.dma_semaphore, #tpu.memory_space<semaphore_mem>>
    tpu.wait_indirect_dma semaphore(%dma_wait3A_256 : memref<!tpu.dma_semaphore, #tpu.memory_space<semaphore_mem>>) src(%dma_wait3A_254 : memref<10000x128xf32, #tpu.memory_space<hbm>>) dst(%arg17 : memref<40x128xf32, #tpu.memory_space<vmem>>)
    %dma_wait3A_257 = arith.constant 0 : i32
    %dma_wait3A_258 = arith.constant 1 : i32
    %dma_wait3A_259 = arith.constant 0 : i32
    %dma_wait3A_260 = arith.constant 0 : i32
    %dma_wait3A_261 = tpu.memref_slice %arg4[%dma_wait3A_257, %dma_wait3A_259, %dma_wait3A_260] : memref<8000x40x64xi32, #tpu.memory_space<hbm>> -> memref<1x40x64xi32, #tpu.memory_space<hbm>>
    %dma_wait3A_262 = tpu.memref_squeeze %dma_wait3A_261 : memref<1x40x64xi32, #tpu.memory_space<hbm>> -> memref<40x64xi32, #tpu.memory_space<hbm>>
    %dma_wait3A_263 = tpu.memref_slice %arg26[%dma_wait3A_258] : memref<4x!tpu.dma_semaphore, #tpu.memory_space<semaphore_mem>> -> memref<1x!tpu.dma_semaphore, #tpu.memory_space<semaphore_mem>>
    %dma_wait3A_264 = tpu.memref_squeeze %dma_wait3A_263 : memref<1x!tpu.dma_semaphore, #tpu.memory_space<semaphore_mem>> -> memref<!tpu.dma_semaphore, #tpu.memory_space<semaphore_mem>>
    %dma_wait3A_265 = arith.constant 0 : i32
    %dma_wait3A_266 = arith.constant 0 : i32
    %dma_wait3A_267 = tpu.memref_slice %arg4[%dma_wait3A_257, %dma_wait3A_265, %dma_wait3A_266] : memref<8000x40x64xi32, #tpu.memory_space<hbm>> -> memref<1x40x64xi32, #tpu.memory_space<hbm>>
    %dma_wait3A_268 = tpu.memref_squeeze %dma_wait3A_267 : memref<1x40x64xi32, #tpu.memory_space<hbm>> -> memref<40x64xi32, #tpu.memory_space<hbm>>
    tpu.wait_dma2 semaphore(%dma_wait3A_264 : memref<!tpu.dma_semaphore, #tpu.memory_space<semaphore_mem>>) src(%dma_wait3A_268 : memref<40x64xi32, #tpu.memory_space<hbm>>) dst(%arg21 : memref<40x64xi32, #tpu.memory_space<vmem>>)
    %scan3A_269 = arith.constant 0 : i32
    %scan3A_270 = arith.constant 0 : i32
    %scan3A_271 = arith.constant 40 : i32
    %scan3A_272 = arith.addi %scan3A_270, %scan3A_271 : i32
    %scan3A_273 = arith.constant 1 : i32
    scf.for %scan3A_626 = %scan3A_270 to %scan3A_272 step %scan3A_273  : i32 {
      %get3A = arith.index_cast %scan3A_626 : i32 to index
      %get3A_627 = arith.constant 0 : index
      %get3A_628 = tpu.vector_load %arg21[%get3A, %get3A_627] {strides = array<i32>} : memref<40x64xi32, #tpu.memory_space<vmem>>, vector<1x16xi32>,
      %get3A_629 = vector.shape_cast %get3A_628 : vector<1x16xi32> to vector<16xi32>
      %shift_left3A = arith.constant 16 : i32
      %shift_left3A_630 = vector.broadcast %shift_left3A : i32 to vector<16xi32>
      %shift_left3A_631 = arith.shli %get3A_629, %shift_left3A_630 : vector<16xi32>
      %bitcast_convert_type3A = tpu.bitcast %shift_left3A_631 : vector<16xi32> -> vector<16xf32>
      %and3A = arith.constant -65536 : i32
      %and3A_632 = vector.broadcast %and3A : i32 to vector<16xi32>
      %and3A_633 = arith.andi %get3A_629, %and3A_632 : vector<16xi32>
      %bitcast_convert_type3A_634 = tpu.bitcast %and3A_633 : vector<16xi32> -> vector<16xf32>
      %get3A_635 = arith.index_cast %scan3A_626 : i32 to index
      %get3A_636 = arith.constant 0 : index
      %get3A_637 = tpu.vector_load %arg17[%get3A_635, %get3A_636] {strides = array<i32>} : memref<40x128xf32, #tpu.memory_space<vmem>>, vector<1x16xf32>,
      %get3A_638 = vector.shape_cast %get3A_637 : vector<1x16xf32> to vector<16xf32>
      %mul3A_639 = arith.mulf %get3A_638, %bitcast_convert_type3A : vector<16xf32>
      %swap3A = arith.index_cast %scan3A_626 : i32 to index
      %swap3A_640 = arith.constant 0 : index
      %swap3A_641 = tpu.vector_load %arg17[%swap3A, %swap3A_640] {strides = array<i32>} : memref<40x128xf32, #tpu.memory_space<vmem>>, vector<1x16xf32>,
      %swap3A_642 = vector.shape_cast %swap3A_641 : vector<1x16xf32> to vector<16xf32>
      %swap3A_643 = vector.shape_cast %mul3A_639 : vector<16xf32> to vector<1x16xf32>
      tpu.vector_store %arg17[%swap3A, %swap3A_640], %swap3A_643 {strides = array<i32>} : memref<40x128xf32, #tpu.memory_space<vmem>>, vector<1x16xf32>,
      %get3A_644 = arith.index_cast %scan3A_626 : i32 to index
      %get3A_645 = arith.constant 16 : index
      %get3A_646 = tpu.vector_load %arg17[%get3A_644, %get3A_645] {strides = array<i32>} : memref<40x128xf32, #tpu.memory_space<vmem>>, vector<1x16xf32>,
      %get3A_647 = vector.shape_cast %get3A_646 : vector<1x16xf32> to vector<16xf32>
      %mul3A_648 = arith.mulf %get3A_647, %bitcast_convert_type3A_634 : vector<16xf32>
      %swap3A_649 = arith.index_cast %scan3A_626 : i32 to index
      %swap3A_650 = arith.constant 16 : index
      %swap3A_651 = tpu.vector_load %arg17[%swap3A_649, %swap3A_650] {strides = array<i32>} : memref<40x128xf32, #tpu.memory_space<vmem>>, vector<1x16xf32>,
      %swap3A_652 = vector.shape_cast %swap3A_651 : vector<1x16xf32> to vector<16xf32>
      %swap3A_653 = vector.shape_cast %mul3A_648 : vector<16xf32> to vector<1x16xf32>
      tpu.vector_store %arg17[%swap3A_649, %swap3A_650], %swap3A_653 {strides = array<i32>} : memref<40x128xf32, #tpu.memory_space<vmem>>, vector<1x16xf32>,
      %get3A_654 = arith.index_cast %scan3A_626 : i32 to index
      %get3A_655 = arith.constant 16 : index
      %get3A_656 = tpu.vector_load %arg21[%get3A_654, %get3A_655] {strides = array<i32>} : memref<40x64xi32, #tpu.memory_space<vmem>>, vector<1x16xi32>,
      %get3A_657 = vector.shape_cast %get3A_656 : vector<1x16xi32> to vector<16xi32>
      %shift_left3A_658 = arith.constant 16 : i32
      %shift_left3A_659 = vector.broadcast %shift_left3A_658 : i32 to vector<16xi32>
      %shift_left3A_660 = arith.shli %get3A_657, %shift_left3A_659 : vector<16xi32>
      %bitcast_convert_type3A_661 = tpu.bitcast %shift_left3A_660 : vector<16xi32> -> vector<16xf32>
      %and3A_662 = arith.constant -65536 : i32
      %and3A_663 = vector.broadcast %and3A_662 : i32 to vector<16xi32>
      %and3A_664 = arith.andi %get3A_657, %and3A_663 : vector<16xi32>
      %bitcast_convert_type3A_665 = tpu.bitcast %and3A_664 : vector<16xi32> -> vector<16xf32>
      %get3A_666 = arith.index_cast %scan3A_626 : i32 to index
      %get3A_667 = arith.constant 32 : index
      %get3A_668 = tpu.vector_load %arg17[%get3A_666, %get3A_667] {strides = array<i32>} : memref<40x128xf32, #tpu.memory_space<vmem>>, vector<1x16xf32>,
      %get3A_669 = vector.shape_cast %get3A_668 : vector<1x16xf32> to vector<16xf32>
      %mul3A_670 = arith.mulf %get3A_669, %bitcast_convert_type3A_661 : vector<16xf32>
      %swap3A_671 = arith.index_cast %scan3A_626 : i32 to index
      %swap3A_672 = arith.constant 32 : index
      %swap3A_673 = tpu.vector_load %arg17[%swap3A_671, %swap3A_672] {strides = array<i32>} : memref<40x128xf32, #tpu.memory_space<vmem>>, vector<1x16xf32>,
      %swap3A_674 = vector.shape_cast %swap3A_673 : vector<1x16xf32> to vector<16xf32>
      %swap3A_675 = vector.shape_cast %mul3A_670 : vector<16xf32> to vector<1x16xf32>
      tpu.vector_store %arg17[%swap3A_671, %swap3A_672], %swap3A_675 {strides = array<i32>} : memref<40x128xf32, #tpu.memory_space<vmem>>, vector<1x16xf32>,
      %get3A_676 = arith.index_cast %scan3A_626 : i32 to index
      %get3A_677 = arith.constant 48 : index
      %get3A_678 = tpu.vector_load %arg17[%get3A_676, %get3A_677] {strides = array<i32>} : memref<40x128xf32, #tpu.memory_space<vmem>>, vector<1x16xf32>,
      %get3A_679 = vector.shape_cast %get3A_678 : vector<1x16xf32> to vector<16xf32>
      %mul3A_680 = arith.mulf %get3A_679, %bitcast_convert_type3A_665 : vector<16xf32>
      %swap3A_681 = arith.index_cast %scan3A_626 : i32 to index
      %swap3A_682 = arith.constant 48 : index
      %swap3A_683 = tpu.vector_load %arg17[%swap3A_681, %swap3A_682] {strides = array<i32>} : memref<40x128xf32, #tpu.memory_space<vmem>>, vector<1x16xf32>,
      %swap3A_684 = vector.shape_cast %swap3A_683 : vector<1x16xf32> to vector<16xf32>
      %swap3A_685 = vector.shape_cast %mul3A_680 : vector<16xf32> to vector<1x16xf32>
      tpu.vector_store %arg17[%swap3A_681, %swap3A_682], %swap3A_685 {strides = array<i32>} : memref<40x128xf32, #tpu.memory_space<vmem>>, vector<1x16xf32>,
      %get3A_686 = arith.index_cast %scan3A_626 : i32 to index
      %get3A_687 = arith.constant 32 : index
      %get3A_688 = tpu.vector_load %arg21[%get3A_686, %get3A_687] {strides = array<i32>} : memref<40x64xi32, #tpu.memory_space<vmem>>, vector<1x16xi32>,
      %get3A_689 = vector.shape_cast %get3A_688 : vector<1x16xi32> to vector<16xi32>
      %shift_left3A_690 = arith.constant 16 : i32
      %shift_left3A_691 = vector.broadcast %shift_left3A_690 : i32 to vector<16xi32>
      %shift_left3A_692 = arith.shli %get3A_689, %shift_left3A_691 : vector<16xi32>
      %bitcast_convert_type3A_693 = tpu.bitcast %shift_left3A_692 : vector<16xi32> -> vector<16xf32>
      %and3A_694 = arith.constant -65536 : i32
      %and3A_695 = vector.broadcast %and3A_694 : i32 to vector<16xi32>
      %and3A_696 = arith.andi %get3A_689, %and3A_695 : vector<16xi32>
      %bitcast_convert_type3A_697 = tpu.bitcast %and3A_696 : vector<16xi32> -> vector<16xf32>
      %get3A_698 = arith.index_cast %scan3A_626 : i32 to index
      %get3A_699 = arith.constant 64 : index
      %get3A_700 = tpu.vector_load %arg17[%get3A_698, %get3A_699] {strides = array<i32>} : memref<40x128xf32, #tpu.memory_space<vmem>>, vector<1x16xf32>,
      %get3A_701 = vector.shape_cast %get3A_700 : vector<1x16xf32> to vector<16xf32>
      %mul3A_702 = arith.mulf %get3A_701, %bitcast_convert_type3A_693 : vector<16xf32>
      %swap3A_703 = arith.index_cast %scan3A_626 : i32 to index
      %swap3A_704 = arith.constant 64 : index
      %swap3A_705 = tpu.vector_load %arg17[%swap3A_703, %swap3A_704] {strides = array<i32>} : memref<40x128xf32, #tpu.memory_space<vmem>>, vector<1x16xf32>,
      %swap3A_706 = vector.shape_cast %swap3A_705 : vector<1x16xf32> to vector<16xf32>
      %swap3A_707 = vector.shape_cast %mul3A_702 : vector<16xf32> to vector<1x16xf32>
      tpu.vector_store %arg17[%swap3A_703, %swap3A_704], %swap3A_707 {strides = array<i32>} : memref<40x128xf32, #tpu.memory_space<vmem>>, vector<1x16xf32>,
      %get3A_708 = arith.index_cast %scan3A_626 : i32 to index
      %get3A_709 = arith.constant 80 : index
      %get3A_710 = tpu.vector_load %arg17[%get3A_708, %get3A_709] {strides = array<i32>} : memref<40x128xf32, #tpu.memory_space<vmem>>, vector<1x16xf32>,
      %get3A_711 = vector.shape_cast %get3A_710 : vector<1x16xf32> to vector<16xf32>
      %mul3A_712 = arith.mulf %get3A_711, %bitcast_convert_type3A_697 : vector<16xf32>
      %swap3A_713 = arith.index_cast %scan3A_626 : i32 to index
      %swap3A_714 = arith.constant 80 : index
      %swap3A_715 = tpu.vector_load %arg17[%swap3A_713, %swap3A_714] {strides = array<i32>} : memref<40x128xf32, #tpu.memory_space<vmem>>, vector<1x16xf32>,
      %swap3A_716 = vector.shape_cast %swap3A_715 : vector<1x16xf32> to vector<16xf32>
      %swap3A_717 = vector.shape_cast %mul3A_712 : vector<16xf32> to vector<1x16xf32>
      tpu.vector_store %arg17[%swap3A_713, %swap3A_714], %swap3A_717 {strides = array<i32>} : memref<40x128xf32, #tpu.memory_space<vmem>>, vector<1x16xf32>,
      %get3A_718 = arith.index_cast %scan3A_626 : i32 to index
      %get3A_719 = arith.constant 48 : index
      %get3A_720 = tpu.vector_load %arg21[%get3A_718, %get3A_719] {strides = array<i32>} : memref<40x64xi32, #tpu.memory_space<vmem>>, vector<1x16xi32>,
      %get3A_721 = vector.shape_cast %get3A_720 : vector<1x16xi32> to vector<16xi32>
      %shift_left3A_722 = arith.constant 16 : i32
      %shift_left3A_723 = vector.broadcast %shift_left3A_722 : i32 to vector<16xi32>
      %shift_left3A_724 = arith.shli %get3A_721, %shift_left3A_723 : vector<16xi32>
      %bitcast_convert_type3A_725 = tpu.bitcast %shift_left3A_724 : vector<16xi32> -> vector<16xf32>
      %and3A_726 = arith.constant -65536 : i32
      %and3A_727 = vector.broadcast %and3A_726 : i32 to vector<16xi32>
      %and3A_728 = arith.andi %get3A_721, %and3A_727 : vector<16xi32>
      %bitcast_convert_type3A_729 = tpu.bitcast %and3A_728 : vector<16xi32> -> vector<16xf32>
      %get3A_730 = arith.index_cast %scan3A_626 : i32 to index
      %get3A_731 = arith.constant 96 : index
      %get3A_732 = tpu.vector_load %arg17[%get3A_730, %get3A_731] {strides = array<i32>} : memref<40x128xf32, #tpu.memory_space<vmem>>, vector<1x16xf32>,
      %get3A_733 = vector.shape_cast %get3A_732 : vector<1x16xf32> to vector<16xf32>
      %mul3A_734 = arith.mulf %get3A_733, %bitcast_convert_type3A_725 : vector<16xf32>
      %swap3A_735 = arith.index_cast %scan3A_626 : i32 to index
      %swap3A_736 = arith.constant 96 : index
      %swap3A_737 = tpu.vector_load %arg17[%swap3A_735, %swap3A_736] {strides = array<i32>} : memref<40x128xf32, #tpu.memory_space<vmem>>, vector<1x16xf32>,
      %swap3A_738 = vector.shape_cast %swap3A_737 : vector<1x16xf32> to vector<16xf32>
      %swap3A_739 = vector.shape_cast %mul3A_734 : vector<16xf32> to vector<1x16xf32>
      tpu.vector_store %arg17[%swap3A_735, %swap3A_736], %swap3A_739 {strides = array<i32>} : memref<40x128xf32, #tpu.memory_space<vmem>>, vector<1x16xf32>,
      %get3A_740 = arith.index_cast %scan3A_626 : i32 to index
      %get3A_741 = arith.constant 112 : index
      %get3A_742 = tpu.vector_load %arg17[%get3A_740, %get3A_741] {strides = array<i32>} : memref<40x128xf32, #tpu.memory_space<vmem>>, vector<1x16xf32>,
      %get3A_743 = vector.shape_cast %get3A_742 : vector<1x16xf32> to vector<16xf32>
      %mul3A_744 = arith.mulf %get3A_743, %bitcast_convert_type3A_729 : vector<16xf32>
      %swap3A_745 = arith.index_cast %scan3A_626 : i32 to index
      %swap3A_746 = arith.constant 112 : index
      %swap3A_747 = tpu.vector_load %arg17[%swap3A_745, %swap3A_746] {strides = array<i32>} : memref<40x128xf32, #tpu.memory_space<vmem>>, vector<1x16xf32>,
      %swap3A_748 = vector.shape_cast %swap3A_747 : vector<1x16xf32> to vector<16xf32>
      %swap3A_749 = vector.shape_cast %mul3A_744 : vector<16xf32> to vector<1x16xf32>
      tpu.vector_store %arg17[%swap3A_745, %swap3A_746], %swap3A_749 {strides = array<i32>} : memref<40x128xf32, #tpu.memory_space<vmem>>, vector<1x16xf32>,
    }
    %scan3A_274 = arith.constant 40 : i32
    %dma_start3A_275 = arith.constant 1 : i32
    %dma_start3A_276 = arith.constant 0 : i32
    %dma_start3A_277 = arith.constant 0 : i32
    %dma_start3A_278 = tpu.memref_slice %arg7[%dma_start3A_276, %dma_start3A_277] : memref<10000x128xf32, #tpu.memory_space<vmem_shared>> -> memref<10000x128xf32, #tpu.memory_space<vmem_shared>>
    %dma_start3A_279 = tpu.memref_slice %arg27[%dma_start3A_275] : memref<4x!tpu.dma_semaphore, #tpu.memory_space<semaphore_mem>> -> memref<1x!tpu.dma_semaphore, #tpu.memory_space<semaphore_mem>>
    %dma_start3A_280 = tpu.memref_squeeze %dma_start3A_279 : memref<1x!tpu.dma_semaphore, #tpu.memory_space<semaphore_mem>> -> memref<!tpu.dma_semaphore, #tpu.memory_space<semaphore_mem>>
    tpu.enqueue_indirect_dma source(%arg17 : memref<40x128xf32, #tpu.memory_space<vmem>>) target(%dma_start3A_278 : memref<10000x128xf32, #tpu.memory_space<vmem_shared>>) offsets(%arg13 : memref<40xi32, #tpu.memory_space<vmem>>) semaphore(%dma_start3A_280 : memref<!tpu.dma_semaphore, #tpu.memory_space<semaphore_mem>>) {add = true}
    %scan3A_281 = arith.constant 0 : i32
    %scan3A_282 = arith.constant 0 : i32
    %scan3A_283 = arith.constant 61 : i32
    %scan3A_284 = arith.addi %scan3A_282, %scan3A_283 : i32
    %scan3A_285 = arith.constant 1 : i32
    scf.for %scan3A_626 = %scan3A_282 to %scan3A_284 step %scan3A_285  : i32 {
      %mul3A_627 = arith.constant 4 : i32
      %mul3A_628 = arith.muli %scan3A_626, %mul3A_627 : i32
      %add3A_629 = arith.constant 2 : i32
      %add3A_630 = arith.addi %add3A_629, %mul3A_628 : i32
      %add3A_631 = arith.constant 0 : i32
      %add3A_632 = arith.addi %add3A_630, %add3A_631 : i32
      %dma_wait3A_633 = arith.constant 1 : i32
      %dma_wait3A_634 = arith.constant 0 : i32
      %dma_wait3A_635 = arith.constant 3 : i32
      %dma_wait3A_636 = arith.constant 0 : i32
      %dma_wait3A_637 = tpu.memref_slice %arg5[%dma_wait3A_633, %add3A, %dma_wait3A_634, %dma_wait3A_636] : memref<2x32x250x40xi32, #tpu.memory_space<hbm>> -> memref<1x1x1x40xi32, #tpu.memory_space<hbm>>
      %dma_wait3A_638 = tpu.memref_squeeze %dma_wait3A_637 : memref<1x1x1x40xi32, #tpu.memory_space<hbm>> -> memref<40xi32, #tpu.memory_space<hbm>>
      %dma_wait3A_639 = tpu.memref_slice %arg24[%dma_wait3A_635] : memref<4x!tpu.dma_semaphore, #tpu.memory_space<semaphore_mem>> -> memref<1x!tpu.dma_semaphore, #tpu.memory_space<semaphore_mem>>
      %dma_wait3A_640 = tpu.memref_squeeze %dma_wait3A_639 : memref<1x!tpu.dma_semaphore, #tpu.memory_space<semaphore_mem>> -> memref<!tpu.dma_semaphore, #tpu.memory_space<semaphore_mem>>
      %dma_wait3A_641 = arith.constant 0 : i32
      %dma_wait3A_642 = tpu.memref_slice %arg5[%dma_wait3A_633, %add3A, %dma_wait3A_634, %dma_wait3A_641] : memref<2x32x250x40xi32, #tpu.memory_space<hbm>> -> memref<1x1x1x40xi32, #tpu.memory_space<hbm>>
      %dma_wait3A_643 = tpu.memref_squeeze %dma_wait3A_642 : memref<1x1x1x40xi32, #tpu.memory_space<hbm>> -> memref<40xi32, #tpu.memory_space<hbm>>
      tpu.wait_dma2 semaphore(%dma_wait3A_640 : memref<!tpu.dma_semaphore, #tpu.memory_space<semaphore_mem>>) src(%dma_wait3A_643 : memref<40xi32, #tpu.memory_space<hbm>>) dst(%arg11 : memref<40xi32, #tpu.memory_space<vmem>>)
      %dma_wait3A_644 = arith.constant 0 : i32
      %dma_wait3A_645 = arith.constant 0 : i32
      %dma_wait3A_646 = arith.constant 3 : i32
      %dma_wait3A_647 = arith.constant 0 : i32
      %dma_wait3A_648 = tpu.memref_slice %arg5[%dma_wait3A_644, %add3A, %dma_wait3A_645, %dma_wait3A_647] : memref<2x32x250x40xi32, #tpu.memory_space<hbm>> -> memref<1x1x1x40xi32, #tpu.memory_space<hbm>>
      %dma_wait3A_649 = tpu.memref_squeeze %dma_wait3A_648 : memref<1x1x1x40xi32, #tpu.memory_space<hbm>> -> memref<40xi32, #tpu.memory_space<hbm>>
      %dma_wait3A_650 = tpu.memref_slice %arg24[%dma_wait3A_646] : memref<4x!tpu.dma_semaphore, #tpu.memory_space<semaphore_mem>> -> memref<1x!tpu.dma_semaphore, #tpu.memory_space<semaphore_mem>>
      %dma_wait3A_651 = tpu.memref_squeeze %dma_wait3A_650 : memref<1x!tpu.dma_semaphore, #tpu.memory_space<semaphore_mem>> -> memref<!tpu.dma_semaphore, #tpu.memory_space<semaphore_mem>>
      %dma_wait3A_652 = arith.constant 0 : i32
      %dma_wait3A_653 = tpu.memref_slice %arg5[%dma_wait3A_644, %add3A, %dma_wait3A_645, %dma_wait3A_652] : memref<2x32x250x40xi32, #tpu.memory_space<hbm>> -> memref<1x1x1x40xi32, #tpu.memory_space<hbm>>
      %dma_wait3A_654 = tpu.memref_squeeze %dma_wait3A_653 : memref<1x1x1x40xi32, #tpu.memory_space<hbm>> -> memref<40xi32, #tpu.memory_space<hbm>>
      tpu.wait_dma2 semaphore(%dma_wait3A_651 : memref<!tpu.dma_semaphore, #tpu.memory_space<semaphore_mem>>) src(%dma_wait3A_654 : memref<40xi32, #tpu.memory_space<hbm>>) dst(%arg15 : memref<40xi32, #tpu.memory_space<vmem>>)
      %add3A_655 = arith.constant 1 : i32
      %add3A_656 = arith.addi %add3A_632, %add3A_655 : i32
      %dma_start3A_657 = arith.constant 3 : i32
      %dma_start3A_658 = arith.constant 0 : i32
      %dma_start3A_659 = arith.constant 0 : i32
      %dma_start3A_660 = tpu.memref_slice %arg3[%dma_start3A_658, %dma_start3A_659] : memref<10000x128xf32, #tpu.memory_space<hbm>> -> memref<10000x128xf32, #tpu.memory_space<hbm>>
      %dma_start3A_661 = tpu.memref_slice %arg25[%dma_start3A_657] : memref<4x!tpu.dma_semaphore, #tpu.memory_space<semaphore_mem>> -> memref<1x!tpu.dma_semaphore, #tpu.memory_space<semaphore_mem>>
      %dma_start3A_662 = tpu.memref_squeeze %dma_start3A_661 : memref<1x!tpu.dma_semaphore, #tpu.memory_space<semaphore_mem>> -> memref<!tpu.dma_semaphore, #tpu.memory_space<semaphore_mem>>
      tpu.enqueue_indirect_dma source(%dma_start3A_660 : memref<10000x128xf32, #tpu.memory_space<hbm>>) target(%arg19 : memref<40x128xf32, #tpu.memory_space<vmem>>) offsets(%arg11 : memref<40xi32, #tpu.memory_space<vmem>>) semaphore(%dma_start3A_662 : memref<!tpu.dma_semaphore, #tpu.memory_space<semaphore_mem>>)
      %mul3A_663 = arith.constant 250 : i32
      %mul3A_664 = arith.muli %add3A, %mul3A_663 : i32
      %add3A_665 = arith.addi %mul3A_664, %add3A_656 : i32
      %dma_start3A_666 = arith.constant 3 : i32
      %dma_start3A_667 = arith.constant 0 : i32
      %dma_start3A_668 = arith.constant 0 : i32
      %dma_start3A_669 = tpu.memref_slice %arg4[%add3A_665, %dma_start3A_667, %dma_start3A_668] : memref<8000x40x64xi32, #tpu.memory_space<hbm>> -> memref<1x40x64xi32, #tpu.memory_space<hbm>>
      %dma_start3A_670 = tpu.memref_squeeze %dma_start3A_669 : memref<1x40x64xi32, #tpu.memory_space<hbm>> -> memref<40x64xi32, #tpu.memory_space<hbm>>
      %dma_start3A_671 = tpu.memref_slice %arg26[%dma_start3A_666] : memref<4x!tpu.dma_semaphore, #tpu.memory_space<semaphore_mem>> -> memref<1x!tpu.dma_semaphore, #tpu.memory_space<semaphore_mem>>
      %dma_start3A_672 = tpu.memref_squeeze %dma_start3A_671 : memref<1x!tpu.dma_semaphore, #tpu.memory_space<semaphore_mem>> -> memref<!tpu.dma_semaphore, #tpu.memory_space<semaphore_mem>>
      %dma_start3A_673 = arith.constant 0 : i32
      %dma_start3A_674 = arith.constant 0 : i32
      %dma_start3A_675 = tpu.memref_slice %arg4[%add3A_665, %dma_start3A_673, %dma_start3A_674] : memref<8000x40x64xi32, #tpu.memory_space<hbm>> -> memref<1x40x64xi32, #tpu.memory_space<hbm>>
      %dma_start3A_676 = tpu.memref_squeeze %dma_start3A_675 : memref<1x40x64xi32, #tpu.memory_space<hbm>> -> memref<40x64xi32, #tpu.memory_space<hbm>>
      tpu.enqueue_dma source(%dma_start3A_676 : memref<40x64xi32, #tpu.memory_space<hbm>>) target(%arg23 : memref<40x64xi32, #tpu.memory_space<vmem>>) target_semaphore(%dma_start3A_672 : memref<!tpu.dma_semaphore, #tpu.memory_space<semaphore_mem>>)
      %dma_wait3A_677 = arith.constant 0 : i32
      %dma_wait3A_678 = arith.constant 0 : i32
      %dma_wait3A_679 = arith.constant 0 : i32
      %dma_wait3A_680 = tpu.memref_slice %arg7[%dma_wait3A_678, %dma_wait3A_679] : memref<10000x128xf32, #tpu.memory_space<vmem_shared>> -> memref<10000x128xf32, #tpu.memory_space<vmem_shared>>
      %dma_wait3A_681 = tpu.memref_slice %arg27[%dma_wait3A_677] : memref<4x!tpu.dma_semaphore, #tpu.memory_space<semaphore_mem>> -> memref<1x!tpu.dma_semaphore, #tpu.memory_space<semaphore_mem>>
      %dma_wait3A_682 = tpu.memref_squeeze %dma_wait3A_681 : memref<1x!tpu.dma_semaphore, #tpu.memory_space<semaphore_mem>> -> memref<!tpu.dma_semaphore, #tpu.memory_space<semaphore_mem>>
      tpu.wait_indirect_dma semaphore(%dma_wait3A_682 : memref<!tpu.dma_semaphore, #tpu.memory_space<semaphore_mem>>) src(%arg16 : memref<40x128xf32, #tpu.memory_space<vmem>>) dst(%dma_wait3A_680 : memref<10000x128xf32, #tpu.memory_space<vmem_shared>>)
      %add3A_683 = arith.constant 2 : i32
      %add3A_684 = arith.addi %add3A_632, %add3A_683 : i32
      %dma_start3A_685 = arith.constant 1 : i32
      %dma_start3A_686 = arith.constant 0 : i32
      %dma_start3A_687 = arith.constant 0 : i32
      %dma_start3A_688 = tpu.memref_slice %arg5[%dma_start3A_685, %add3A, %add3A_684, %dma_start3A_687] : memref<2x32x250x40xi32, #tpu.memory_space<hbm>> -> memref<1x1x1x40xi32, #tpu.memory_space<hbm>>
      %dma_start3A_689 = tpu.memref_squeeze %dma_start3A_688 : memref<1x1x1x40xi32, #tpu.memory_space<hbm>> -> memref<40xi32, #tpu.memory_space<hbm>>
      %dma_start3A_690 = tpu.memref_slice %arg24[%dma_start3A_686] : memref<4x!tpu.dma_semaphore, #tpu.memory_space<semaphore_mem>> -> memref<1x!tpu.dma_semaphore, #tpu.memory_space<semaphore_mem>>
      %dma_start3A_691 = tpu.memref_squeeze %dma_start3A_690 : memref<1x!tpu.dma_semaphore, #tpu.memory_space<semaphore_mem>> -> memref<!tpu.dma_semaphore, #tpu.memory_space<semaphore_mem>>
      %dma_start3A_692 = arith.constant 0 : i32
      %dma_start3A_693 = tpu.memref_slice %arg5[%dma_start3A_685, %add3A, %add3A_684, %dma_start3A_692] : memref<2x32x250x40xi32, #tpu.memory_space<hbm>> -> memref<1x1x1x40xi32, #tpu.memory_space<hbm>>
      %dma_start3A_694 = tpu.memref_squeeze %dma_start3A_693 : memref<1x1x1x40xi32, #tpu.memory_space<hbm>> -> memref<40xi32, #tpu.memory_space<hbm>>
      tpu.enqueue_dma source(%dma_start3A_694 : memref<40xi32, #tpu.memory_space<hbm>>) target(%arg8 : memref<40xi32, #tpu.memory_space<vmem>>) target_semaphore(%dma_start3A_691 : memref<!tpu.dma_semaphore, #tpu.memory_space<semaphore_mem>>)
      %dma_start3A_695 = arith.constant 0 : i32
      %dma_start3A_696 = arith.constant 0 : i32
      %dma_start3A_697 = arith.constant 0 : i32
      %dma_start3A_698 = tpu.memref_slice %arg5[%dma_start3A_695, %add3A, %add3A_684, %dma_start3A_697] : memref<2x32x250x40xi32, #tpu.memory_space<hbm>> -> memref<1x1x1x40xi32, #tpu.memory_space<hbm>>
      %dma_start3A_699 = tpu.memref_squeeze %dma_start3A_698 : memref<1x1x1x40xi32, #tpu.memory_space<hbm>> -> memref<40xi32, #tpu.memory_space<hbm>>
      %dma_start3A_700 = tpu.memref_slice %arg24[%dma_start3A_696] : memref<4x!tpu.dma_semaphore, #tpu.memory_space<semaphore_mem>> -> memref<1x!tpu.dma_semaphore, #tpu.memory_space<semaphore_mem>>
      %dma_start3A_701 = tpu.memref_squeeze %dma_start3A_700 : memref<1x!tpu.dma_semaphore, #tpu.memory_space<semaphore_mem>> -> memref<!tpu.dma_semaphore, #tpu.memory_space<semaphore_mem>>
      %dma_start3A_702 = arith.constant 0 : i32
      %dma_start3A_703 = tpu.memref_slice %arg5[%dma_start3A_695, %add3A, %add3A_684, %dma_start3A_702] : memref<2x32x250x40xi32, #tpu.memory_space<hbm>> -> memref<1x1x1x40xi32, #tpu.memory_space<hbm>>
      %dma_start3A_704 = tpu.memref_squeeze %dma_start3A_703 : memref<1x1x1x40xi32, #tpu.memory_space<hbm>> -> memref<40xi32, #tpu.memory_space<hbm>>
      tpu.enqueue_dma source(%dma_start3A_704 : memref<40xi32, #tpu.memory_space<hbm>>) target(%arg12 : memref<40xi32, #tpu.memory_space<vmem>>) target_semaphore(%dma_start3A_701 : memref<!tpu.dma_semaphore, #tpu.memory_space<semaphore_mem>>)
      %dma_wait3A_705 = arith.constant 2 : i32
      %dma_wait3A_706 = arith.constant 0 : i32
      %dma_wait3A_707 = arith.constant 0 : i32
      %dma_wait3A_708 = tpu.memref_slice %arg3[%dma_wait3A_706, %dma_wait3A_707] : memref<10000x128xf32, #tpu.memory_space<hbm>> -> memref<10000x128xf32, #tpu.memory_space<hbm>>
      %dma_wait3A_709 = tpu.memref_slice %arg25[%dma_wait3A_705] : memref<4x!tpu.dma_semaphore, #tpu.memory_space<semaphore_mem>> -> memref<1x!tpu.dma_semaphore, #tpu.memory_space<semaphore_mem>>
      %dma_wait3A_710 = tpu.memref_squeeze %dma_wait3A_709 : memref<1x!tpu.dma_semaphore, #tpu.memory_space<semaphore_mem>> -> memref<!tpu.dma_semaphore, #tpu.memory_space<semaphore_mem>>
      tpu.wait_indirect_dma semaphore(%dma_wait3A_710 : memref<!tpu.dma_semaphore, #tpu.memory_space<semaphore_mem>>) src(%dma_wait3A_708 : memref<10000x128xf32, #tpu.memory_space<hbm>>) dst(%arg18 : memref<40x128xf32, #tpu.memory_space<vmem>>)
      %dma_wait3A_711 = arith.constant 0 : i32
      %dma_wait3A_712 = arith.constant 2 : i32
      %dma_wait3A_713 = arith.constant 0 : i32
      %dma_wait3A_714 = arith.constant 0 : i32
      %dma_wait3A_715 = tpu.memref_slice %arg4[%dma_wait3A_711, %dma_wait3A_713, %dma_wait3A_714] : memref<8000x40x64xi32, #tpu.memory_space<hbm>> -> memref<1x40x64xi32, #tpu.memory_space<hbm>>
      %dma_wait3A_716 = tpu.memref_squeeze %dma_wait3A_715 : memref<1x40x64xi32, #tpu.memory_space<hbm>> -> memref<40x64xi32, #tpu.memory_space<hbm>>
      %dma_wait3A_717 = tpu.memref_slice %arg26[%dma_wait3A_712] : memref<4x!tpu.dma_semaphore, #tpu.memory_space<semaphore_mem>> -> memref<1x!tpu.dma_semaphore, #tpu.memory_space<semaphore_mem>>
      %dma_wait3A_718 = tpu.memref_squeeze %dma_wait3A_717 : memref<1x!tpu.dma_semaphore, #tpu.memory_space<semaphore_mem>> -> memref<!tpu.dma_semaphore, #tpu.memory_space<semaphore_mem>>
      %dma_wait3A_719 = arith.constant 0 : i32
      %dma_wait3A_720 = arith.constant 0 : i32
      %dma_wait3A_721 = tpu.memref_slice %arg4[%dma_wait3A_711, %dma_wait3A_719, %dma_wait3A_720] : memref<8000x40x64xi32, #tpu.memory_space<hbm>> -> memref<1x40x64xi32, #tpu.memory_space<hbm>>
      %dma_wait3A_722 = tpu.memref_squeeze %dma_wait3A_721 : memref<1x40x64xi32, #tpu.memory_space<hbm>> -> memref<40x64xi32, #tpu.memory_space<hbm>>
      tpu.wait_dma2 semaphore(%dma_wait3A_718 : memref<!tpu.dma_semaphore, #tpu.memory_space<semaphore_mem>>) src(%dma_wait3A_722 : memref<40x64xi32, #tpu.memory_space<hbm>>) dst(%arg22 : memref<40x64xi32, #tpu.memory_space<vmem>>)
      %scan3A_723 = arith.constant 0 : i32
      %scan3A_724 = arith.constant 0 : i32
      %scan3A_725 = arith.constant 40 : i32
      %scan3A_726 = arith.addi %scan3A_724, %scan3A_725 : i32
      %scan3A_727 = arith.constant 1 : i32
      scf.for %scan3A_1047 = %scan3A_724 to %scan3A_726 step %scan3A_727  : i32 {
        %get3A = arith.index_cast %scan3A_1047 : i32 to index
        %get3A_1048 = arith.constant 0 : index
        %get3A_1049 = tpu.vector_load %arg22[%get3A, %get3A_1048] {strides = array<i32>} : memref<40x64xi32, #tpu.memory_space<vmem>>, vector<1x16xi32>,
        %get3A_1050 = vector.shape_cast %get3A_1049 : vector<1x16xi32> to vector<16xi32>
        %shift_left3A = arith.constant 16 : i32
        %shift_left3A_1051 = vector.broadcast %shift_left3A : i32 to vector<16xi32>
        %shift_left3A_1052 = arith.shli %get3A_1050, %shift_left3A_1051 : vector<16xi32>
        %bitcast_convert_type3A = tpu.bitcast %shift_left3A_1052 : vector<16xi32> -> vector<16xf32>
        %and3A = arith.constant -65536 : i32
        %and3A_1053 = vector.broadcast %and3A : i32 to vector<16xi32>
        %and3A_1054 = arith.andi %get3A_1050, %and3A_1053 : vector<16xi32>
        %bitcast_convert_type3A_1055 = tpu.bitcast %and3A_1054 : vector<16xi32> -> vector<16xf32>
        %get3A_1056 = arith.index_cast %scan3A_1047 : i32 to index
        %get3A_1057 = arith.constant 0 : index
        %get3A_1058 = tpu.vector_load %arg18[%get3A_1056, %get3A_1057] {strides = array<i32>} : memref<40x128xf32, #tpu.memory_space<vmem>>, vector<1x16xf32>,
        %get3A_1059 = vector.shape_cast %get3A_1058 : vector<1x16xf32> to vector<16xf32>
        %mul3A_1060 = arith.mulf %get3A_1059, %bitcast_convert_type3A : vector<16xf32>
        %swap3A = arith.index_cast %scan3A_1047 : i32 to index
        %swap3A_1061 = arith.constant 0 : index
        %swap3A_1062 = tpu.vector_load %arg18[%swap3A, %swap3A_1061] {strides = array<i32>} : memref<40x128xf32, #tpu.memory_space<vmem>>, vector<1x16xf32>,
        %swap3A_1063 = vector.shape_cast %swap3A_1062 : vector<1x16xf32> to vector<16xf32>
        %swap3A_1064 = vector.shape_cast %mul3A_1060 : vector<16xf32> to vector<1x16xf32>
        tpu.vector_store %arg18[%swap3A, %swap3A_1061], %swap3A_1064 {strides = array<i32>} : memref<40x128xf32, #tpu.memory_space<vmem>>, vector<1x16xf32>,
        %get3A_1065 = arith.index_cast %scan3A_1047 : i32 to index
        %get3A_1066 = arith.constant 16 : index
        %get3A_1067 = tpu.vector_load %arg18[%get3A_1065, %get3A_1066] {strides = array<i32>} : memref<40x128xf32, #tpu.memory_space<vmem>>, vector<1x16xf32>,
        %get3A_1068 = vector.shape_cast %get3A_1067 : vector<1x16xf32> to vector<16xf32>
        %mul3A_1069 = arith.mulf %get3A_1068, %bitcast_convert_type3A_1055 : vector<16xf32>
        %swap3A_1070 = arith.index_cast %scan3A_1047 : i32 to index
        %swap3A_1071 = arith.constant 16 : index
        %swap3A_1072 = tpu.vector_load %arg18[%swap3A_1070, %swap3A_1071] {strides = array<i32>} : memref<40x128xf32, #tpu.memory_space<vmem>>, vector<1x16xf32>,
        %swap3A_1073 = vector.shape_cast %swap3A_1072 : vector<1x16xf32> to vector<16xf32>
        %swap3A_1074 = vector.shape_cast %mul3A_1069 : vector<16xf32> to vector<1x16xf32>
        tpu.vector_store %arg18[%swap3A_1070, %swap3A_1071], %swap3A_1074 {strides = array<i32>} : memref<40x128xf32, #tpu.memory_space<vmem>>, vector<1x16xf32>,
        %get3A_1075 = arith.index_cast %scan3A_1047 : i32 to index
        %get3A_1076 = arith.constant 16 : index
        %get3A_1077 = tpu.vector_load %arg22[%get3A_1075, %get3A_1076] {strides = array<i32>} : memref<40x64xi32, #tpu.memory_space<vmem>>, vector<1x16xi32>,
        %get3A_1078 = vector.shape_cast %get3A_1077 : vector<1x16xi32> to vector<16xi32>
        %shift_left3A_1079 = arith.constant 16 : i32
        %shift_left3A_1080 = vector.broadcast %shift_left3A_1079 : i32 to vector<16xi32>
        %shift_left3A_1081 = arith.shli %get3A_1078, %shift_left3A_1080 : vector<16xi32>
        %bitcast_convert_type3A_1082 = tpu.bitcast %shift_left3A_1081 : vector<16xi32> -> vector<16xf32>
        %and3A_1083 = arith.constant -65536 : i32
        %and3A_1084 = vector.broadcast %and3A_1083 : i32 to vector<16xi32>
        %and3A_1085 = arith.andi %get3A_1078, %and3A_1084 : vector<16xi32>
        %bitcast_convert_type3A_1086 = tpu.bitcast %and3A_1085 : vector<16xi32> -> vector<16xf32>
        %get3A_1087 = arith.index_cast %scan3A_1047 : i32 to index
        %get3A_1088 = arith.constant 32 : index
        %get3A_1089 = tpu.vector_load %arg18[%get3A_1087, %get3A_1088] {strides = array<i32>} : memref<40x128xf32, #tpu.memory_space<vmem>>, vector<1x16xf32>,
        %get3A_1090 = vector.shape_cast %get3A_1089 : vector<1x16xf32> to vector<16xf32>
        %mul3A_1091 = arith.mulf %get3A_1090, %bitcast_convert_type3A_1082 : vector<16xf32>
        %swap3A_1092 = arith.index_cast %scan3A_1047 : i32 to index
        %swap3A_1093 = arith.constant 32 : index
        %swap3A_1094 = tpu.vector_load %arg18[%swap3A_1092, %swap3A_1093] {strides = array<i32>} : memref<40x128xf32, #tpu.memory_space<vmem>>, vector<1x16xf32>,
        %swap3A_1095 = vector.shape_cast %swap3A_1094 : vector<1x16xf32> to vector<16xf32>
        %swap3A_1096 = vector.shape_cast %mul3A_1091 : vector<16xf32> to vector<1x16xf32>
        tpu.vector_store %arg18[%swap3A_1092, %swap3A_1093], %swap3A_1096 {strides = array<i32>} : memref<40x128xf32, #tpu.memory_space<vmem>>, vector<1x16xf32>,
        %get3A_1097 = arith.index_cast %scan3A_1047 : i32 to index
        %get3A_1098 = arith.constant 48 : index
        %get3A_1099 = tpu.vector_load %arg18[%get3A_1097, %get3A_1098] {strides = array<i32>} : memref<40x128xf32, #tpu.memory_space<vmem>>, vector<1x16xf32>,
        %get3A_1100 = vector.shape_cast %get3A_1099 : vector<1x16xf32> to vector<16xf32>
        %mul3A_1101 = arith.mulf %get3A_1100, %bitcast_convert_type3A_1086 : vector<16xf32>
        %swap3A_1102 = arith.index_cast %scan3A_1047 : i32 to index
        %swap3A_1103 = arith.constant 48 : index
        %swap3A_1104 = tpu.vector_load %arg18[%swap3A_1102, %swap3A_1103] {strides = array<i32>} : memref<40x128xf32, #tpu.memory_space<vmem>>, vector<1x16xf32>,
        %swap3A_1105 = vector.shape_cast %swap3A_1104 : vector<1x16xf32> to vector<16xf32>
        %swap3A_1106 = vector.shape_cast %mul3A_1101 : vector<16xf32> to vector<1x16xf32>
        tpu.vector_store %arg18[%swap3A_1102, %swap3A_1103], %swap3A_1106 {strides = array<i32>} : memref<40x128xf32, #tpu.memory_space<vmem>>, vector<1x16xf32>,
        %get3A_1107 = arith.index_cast %scan3A_1047 : i32 to index
        %get3A_1108 = arith.constant 32 : index
        %get3A_1109 = tpu.vector_load %arg22[%get3A_1107, %get3A_1108] {strides = array<i32>} : memref<40x64xi32, #tpu.memory_space<vmem>>, vector<1x16xi32>,
        %get3A_1110 = vector.shape_cast %get3A_1109 : vector<1x16xi32> to vector<16xi32>
        %shift_left3A_1111 = arith.constant 16 : i32
        %shift_left3A_1112 = vector.broadcast %shift_left3A_1111 : i32 to vector<16xi32>
        %shift_left3A_1113 = arith.shli %get3A_1110, %shift_left3A_1112 : vector<16xi32>
        %bitcast_convert_type3A_1114 = tpu.bitcast %shift_left3A_1113 : vector<16xi32> -> vector<16xf32>
        %and3A_1115 = arith.constant -65536 : i32
        %and3A_1116 = vector.broadcast %and3A_1115 : i32 to vector<16xi32>
        %and3A_1117 = arith.andi %get3A_1110, %and3A_1116 : vector<16xi32>
        %bitcast_convert_type3A_1118 = tpu.bitcast %and3A_1117 : vector<16xi32> -> vector<16xf32>
        %get3A_1119 = arith.index_cast %scan3A_1047 : i32 to index
        %get3A_1120 = arith.constant 64 : index
        %get3A_1121 = tpu.vector_load %arg18[%get3A_1119, %get3A_1120] {strides = array<i32>} : memref<40x128xf32, #tpu.memory_space<vmem>>, vector<1x16xf32>,
        %get3A_1122 = vector.shape_cast %get3A_1121 : vector<1x16xf32> to vector<16xf32>
        %mul3A_1123 = arith.mulf %get3A_1122, %bitcast_convert_type3A_1114 : vector<16xf32>
        %swap3A_1124 = arith.index_cast %scan3A_1047 : i32 to index
        %swap3A_1125 = arith.constant 64 : index
        %swap3A_1126 = tpu.vector_load %arg18[%swap3A_1124, %swap3A_1125] {strides = array<i32>} : memref<40x128xf32, #tpu.memory_space<vmem>>, vector<1x16xf32>,
        %swap3A_1127 = vector.shape_cast %swap3A_1126 : vector<1x16xf32> to vector<16xf32>
        %swap3A_1128 = vector.shape_cast %mul3A_1123 : vector<16xf32> to vector<1x16xf32>
        tpu.vector_store %arg18[%swap3A_1124, %swap3A_1125], %swap3A_1128 {strides = array<i32>} : memref<40x128xf32, #tpu.memory_space<vmem>>, vector<1x16xf32>,
        %get3A_1129 = arith.index_cast %scan3A_1047 : i32 to index
        %get3A_1130 = arith.constant 80 : index
        %get3A_1131 = tpu.vector_load %arg18[%get3A_1129, %get3A_1130] {strides = array<i32>} : memref<40x128xf32, #tpu.memory_space<vmem>>, vector<1x16xf32>,
        %get3A_1132 = vector.shape_cast %get3A_1131 : vector<1x16xf32> to vector<16xf32>
        %mul3A_1133 = arith.mulf %get3A_1132, %bitcast_convert_type3A_1118 : vector<16xf32>
        %swap3A_1134 = arith.index_cast %scan3A_1047 : i32 to index
        %swap3A_1135 = arith.constant 80 : index
        %swap3A_1136 = tpu.vector_load %arg18[%swap3A_1134, %swap3A_1135] {strides = array<i32>} : memref<40x128xf32, #tpu.memory_space<vmem>>, vector<1x16xf32>,
        %swap3A_1137 = vector.shape_cast %swap3A_1136 : vector<1x16xf32> to vector<16xf32>
        %swap3A_1138 = vector.shape_cast %mul3A_1133 : vector<16xf32> to vector<1x16xf32>
        tpu.vector_store %arg18[%swap3A_1134, %swap3A_1135], %swap3A_1138 {strides = array<i32>} : memref<40x128xf32, #tpu.memory_space<vmem>>, vector<1x16xf32>,
        %get3A_1139 = arith.index_cast %scan3A_1047 : i32 to index
        %get3A_1140 = arith.constant 48 : index
        %get3A_1141 = tpu.vector_load %arg22[%get3A_1139, %get3A_1140] {strides = array<i32>} : memref<40x64xi32, #tpu.memory_space<vmem>>, vector<1x16xi32>,
        %get3A_1142 = vector.shape_cast %get3A_1141 : vector<1x16xi32> to vector<16xi32>
        %shift_left3A_1143 = arith.constant 16 : i32
        %shift_left3A_1144 = vector.broadcast %shift_left3A_1143 : i32 to vector<16xi32>
        %shift_left3A_1145 = arith.shli %get3A_1142, %shift_left3A_1144 : vector<16xi32>
        %bitcast_convert_type3A_1146 = tpu.bitcast %shift_left3A_1145 : vector<16xi32> -> vector<16xf32>
        %and3A_1147 = arith.constant -65536 : i32
        %and3A_1148 = vector.broadcast %and3A_1147 : i32 to vector<16xi32>
        %and3A_1149 = arith.andi %get3A_1142, %and3A_1148 : vector<16xi32>
        %bitcast_convert_type3A_1150 = tpu.bitcast %and3A_1149 : vector<16xi32> -> vector<16xf32>
        %get3A_1151 = arith.index_cast %scan3A_1047 : i32 to index
        %get3A_1152 = arith.constant 96 : index
        %get3A_1153 = tpu.vector_load %arg18[%get3A_1151, %get3A_1152] {strides = array<i32>} : memref<40x128xf32, #tpu.memory_space<vmem>>, vector<1x16xf32>,
        %get3A_1154 = vector.shape_cast %get3A_1153 : vector<1x16xf32> to vector<16xf32>
        %mul3A_1155 = arith.mulf %get3A_1154, %bitcast_convert_type3A_1146 : vector<16xf32>
        %swap3A_1156 = arith.index_cast %scan3A_1047 : i32 to index
        %swap3A_1157 = arith.constant 96 : index
        %swap3A_1158 = tpu.vector_load %arg18[%swap3A_1156, %swap3A_1157] {strides = array<i32>} : memref<40x128xf32, #tpu.memory_space<vmem>>, vector<1x16xf32>,
        %swap3A_1159 = vector.shape_cast %swap3A_1158 : vector<1x16xf32> to vector<16xf32>
        %swap3A_1160 = vector.shape_cast %mul3A_1155 : vector<16xf32> to vector<1x16xf32>
        tpu.vector_store %arg18[%swap3A_1156, %swap3A_1157], %swap3A_1160 {strides = array<i32>} : memref<40x128xf32, #tpu.memory_space<vmem>>, vector<1x16xf32>,
        %get3A_1161 = arith.index_cast %scan3A_1047 : i32 to index
        %get3A_1162 = arith.constant 112 : index
        %get3A_1163 = tpu.vector_load %arg18[%get3A_1161, %get3A_1162] {strides = array<i32>} : memref<40x128xf32, #tpu.memory_space<vmem>>, vector<1x16xf32>,
        %get3A_1164 = vector.shape_cast %get3A_1163 : vector<1x16xf32> to vector<16xf32>
        %mul3A_1165 = arith.mulf %get3A_1164, %bitcast_convert_type3A_1150 : vector<16xf32>
        %swap3A_1166 = arith.index_cast %scan3A_1047 : i32 to index
        %swap3A_1167 = arith.constant 112 : index
        %swap3A_1168 = tpu.vector_load %arg18[%swap3A_1166, %swap3A_1167] {strides = array<i32>} : memref<40x128xf32, #tpu.memory_space<vmem>>, vector<1x16xf32>,
        %swap3A_1169 = vector.shape_cast %swap3A_1168 : vector<1x16xf32> to vector<16xf32>
        %swap3A_1170 = vector.shape_cast %mul3A_1165 : vector<16xf32> to vector<1x16xf32>
        tpu.vector_store %arg18[%swap3A_1166, %swap3A_1167], %swap3A_1170 {strides = array<i32>} : memref<40x128xf32, #tpu.memory_space<vmem>>, vector<1x16xf32>,
      }
      %scan3A_728 = arith.constant 40 : i32
      %dma_start3A_729 = arith.constant 2 : i32
      %dma_start3A_730 = arith.constant 0 : i32
      %dma_start3A_731 = arith.constant 0 : i32
      %dma_start3A_732 = tpu.memref_slice %arg7[%dma_start3A_730, %dma_start3A_731] : memref<10000x128xf32, #tpu.memory_space<vmem_shared>> -> memref<10000x128xf32, #tpu.memory_space<vmem_shared>>
      %dma_start3A_733 = tpu.memref_slice %arg27[%dma_start3A_729] : memref<4x!tpu.dma_semaphore, #tpu.memory_space<semaphore_mem>> -> memref<1x!tpu.dma_semaphore, #tpu.memory_space<semaphore_mem>>
      %dma_start3A_734 = tpu.memref_squeeze %dma_start3A_733 : memref<1x!tpu.dma_semaphore, #tpu.memory_space<semaphore_mem>> -> memref<!tpu.dma_semaphore, #tpu.memory_space<semaphore_mem>>
      tpu.enqueue_indirect_dma source(%arg18 : memref<40x128xf32, #tpu.memory_space<vmem>>) target(%dma_start3A_732 : memref<10000x128xf32, #tpu.memory_space<vmem_shared>>) offsets(%arg14 : memref<40xi32, #tpu.memory_space<vmem>>) semaphore(%dma_start3A_734 : memref<!tpu.dma_semaphore, #tpu.memory_space<semaphore_mem>>) {add = true}
      %add3A_735 = arith.constant 1 : i32
      %add3A_736 = arith.addi %add3A_630, %add3A_735 : i32
      %dma_wait3A_737 = arith.constant 1 : i32
      %dma_wait3A_738 = arith.constant 0 : i32
      %dma_wait3A_739 = arith.constant 0 : i32
      %dma_wait3A_740 = arith.constant 0 : i32
      %dma_wait3A_741 = tpu.memref_slice %arg5[%dma_wait3A_737, %add3A, %dma_wait3A_738, %dma_wait3A_740] : memref<2x32x250x40xi32, #tpu.memory_space<hbm>> -> memref<1x1x1x40xi32, #tpu.memory_space<hbm>>
      %dma_wait3A_742 = tpu.memref_squeeze %dma_wait3A_741 : memref<1x1x1x40xi32, #tpu.memory_space<hbm>> -> memref<40xi32, #tpu.memory_space<hbm>>
      %dma_wait3A_743 = tpu.memref_slice %arg24[%dma_wait3A_739] : memref<4x!tpu.dma_semaphore, #tpu.memory_space<semaphore_mem>> -> memref<1x!tpu.dma_semaphore, #tpu.memory_space<semaphore_mem>>
      %dma_wait3A_744 = tpu.memref_squeeze %dma_wait3A_743 : memref<1x!tpu.dma_semaphore, #tpu.memory_space<semaphore_mem>> -> memref<!tpu.dma_semaphore, #tpu.memory_space<semaphore_mem>>
      %dma_wait3A_745 = arith.constant 0 : i32
      %dma_wait3A_746 = tpu.memref_slice %arg5[%dma_wait3A_737, %add3A, %dma_wait3A_738, %dma_wait3A_745] : memref<2x32x250x40xi32, #tpu.memory_space<hbm>> -> memref<1x1x1x40xi32, #tpu.memory_space<hbm>>
      %dma_wait3A_747 = tpu.memref_squeeze %dma_wait3A_746 : memref<1x1x1x40xi32, #tpu.memory_space<hbm>> -> memref<40xi32, #tpu.memory_space<hbm>>
      tpu.wait_dma2 semaphore(%dma_wait3A_744 : memref<!tpu.dma_semaphore, #tpu.memory_space<semaphore_mem>>) src(%dma_wait3A_747 : memref<40xi32, #tpu.memory_space<hbm>>) dst(%arg8 : memref<40xi32, #tpu.memory_space<vmem>>)
      %dma_wait3A_748 = arith.constant 0 : i32
      %dma_wait3A_749 = arith.constant 0 : i32
      %dma_wait3A_750 = arith.constant 0 : i32
      %dma_wait3A_751 = arith.constant 0 : i32
      %dma_wait3A_752 = tpu.memref_slice %arg5[%dma_wait3A_748, %add3A, %dma_wait3A_749, %dma_wait3A_751] : memref<2x32x250x40xi32, #tpu.memory_space<hbm>> -> memref<1x1x1x40xi32, #tpu.memory_space<hbm>>
      %dma_wait3A_753 = tpu.memref_squeeze %dma_wait3A_752 : memref<1x1x1x40xi32, #tpu.memory_space<hbm>> -> memref<40xi32, #tpu.memory_space<hbm>>
      %dma_wait3A_754 = tpu.memref_slice %arg24[%dma_wait3A_750] : memref<4x!tpu.dma_semaphore, #tpu.memory_space<semaphore_mem>> -> memref<1x!tpu.dma_semaphore, #tpu.memory_space<semaphore_mem>>
      %dma_wait3A_755 = tpu.memref_squeeze %dma_wait3A_754 : memref<1x!tpu.dma_semaphore, #tpu.memory_space<semaphore_mem>> -> memref<!tpu.dma_semaphore, #tpu.memory_space<semaphore_mem>>
      %dma_wait3A_756 = arith.constant 0 : i32
      %dma_wait3A_757 = tpu.memref_slice %arg5[%dma_wait3A_748, %add3A, %dma_wait3A_749, %dma_wait3A_756] : memref<2x32x250x40xi32, #tpu.memory_space<hbm>> -> memref<1x1x1x40xi32, #tpu.memory_space<hbm>>
      %dma_wait3A_758 = tpu.memref_squeeze %dma_wait3A_757 : memref<1x1x1x40xi32, #tpu.memory_space<hbm>> -> memref<40xi32, #tpu.memory_space<hbm>>
      tpu.wait_dma2 semaphore(%dma_wait3A_755 : memref<!tpu.dma_semaphore, #tpu.memory_space<semaphore_mem>>) src(%dma_wait3A_758 : memref<40xi32, #tpu.memory_space<hbm>>) dst(%arg12 : memref<40xi32, #tpu.memory_space<vmem>>)
      %add3A_759 = arith.constant 1 : i32
      %add3A_760 = arith.addi %add3A_736, %add3A_759 : i32
      %dma_start3A_761 = arith.constant 0 : i32
      %dma_start3A_762 = arith.constant 0 : i32
      %dma_start3A_763 = arith.constant 0 : i32
      %dma_start3A_764 = tpu.memref_slice %arg3[%dma_start3A_762, %dma_start3A_763] : memref<10000x128xf32, #tpu.memory_space<hbm>> -> memref<10000x128xf32, #tpu.memory_space<hbm>>
      %dma_start3A_765 = tpu.memref_slice %arg25[%dma_start3A_761] : memref<4x!tpu.dma_semaphore, #tpu.memory_space<semaphore_mem>> -> memref<1x!tpu.dma_semaphore, #tpu.memory_space<semaphore_mem>>
      %dma_start3A_766 = tpu.memref_squeeze %dma_start3A_765 : memref<1x!tpu.dma_semaphore, #tpu.memory_space<semaphore_mem>> -> memref<!tpu.dma_semaphore, #tpu.memory_space<semaphore_mem>>
      tpu.enqueue_indirect_dma source(%dma_start3A_764 : memref<10000x128xf32, #tpu.memory_space<hbm>>) target(%arg16 : memref<40x128xf32, #tpu.memory_space<vmem>>) offsets(%arg8 : memref<40xi32, #tpu.memory_space<vmem>>) semaphore(%dma_start3A_766 : memref<!tpu.dma_semaphore, #tpu.memory_space<semaphore_mem>>)
      %mul3A_767 = arith.constant 250 : i32
      %mul3A_768 = arith.muli %add3A, %mul3A_767 : i32
      %add3A_769 = arith.addi %mul3A_768, %add3A_760 : i32
      %dma_start3A_770 = arith.constant 0 : i32
      %dma_start3A_771 = arith.constant 0 : i32
      %dma_start3A_772 = arith.constant 0 : i32
      %dma_start3A_773 = tpu.memref_slice %arg4[%add3A_769, %dma_start3A_771, %dma_start3A_772] : memref<8000x40x64xi32, #tpu.memory_space<hbm>> -> memref<1x40x64xi32, #tpu.memory_space<hbm>>
      %dma_start3A_774 = tpu.memref_squeeze %dma_start3A_773 : memref<1x40x64xi32, #tpu.memory_space<hbm>> -> memref<40x64xi32, #tpu.memory_space<hbm>>
      %dma_start3A_775 = tpu.memref_slice %arg26[%dma_start3A_770] : memref<4x!tpu.dma_semaphore, #tpu.memory_space<semaphore_mem>> -> memref<1x!tpu.dma_semaphore, #tpu.memory_space<semaphore_mem>>
      %dma_start3A_776 = tpu.memref_squeeze %dma_start3A_775 : memref<1x!tpu.dma_semaphore, #tpu.memory_space<semaphore_mem>> -> memref<!tpu.dma_semaphore, #tpu.memory_space<semaphore_mem>>
      %dma_start3A_777 = arith.constant 0 : i32
      %dma_start3A_778 = arith.constant 0 : i32
      %dma_start3A_779 = tpu.memref_slice %arg4[%add3A_769, %dma_start3A_777, %dma_start3A_778] : memref<8000x40x64xi32, #tpu.memory_space<hbm>> -> memref<1x40x64xi32, #tpu.memory_space<hbm>>
      %dma_start3A_780 = tpu.memref_squeeze %dma_start3A_779 : memref<1x40x64xi32, #tpu.memory_space<hbm>> -> memref<40x64xi32, #tpu.memory_space<hbm>>
      tpu.enqueue_dma source(%dma_start3A_780 : memref<40x64xi32, #tpu.memory_space<hbm>>) target(%arg20 : memref<40x64xi32, #tpu.memory_space<vmem>>) target_semaphore(%dma_start3A_776 : memref<!tpu.dma_semaphore, #tpu.memory_space<semaphore_mem>>)
      %dma_wait3A_781 = arith.constant 1 : i32
      %dma_wait3A_782 = arith.constant 0 : i32
      %dma_wait3A_783 = arith.constant 0 : i32
      %dma_wait3A_784 = tpu.memref_slice %arg7[%dma_wait3A_782, %dma_wait3A_783] : memref<10000x128xf32, #tpu.memory_space<vmem_shared>> -> memref<10000x128xf32, #tpu.memory_space<vmem_shared>>
      %dma_wait3A_785 = tpu.memref_slice %arg27[%dma_wait3A_781] : memref<4x!tpu.dma_semaphore, #tpu.memory_space<semaphore_mem>> -> memref<1x!tpu.dma_semaphore, #tpu.memory_space<semaphore_mem>>
      %dma_wait3A_786 = tpu.memref_squeeze %dma_wait3A_785 : memref<1x!tpu.dma_semaphore, #tpu.memory_space<semaphore_mem>> -> memref<!tpu.dma_semaphore, #tpu.memory_space<semaphore_mem>>
      tpu.wait_indirect_dma semaphore(%dma_wait3A_786 : memref<!tpu.dma_semaphore, #tpu.memory_space<semaphore_mem>>) src(%arg17 : memref<40x128xf32, #tpu.memory_space<vmem>>) dst(%dma_wait3A_784 : memref<10000x128xf32, #tpu.memory_space<vmem_shared>>)
      %add3A_787 = arith.constant 2 : i32
      %add3A_788 = arith.addi %add3A_736, %add3A_787 : i32
      %dma_start3A_789 = arith.constant 1 : i32
      %dma_start3A_790 = arith.constant 1 : i32
      %dma_start3A_791 = arith.constant 0 : i32
      %dma_start3A_792 = tpu.memref_slice %arg5[%dma_start3A_789, %add3A, %add3A_788, %dma_start3A_791] : memref<2x32x250x40xi32, #tpu.memory_space<hbm>> -> memref<1x1x1x40xi32, #tpu.memory_space<hbm>>
      %dma_start3A_793 = tpu.memref_squeeze %dma_start3A_792 : memref<1x1x1x40xi32, #tpu.memory_space<hbm>> -> memref<40xi32, #tpu.memory_space<hbm>>
      %dma_start3A_794 = tpu.memref_slice %arg24[%dma_start3A_790] : memref<4x!tpu.dma_semaphore, #tpu.memory_space<semaphore_mem>> -> memref<1x!tpu.dma_semaphore, #tpu.memory_space<semaphore_mem>>
      %dma_start3A_795 = tpu.memref_squeeze %dma_start3A_794 : memref<1x!tpu.dma_semaphore, #tpu.memory_space<semaphore_mem>> -> memref<!tpu.dma_semaphore, #tpu.memory_space<semaphore_mem>>
      %dma_start3A_796 = arith.constant 0 : i32
      %dma_start3A_797 = tpu.memref_slice %arg5[%dma_start3A_789, %add3A, %add3A_788, %dma_start3A_796] : memref<2x32x250x40xi32, #tpu.memory_space<hbm>> -> memref<1x1x1x40xi32, #tpu.memory_space<hbm>>
      %dma_start3A_798 = tpu.memref_squeeze %dma_start3A_797 : memref<1x1x1x40xi32, #tpu.memory_space<hbm>> -> memref<40xi32, #tpu.memory_space<hbm>>
      tpu.enqueue_dma source(%dma_start3A_798 : memref<40xi32, #tpu.memory_space<hbm>>) target(%arg9 : memref<40xi32, #tpu.memory_space<vmem>>) target_semaphore(%dma_start3A_795 : memref<!tpu.dma_semaphore, #tpu.memory_space<semaphore_mem>>)
      %dma_start3A_799 = arith.constant 0 : i32
      %dma_start3A_800 = arith.constant 1 : i32
      %dma_start3A_801 = arith.constant 0 : i32
      %dma_start3A_802 = tpu.memref_slice %arg5[%dma_start3A_799, %add3A, %add3A_788, %dma_start3A_801] : memref<2x32x250x40xi32, #tpu.memory_space<hbm>> -> memref<1x1x1x40xi32, #tpu.memory_space<hbm>>
      %dma_start3A_803 = tpu.memref_squeeze %dma_start3A_802 : memref<1x1x1x40xi32, #tpu.memory_space<hbm>> -> memref<40xi32, #tpu.memory_space<hbm>>
      %dma_start3A_804 = tpu.memref_slice %arg24[%dma_start3A_800] : memref<4x!tpu.dma_semaphore, #tpu.memory_space<semaphore_mem>> -> memref<1x!tpu.dma_semaphore, #tpu.memory_space<semaphore_mem>>
      %dma_start3A_805 = tpu.memref_squeeze %dma_start3A_804 : memref<1x!tpu.dma_semaphore, #tpu.memory_space<semaphore_mem>> -> memref<!tpu.dma_semaphore, #tpu.memory_space<semaphore_mem>>
      %dma_start3A_806 = arith.constant 0 : i32
      %dma_start3A_807 = tpu.memref_slice %arg5[%dma_start3A_799, %add3A, %add3A_788, %dma_start3A_806] : memref<2x32x250x40xi32, #tpu.memory_space<hbm>> -> memref<1x1x1x40xi32, #tpu.memory_space<hbm>>
      %dma_start3A_808 = tpu.memref_squeeze %dma_start3A_807 : memref<1x1x1x40xi32, #tpu.memory_space<hbm>> -> memref<40xi32, #tpu.memory_space<hbm>>
      tpu.enqueue_dma source(%dma_start3A_808 : memref<40xi32, #tpu.memory_space<hbm>>) target(%arg13 : memref<40xi32, #tpu.memory_space<vmem>>) target_semaphore(%dma_start3A_805 : memref<!tpu.dma_semaphore, #tpu.memory_space<semaphore_mem>>)
      %dma_wait3A_809 = arith.constant 3 : i32
      %dma_wait3A_810 = arith.constant 0 : i32
      %dma_wait3A_811 = arith.constant 0 : i32
      %dma_wait3A_812 = tpu.memref_slice %arg3[%dma_wait3A_810, %dma_wait3A_811] : memref<10000x128xf32, #tpu.memory_space<hbm>> -> memref<10000x128xf32, #tpu.memory_space<hbm>>
      %dma_wait3A_813 = tpu.memref_slice %arg25[%dma_wait3A_809] : memref<4x!tpu.dma_semaphore, #tpu.memory_space<semaphore_mem>> -> memref<1x!tpu.dma_semaphore, #tpu.memory_space<semaphore_mem>>
      %dma_wait3A_814 = tpu.memref_squeeze %dma_wait3A_813 : memref<1x!tpu.dma_semaphore, #tpu.memory_space<semaphore_mem>> -> memref<!tpu.dma_semaphore, #tpu.memory_space<semaphore_mem>>
      tpu.wait_indirect_dma semaphore(%dma_wait3A_814 : memref<!tpu.dma_semaphore, #tpu.memory_space<semaphore_mem>>) src(%dma_wait3A_812 : memref<10000x128xf32, #tpu.memory_space<hbm>>) dst(%arg19 : memref<40x128xf32, #tpu.memory_space<vmem>>)
      %dma_wait3A_815 = arith.constant 0 : i32
      %dma_wait3A_816 = arith.constant 3 : i32
      %dma_wait3A_817 = arith.constant 0 : i32
      %dma_wait3A_818 = arith.constant 0 : i32
      %dma_wait3A_819 = tpu.memref_slice %arg4[%dma_wait3A_815, %dma_wait3A_817, %dma_wait3A_818] : memref<8000x40x64xi32, #tpu.memory_space<hbm>> -> memref<1x40x64xi32, #tpu.memory_space<hbm>>
      %dma_wait3A_820 = tpu.memref_squeeze %dma_wait3A_819 : memref<1x40x64xi32, #tpu.memory_space<hbm>> -> memref<40x64xi32, #tpu.memory_space<hbm>>
      %dma_wait3A_821 = tpu.memref_slice %arg26[%dma_wait3A_816] : memref<4x!tpu.dma_semaphore, #tpu.memory_space<semaphore_mem>> -> memref<1x!tpu.dma_semaphore, #tpu.memory_space<semaphore_mem>>
      %dma_wait3A_822 = tpu.memref_squeeze %dma_wait3A_821 : memref<1x!tpu.dma_semaphore, #tpu.memory_space<semaphore_mem>> -> memref<!tpu.dma_semaphore, #tpu.memory_space<semaphore_mem>>
      %dma_wait3A_823 = arith.constant 0 : i32
      %dma_wait3A_824 = arith.constant 0 : i32
      %dma_wait3A_825 = tpu.memref_slice %arg4[%dma_wait3A_815, %dma_wait3A_823, %dma_wait3A_824] : memref<8000x40x64xi32, #tpu.memory_space<hbm>> -> memref<1x40x64xi32, #tpu.memory_space<hbm>>
      %dma_wait3A_826 = tpu.memref_squeeze %dma_wait3A_825 : memref<1x40x64xi32, #tpu.memory_space<hbm>> -> memref<40x64xi32, #tpu.memory_space<hbm>>
      tpu.wait_dma2 semaphore(%dma_wait3A_822 : memref<!tpu.dma_semaphore, #tpu.memory_space<semaphore_mem>>) src(%dma_wait3A_826 : memref<40x64xi32, #tpu.memory_space<hbm>>) dst(%arg23 : memref<40x64xi32, #tpu.memory_space<vmem>>)
      %scan3A_827 = arith.constant 0 : i32
      %scan3A_828 = arith.constant 0 : i32
      %scan3A_829 = arith.constant 40 : i32
      %scan3A_830 = arith.addi %scan3A_828, %scan3A_829 : i32
      %scan3A_831 = arith.constant 1 : i32
      scf.for %scan3A_1047 = %scan3A_828 to %scan3A_830 step %scan3A_831  : i32 {
        %get3A = arith.index_cast %scan3A_1047 : i32 to index
        %get3A_1048 = arith.constant 0 : index
        %get3A_1049 = tpu.vector_load %arg23[%get3A, %get3A_1048] {strides = array<i32>} : memref<40x64xi32, #tpu.memory_space<vmem>>, vector<1x16xi32>,
        %get3A_1050 = vector.shape_cast %get3A_1049 : vector<1x16xi32> to vector<16xi32>
        %shift_left3A = arith.constant 16 : i32
        %shift_left3A_1051 = vector.broadcast %shift_left3A : i32 to vector<16xi32>
        %shift_left3A_1052 = arith.shli %get3A_1050, %shift_left3A_1051 : vector<16xi32>
        %bitcast_convert_type3A = tpu.bitcast %shift_left3A_1052 : vector<16xi32> -> vector<16xf32>
        %and3A = arith.constant -65536 : i32
        %and3A_1053 = vector.broadcast %and3A : i32 to vector<16xi32>
        %and3A_1054 = arith.andi %get3A_1050, %and3A_1053 : vector<16xi32>
        %bitcast_convert_type3A_1055 = tpu.bitcast %and3A_1054 : vector<16xi32> -> vector<16xf32>
        %get3A_1056 = arith.index_cast %scan3A_1047 : i32 to index
        %get3A_1057 = arith.constant 0 : index
        %get3A_1058 = tpu.vector_load %arg19[%get3A_1056, %get3A_1057] {strides = array<i32>} : memref<40x128xf32, #tpu.memory_space<vmem>>, vector<1x16xf32>,
        %get3A_1059 = vector.shape_cast %get3A_1058 : vector<1x16xf32> to vector<16xf32>
        %mul3A_1060 = arith.mulf %get3A_1059, %bitcast_convert_type3A : vector<16xf32>
        %swap3A = arith.index_cast %scan3A_1047 : i32 to index
        %swap3A_1061 = arith.constant 0 : index
        %swap3A_1062 = tpu.vector_load %arg19[%swap3A, %swap3A_1061] {strides = array<i32>} : memref<40x128xf32, #tpu.memory_space<vmem>>, vector<1x16xf32>,
        %swap3A_1063 = vector.shape_cast %swap3A_1062 : vector<1x16xf32> to vector<16xf32>
        %swap3A_1064 = vector.shape_cast %mul3A_1060 : vector<16xf32> to vector<1x16xf32>
        tpu.vector_store %arg19[%swap3A, %swap3A_1061], %swap3A_1064 {strides = array<i32>} : memref<40x128xf32, #tpu.memory_space<vmem>>, vector<1x16xf32>,
        %get3A_1065 = arith.index_cast %scan3A_1047 : i32 to index
        %get3A_1066 = arith.constant 16 : index
        %get3A_1067 = tpu.vector_load %arg19[%get3A_1065, %get3A_1066] {strides = array<i32>} : memref<40x128xf32, #tpu.memory_space<vmem>>, vector<1x16xf32>,
        %get3A_1068 = vector.shape_cast %get3A_1067 : vector<1x16xf32> to vector<16xf32>
        %mul3A_1069 = arith.mulf %get3A_1068, %bitcast_convert_type3A_1055 : vector<16xf32>
        %swap3A_1070 = arith.index_cast %scan3A_1047 : i32 to index
        %swap3A_1071 = arith.constant 16 : index
        %swap3A_1072 = tpu.vector_load %arg19[%swap3A_1070, %swap3A_1071] {strides = array<i32>} : memref<40x128xf32, #tpu.memory_space<vmem>>, vector<1x16xf32>,
        %swap3A_1073 = vector.shape_cast %swap3A_1072 : vector<1x16xf32> to vector<16xf32>
        %swap3A_1074 = vector.shape_cast %mul3A_1069 : vector<16xf32> to vector<1x16xf32>
        tpu.vector_store %arg19[%swap3A_1070, %swap3A_1071], %swap3A_1074 {strides = array<i32>} : memref<40x128xf32, #tpu.memory_space<vmem>>, vector<1x16xf32>,
        %get3A_1075 = arith.index_cast %scan3A_1047 : i32 to index
        %get3A_1076 = arith.constant 16 : index
        %get3A_1077 = tpu.vector_load %arg23[%get3A_1075, %get3A_1076] {strides = array<i32>} : memref<40x64xi32, #tpu.memory_space<vmem>>, vector<1x16xi32>,
        %get3A_1078 = vector.shape_cast %get3A_1077 : vector<1x16xi32> to vector<16xi32>
        %shift_left3A_1079 = arith.constant 16 : i32
        %shift_left3A_1080 = vector.broadcast %shift_left3A_1079 : i32 to vector<16xi32>
        %shift_left3A_1081 = arith.shli %get3A_1078, %shift_left3A_1080 : vector<16xi32>
        %bitcast_convert_type3A_1082 = tpu.bitcast %shift_left3A_1081 : vector<16xi32> -> vector<16xf32>
        %and3A_1083 = arith.constant -65536 : i32
        %and3A_1084 = vector.broadcast %and3A_1083 : i32 to vector<16xi32>
        %and3A_1085 = arith.andi %get3A_1078, %and3A_1084 : vector<16xi32>
        %bitcast_convert_type3A_1086 = tpu.bitcast %and3A_1085 : vector<16xi32> -> vector<16xf32>
        %get3A_1087 = arith.index_cast %scan3A_1047 : i32 to index
        %get3A_1088 = arith.constant 32 : index
        %get3A_1089 = tpu.vector_load %arg19[%get3A_1087, %get3A_1088] {strides = array<i32>} : memref<40x128xf32, #tpu.memory_space<vmem>>, vector<1x16xf32>,
        %get3A_1090 = vector.shape_cast %get3A_1089 : vector<1x16xf32> to vector<16xf32>
        %mul3A_1091 = arith.mulf %get3A_1090, %bitcast_convert_type3A_1082 : vector<16xf32>
        %swap3A_1092 = arith.index_cast %scan3A_1047 : i32 to index
        %swap3A_1093 = arith.constant 32 : index
        %swap3A_1094 = tpu.vector_load %arg19[%swap3A_1092, %swap3A_1093] {strides = array<i32>} : memref<40x128xf32, #tpu.memory_space<vmem>>, vector<1x16xf32>,
        %swap3A_1095 = vector.shape_cast %swap3A_1094 : vector<1x16xf32> to vector<16xf32>
        %swap3A_1096 = vector.shape_cast %mul3A_1091 : vector<16xf32> to vector<1x16xf32>
        tpu.vector_store %arg19[%swap3A_1092, %swap3A_1093], %swap3A_1096 {strides = array<i32>} : memref<40x128xf32, #tpu.memory_space<vmem>>, vector<1x16xf32>,
        %get3A_1097 = arith.index_cast %scan3A_1047 : i32 to index
        %get3A_1098 = arith.constant 48 : index
        %get3A_1099 = tpu.vector_load %arg19[%get3A_1097, %get3A_1098] {strides = array<i32>} : memref<40x128xf32, #tpu.memory_space<vmem>>, vector<1x16xf32>,
        %get3A_1100 = vector.shape_cast %get3A_1099 : vector<1x16xf32> to vector<16xf32>
        %mul3A_1101 = arith.mulf %get3A_1100, %bitcast_convert_type3A_1086 : vector<16xf32>
        %swap3A_1102 = arith.index_cast %scan3A_1047 : i32 to index
        %swap3A_1103 = arith.constant 48 : index
        %swap3A_1104 = tpu.vector_load %arg19[%swap3A_1102, %swap3A_1103] {strides = array<i32>} : memref<40x128xf32, #tpu.memory_space<vmem>>, vector<1x16xf32>,
        %swap3A_1105 = vector.shape_cast %swap3A_1104 : vector<1x16xf32> to vector<16xf32>
        %swap3A_1106 = vector.shape_cast %mul3A_1101 : vector<16xf32> to vector<1x16xf32>
        tpu.vector_store %arg19[%swap3A_1102, %swap3A_1103], %swap3A_1106 {strides = array<i32>} : memref<40x128xf32, #tpu.memory_space<vmem>>, vector<1x16xf32>,
        %get3A_1107 = arith.index_cast %scan3A_1047 : i32 to index
        %get3A_1108 = arith.constant 32 : index
        %get3A_1109 = tpu.vector_load %arg23[%get3A_1107, %get3A_1108] {strides = array<i32>} : memref<40x64xi32, #tpu.memory_space<vmem>>, vector<1x16xi32>,
        %get3A_1110 = vector.shape_cast %get3A_1109 : vector<1x16xi32> to vector<16xi32>
        %shift_left3A_1111 = arith.constant 16 : i32
        %shift_left3A_1112 = vector.broadcast %shift_left3A_1111 : i32 to vector<16xi32>
        %shift_left3A_1113 = arith.shli %get3A_1110, %shift_left3A_1112 : vector<16xi32>
        %bitcast_convert_type3A_1114 = tpu.bitcast %shift_left3A_1113 : vector<16xi32> -> vector<16xf32>
        %and3A_1115 = arith.constant -65536 : i32
        %and3A_1116 = vector.broadcast %and3A_1115 : i32 to vector<16xi32>
        %and3A_1117 = arith.andi %get3A_1110, %and3A_1116 : vector<16xi32>
        %bitcast_convert_type3A_1118 = tpu.bitcast %and3A_1117 : vector<16xi32> -> vector<16xf32>
        %get3A_1119 = arith.index_cast %scan3A_1047 : i32 to index
        %get3A_1120 = arith.constant 64 : index
        %get3A_1121 = tpu.vector_load %arg19[%get3A_1119, %get3A_1120] {strides = array<i32>} : memref<40x128xf32, #tpu.memory_space<vmem>>, vector<1x16xf32>,
        %get3A_1122 = vector.shape_cast %get3A_1121 : vector<1x16xf32> to vector<16xf32>
        %mul3A_1123 = arith.mulf %get3A_1122, %bitcast_convert_type3A_1114 : vector<16xf32>
        %swap3A_1124 = arith.index_cast %scan3A_1047 : i32 to index
        %swap3A_1125 = arith.constant 64 : index
        %swap3A_1126 = tpu.vector_load %arg19[%swap3A_1124, %swap3A_1125] {strides = array<i32>} : memref<40x128xf32, #tpu.memory_space<vmem>>, vector<1x16xf32>,
        %swap3A_1127 = vector.shape_cast %swap3A_1126 : vector<1x16xf32> to vector<16xf32>
        %swap3A_1128 = vector.shape_cast %mul3A_1123 : vector<16xf32> to vector<1x16xf32>
        tpu.vector_store %arg19[%swap3A_1124, %swap3A_1125], %swap3A_1128 {strides = array<i32>} : memref<40x128xf32, #tpu.memory_space<vmem>>, vector<1x16xf32>,
        %get3A_1129 = arith.index_cast %scan3A_1047 : i32 to index
        %get3A_1130 = arith.constant 80 : index
        %get3A_1131 = tpu.vector_load %arg19[%get3A_1129, %get3A_1130] {strides = array<i32>} : memref<40x128xf32, #tpu.memory_space<vmem>>, vector<1x16xf32>,
        %get3A_1132 = vector.shape_cast %get3A_1131 : vector<1x16xf32> to vector<16xf32>
        %mul3A_1133 = arith.mulf %get3A_1132, %bitcast_convert_type3A_1118 : vector<16xf32>
        %swap3A_1134 = arith.index_cast %scan3A_1047 : i32 to index
        %swap3A_1135 = arith.constant 80 : index
        %swap3A_1136 = tpu.vector_load %arg19[%swap3A_1134, %swap3A_1135] {strides = array<i32>} : memref<40x128xf32, #tpu.memory_space<vmem>>, vector<1x16xf32>,
        %swap3A_1137 = vector.shape_cast %swap3A_1136 : vector<1x16xf32> to vector<16xf32>
        %swap3A_1138 = vector.shape_cast %mul3A_1133 : vector<16xf32> to vector<1x16xf32>
        tpu.vector_store %arg19[%swap3A_1134, %swap3A_1135], %swap3A_1138 {strides = array<i32>} : memref<40x128xf32, #tpu.memory_space<vmem>>, vector<1x16xf32>,
        %get3A_1139 = arith.index_cast %scan3A_1047 : i32 to index
        %get3A_1140 = arith.constant 48 : index
        %get3A_1141 = tpu.vector_load %arg23[%get3A_1139, %get3A_1140] {strides = array<i32>} : memref<40x64xi32, #tpu.memory_space<vmem>>, vector<1x16xi32>,
        %get3A_1142 = vector.shape_cast %get3A_1141 : vector<1x16xi32> to vector<16xi32>
        %shift_left3A_1143 = arith.constant 16 : i32
        %shift_left3A_1144 = vector.broadcast %shift_left3A_1143 : i32 to vector<16xi32>
        %shift_left3A_1145 = arith.shli %get3A_1142, %shift_left3A_1144 : vector<16xi32>
        %bitcast_convert_type3A_1146 = tpu.bitcast %shift_left3A_1145 : vector<16xi32> -> vector<16xf32>
        %and3A_1147 = arith.constant -65536 : i32
        %and3A_1148 = vector.broadcast %and3A_1147 : i32 to vector<16xi32>
        %and3A_1149 = arith.andi %get3A_1142, %and3A_1148 : vector<16xi32>
        %bitcast_convert_type3A_1150 = tpu.bitcast %and3A_1149 : vector<16xi32> -> vector<16xf32>
        %get3A_1151 = arith.index_cast %scan3A_1047 : i32 to index
        %get3A_1152 = arith.constant 96 : index
        %get3A_1153 = tpu.vector_load %arg19[%get3A_1151, %get3A_1152] {strides = array<i32>} : memref<40x128xf32, #tpu.memory_space<vmem>>, vector<1x16xf32>,
        %get3A_1154 = vector.shape_cast %get3A_1153 : vector<1x16xf32> to vector<16xf32>
        %mul3A_1155 = arith.mulf %get3A_1154, %bitcast_convert_type3A_1146 : vector<16xf32>
        %swap3A_1156 = arith.index_cast %scan3A_1047 : i32 to index
        %swap3A_1157 = arith.constant 96 : index
        %swap3A_1158 = tpu.vector_load %arg19[%swap3A_1156, %swap3A_1157] {strides = array<i32>} : memref<40x128xf32, #tpu.memory_space<vmem>>, vector<1x16xf32>,
        %swap3A_1159 = vector.shape_cast %swap3A_1158 : vector<1x16xf32> to vector<16xf32>
        %swap3A_1160 = vector.shape_cast %mul3A_1155 : vector<16xf32> to vector<1x16xf32>
        tpu.vector_store %arg19[%swap3A_1156, %swap3A_1157], %swap3A_1160 {strides = array<i32>} : memref<40x128xf32, #tpu.memory_space<vmem>>, vector<1x16xf32>,
        %get3A_1161 = arith.index_cast %scan3A_1047 : i32 to index
        %get3A_1162 = arith.constant 112 : index
        %get3A_1163 = tpu.vector_load %arg19[%get3A_1161, %get3A_1162] {strides = array<i32>} : memref<40x128xf32, #tpu.memory_space<vmem>>, vector<1x16xf32>,
        %get3A_1164 = vector.shape_cast %get3A_1163 : vector<1x16xf32> to vector<16xf32>
        %mul3A_1165 = arith.mulf %get3A_1164, %bitcast_convert_type3A_1150 : vector<16xf32>
        %swap3A_1166 = arith.index_cast %scan3A_1047 : i32 to index
        %swap3A_1167 = arith.constant 112 : index
        %swap3A_1168 = tpu.vector_load %arg19[%swap3A_1166, %swap3A_1167] {strides = array<i32>} : memref<40x128xf32, #tpu.memory_space<vmem>>, vector<1x16xf32>,
        %swap3A_1169 = vector.shape_cast %swap3A_1168 : vector<1x16xf32> to vector<16xf32>
        %swap3A_1170 = vector.shape_cast %mul3A_1165 : vector<16xf32> to vector<1x16xf32>
        tpu.vector_store %arg19[%swap3A_1166, %swap3A_1167], %swap3A_1170 {strides = array<i32>} : memref<40x128xf32, #tpu.memory_space<vmem>>, vector<1x16xf32>,
      }
      %scan3A_832 = arith.constant 40 : i32
      %dma_start3A_833 = arith.constant 3 : i32
      %dma_start3A_834 = arith.constant 0 : i32
      %dma_start3A_835 = arith.constant 0 : i32
      %dma_start3A_836 = tpu.memref_slice %arg7[%dma_start3A_834, %dma_start3A_835] : memref<10000x128xf32, #tpu.memory_space<vmem_shared>> -> memref<10000x128xf32, #tpu.memory_space<vmem_shared>>
      %dma_start3A_837 = tpu.memref_slice %arg27[%dma_start3A_833] : memref<4x!tpu.dma_semaphore, #tpu.memory_space<semaphore_mem>> -> memref<1x!tpu.dma_semaphore, #tpu.memory_space<semaphore_mem>>
      %dma_start3A_838 = tpu.memref_squeeze %dma_start3A_837 : memref<1x!tpu.dma_semaphore, #tpu.memory_space<semaphore_mem>> -> memref<!tpu.dma_semaphore, #tpu.memory_space<semaphore_mem>>
      tpu.enqueue_indirect_dma source(%arg19 : memref<40x128xf32, #tpu.memory_space<vmem>>) target(%dma_start3A_836 : memref<10000x128xf32, #tpu.memory_space<vmem_shared>>) offsets(%arg15 : memref<40xi32, #tpu.memory_space<vmem>>) semaphore(%dma_start3A_838 : memref<!tpu.dma_semaphore, #tpu.memory_space<semaphore_mem>>) {add = true}
      %add3A_839 = arith.constant 2 : i32
      %add3A_840 = arith.addi %add3A_630, %add3A_839 : i32
      %dma_wait3A_841 = arith.constant 1 : i32
      %dma_wait3A_842 = arith.constant 0 : i32
      %dma_wait3A_843 = arith.constant 1 : i32
      %dma_wait3A_844 = arith.constant 0 : i32
      %dma_wait3A_845 = tpu.memref_slice %arg5[%dma_wait3A_841, %add3A, %dma_wait3A_842, %dma_wait3A_844] : memref<2x32x250x40xi32, #tpu.memory_space<hbm>> -> memref<1x1x1x40xi32, #tpu.memory_space<hbm>>
      %dma_wait3A_846 = tpu.memref_squeeze %dma_wait3A_845 : memref<1x1x1x40xi32, #tpu.memory_space<hbm>> -> memref<40xi32, #tpu.memory_space<hbm>>
      %dma_wait3A_847 = tpu.memref_slice %arg24[%dma_wait3A_843] : memref<4x!tpu.dma_semaphore, #tpu.memory_space<semaphore_mem>> -> memref<1x!tpu.dma_semaphore, #tpu.memory_space<semaphore_mem>>
      %dma_wait3A_848 = tpu.memref_squeeze %dma_wait3A_847 : memref<1x!tpu.dma_semaphore, #tpu.memory_space<semaphore_mem>> -> memref<!tpu.dma_semaphore, #tpu.memory_space<semaphore_mem>>
      %dma_wait3A_849 = arith.constant 0 : i32
      %dma_wait3A_850 = tpu.memref_slice %arg5[%dma_wait3A_841, %add3A, %dma_wait3A_842, %dma_wait3A_849] : memref<2x32x250x40xi32, #tpu.memory_space<hbm>> -> memref<1x1x1x40xi32, #tpu.memory_space<hbm>>
      %dma_wait3A_851 = tpu.memref_squeeze %dma_wait3A_850 : memref<1x1x1x40xi32, #tpu.memory_space<hbm>> -> memref<40xi32, #tpu.memory_space<hbm>>
      tpu.wait_dma2 semaphore(%dma_wait3A_848 : memref<!tpu.dma_semaphore, #tpu.memory_space<semaphore_mem>>) src(%dma_wait3A_851 : memref<40xi32, #tpu.memory_space<hbm>>) dst(%arg9 : memref<40xi32, #tpu.memory_space<vmem>>)
      %dma_wait3A_852 = arith.constant 0 : i32
      %dma_wait3A_853 = arith.constant 0 : i32
      %dma_wait3A_854 = arith.constant 1 : i32
      %dma_wait3A_855 = arith.constant 0 : i32
      %dma_wait3A_856 = tpu.memref_slice %arg5[%dma_wait3A_852, %add3A, %dma_wait3A_853, %dma_wait3A_855] : memref<2x32x250x40xi32, #tpu.memory_space<hbm>> -> memref<1x1x1x40xi32, #tpu.memory_space<hbm>>
      %dma_wait3A_857 = tpu.memref_squeeze %dma_wait3A_856 : memref<1x1x1x40xi32, #tpu.memory_space<hbm>> -> memref<40xi32, #tpu.memory_space<hbm>>
      %dma_wait3A_858 = tpu.memref_slice %arg24[%dma_wait3A_854] : memref<4x!tpu.dma_semaphore, #tpu.memory_space<semaphore_mem>> -> memref<1x!tpu.dma_semaphore, #tpu.memory_space<semaphore_mem>>
      %dma_wait3A_859 = tpu.memref_squeeze %dma_wait3A_858 : memref<1x!tpu.dma_semaphore, #tpu.memory_space<semaphore_mem>> -> memref<!tpu.dma_semaphore, #tpu.memory_space<semaphore_mem>>
      %dma_wait3A_860 = arith.constant 0 : i32
      %dma_wait3A_861 = tpu.memref_slice %arg5[%dma_wait3A_852, %add3A, %dma_wait3A_853, %dma_wait3A_860] : memref<2x32x250x40xi32, #tpu.memory_space<hbm>> -> memref<1x1x1x40xi32, #tpu.memory_space<hbm>>
      %dma_wait3A_862 = tpu.memref_squeeze %dma_wait3A_861 : memref<1x1x1x40xi32, #tpu.memory_space<hbm>> -> memref<40xi32, #tpu.memory_space<hbm>>
      tpu.wait_dma2 semaphore(%dma_wait3A_859 : memref<!tpu.dma_semaphore, #tpu.memory_space<semaphore_mem>>) src(%dma_wait3A_862 : memref<40xi32, #tpu.memory_space<hbm>>) dst(%arg13 : memref<40xi32, #tpu.memory_space<vmem>>)
      %add3A_863 = arith.constant 1 : i32
      %add3A_864 = arith.addi %add3A_840, %add3A_863 : i32
      %dma_start3A_865 = arith.constant 1 : i32
      %dma_start3A_866 = arith.constant 0 : i32
      %dma_start3A_867 = arith.constant 0 : i32
      %dma_start3A_868 = tpu.memref_slice %arg3[%dma_start3A_866, %dma_start3A_867] : memref<10000x128xf32, #tpu.memory_space<hbm>> -> memref<10000x128xf32, #tpu.memory_space<hbm>>
      %dma_start3A_869 = tpu.memref_slice %arg25[%dma_start3A_865] : memref<4x!tpu.dma_semaphore, #tpu.memory_space<semaphore_mem>> -> memref<1x!tpu.dma_semaphore, #tpu.memory_space<semaphore_mem>>
      %dma_start3A_870 = tpu.memref_squeeze %dma_start3A_869 : memref<1x!tpu.dma_semaphore, #tpu.memory_space<semaphore_mem>> -> memref<!tpu.dma_semaphore, #tpu.memory_space<semaphore_mem>>
      tpu.enqueue_indirect_dma source(%dma_start3A_868 : memref<10000x128xf32, #tpu.memory_space<hbm>>) target(%arg17 : memref<40x128xf32, #tpu.memory_space<vmem>>) offsets(%arg9 : memref<40xi32, #tpu.memory_space<vmem>>) semaphore(%dma_start3A_870 : memref<!tpu.dma_semaphore, #tpu.memory_space<semaphore_mem>>)
      %mul3A_871 = arith.constant 250 : i32
      %mul3A_872 = arith.muli %add3A, %mul3A_871 : i32
      %add3A_873 = arith.addi %mul3A_872, %add3A_864 : i32
      %dma_start3A_874 = arith.constant 1 : i32
      %dma_start3A_875 = arith.constant 0 : i32
      %dma_start3A_876 = arith.constant 0 : i32
      %dma_start3A_877 = tpu.memref_slice %arg4[%add3A_873, %dma_start3A_875, %dma_start3A_876] : memref<8000x40x64xi32, #tpu.memory_space<hbm>> -> memref<1x40x64xi32, #tpu.memory_space<hbm>>
      %dma_start3A_878 = tpu.memref_squeeze %dma_start3A_877 : memref<1x40x64xi32, #tpu.memory_space<hbm>> -> memref<40x64xi32, #tpu.memory_space<hbm>>
      %dma_start3A_879 = tpu.memref_slice %arg26[%dma_start3A_874] : memref<4x!tpu.dma_semaphore, #tpu.memory_space<semaphore_mem>> -> memref<1x!tpu.dma_semaphore, #tpu.memory_space<semaphore_mem>>
      %dma_start3A_880 = tpu.memref_squeeze %dma_start3A_879 : memref<1x!tpu.dma_semaphore, #tpu.memory_space<semaphore_mem>> -> memref<!tpu.dma_semaphore, #tpu.memory_space<semaphore_mem>>
      %dma_start3A_881 = arith.constant 0 : i32
      %dma_start3A_882 = arith.constant 0 : i32
      %dma_start3A_883 = tpu.memref_slice %arg4[%add3A_873, %dma_start3A_881, %dma_start3A_882] : memref<8000x40x64xi32, #tpu.memory_space<hbm>> -> memref<1x40x64xi32, #tpu.memory_space<hbm>>
      %dma_start3A_884 = tpu.memref_squeeze %dma_start3A_883 : memref<1x40x64xi32, #tpu.memory_space<hbm>> -> memref<40x64xi32, #tpu.memory_space<hbm>>
      tpu.enqueue_dma source(%dma_start3A_884 : memref<40x64xi32, #tpu.memory_space<hbm>>) target(%arg21 : memref<40x64xi32, #tpu.memory_space<vmem>>) target_semaphore(%dma_start3A_880 : memref<!tpu.dma_semaphore, #tpu.memory_space<semaphore_mem>>)
      %dma_wait3A_885 = arith.constant 2 : i32
      %dma_wait3A_886 = arith.constant 0 : i32
      %dma_wait3A_887 = arith.constant 0 : i32
      %dma_wait3A_888 = tpu.memref_slice %arg7[%dma_wait3A_886, %dma_wait3A_887] : memref<10000x128xf32, #tpu.memory_space<vmem_shared>> -> memref<10000x128xf32, #tpu.memory_space<vmem_shared>>
      %dma_wait3A_889 = tpu.memref_slice %arg27[%dma_wait3A_885] : memref<4x!tpu.dma_semaphore, #tpu.memory_space<semaphore_mem>> -> memref<1x!tpu.dma_semaphore, #tpu.memory_space<semaphore_mem>>
      %dma_wait3A_890 = tpu.memref_squeeze %dma_wait3A_889 : memref<1x!tpu.dma_semaphore, #tpu.memory_space<semaphore_mem>> -> memref<!tpu.dma_semaphore, #tpu.memory_space<semaphore_mem>>
      tpu.wait_indirect_dma semaphore(%dma_wait3A_890 : memref<!tpu.dma_semaphore, #tpu.memory_space<semaphore_mem>>) src(%arg18 : memref<40x128xf32, #tpu.memory_space<vmem>>) dst(%dma_wait3A_888 : memref<10000x128xf32, #tpu.memory_space<vmem_shared>>)
      %add3A_891 = arith.constant 2 : i32
      %add3A_892 = arith.addi %add3A_840, %add3A_891 : i32
      %dma_start3A_893 = arith.constant 1 : i32
      %dma_start3A_894 = arith.constant 2 : i32
      %dma_start3A_895 = arith.constant 0 : i32
      %dma_start3A_896 = tpu.memref_slice %arg5[%dma_start3A_893, %add3A, %add3A_892, %dma_start3A_895] : memref<2x32x250x40xi32, #tpu.memory_space<hbm>> -> memref<1x1x1x40xi32, #tpu.memory_space<hbm>>
      %dma_start3A_897 = tpu.memref_squeeze %dma_start3A_896 : memref<1x1x1x40xi32, #tpu.memory_space<hbm>> -> memref<40xi32, #tpu.memory_space<hbm>>
      %dma_start3A_898 = tpu.memref_slice %arg24[%dma_start3A_894] : memref<4x!tpu.dma_semaphore, #tpu.memory_space<semaphore_mem>> -> memref<1x!tpu.dma_semaphore, #tpu.memory_space<semaphore_mem>>
      %dma_start3A_899 = tpu.memref_squeeze %dma_start3A_898 : memref<1x!tpu.dma_semaphore, #tpu.memory_space<semaphore_mem>> -> memref<!tpu.dma_semaphore, #tpu.memory_space<semaphore_mem>>
      %dma_start3A_900 = arith.constant 0 : i32
      %dma_start3A_901 = tpu.memref_slice %arg5[%dma_start3A_893, %add3A, %add3A_892, %dma_start3A_900] : memref<2x32x250x40xi32, #tpu.memory_space<hbm>> -> memref<1x1x1x40xi32, #tpu.memory_space<hbm>>
      %dma_start3A_902 = tpu.memref_squeeze %dma_start3A_901 : memref<1x1x1x40xi32, #tpu.memory_space<hbm>> -> memref<40xi32, #tpu.memory_space<hbm>>
      tpu.enqueue_dma source(%dma_start3A_902 : memref<40xi32, #tpu.memory_space<hbm>>) target(%arg10 : memref<40xi32, #tpu.memory_space<vmem>>) target_semaphore(%dma_start3A_899 : memref<!tpu.dma_semaphore, #tpu.memory_space<semaphore_mem>>)
      %dma_start3A_903 = arith.constant 0 : i32
      %dma_start3A_904 = arith.constant 2 : i32
      %dma_start3A_905 = arith.constant 0 : i32
      %dma_start3A_906 = tpu.memref_slice %arg5[%dma_start3A_903, %add3A, %add3A_892, %dma_start3A_905] : memref<2x32x250x40xi32, #tpu.memory_space<hbm>> -> memref<1x1x1x40xi32, #tpu.memory_space<hbm>>
      %dma_start3A_907 = tpu.memref_squeeze %dma_start3A_906 : memref<1x1x1x40xi32, #tpu.memory_space<hbm>> -> memref<40xi32, #tpu.memory_space<hbm>>
      %dma_start3A_908 = tpu.memref_slice %arg24[%dma_start3A_904] : memref<4x!tpu.dma_semaphore, #tpu.memory_space<semaphore_mem>> -> memref<1x!tpu.dma_semaphore, #tpu.memory_space<semaphore_mem>>
      %dma_start3A_909 = tpu.memref_squeeze %dma_start3A_908 : memref<1x!tpu.dma_semaphore, #tpu.memory_space<semaphore_mem>> -> memref<!tpu.dma_semaphore, #tpu.memory_space<semaphore_mem>>
      %dma_start3A_910 = arith.constant 0 : i32
      %dma_start3A_911 = tpu.memref_slice %arg5[%dma_start3A_903, %add3A, %add3A_892, %dma_start3A_910] : memref<2x32x250x40xi32, #tpu.memory_space<hbm>> -> memref<1x1x1x40xi32, #tpu.memory_space<hbm>>
      %dma_start3A_912 = tpu.memref_squeeze %dma_start3A_911 : memref<1x1x1x40xi32, #tpu.memory_space<hbm>> -> memref<40xi32, #tpu.memory_space<hbm>>
      tpu.enqueue_dma source(%dma_start3A_912 : memref<40xi32, #tpu.memory_space<hbm>>) target(%arg14 : memref<40xi32, #tpu.memory_space<vmem>>) target_semaphore(%dma_start3A_909 : memref<!tpu.dma_semaphore, #tpu.memory_space<semaphore_mem>>)
      %dma_wait3A_913 = arith.constant 0 : i32
      %dma_wait3A_914 = arith.constant 0 : i32
      %dma_wait3A_915 = arith.constant 0 : i32
      %dma_wait3A_916 = tpu.memref_slice %arg3[%dma_wait3A_914, %dma_wait3A_915] : memref<10000x128xf32, #tpu.memory_space<hbm>> -> memref<10000x128xf32, #tpu.memory_space<hbm>>
      %dma_wait3A_917 = tpu.memref_slice %arg25[%dma_wait3A_913] : memref<4x!tpu.dma_semaphore, #tpu.memory_space<semaphore_mem>> -> memref<1x!tpu.dma_semaphore, #tpu.memory_space<semaphore_mem>>
      %dma_wait3A_918 = tpu.memref_squeeze %dma_wait3A_917 : memref<1x!tpu.dma_semaphore, #tpu.memory_space<semaphore_mem>> -> memref<!tpu.dma_semaphore, #tpu.memory_space<semaphore_mem>>
      tpu.wait_indirect_dma semaphore(%dma_wait3A_918 : memref<!tpu.dma_semaphore, #tpu.memory_space<semaphore_mem>>) src(%dma_wait3A_916 : memref<10000x128xf32, #tpu.memory_space<hbm>>) dst(%arg16 : memref<40x128xf32, #tpu.memory_space<vmem>>)
      %dma_wait3A_919 = arith.constant 0 : i32
      %dma_wait3A_920 = arith.constant 0 : i32
      %dma_wait3A_921 = arith.constant 0 : i32
      %dma_wait3A_922 = arith.constant 0 : i32
      %dma_wait3A_923 = tpu.memref_slice %arg4[%dma_wait3A_919, %dma_wait3A_921, %dma_wait3A_922] : memref<8000x40x64xi32, #tpu.memory_space<hbm>> -> memref<1x40x64xi32, #tpu.memory_space<hbm>>
      %dma_wait3A_924 = tpu.memref_squeeze %dma_wait3A_923 : memref<1x40x64xi32, #tpu.memory_space<hbm>> -> memref<40x64xi32, #tpu.memory_space<hbm>>
      %dma_wait3A_925 = tpu.memref_slice %arg26[%dma_wait3A_920] : memref<4x!tpu.dma_semaphore, #tpu.memory_space<semaphore_mem>> -> memref<1x!tpu.dma_semaphore, #tpu.memory_space<semaphore_mem>>
      %dma_wait3A_926 = tpu.memref_squeeze %dma_wait3A_925 : memref<1x!tpu.dma_semaphore, #tpu.memory_space<semaphore_mem>> -> memref<!tpu.dma_semaphore, #tpu.memory_space<semaphore_mem>>
      %dma_wait3A_927 = arith.constant 0 : i32
      %dma_wait3A_928 = arith.constant 0 : i32
      %dma_wait3A_929 = tpu.memref_slice %arg4[%dma_wait3A_919, %dma_wait3A_927, %dma_wait3A_928] : memref<8000x40x64xi32, #tpu.memory_space<hbm>> -> memref<1x40x64xi32, #tpu.memory_space<hbm>>
      %dma_wait3A_930 = tpu.memref_squeeze %dma_wait3A_929 : memref<1x40x64xi32, #tpu.memory_space<hbm>> -> memref<40x64xi32, #tpu.memory_space<hbm>>
      tpu.wait_dma2 semaphore(%dma_wait3A_926 : memref<!tpu.dma_semaphore, #tpu.memory_space<semaphore_mem>>) src(%dma_wait3A_930 : memref<40x64xi32, #tpu.memory_space<hbm>>) dst(%arg20 : memref<40x64xi32, #tpu.memory_space<vmem>>)
      %scan3A_931 = arith.constant 0 : i32
      %scan3A_932 = arith.constant 0 : i32
      %scan3A_933 = arith.constant 40 : i32
      %scan3A_934 = arith.addi %scan3A_932, %scan3A_933 : i32
      %scan3A_935 = arith.constant 1 : i32
      scf.for %scan3A_1047 = %scan3A_932 to %scan3A_934 step %scan3A_935  : i32 {
        %get3A = arith.index_cast %scan3A_1047 : i32 to index
        %get3A_1048 = arith.constant 0 : index
        %get3A_1049 = tpu.vector_load %arg20[%get3A, %get3A_1048] {strides = array<i32>} : memref<40x64xi32, #tpu.memory_space<vmem>>, vector<1x16xi32>,
        %get3A_1050 = vector.shape_cast %get3A_1049 : vector<1x16xi32> to vector<16xi32>
        %shift_left3A = arith.constant 16 : i32
        %shift_left3A_1051 = vector.broadcast %shift_left3A : i32 to vector<16xi32>
        %shift_left3A_1052 = arith.shli %get3A_1050, %shift_left3A_1051 : vector<16xi32>
        %bitcast_convert_type3A = tpu.bitcast %shift_left3A_1052 : vector<16xi32> -> vector<16xf32>
        %and3A = arith.constant -65536 : i32
        %and3A_1053 = vector.broadcast %and3A : i32 to vector<16xi32>
        %and3A_1054 = arith.andi %get3A_1050, %and3A_1053 : vector<16xi32>
        %bitcast_convert_type3A_1055 = tpu.bitcast %and3A_1054 : vector<16xi32> -> vector<16xf32>
        %get3A_1056 = arith.index_cast %scan3A_1047 : i32 to index
        %get3A_1057 = arith.constant 0 : index
        %get3A_1058 = tpu.vector_load %arg16[%get3A_1056, %get3A_1057] {strides = array<i32>} : memref<40x128xf32, #tpu.memory_space<vmem>>, vector<1x16xf32>,
        %get3A_1059 = vector.shape_cast %get3A_1058 : vector<1x16xf32> to vector<16xf32>
        %mul3A_1060 = arith.mulf %get3A_1059, %bitcast_convert_type3A : vector<16xf32>
        %swap3A = arith.index_cast %scan3A_1047 : i32 to index
        %swap3A_1061 = arith.constant 0 : index
        %swap3A_1062 = tpu.vector_load %arg16[%swap3A, %swap3A_1061] {strides = array<i32>} : memref<40x128xf32, #tpu.memory_space<vmem>>, vector<1x16xf32>,
        %swap3A_1063 = vector.shape_cast %swap3A_1062 : vector<1x16xf32> to vector<16xf32>
        %swap3A_1064 = vector.shape_cast %mul3A_1060 : vector<16xf32> to vector<1x16xf32>
        tpu.vector_store %arg16[%swap3A, %swap3A_1061], %swap3A_1064 {strides = array<i32>} : memref<40x128xf32, #tpu.memory_space<vmem>>, vector<1x16xf32>,
        %get3A_1065 = arith.index_cast %scan3A_1047 : i32 to index
        %get3A_1066 = arith.constant 16 : index
        %get3A_1067 = tpu.vector_load %arg16[%get3A_1065, %get3A_1066] {strides = array<i32>} : memref<40x128xf32, #tpu.memory_space<vmem>>, vector<1x16xf32>,
        %get3A_1068 = vector.shape_cast %get3A_1067 : vector<1x16xf32> to vector<16xf32>
        %mul3A_1069 = arith.mulf %get3A_1068, %bitcast_convert_type3A_1055 : vector<16xf32>
        %swap3A_1070 = arith.index_cast %scan3A_1047 : i32 to index
        %swap3A_1071 = arith.constant 16 : index
        %swap3A_1072 = tpu.vector_load %arg16[%swap3A_1070, %swap3A_1071] {strides = array<i32>} : memref<40x128xf32, #tpu.memory_space<vmem>>, vector<1x16xf32>,
        %swap3A_1073 = vector.shape_cast %swap3A_1072 : vector<1x16xf32> to vector<16xf32>
        %swap3A_1074 = vector.shape_cast %mul3A_1069 : vector<16xf32> to vector<1x16xf32>
        tpu.vector_store %arg16[%swap3A_1070, %swap3A_1071], %swap3A_1074 {strides = array<i32>} : memref<40x128xf32, #tpu.memory_space<vmem>>, vector<1x16xf32>,
        %get3A_1075 = arith.index_cast %scan3A_1047 : i32 to index
        %get3A_1076 = arith.constant 16 : index
        %get3A_1077 = tpu.vector_load %arg20[%get3A_1075, %get3A_1076] {strides = array<i32>} : memref<40x64xi32, #tpu.memory_space<vmem>>, vector<1x16xi32>,
        %get3A_1078 = vector.shape_cast %get3A_1077 : vector<1x16xi32> to vector<16xi32>
        %shift_left3A_1079 = arith.constant 16 : i32
        %shift_left3A_1080 = vector.broadcast %shift_left3A_1079 : i32 to vector<16xi32>
        %shift_left3A_1081 = arith.shli %get3A_1078, %shift_left3A_1080 : vector<16xi32>
        %bitcast_convert_type3A_1082 = tpu.bitcast %shift_left3A_1081 : vector<16xi32> -> vector<16xf32>
        %and3A_1083 = arith.constant -65536 : i32
        %and3A_1084 = vector.broadcast %and3A_1083 : i32 to vector<16xi32>
        %and3A_1085 = arith.andi %get3A_1078, %and3A_1084 : vector<16xi32>
        %bitcast_convert_type3A_1086 = tpu.bitcast %and3A_1085 : vector<16xi32> -> vector<16xf32>
        %get3A_1087 = arith.index_cast %scan3A_1047 : i32 to index
        %get3A_1088 = arith.constant 32 : index
        %get3A_1089 = tpu.vector_load %arg16[%get3A_1087, %get3A_1088] {strides = array<i32>} : memref<40x128xf32, #tpu.memory_space<vmem>>, vector<1x16xf32>,
        %get3A_1090 = vector.shape_cast %get3A_1089 : vector<1x16xf32> to vector<16xf32>
        %mul3A_1091 = arith.mulf %get3A_1090, %bitcast_convert_type3A_1082 : vector<16xf32>
        %swap3A_1092 = arith.index_cast %scan3A_1047 : i32 to index
        %swap3A_1093 = arith.constant 32 : index
        %swap3A_1094 = tpu.vector_load %arg16[%swap3A_1092, %swap3A_1093] {strides = array<i32>} : memref<40x128xf32, #tpu.memory_space<vmem>>, vector<1x16xf32>,
        %swap3A_1095 = vector.shape_cast %swap3A_1094 : vector<1x16xf32> to vector<16xf32>
        %swap3A_1096 = vector.shape_cast %mul3A_1091 : vector<16xf32> to vector<1x16xf32>
        tpu.vector_store %arg16[%swap3A_1092, %swap3A_1093], %swap3A_1096 {strides = array<i32>} : memref<40x128xf32, #tpu.memory_space<vmem>>, vector<1x16xf32>,
        %get3A_1097 = arith.index_cast %scan3A_1047 : i32 to index
        %get3A_1098 = arith.constant 48 : index
        %get3A_1099 = tpu.vector_load %arg16[%get3A_1097, %get3A_1098] {strides = array<i32>} : memref<40x128xf32, #tpu.memory_space<vmem>>, vector<1x16xf32>,
        %get3A_1100 = vector.shape_cast %get3A_1099 : vector<1x16xf32> to vector<16xf32>
        %mul3A_1101 = arith.mulf %get3A_1100, %bitcast_convert_type3A_1086 : vector<16xf32>
        %swap3A_1102 = arith.index_cast %scan3A_1047 : i32 to index
        %swap3A_1103 = arith.constant 48 : index
        %swap3A_1104 = tpu.vector_load %arg16[%swap3A_1102, %swap3A_1103] {strides = array<i32>} : memref<40x128xf32, #tpu.memory_space<vmem>>, vector<1x16xf32>,
        %swap3A_1105 = vector.shape_cast %swap3A_1104 : vector<1x16xf32> to vector<16xf32>
        %swap3A_1106 = vector.shape_cast %mul3A_1101 : vector<16xf32> to vector<1x16xf32>
        tpu.vector_store %arg16[%swap3A_1102, %swap3A_1103], %swap3A_1106 {strides = array<i32>} : memref<40x128xf32, #tpu.memory_space<vmem>>, vector<1x16xf32>,
        %get3A_1107 = arith.index_cast %scan3A_1047 : i32 to index
        %get3A_1108 = arith.constant 32 : index
        %get3A_1109 = tpu.vector_load %arg20[%get3A_1107, %get3A_1108] {strides = array<i32>} : memref<40x64xi32, #tpu.memory_space<vmem>>, vector<1x16xi32>,
        %get3A_1110 = vector.shape_cast %get3A_1109 : vector<1x16xi32> to vector<16xi32>
        %shift_left3A_1111 = arith.constant 16 : i32
        %shift_left3A_1112 = vector.broadcast %shift_left3A_1111 : i32 to vector<16xi32>
        %shift_left3A_1113 = arith.shli %get3A_1110, %shift_left3A_1112 : vector<16xi32>
        %bitcast_convert_type3A_1114 = tpu.bitcast %shift_left3A_1113 : vector<16xi32> -> vector<16xf32>
        %and3A_1115 = arith.constant -65536 : i32
        %and3A_1116 = vector.broadcast %and3A_1115 : i32 to vector<16xi32>
        %and3A_1117 = arith.andi %get3A_1110, %and3A_1116 : vector<16xi32>
        %bitcast_convert_type3A_1118 = tpu.bitcast %and3A_1117 : vector<16xi32> -> vector<16xf32>
        %get3A_1119 = arith.index_cast %scan3A_1047 : i32 to index
        %get3A_1120 = arith.constant 64 : index
        %get3A_1121 = tpu.vector_load %arg16[%get3A_1119, %get3A_1120] {strides = array<i32>} : memref<40x128xf32, #tpu.memory_space<vmem>>, vector<1x16xf32>,
        %get3A_1122 = vector.shape_cast %get3A_1121 : vector<1x16xf32> to vector<16xf32>
        %mul3A_1123 = arith.mulf %get3A_1122, %bitcast_convert_type3A_1114 : vector<16xf32>
        %swap3A_1124 = arith.index_cast %scan3A_1047 : i32 to index
        %swap3A_1125 = arith.constant 64 : index
        %swap3A_1126 = tpu.vector_load %arg16[%swap3A_1124, %swap3A_1125] {strides = array<i32>} : memref<40x128xf32, #tpu.memory_space<vmem>>, vector<1x16xf32>,
        %swap3A_1127 = vector.shape_cast %swap3A_1126 : vector<1x16xf32> to vector<16xf32>
        %swap3A_1128 = vector.shape_cast %mul3A_1123 : vector<16xf32> to vector<1x16xf32>
        tpu.vector_store %arg16[%swap3A_1124, %swap3A_1125], %swap3A_1128 {strides = array<i32>} : memref<40x128xf32, #tpu.memory_space<vmem>>, vector<1x16xf32>,
        %get3A_1129 = arith.index_cast %scan3A_1047 : i32 to index
        %get3A_1130 = arith.constant 80 : index
        %get3A_1131 = tpu.vector_load %arg16[%get3A_1129, %get3A_1130] {strides = array<i32>} : memref<40x128xf32, #tpu.memory_space<vmem>>, vector<1x16xf32>,
        %get3A_1132 = vector.shape_cast %get3A_1131 : vector<1x16xf32> to vector<16xf32>
        %mul3A_1133 = arith.mulf %get3A_1132, %bitcast_convert_type3A_1118 : vector<16xf32>
        %swap3A_1134 = arith.index_cast %scan3A_1047 : i32 to index
        %swap3A_1135 = arith.constant 80 : index
        %swap3A_1136 = tpu.vector_load %arg16[%swap3A_1134, %swap3A_1135] {strides = array<i32>} : memref<40x128xf32, #tpu.memory_space<vmem>>, vector<1x16xf32>,
        %swap3A_1137 = vector.shape_cast %swap3A_1136 : vector<1x16xf32> to vector<16xf32>
        %swap3A_1138 = vector.shape_cast %mul3A_1133 : vector<16xf32> to vector<1x16xf32>
        tpu.vector_store %arg16[%swap3A_1134, %swap3A_1135], %swap3A_1138 {strides = array<i32>} : memref<40x128xf32, #tpu.memory_space<vmem>>, vector<1x16xf32>,
        %get3A_1139 = arith.index_cast %scan3A_1047 : i32 to index
        %get3A_1140 = arith.constant 48 : index
        %get3A_1141 = tpu.vector_load %arg20[%get3A_1139, %get3A_1140] {strides = array<i32>} : memref<40x64xi32, #tpu.memory_space<vmem>>, vector<1x16xi32>,
        %get3A_1142 = vector.shape_cast %get3A_1141 : vector<1x16xi32> to vector<16xi32>
        %shift_left3A_1143 = arith.constant 16 : i32
        %shift_left3A_1144 = vector.broadcast %shift_left3A_1143 : i32 to vector<16xi32>
        %shift_left3A_1145 = arith.shli %get3A_1142, %shift_left3A_1144 : vector<16xi32>
        %bitcast_convert_type3A_1146 = tpu.bitcast %shift_left3A_1145 : vector<16xi32> -> vector<16xf32>
        %and3A_1147 = arith.constant -65536 : i32
        %and3A_1148 = vector.broadcast %and3A_1147 : i32 to vector<16xi32>
        %and3A_1149 = arith.andi %get3A_1142, %and3A_1148 : vector<16xi32>
        %bitcast_convert_type3A_1150 = tpu.bitcast %and3A_1149 : vector<16xi32> -> vector<16xf32>
        %get3A_1151 = arith.index_cast %scan3A_1047 : i32 to index
        %get3A_1152 = arith.constant 96 : index
        %get3A_1153 = tpu.vector_load %arg16[%get3A_1151, %get3A_1152] {strides = array<i32>} : memref<40x128xf32, #tpu.memory_space<vmem>>, vector<1x16xf32>,
        %get3A_1154 = vector.shape_cast %get3A_1153 : vector<1x16xf32> to vector<16xf32>
        %mul3A_1155 = arith.mulf %get3A_1154, %bitcast_convert_type3A_1146 : vector<16xf32>
        %swap3A_1156 = arith.index_cast %scan3A_1047 : i32 to index
        %swap3A_1157 = arith.constant 96 : index
        %swap3A_1158 = tpu.vector_load %arg16[%swap3A_1156, %swap3A_1157] {strides = array<i32>} : memref<40x128xf32, #tpu.memory_space<vmem>>, vector<1x16xf32>,
        %swap3A_1159 = vector.shape_cast %swap3A_1158 : vector<1x16xf32> to vector<16xf32>
        %swap3A_1160 = vector.shape_cast %mul3A_1155 : vector<16xf32> to vector<1x16xf32>
        tpu.vector_store %arg16[%swap3A_1156, %swap3A_1157], %swap3A_1160 {strides = array<i32>} : memref<40x128xf32, #tpu.memory_space<vmem>>, vector<1x16xf32>,
        %get3A_1161 = arith.index_cast %scan3A_1047 : i32 to index
        %get3A_1162 = arith.constant 112 : index
        %get3A_1163 = tpu.vector_load %arg16[%get3A_1161, %get3A_1162] {strides = array<i32>} : memref<40x128xf32, #tpu.memory_space<vmem>>, vector<1x16xf32>,
        %get3A_1164 = vector.shape_cast %get3A_1163 : vector<1x16xf32> to vector<16xf32>
        %mul3A_1165 = arith.mulf %get3A_1164, %bitcast_convert_type3A_1150 : vector<16xf32>
        %swap3A_1166 = arith.index_cast %scan3A_1047 : i32 to index
        %swap3A_1167 = arith.constant 112 : index
        %swap3A_1168 = tpu.vector_load %arg16[%swap3A_1166, %swap3A_1167] {strides = array<i32>} : memref<40x128xf32, #tpu.memory_space<vmem>>, vector<1x16xf32>,
        %swap3A_1169 = vector.shape_cast %swap3A_1168 : vector<1x16xf32> to vector<16xf32>
        %swap3A_1170 = vector.shape_cast %mul3A_1165 : vector<16xf32> to vector<1x16xf32>
        tpu.vector_store %arg16[%swap3A_1166, %swap3A_1167], %swap3A_1170 {strides = array<i32>} : memref<40x128xf32, #tpu.memory_space<vmem>>, vector<1x16xf32>,
      }
      %scan3A_936 = arith.constant 40 : i32
      %dma_start3A_937 = arith.constant 0 : i32
      %dma_start3A_938 = arith.constant 0 : i32
      %dma_start3A_939 = arith.constant 0 : i32
      %dma_start3A_940 = tpu.memref_slice %arg7[%dma_start3A_938, %dma_start3A_939] : memref<10000x128xf32, #tpu.memory_space<vmem_shared>> -> memref<10000x128xf32, #tpu.memory_space<vmem_shared>>
      %dma_start3A_941 = tpu.memref_slice %arg27[%dma_start3A_937] : memref<4x!tpu.dma_semaphore, #tpu.memory_space<semaphore_mem>> -> memref<1x!tpu.dma_semaphore, #tpu.memory_space<semaphore_mem>>
      %dma_start3A_942 = tpu.memref_squeeze %dma_start3A_941 : memref<1x!tpu.dma_semaphore, #tpu.memory_space<semaphore_mem>> -> memref<!tpu.dma_semaphore, #tpu.memory_space<semaphore_mem>>
      tpu.enqueue_indirect_dma source(%arg16 : memref<40x128xf32, #tpu.memory_space<vmem>>) target(%dma_start3A_940 : memref<10000x128xf32, #tpu.memory_space<vmem_shared>>) offsets(%arg12 : memref<40xi32, #tpu.memory_space<vmem>>) semaphore(%dma_start3A_942 : memref<!tpu.dma_semaphore, #tpu.memory_space<semaphore_mem>>) {add = true}
      %add3A_943 = arith.constant 3 : i32
      %add3A_944 = arith.addi %add3A_630, %add3A_943 : i32
      %dma_wait3A_945 = arith.constant 1 : i32
      %dma_wait3A_946 = arith.constant 0 : i32
      %dma_wait3A_947 = arith.constant 2 : i32
      %dma_wait3A_948 = arith.constant 0 : i32
      %dma_wait3A_949 = tpu.memref_slice %arg5[%dma_wait3A_945, %add3A, %dma_wait3A_946, %dma_wait3A_948] : memref<2x32x250x40xi32, #tpu.memory_space<hbm>> -> memref<1x1x1x40xi32, #tpu.memory_space<hbm>>
      %dma_wait3A_950 = tpu.memref_squeeze %dma_wait3A_949 : memref<1x1x1x40xi32, #tpu.memory_space<hbm>> -> memref<40xi32, #tpu.memory_space<hbm>>
      %dma_wait3A_951 = tpu.memref_slice %arg24[%dma_wait3A_947] : memref<4x!tpu.dma_semaphore, #tpu.memory_space<semaphore_mem>> -> memref<1x!tpu.dma_semaphore, #tpu.memory_space<semaphore_mem>>
      %dma_wait3A_952 = tpu.memref_squeeze %dma_wait3A_951 : memref<1x!tpu.dma_semaphore, #tpu.memory_space<semaphore_mem>> -> memref<!tpu.dma_semaphore, #tpu.memory_space<semaphore_mem>>
      %dma_wait3A_953 = arith.constant 0 : i32
      %dma_wait3A_954 = tpu.memref_slice %arg5[%dma_wait3A_945, %add3A, %dma_wait3A_946, %dma_wait3A_953] : memref<2x32x250x40xi32, #tpu.memory_space<hbm>> -> memref<1x1x1x40xi32, #tpu.memory_space<hbm>>
      %dma_wait3A_955 = tpu.memref_squeeze %dma_wait3A_954 : memref<1x1x1x40xi32, #tpu.memory_space<hbm>> -> memref<40xi32, #tpu.memory_space<hbm>>
      tpu.wait_dma2 semaphore(%dma_wait3A_952 : memref<!tpu.dma_semaphore, #tpu.memory_space<semaphore_mem>>) src(%dma_wait3A_955 : memref<40xi32, #tpu.memory_space<hbm>>) dst(%arg10 : memref<40xi32, #tpu.memory_space<vmem>>)
      %dma_wait3A_956 = arith.constant 0 : i32
      %dma_wait3A_957 = arith.constant 0 : i32
      %dma_wait3A_958 = arith.constant 2 : i32
      %dma_wait3A_959 = arith.constant 0 : i32
      %dma_wait3A_960 = tpu.memref_slice %arg5[%dma_wait3A_956, %add3A, %dma_wait3A_957, %dma_wait3A_959] : memref<2x32x250x40xi32, #tpu.memory_space<hbm>> -> memref<1x1x1x40xi32, #tpu.memory_space<hbm>>
      %dma_wait3A_961 = tpu.memref_squeeze %dma_wait3A_960 : memref<1x1x1x40xi32, #tpu.memory_space<hbm>> -> memref<40xi32, #tpu.memory_space<hbm>>
      %dma_wait3A_962 = tpu.memref_slice %arg24[%dma_wait3A_958] : memref<4x!tpu.dma_semaphore, #tpu.memory_space<semaphore_mem>> -> memref<1x!tpu.dma_semaphore, #tpu.memory_space<semaphore_mem>>
      %dma_wait3A_963 = tpu.memref_squeeze %dma_wait3A_962 : memref<1x!tpu.dma_semaphore, #tpu.memory_space<semaphore_mem>> -> memref<!tpu.dma_semaphore, #tpu.memory_space<semaphore_mem>>
      %dma_wait3A_964 = arith.constant 0 : i32
      %dma_wait3A_965 = tpu.memref_slice %arg5[%dma_wait3A_956, %add3A, %dma_wait3A_957, %dma_wait3A_964] : memref<2x32x250x40xi32, #tpu.memory_space<hbm>> -> memref<1x1x1x40xi32, #tpu.memory_space<hbm>>
      %dma_wait3A_966 = tpu.memref_squeeze %dma_wait3A_965 : memref<1x1x1x40xi32, #tpu.memory_space<hbm>> -> memref<40xi32, #tpu.memory_space<hbm>>
      tpu.wait_dma2 semaphore(%dma_wait3A_963 : memref<!tpu.dma_semaphore, #tpu.memory_space<semaphore_mem>>) src(%dma_wait3A_966 : memref<40xi32, #tpu.memory_space<hbm>>) dst(%arg14 : memref<40xi32, #tpu.memory_space<vmem>>)
      %add3A_967 = arith.constant 1 : i32
      %add3A_968 = arith.addi %add3A_944, %add3A_967 : i32
      %dma_start3A_969 = arith.constant 2 : i32
      %dma_start3A_970 = arith.constant 0 : i32
      %dma_start3A_971 = arith.constant 0 : i32
      %dma_start3A_972 = tpu.memref_slice %arg3[%dma_start3A_970, %dma_start3A_971] : memref<10000x128xf32, #tpu.memory_space<hbm>> -> memref<10000x128xf32, #tpu.memory_space<hbm>>
      %dma_start3A_973 = tpu.memref_slice %arg25[%dma_start3A_969] : memref<4x!tpu.dma_semaphore, #tpu.memory_space<semaphore_mem>> -> memref<1x!tpu.dma_semaphore, #tpu.memory_space<semaphore_mem>>
      %dma_start3A_974 = tpu.memref_squeeze %dma_start3A_973 : memref<1x!tpu.dma_semaphore, #tpu.memory_space<semaphore_mem>> -> memref<!tpu.dma_semaphore, #tpu.memory_space<semaphore_mem>>
      tpu.enqueue_indirect_dma source(%dma_start3A_972 : memref<10000x128xf32, #tpu.memory_space<hbm>>) target(%arg18 : memref<40x128xf32, #tpu.memory_space<vmem>>) offsets(%arg10 : memref<40xi32, #tpu.memory_space<vmem>>) semaphore(%dma_start3A_974 : memref<!tpu.dma_semaphore, #tpu.memory_space<semaphore_mem>>)
      %mul3A_975 = arith.constant 250 : i32
      %mul3A_976 = arith.muli %add3A, %mul3A_975 : i32
      %add3A_977 = arith.addi %mul3A_976, %add3A_968 : i32
      %dma_start3A_978 = arith.constant 2 : i32
      %dma_start3A_979 = arith.constant 0 : i32
      %dma_start3A_980 = arith.constant 0 : i32
      %dma_start3A_981 = tpu.memref_slice %arg4[%add3A_977, %dma_start3A_979, %dma_start3A_980] : memref<8000x40x64xi32, #tpu.memory_space<hbm>> -> memref<1x40x64xi32, #tpu.memory_space<hbm>>
      %dma_start3A_982 = tpu.memref_squeeze %dma_start3A_981 : memref<1x40x64xi32, #tpu.memory_space<hbm>> -> memref<40x64xi32, #tpu.memory_space<hbm>>
      %dma_start3A_983 = tpu.memref_slice %arg26[%dma_start3A_978] : memref<4x!tpu.dma_semaphore, #tpu.memory_space<semaphore_mem>> -> memref<1x!tpu.dma_semaphore, #tpu.memory_space<semaphore_mem>>
      %dma_start3A_984 = tpu.memref_squeeze %dma_start3A_983 : memref<1x!tpu.dma_semaphore, #tpu.memory_space<semaphore_mem>> -> memref<!tpu.dma_semaphore, #tpu.memory_space<semaphore_mem>>
      %dma_start3A_985 = arith.constant 0 : i32
      %dma_start3A_986 = arith.constant 0 : i32
      %dma_start3A_987 = tpu.memref_slice %arg4[%add3A_977, %dma_start3A_985, %dma_start3A_986] : memref<8000x40x64xi32, #tpu.memory_space<hbm>> -> memref<1x40x64xi32, #tpu.memory_space<hbm>>
      %dma_start3A_988 = tpu.memref_squeeze %dma_start3A_987 : memref<1x40x64xi32, #tpu.memory_space<hbm>> -> memref<40x64xi32, #tpu.memory_space<hbm>>
      tpu.enqueue_dma source(%dma_start3A_988 : memref<40x64xi32, #tpu.memory_space<hbm>>) target(%arg22 : memref<40x64xi32, #tpu.memory_space<vmem>>) target_semaphore(%dma_start3A_984 : memref<!tpu.dma_semaphore, #tpu.memory_space<semaphore_mem>>)
      %dma_wait3A_989 = arith.constant 3 : i32
      %dma_wait3A_990 = arith.constant 0 : i32
      %dma_wait3A_991 = arith.constant 0 : i32
      %dma_wait3A_992 = tpu.memref_slice %arg7[%dma_wait3A_990, %dma_wait3A_991] : memref<10000x128xf32, #tpu.memory_space<vmem_shared>> -> memref<10000x128xf32, #tpu.memory_space<vmem_shared>>
      %dma_wait3A_993 = tpu.memref_slice %arg27[%dma_wait3A_989] : memref<4x!tpu.dma_semaphore, #tpu.memory_space<semaphore_mem>> -> memref<1x!tpu.dma_semaphore, #tpu.memory_space<semaphore_mem>>
      %dma_wait3A_994 = tpu.memref_squeeze %dma_wait3A_993 : memref<1x!tpu.dma_semaphore, #tpu.memory_space<semaphore_mem>> -> memref<!tpu.dma_semaphore, #tpu.memory_space<semaphore_mem>>
      tpu.wait_indirect_dma semaphore(%dma_wait3A_994 : memref<!tpu.dma_semaphore, #tpu.memory_space<semaphore_mem>>) src(%arg19 : memref<40x128xf32, #tpu.memory_space<vmem>>) dst(%dma_wait3A_992 : memref<10000x128xf32, #tpu.memory_space<vmem_shared>>)
      %add3A_995 = arith.constant 2 : i32
      %add3A_996 = arith.addi %add3A_944, %add3A_995 : i32
      %dma_start3A_997 = arith.constant 1 : i32
      %dma_start3A_998 = arith.constant 3 : i32
      %dma_start3A_999 = arith.constant 0 : i32
      %dma_start3A_1000 = tpu.memref_slice %arg5[%dma_start3A_997, %add3A, %add3A_996, %dma_start3A_999] : memref<2x32x250x40xi32, #tpu.memory_space<hbm>> -> memref<1x1x1x40xi32, #tpu.memory_space<hbm>>
      %dma_start3A_1001 = tpu.memref_squeeze %dma_start3A_1000 : memref<1x1x1x40xi32, #tpu.memory_space<hbm>> -> memref<40xi32, #tpu.memory_space<hbm>>
      %dma_start3A_1002 = tpu.memref_slice %arg24[%dma_start3A_998] : memref<4x!tpu.dma_semaphore, #tpu.memory_space<semaphore_mem>> -> memref<1x!tpu.dma_semaphore, #tpu.memory_space<semaphore_mem>>
      %dma_start3A_1003 = tpu.memref_squeeze %dma_start3A_1002 : memref<1x!tpu.dma_semaphore, #tpu.memory_space<semaphore_mem>> -> memref<!tpu.dma_semaphore, #tpu.memory_space<semaphore_mem>>
      %dma_start3A_1004 = arith.constant 0 : i32
      %dma_start3A_1005 = tpu.memref_slice %arg5[%dma_start3A_997, %add3A, %add3A_996, %dma_start3A_1004] : memref<2x32x250x40xi32, #tpu.memory_space<hbm>> -> memref<1x1x1x40xi32, #tpu.memory_space<hbm>>
      %dma_start3A_1006 = tpu.memref_squeeze %dma_start3A_1005 : memref<1x1x1x40xi32, #tpu.memory_space<hbm>> -> memref<40xi32, #tpu.memory_space<hbm>>
      tpu.enqueue_dma source(%dma_start3A_1006 : memref<40xi32, #tpu.memory_space<hbm>>) target(%arg11 : memref<40xi32, #tpu.memory_space<vmem>>) target_semaphore(%dma_start3A_1003 : memref<!tpu.dma_semaphore, #tpu.memory_space<semaphore_mem>>)
      %dma_start3A_1007 = arith.constant 0 : i32
      %dma_start3A_1008 = arith.constant 3 : i32
      %dma_start3A_1009 = arith.constant 0 : i32
      %dma_start3A_1010 = tpu.memref_slice %arg5[%dma_start3A_1007, %add3A, %add3A_996, %dma_start3A_1009] : memref<2x32x250x40xi32, #tpu.memory_space<hbm>> -> memref<1x1x1x40xi32, #tpu.memory_space<hbm>>
      %dma_start3A_1011 = tpu.memref_squeeze %dma_start3A_1010 : memref<1x1x1x40xi32, #tpu.memory_space<hbm>> -> memref<40xi32, #tpu.memory_space<hbm>>
      %dma_start3A_1012 = tpu.memref_slice %arg24[%dma_start3A_1008] : memref<4x!tpu.dma_semaphore, #tpu.memory_space<semaphore_mem>> -> memref<1x!tpu.dma_semaphore, #tpu.memory_space<semaphore_mem>>
      %dma_start3A_1013 = tpu.memref_squeeze %dma_start3A_1012 : memref<1x!tpu.dma_semaphore, #tpu.memory_space<semaphore_mem>> -> memref<!tpu.dma_semaphore, #tpu.memory_space<semaphore_mem>>
      %dma_start3A_1014 = arith.constant 0 : i32
      %dma_start3A_1015 = tpu.memref_slice %arg5[%dma_start3A_1007, %add3A, %add3A_996, %dma_start3A_1014] : memref<2x32x250x40xi32, #tpu.memory_space<hbm>> -> memref<1x1x1x40xi32, #tpu.memory_space<hbm>>
      %dma_start3A_1016 = tpu.memref_squeeze %dma_start3A_1015 : memref<1x1x1x40xi32, #tpu.memory_space<hbm>> -> memref<40xi32, #tpu.memory_space<hbm>>
      tpu.enqueue_dma source(%dma_start3A_1016 : memref<40xi32, #tpu.memory_space<hbm>>) target(%arg15 : memref<40xi32, #tpu.memory_space<vmem>>) target_semaphore(%dma_start3A_1013 : memref<!tpu.dma_semaphore, #tpu.memory_space<semaphore_mem>>)
      %dma_wait3A_1017 = arith.constant 1 : i32
      %dma_wait3A_1018 = arith.constant 0 : i32
      %dma_wait3A_1019 = arith.constant 0 : i32
      %dma_wait3A_1020 = tpu.memref_slice %arg3[%dma_wait3A_1018, %dma_wait3A_1019] : memref<10000x128xf32, #tpu.memory_space<hbm>> -> memref<10000x128xf32, #tpu.memory_space<hbm>>
      %dma_wait3A_1021 = tpu.memref_slice %arg25[%dma_wait3A_1017] : memref<4x!tpu.dma_semaphore, #tpu.memory_space<semaphore_mem>> -> memref<1x!tpu.dma_semaphore, #tpu.memory_space<semaphore_mem>>
      %dma_wait3A_1022 = tpu.memref_squeeze %dma_wait3A_1021 : memref<1x!tpu.dma_semaphore, #tpu.memory_space<semaphore_mem>> -> memref<!tpu.dma_semaphore, #tpu.memory_space<semaphore_mem>>
      tpu.wait_indirect_dma semaphore(%dma_wait3A_1022 : memref<!tpu.dma_semaphore, #tpu.memory_space<semaphore_mem>>) src(%dma_wait3A_1020 : memref<10000x128xf32, #tpu.memory_space<hbm>>) dst(%arg17 : memref<40x128xf32, #tpu.memory_space<vmem>>)
      %dma_wait3A_1023 = arith.constant 0 : i32
      %dma_wait3A_1024 = arith.constant 1 : i32
      %dma_wait3A_1025 = arith.constant 0 : i32
      %dma_wait3A_1026 = arith.constant 0 : i32
      %dma_wait3A_1027 = tpu.memref_slice %arg4[%dma_wait3A_1023, %dma_wait3A_1025, %dma_wait3A_1026] : memref<8000x40x64xi32, #tpu.memory_space<hbm>> -> memref<1x40x64xi32, #tpu.memory_space<hbm>>
      %dma_wait3A_1028 = tpu.memref_squeeze %dma_wait3A_1027 : memref<1x40x64xi32, #tpu.memory_space<hbm>> -> memref<40x64xi32, #tpu.memory_space<hbm>>
      %dma_wait3A_1029 = tpu.memref_slice %arg26[%dma_wait3A_1024] : memref<4x!tpu.dma_semaphore, #tpu.memory_space<semaphore_mem>> -> memref<1x!tpu.dma_semaphore, #tpu.memory_space<semaphore_mem>>
      %dma_wait3A_1030 = tpu.memref_squeeze %dma_wait3A_1029 : memref<1x!tpu.dma_semaphore, #tpu.memory_space<semaphore_mem>> -> memref<!tpu.dma_semaphore, #tpu.memory_space<semaphore_mem>>
      %dma_wait3A_1031 = arith.constant 0 : i32
      %dma_wait3A_1032 = arith.constant 0 : i32
      %dma_wait3A_1033 = tpu.memref_slice %arg4[%dma_wait3A_1023, %dma_wait3A_1031, %dma_wait3A_1032] : memref<8000x40x64xi32, #tpu.memory_space<hbm>> -> memref<1x40x64xi32, #tpu.memory_space<hbm>>
      %dma_wait3A_1034 = tpu.memref_squeeze %dma_wait3A_1033 : memref<1x40x64xi32, #tpu.memory_space<hbm>> -> memref<40x64xi32, #tpu.memory_space<hbm>>
      tpu.wait_dma2 semaphore(%dma_wait3A_1030 : memref<!tpu.dma_semaphore, #tpu.memory_space<semaphore_mem>>) src(%dma_wait3A_1034 : memref<40x64xi32, #tpu.memory_space<hbm>>) dst(%arg21 : memref<40x64xi32, #tpu.memory_space<vmem>>)
      %scan3A_1035 = arith.constant 0 : i32
      %scan3A_1036 = arith.constant 0 : i32
      %scan3A_1037 = arith.constant 40 : i32
      %scan3A_1038 = arith.addi %scan3A_1036, %scan3A_1037 : i32
      %scan3A_1039 = arith.constant 1 : i32
      scf.for %scan3A_1047 = %scan3A_1036 to %scan3A_1038 step %scan3A_1039  : i32 {
        %get3A = arith.index_cast %scan3A_1047 : i32 to index
        %get3A_1048 = arith.constant 0 : index
        %get3A_1049 = tpu.vector_load %arg21[%get3A, %get3A_1048] {strides = array<i32>} : memref<40x64xi32, #tpu.memory_space<vmem>>, vector<1x16xi32>,
        %get3A_1050 = vector.shape_cast %get3A_1049 : vector<1x16xi32> to vector<16xi32>
        %shift_left3A = arith.constant 16 : i32
        %shift_left3A_1051 = vector.broadcast %shift_left3A : i32 to vector<16xi32>
        %shift_left3A_1052 = arith.shli %get3A_1050, %shift_left3A_1051 : vector<16xi32>
        %bitcast_convert_type3A = tpu.bitcast %shift_left3A_1052 : vector<16xi32> -> vector<16xf32>
        %and3A = arith.constant -65536 : i32
        %and3A_1053 = vector.broadcast %and3A : i32 to vector<16xi32>
        %and3A_1054 = arith.andi %get3A_1050, %and3A_1053 : vector<16xi32>
        %bitcast_convert_type3A_1055 = tpu.bitcast %and3A_1054 : vector<16xi32> -> vector<16xf32>
        %get3A_1056 = arith.index_cast %scan3A_1047 : i32 to index
        %get3A_1057 = arith.constant 0 : index
        %get3A_1058 = tpu.vector_load %arg17[%get3A_1056, %get3A_1057] {strides = array<i32>} : memref<40x128xf32, #tpu.memory_space<vmem>>, vector<1x16xf32>,
        %get3A_1059 = vector.shape_cast %get3A_1058 : vector<1x16xf32> to vector<16xf32>
        %mul3A_1060 = arith.mulf %get3A_1059, %bitcast_convert_type3A : vector<16xf32>
        %swap3A = arith.index_cast %scan3A_1047 : i32 to index
        %swap3A_1061 = arith.constant 0 : index
        %swap3A_1062 = tpu.vector_load %arg17[%swap3A, %swap3A_1061] {strides = array<i32>} : memref<40x128xf32, #tpu.memory_space<vmem>>, vector<1x16xf32>,
        %swap3A_1063 = vector.shape_cast %swap3A_1062 : vector<1x16xf32> to vector<16xf32>
        %swap3A_1064 = vector.shape_cast %mul3A_1060 : vector<16xf32> to vector<1x16xf32>
        tpu.vector_store %arg17[%swap3A, %swap3A_1061], %swap3A_1064 {strides = array<i32>} : memref<40x128xf32, #tpu.memory_space<vmem>>, vector<1x16xf32>,
        %get3A_1065 = arith.index_cast %scan3A_1047 : i32 to index
        %get3A_1066 = arith.constant 16 : index
        %get3A_1067 = tpu.vector_load %arg17[%get3A_1065, %get3A_1066] {strides = array<i32>} : memref<40x128xf32, #tpu.memory_space<vmem>>, vector<1x16xf32>,
        %get3A_1068 = vector.shape_cast %get3A_1067 : vector<1x16xf32> to vector<16xf32>
        %mul3A_1069 = arith.mulf %get3A_1068, %bitcast_convert_type3A_1055 : vector<16xf32>
        %swap3A_1070 = arith.index_cast %scan3A_1047 : i32 to index
        %swap3A_1071 = arith.constant 16 : index
        %swap3A_1072 = tpu.vector_load %arg17[%swap3A_1070, %swap3A_1071] {strides = array<i32>} : memref<40x128xf32, #tpu.memory_space<vmem>>, vector<1x16xf32>,
        %swap3A_1073 = vector.shape_cast %swap3A_1072 : vector<1x16xf32> to vector<16xf32>
        %swap3A_1074 = vector.shape_cast %mul3A_1069 : vector<16xf32> to vector<1x16xf32>
        tpu.vector_store %arg17[%swap3A_1070, %swap3A_1071], %swap3A_1074 {strides = array<i32>} : memref<40x128xf32, #tpu.memory_space<vmem>>, vector<1x16xf32>,
        %get3A_1075 = arith.index_cast %scan3A_1047 : i32 to index
        %get3A_1076 = arith.constant 16 : index
        %get3A_1077 = tpu.vector_load %arg21[%get3A_1075, %get3A_1076] {strides = array<i32>} : memref<40x64xi32, #tpu.memory_space<vmem>>, vector<1x16xi32>,
        %get3A_1078 = vector.shape_cast %get3A_1077 : vector<1x16xi32> to vector<16xi32>
        %shift_left3A_1079 = arith.constant 16 : i32
        %shift_left3A_1080 = vector.broadcast %shift_left3A_1079 : i32 to vector<16xi32>
        %shift_left3A_1081 = arith.shli %get3A_1078, %shift_left3A_1080 : vector<16xi32>
        %bitcast_convert_type3A_1082 = tpu.bitcast %shift_left3A_1081 : vector<16xi32> -> vector<16xf32>
        %and3A_1083 = arith.constant -65536 : i32
        %and3A_1084 = vector.broadcast %and3A_1083 : i32 to vector<16xi32>
        %and3A_1085 = arith.andi %get3A_1078, %and3A_1084 : vector<16xi32>
        %bitcast_convert_type3A_1086 = tpu.bitcast %and3A_1085 : vector<16xi32> -> vector<16xf32>
        %get3A_1087 = arith.index_cast %scan3A_1047 : i32 to index
        %get3A_1088 = arith.constant 32 : index
        %get3A_1089 = tpu.vector_load %arg17[%get3A_1087, %get3A_1088] {strides = array<i32>} : memref<40x128xf32, #tpu.memory_space<vmem>>, vector<1x16xf32>,
        %get3A_1090 = vector.shape_cast %get3A_1089 : vector<1x16xf32> to vector<16xf32>
        %mul3A_1091 = arith.mulf %get3A_1090, %bitcast_convert_type3A_1082 : vector<16xf32>
        %swap3A_1092 = arith.index_cast %scan3A_1047 : i32 to index
        %swap3A_1093 = arith.constant 32 : index
        %swap3A_1094 = tpu.vector_load %arg17[%swap3A_1092, %swap3A_1093] {strides = array<i32>} : memref<40x128xf32, #tpu.memory_space<vmem>>, vector<1x16xf32>,
        %swap3A_1095 = vector.shape_cast %swap3A_1094 : vector<1x16xf32> to vector<16xf32>
        %swap3A_1096 = vector.shape_cast %mul3A_1091 : vector<16xf32> to vector<1x16xf32>
        tpu.vector_store %arg17[%swap3A_1092, %swap3A_1093], %swap3A_1096 {strides = array<i32>} : memref<40x128xf32, #tpu.memory_space<vmem>>, vector<1x16xf32>,
        %get3A_1097 = arith.index_cast %scan3A_1047 : i32 to index
        %get3A_1098 = arith.constant 48 : index
        %get3A_1099 = tpu.vector_load %arg17[%get3A_1097, %get3A_1098] {strides = array<i32>} : memref<40x128xf32, #tpu.memory_space<vmem>>, vector<1x16xf32>,
        %get3A_1100 = vector.shape_cast %get3A_1099 : vector<1x16xf32> to vector<16xf32>
        %mul3A_1101 = arith.mulf %get3A_1100, %bitcast_convert_type3A_1086 : vector<16xf32>
        %swap3A_1102 = arith.index_cast %scan3A_1047 : i32 to index
        %swap3A_1103 = arith.constant 48 : index
        %swap3A_1104 = tpu.vector_load %arg17[%swap3A_1102, %swap3A_1103] {strides = array<i32>} : memref<40x128xf32, #tpu.memory_space<vmem>>, vector<1x16xf32>,
        %swap3A_1105 = vector.shape_cast %swap3A_1104 : vector<1x16xf32> to vector<16xf32>
        %swap3A_1106 = vector.shape_cast %mul3A_1101 : vector<16xf32> to vector<1x16xf32>
        tpu.vector_store %arg17[%swap3A_1102, %swap3A_1103], %swap3A_1106 {strides = array<i32>} : memref<40x128xf32, #tpu.memory_space<vmem>>, vector<1x16xf32>,
        %get3A_1107 = arith.index_cast %scan3A_1047 : i32 to index
        %get3A_1108 = arith.constant 32 : index
        %get3A_1109 = tpu.vector_load %arg21[%get3A_1107, %get3A_1108] {strides = array<i32>} : memref<40x64xi32, #tpu.memory_space<vmem>>, vector<1x16xi32>,
        %get3A_1110 = vector.shape_cast %get3A_1109 : vector<1x16xi32> to vector<16xi32>
        %shift_left3A_1111 = arith.constant 16 : i32
        %shift_left3A_1112 = vector.broadcast %shift_left3A_1111 : i32 to vector<16xi32>
        %shift_left3A_1113 = arith.shli %get3A_1110, %shift_left3A_1112 : vector<16xi32>
        %bitcast_convert_type3A_1114 = tpu.bitcast %shift_left3A_1113 : vector<16xi32> -> vector<16xf32>
        %and3A_1115 = arith.constant -65536 : i32
        %and3A_1116 = vector.broadcast %and3A_1115 : i32 to vector<16xi32>
        %and3A_1117 = arith.andi %get3A_1110, %and3A_1116 : vector<16xi32>
        %bitcast_convert_type3A_1118 = tpu.bitcast %and3A_1117 : vector<16xi32> -> vector<16xf32>
        %get3A_1119 = arith.index_cast %scan3A_1047 : i32 to index
        %get3A_1120 = arith.constant 64 : index
        %get3A_1121 = tpu.vector_load %arg17[%get3A_1119, %get3A_1120] {strides = array<i32>} : memref<40x128xf32, #tpu.memory_space<vmem>>, vector<1x16xf32>,
        %get3A_1122 = vector.shape_cast %get3A_1121 : vector<1x16xf32> to vector<16xf32>
        %mul3A_1123 = arith.mulf %get3A_1122, %bitcast_convert_type3A_1114 : vector<16xf32>
        %swap3A_1124 = arith.index_cast %scan3A_1047 : i32 to index
        %swap3A_1125 = arith.constant 64 : index
        %swap3A_1126 = tpu.vector_load %arg17[%swap3A_1124, %swap3A_1125] {strides = array<i32>} : memref<40x128xf32, #tpu.memory_space<vmem>>, vector<1x16xf32>,
        %swap3A_1127 = vector.shape_cast %swap3A_1126 : vector<1x16xf32> to vector<16xf32>
        %swap3A_1128 = vector.shape_cast %mul3A_1123 : vector<16xf32> to vector<1x16xf32>
        tpu.vector_store %arg17[%swap3A_1124, %swap3A_1125], %swap3A_1128 {strides = array<i32>} : memref<40x128xf32, #tpu.memory_space<vmem>>, vector<1x16xf32>,
        %get3A_1129 = arith.index_cast %scan3A_1047 : i32 to index
        %get3A_1130 = arith.constant 80 : index
        %get3A_1131 = tpu.vector_load %arg17[%get3A_1129, %get3A_1130] {strides = array<i32>} : memref<40x128xf32, #tpu.memory_space<vmem>>, vector<1x16xf32>,
        %get3A_1132 = vector.shape_cast %get3A_1131 : vector<1x16xf32> to vector<16xf32>
        %mul3A_1133 = arith.mulf %get3A_1132, %bitcast_convert_type3A_1118 : vector<16xf32>
        %swap3A_1134 = arith.index_cast %scan3A_1047 : i32 to index
        %swap3A_1135 = arith.constant 80 : index
        %swap3A_1136 = tpu.vector_load %arg17[%swap3A_1134, %swap3A_1135] {strides = array<i32>} : memref<40x128xf32, #tpu.memory_space<vmem>>, vector<1x16xf32>,
        %swap3A_1137 = vector.shape_cast %swap3A_1136 : vector<1x16xf32> to vector<16xf32>
        %swap3A_1138 = vector.shape_cast %mul3A_1133 : vector<16xf32> to vector<1x16xf32>
        tpu.vector_store %arg17[%swap3A_1134, %swap3A_1135], %swap3A_1138 {strides = array<i32>} : memref<40x128xf32, #tpu.memory_space<vmem>>, vector<1x16xf32>,
        %get3A_1139 = arith.index_cast %scan3A_1047 : i32 to index
        %get3A_1140 = arith.constant 48 : index
        %get3A_1141 = tpu.vector_load %arg21[%get3A_1139, %get3A_1140] {strides = array<i32>} : memref<40x64xi32, #tpu.memory_space<vmem>>, vector<1x16xi32>,
        %get3A_1142 = vector.shape_cast %get3A_1141 : vector<1x16xi32> to vector<16xi32>
        %shift_left3A_1143 = arith.constant 16 : i32
        %shift_left3A_1144 = vector.broadcast %shift_left3A_1143 : i32 to vector<16xi32>
        %shift_left3A_1145 = arith.shli %get3A_1142, %shift_left3A_1144 : vector<16xi32>
        %bitcast_convert_type3A_1146 = tpu.bitcast %shift_left3A_1145 : vector<16xi32> -> vector<16xf32>
        %and3A_1147 = arith.constant -65536 : i32
        %and3A_1148 = vector.broadcast %and3A_1147 : i32 to vector<16xi32>
        %and3A_1149 = arith.andi %get3A_1142, %and3A_1148 : vector<16xi32>
        %bitcast_convert_type3A_1150 = tpu.bitcast %and3A_1149 : vector<16xi32> -> vector<16xf32>
        %get3A_1151 = arith.index_cast %scan3A_1047 : i32 to index
        %get3A_1152 = arith.constant 96 : index
        %get3A_1153 = tpu.vector_load %arg17[%get3A_1151, %get3A_1152] {strides = array<i32>} : memref<40x128xf32, #tpu.memory_space<vmem>>, vector<1x16xf32>,
        %get3A_1154 = vector.shape_cast %get3A_1153 : vector<1x16xf32> to vector<16xf32>
        %mul3A_1155 = arith.mulf %get3A_1154, %bitcast_convert_type3A_1146 : vector<16xf32>
        %swap3A_1156 = arith.index_cast %scan3A_1047 : i32 to index
        %swap3A_1157 = arith.constant 96 : index
        %swap3A_1158 = tpu.vector_load %arg17[%swap3A_1156, %swap3A_1157] {strides = array<i32>} : memref<40x128xf32, #tpu.memory_space<vmem>>, vector<1x16xf32>,
        %swap3A_1159 = vector.shape_cast %swap3A_1158 : vector<1x16xf32> to vector<16xf32>
        %swap3A_1160 = vector.shape_cast %mul3A_1155 : vector<16xf32> to vector<1x16xf32>
        tpu.vector_store %arg17[%swap3A_1156, %swap3A_1157], %swap3A_1160 {strides = array<i32>} : memref<40x128xf32, #tpu.memory_space<vmem>>, vector<1x16xf32>,
        %get3A_1161 = arith.index_cast %scan3A_1047 : i32 to index
        %get3A_1162 = arith.constant 112 : index
        %get3A_1163 = tpu.vector_load %arg17[%get3A_1161, %get3A_1162] {strides = array<i32>} : memref<40x128xf32, #tpu.memory_space<vmem>>, vector<1x16xf32>,
        %get3A_1164 = vector.shape_cast %get3A_1163 : vector<1x16xf32> to vector<16xf32>
        %mul3A_1165 = arith.mulf %get3A_1164, %bitcast_convert_type3A_1150 : vector<16xf32>
        %swap3A_1166 = arith.index_cast %scan3A_1047 : i32 to index
        %swap3A_1167 = arith.constant 112 : index
        %swap3A_1168 = tpu.vector_load %arg17[%swap3A_1166, %swap3A_1167] {strides = array<i32>} : memref<40x128xf32, #tpu.memory_space<vmem>>, vector<1x16xf32>,
        %swap3A_1169 = vector.shape_cast %swap3A_1168 : vector<1x16xf32> to vector<16xf32>
        %swap3A_1170 = vector.shape_cast %mul3A_1165 : vector<16xf32> to vector<1x16xf32>
        tpu.vector_store %arg17[%swap3A_1166, %swap3A_1167], %swap3A_1170 {strides = array<i32>} : memref<40x128xf32, #tpu.memory_space<vmem>>, vector<1x16xf32>,
      }
      %scan3A_1040 = arith.constant 40 : i32
      %dma_start3A_1041 = arith.constant 1 : i32
      %dma_start3A_1042 = arith.constant 0 : i32
      %dma_start3A_1043 = arith.constant 0 : i32
      %dma_start3A_1044 = tpu.memref_slice %arg7[%dma_start3A_1042, %dma_start3A_1043] : memref<10000x128xf32, #tpu.memory_space<vmem_shared>> -> memref<10000x128xf32, #tpu.memory_space<vmem_shared>>
      %dma_start3A_1045 = tpu.memref_slice %arg27[%dma_start3A_1041] : memref<4x!tpu.dma_semaphore, #tpu.memory_space<semaphore_mem>> -> memref<1x!tpu.dma_semaphore, #tpu.memory_space<semaphore_mem>>
      %dma_start3A_1046 = tpu.memref_squeeze %dma_start3A_1045 : memref<1x!tpu.dma_semaphore, #tpu.memory_space<semaphore_mem>> -> memref<!tpu.dma_semaphore, #tpu.memory_space<semaphore_mem>>
      tpu.enqueue_indirect_dma source(%arg17 : memref<40x128xf32, #tpu.memory_space<vmem>>) target(%dma_start3A_1044 : memref<10000x128xf32, #tpu.memory_space<vmem_shared>>) offsets(%arg13 : memref<40xi32, #tpu.memory_space<vmem>>) semaphore(%dma_start3A_1046 : memref<!tpu.dma_semaphore, #tpu.memory_space<semaphore_mem>>) {add = true}
    }
    %scan3A_286 = arith.constant 61 : i32
    %dma_wait3A_287 = arith.constant 1 : i32
    %dma_wait3A_288 = arith.constant 0 : i32
    %dma_wait3A_289 = arith.constant 3 : i32
    %dma_wait3A_290 = arith.constant 0 : i32
    %dma_wait3A_291 = tpu.memref_slice %arg5[%dma_wait3A_287, %add3A, %dma_wait3A_288, %dma_wait3A_290] : memref<2x32x250x40xi32, #tpu.memory_space<hbm>> -> memref<1x1x1x40xi32, #tpu.memory_space<hbm>>
    %dma_wait3A_292 = tpu.memref_squeeze %dma_wait3A_291 : memref<1x1x1x40xi32, #tpu.memory_space<hbm>> -> memref<40xi32, #tpu.memory_space<hbm>>
    %dma_wait3A_293 = tpu.memref_slice %arg24[%dma_wait3A_289] : memref<4x!tpu.dma_semaphore, #tpu.memory_space<semaphore_mem>> -> memref<1x!tpu.dma_semaphore, #tpu.memory_space<semaphore_mem>>
    %dma_wait3A_294 = tpu.memref_squeeze %dma_wait3A_293 : memref<1x!tpu.dma_semaphore, #tpu.memory_space<semaphore_mem>> -> memref<!tpu.dma_semaphore, #tpu.memory_space<semaphore_mem>>
    %dma_wait3A_295 = arith.constant 0 : i32
    %dma_wait3A_296 = tpu.memref_slice %arg5[%dma_wait3A_287, %add3A, %dma_wait3A_288, %dma_wait3A_295] : memref<2x32x250x40xi32, #tpu.memory_space<hbm>> -> memref<1x1x1x40xi32, #tpu.memory_space<hbm>>
    %dma_wait3A_297 = tpu.memref_squeeze %dma_wait3A_296 : memref<1x1x1x40xi32, #tpu.memory_space<hbm>> -> memref<40xi32, #tpu.memory_space<hbm>>
    tpu.wait_dma2 semaphore(%dma_wait3A_294 : memref<!tpu.dma_semaphore, #tpu.memory_space<semaphore_mem>>) src(%dma_wait3A_297 : memref<40xi32, #tpu.memory_space<hbm>>) dst(%arg11 : memref<40xi32, #tpu.memory_space<vmem>>)
    %dma_wait3A_298 = arith.constant 0 : i32
    %dma_wait3A_299 = arith.constant 0 : i32
    %dma_wait3A_300 = arith.constant 3 : i32
    %dma_wait3A_301 = arith.constant 0 : i32
    %dma_wait3A_302 = tpu.memref_slice %arg5[%dma_wait3A_298, %add3A, %dma_wait3A_299, %dma_wait3A_301] : memref<2x32x250x40xi32, #tpu.memory_space<hbm>> -> memref<1x1x1x40xi32, #tpu.memory_space<hbm>>
    %dma_wait3A_303 = tpu.memref_squeeze %dma_wait3A_302 : memref<1x1x1x40xi32, #tpu.memory_space<hbm>> -> memref<40xi32, #tpu.memory_space<hbm>>
    %dma_wait3A_304 = tpu.memref_slice %arg24[%dma_wait3A_300] : memref<4x!tpu.dma_semaphore, #tpu.memory_space<semaphore_mem>> -> memref<1x!tpu.dma_semaphore, #tpu.memory_space<semaphore_mem>>
    %dma_wait3A_305 = tpu.memref_squeeze %dma_wait3A_304 : memref<1x!tpu.dma_semaphore, #tpu.memory_space<semaphore_mem>> -> memref<!tpu.dma_semaphore, #tpu.memory_space<semaphore_mem>>
    %dma_wait3A_306 = arith.constant 0 : i32
    %dma_wait3A_307 = tpu.memref_slice %arg5[%dma_wait3A_298, %add3A, %dma_wait3A_299, %dma_wait3A_306] : memref<2x32x250x40xi32, #tpu.memory_space<hbm>> -> memref<1x1x1x40xi32, #tpu.memory_space<hbm>>
    %dma_wait3A_308 = tpu.memref_squeeze %dma_wait3A_307 : memref<1x1x1x40xi32, #tpu.memory_space<hbm>> -> memref<40xi32, #tpu.memory_space<hbm>>
    tpu.wait_dma2 semaphore(%dma_wait3A_305 : memref<!tpu.dma_semaphore, #tpu.memory_space<semaphore_mem>>) src(%dma_wait3A_308 : memref<40xi32, #tpu.memory_space<hbm>>) dst(%arg15 : memref<40xi32, #tpu.memory_space<vmem>>)
    %dma_start3A_309 = arith.constant 3 : i32
    %dma_start3A_310 = arith.constant 0 : i32
    %dma_start3A_311 = arith.constant 0 : i32
    %dma_start3A_312 = tpu.memref_slice %arg3[%dma_start3A_310, %dma_start3A_311] : memref<10000x128xf32, #tpu.memory_space<hbm>> -> memref<10000x128xf32, #tpu.memory_space<hbm>>
    %dma_start3A_313 = tpu.memref_slice %arg25[%dma_start3A_309] : memref<4x!tpu.dma_semaphore, #tpu.memory_space<semaphore_mem>> -> memref<1x!tpu.dma_semaphore, #tpu.memory_space<semaphore_mem>>
    %dma_start3A_314 = tpu.memref_squeeze %dma_start3A_313 : memref<1x!tpu.dma_semaphore, #tpu.memory_space<semaphore_mem>> -> memref<!tpu.dma_semaphore, #tpu.memory_space<semaphore_mem>>
    tpu.enqueue_indirect_dma source(%dma_start3A_312 : memref<10000x128xf32, #tpu.memory_space<hbm>>) target(%arg19 : memref<40x128xf32, #tpu.memory_space<vmem>>) offsets(%arg11 : memref<40xi32, #tpu.memory_space<vmem>>) semaphore(%dma_start3A_314 : memref<!tpu.dma_semaphore, #tpu.memory_space<semaphore_mem>>)
    %mul3A_315 = arith.constant 250 : i32
    %mul3A_316 = arith.muli %add3A, %mul3A_315 : i32
    %add3A_317 = arith.constant 247 : i32
    %add3A_318 = arith.addi %mul3A_316, %add3A_317 : i32
    %dma_start3A_319 = arith.constant 3 : i32
    %dma_start3A_320 = arith.constant 0 : i32
    %dma_start3A_321 = arith.constant 0 : i32
    %dma_start3A_322 = tpu.memref_slice %arg4[%add3A_318, %dma_start3A_320, %dma_start3A_321] : memref<8000x40x64xi32, #tpu.memory_space<hbm>> -> memref<1x40x64xi32, #tpu.memory_space<hbm>>
    %dma_start3A_323 = tpu.memref_squeeze %dma_start3A_322 : memref<1x40x64xi32, #tpu.memory_space<hbm>> -> memref<40x64xi32, #tpu.memory_space<hbm>>
    %dma_start3A_324 = tpu.memref_slice %arg26[%dma_start3A_319] : memref<4x!tpu.dma_semaphore, #tpu.memory_space<semaphore_mem>> -> memref<1x!tpu.dma_semaphore, #tpu.memory_space<semaphore_mem>>
    %dma_start3A_325 = tpu.memref_squeeze %dma_start3A_324 : memref<1x!tpu.dma_semaphore, #tpu.memory_space<semaphore_mem>> -> memref<!tpu.dma_semaphore, #tpu.memory_space<semaphore_mem>>
    %dma_start3A_326 = arith.constant 0 : i32
    %dma_start3A_327 = arith.constant 0 : i32
    %dma_start3A_328 = tpu.memref_slice %arg4[%add3A_318, %dma_start3A_326, %dma_start3A_327] : memref<8000x40x64xi32, #tpu.memory_space<hbm>> -> memref<1x40x64xi32, #tpu.memory_space<hbm>>
    %dma_start3A_329 = tpu.memref_squeeze %dma_start3A_328 : memref<1x40x64xi32, #tpu.memory_space<hbm>> -> memref<40x64xi32, #tpu.memory_space<hbm>>
    tpu.enqueue_dma source(%dma_start3A_329 : memref<40x64xi32, #tpu.memory_space<hbm>>) target(%arg23 : memref<40x64xi32, #tpu.memory_space<vmem>>) target_semaphore(%dma_start3A_325 : memref<!tpu.dma_semaphore, #tpu.memory_space<semaphore_mem>>)
    %dma_wait3A_330 = arith.constant 0 : i32
    %dma_wait3A_331 = arith.constant 0 : i32
    %dma_wait3A_332 = arith.constant 0 : i32
    %dma_wait3A_333 = tpu.memref_slice %arg7[%dma_wait3A_331, %dma_wait3A_332] : memref<10000x128xf32, #tpu.memory_space<vmem_shared>> -> memref<10000x128xf32, #tpu.memory_space<vmem_shared>>
    %dma_wait3A_334 = tpu.memref_slice %arg27[%dma_wait3A_330] : memref<4x!tpu.dma_semaphore, #tpu.memory_space<semaphore_mem>> -> memref<1x!tpu.dma_semaphore, #tpu.memory_space<semaphore_mem>>
    %dma_wait3A_335 = tpu.memref_squeeze %dma_wait3A_334 : memref<1x!tpu.dma_semaphore, #tpu.memory_space<semaphore_mem>> -> memref<!tpu.dma_semaphore, #tpu.memory_space<semaphore_mem>>
    tpu.wait_indirect_dma semaphore(%dma_wait3A_335 : memref<!tpu.dma_semaphore, #tpu.memory_space<semaphore_mem>>) src(%arg16 : memref<40x128xf32, #tpu.memory_space<vmem>>) dst(%dma_wait3A_333 : memref<10000x128xf32, #tpu.memory_space<vmem_shared>>)
    %dma_start3A_336 = arith.constant 1 : i32
    %dma_start3A_337 = arith.constant 248 : i32
    %dma_start3A_338 = arith.constant 0 : i32
    %dma_start3A_339 = arith.constant 0 : i32
    %dma_start3A_340 = tpu.memref_slice %arg5[%dma_start3A_336, %add3A, %dma_start3A_337, %dma_start3A_339] : memref<2x32x250x40xi32, #tpu.memory_space<hbm>> -> memref<1x1x1x40xi32, #tpu.memory_space<hbm>>
    %dma_start3A_341 = tpu.memref_squeeze %dma_start3A_340 : memref<1x1x1x40xi32, #tpu.memory_space<hbm>> -> memref<40xi32, #tpu.memory_space<hbm>>
    %dma_start3A_342 = tpu.memref_slice %arg24[%dma_start3A_338] : memref<4x!tpu.dma_semaphore, #tpu.memory_space<semaphore_mem>> -> memref<1x!tpu.dma_semaphore, #tpu.memory_space<semaphore_mem>>
    %dma_start3A_343 = tpu.memref_squeeze %dma_start3A_342 : memref<1x!tpu.dma_semaphore, #tpu.memory_space<semaphore_mem>> -> memref<!tpu.dma_semaphore, #tpu.memory_space<semaphore_mem>>
    %dma_start3A_344 = arith.constant 0 : i32
    %dma_start3A_345 = tpu.memref_slice %arg5[%dma_start3A_336, %add3A, %dma_start3A_337, %dma_start3A_344] : memref<2x32x250x40xi32, #tpu.memory_space<hbm>> -> memref<1x1x1x40xi32, #tpu.memory_space<hbm>>
    %dma_start3A_346 = tpu.memref_squeeze %dma_start3A_345 : memref<1x1x1x40xi32, #tpu.memory_space<hbm>> -> memref<40xi32, #tpu.memory_space<hbm>>
    tpu.enqueue_dma source(%dma_start3A_346 : memref<40xi32, #tpu.memory_space<hbm>>) target(%arg8 : memref<40xi32, #tpu.memory_space<vmem>>) target_semaphore(%dma_start3A_343 : memref<!tpu.dma_semaphore, #tpu.memory_space<semaphore_mem>>)
    %dma_start3A_347 = arith.constant 0 : i32
    %dma_start3A_348 = arith.constant 248 : i32
    %dma_start3A_349 = arith.constant 0 : i32
    %dma_start3A_350 = arith.constant 0 : i32
    %dma_start3A_351 = tpu.memref_slice %arg5[%dma_start3A_347, %add3A, %dma_start3A_348, %dma_start3A_350] : memref<2x32x250x40xi32, #tpu.memory_space<hbm>> -> memref<1x1x1x40xi32, #tpu.memory_space<hbm>>
    %dma_start3A_352 = tpu.memref_squeeze %dma_start3A_351 : memref<1x1x1x40xi32, #tpu.memory_space<hbm>> -> memref<40xi32, #tpu.memory_space<hbm>>
    %dma_start3A_353 = tpu.memref_slice %arg24[%dma_start3A_349] : memref<4x!tpu.dma_semaphore, #tpu.memory_space<semaphore_mem>> -> memref<1x!tpu.dma_semaphore, #tpu.memory_space<semaphore_mem>>
    %dma_start3A_354 = tpu.memref_squeeze %dma_start3A_353 : memref<1x!tpu.dma_semaphore, #tpu.memory_space<semaphore_mem>> -> memref<!tpu.dma_semaphore, #tpu.memory_space<semaphore_mem>>
    %dma_start3A_355 = arith.constant 0 : i32
    %dma_start3A_356 = tpu.memref_slice %arg5[%dma_start3A_347, %add3A, %dma_start3A_348, %dma_start3A_355] : memref<2x32x250x40xi32, #tpu.memory_space<hbm>> -> memref<1x1x1x40xi32, #tpu.memory_space<hbm>>
    %dma_start3A_357 = tpu.memref_squeeze %dma_start3A_356 : memref<1x1x1x40xi32, #tpu.memory_space<hbm>> -> memref<40xi32, #tpu.memory_space<hbm>>
    tpu.enqueue_dma source(%dma_start3A_357 : memref<40xi32, #tpu.memory_space<hbm>>) target(%arg12 : memref<40xi32, #tpu.memory_space<vmem>>) target_semaphore(%dma_start3A_354 : memref<!tpu.dma_semaphore, #tpu.memory_space<semaphore_mem>>)
    %dma_wait3A_358 = arith.constant 2 : i32
    %dma_wait3A_359 = arith.constant 0 : i32
    %dma_wait3A_360 = arith.constant 0 : i32
    %dma_wait3A_361 = tpu.memref_slice %arg3[%dma_wait3A_359, %dma_wait3A_360] : memref<10000x128xf32, #tpu.memory_space<hbm>> -> memref<10000x128xf32, #tpu.memory_space<hbm>>
    %dma_wait3A_362 = tpu.memref_slice %arg25[%dma_wait3A_358] : memref<4x!tpu.dma_semaphore, #tpu.memory_space<semaphore_mem>> -> memref<1x!tpu.dma_semaphore, #tpu.memory_space<semaphore_mem>>
    %dma_wait3A_363 = tpu.memref_squeeze %dma_wait3A_362 : memref<1x!tpu.dma_semaphore, #tpu.memory_space<semaphore_mem>> -> memref<!tpu.dma_semaphore, #tpu.memory_space<semaphore_mem>>
    tpu.wait_indirect_dma semaphore(%dma_wait3A_363 : memref<!tpu.dma_semaphore, #tpu.memory_space<semaphore_mem>>) src(%dma_wait3A_361 : memref<10000x128xf32, #tpu.memory_space<hbm>>) dst(%arg18 : memref<40x128xf32, #tpu.memory_space<vmem>>)
    %dma_wait3A_364 = arith.constant 0 : i32
    %dma_wait3A_365 = arith.constant 2 : i32
    %dma_wait3A_366 = arith.constant 0 : i32
    %dma_wait3A_367 = arith.constant 0 : i32
    %dma_wait3A_368 = tpu.memref_slice %arg4[%dma_wait3A_364, %dma_wait3A_366, %dma_wait3A_367] : memref<8000x40x64xi32, #tpu.memory_space<hbm>> -> memref<1x40x64xi32, #tpu.memory_space<hbm>>
    %dma_wait3A_369 = tpu.memref_squeeze %dma_wait3A_368 : memref<1x40x64xi32, #tpu.memory_space<hbm>> -> memref<40x64xi32, #tpu.memory_space<hbm>>
    %dma_wait3A_370 = tpu.memref_slice %arg26[%dma_wait3A_365] : memref<4x!tpu.dma_semaphore, #tpu.memory_space<semaphore_mem>> -> memref<1x!tpu.dma_semaphore, #tpu.memory_space<semaphore_mem>>
    %dma_wait3A_371 = tpu.memref_squeeze %dma_wait3A_370 : memref<1x!tpu.dma_semaphore, #tpu.memory_space<semaphore_mem>> -> memref<!tpu.dma_semaphore, #tpu.memory_space<semaphore_mem>>
    %dma_wait3A_372 = arith.constant 0 : i32
    %dma_wait3A_373 = arith.constant 0 : i32
    %dma_wait3A_374 = tpu.memref_slice %arg4[%dma_wait3A_364, %dma_wait3A_372, %dma_wait3A_373] : memref<8000x40x64xi32, #tpu.memory_space<hbm>> -> memref<1x40x64xi32, #tpu.memory_space<hbm>>
    %dma_wait3A_375 = tpu.memref_squeeze %dma_wait3A_374 : memref<1x40x64xi32, #tpu.memory_space<hbm>> -> memref<40x64xi32, #tpu.memory_space<hbm>>
    tpu.wait_dma2 semaphore(%dma_wait3A_371 : memref<!tpu.dma_semaphore, #tpu.memory_space<semaphore_mem>>) src(%dma_wait3A_375 : memref<40x64xi32, #tpu.memory_space<hbm>>) dst(%arg22 : memref<40x64xi32, #tpu.memory_space<vmem>>)
    %scan3A_376 = arith.constant 0 : i32
    %scan3A_377 = arith.constant 0 : i32
    %scan3A_378 = arith.constant 40 : i32
    %scan3A_379 = arith.addi %scan3A_377, %scan3A_378 : i32
    %scan3A_380 = arith.constant 1 : i32
    scf.for %scan3A_626 = %scan3A_377 to %scan3A_379 step %scan3A_380  : i32 {
      %get3A = arith.index_cast %scan3A_626 : i32 to index
      %get3A_627 = arith.constant 0 : index
      %get3A_628 = tpu.vector_load %arg22[%get3A, %get3A_627] {strides = array<i32>} : memref<40x64xi32, #tpu.memory_space<vmem>>, vector<1x16xi32>,
      %get3A_629 = vector.shape_cast %get3A_628 : vector<1x16xi32> to vector<16xi32>
      %shift_left3A = arith.constant 16 : i32
      %shift_left3A_630 = vector.broadcast %shift_left3A : i32 to vector<16xi32>
      %shift_left3A_631 = arith.shli %get3A_629, %shift_left3A_630 : vector<16xi32>
      %bitcast_convert_type3A = tpu.bitcast %shift_left3A_631 : vector<16xi32> -> vector<16xf32>
      %and3A = arith.constant -65536 : i32
      %and3A_632 = vector.broadcast %and3A : i32 to vector<16xi32>
      %and3A_633 = arith.andi %get3A_629, %and3A_632 : vector<16xi32>
      %bitcast_convert_type3A_634 = tpu.bitcast %and3A_633 : vector<16xi32> -> vector<16xf32>
      %get3A_635 = arith.index_cast %scan3A_626 : i32 to index
      %get3A_636 = arith.constant 0 : index
      %get3A_637 = tpu.vector_load %arg18[%get3A_635, %get3A_636] {strides = array<i32>} : memref<40x128xf32, #tpu.memory_space<vmem>>, vector<1x16xf32>,
      %get3A_638 = vector.shape_cast %get3A_637 : vector<1x16xf32> to vector<16xf32>
      %mul3A_639 = arith.mulf %get3A_638, %bitcast_convert_type3A : vector<16xf32>
      %swap3A = arith.index_cast %scan3A_626 : i32 to index
      %swap3A_640 = arith.constant 0 : index
      %swap3A_641 = tpu.vector_load %arg18[%swap3A, %swap3A_640] {strides = array<i32>} : memref<40x128xf32, #tpu.memory_space<vmem>>, vector<1x16xf32>,
      %swap3A_642 = vector.shape_cast %swap3A_641 : vector<1x16xf32> to vector<16xf32>
      %swap3A_643 = vector.shape_cast %mul3A_639 : vector<16xf32> to vector<1x16xf32>
      tpu.vector_store %arg18[%swap3A, %swap3A_640], %swap3A_643 {strides = array<i32>} : memref<40x128xf32, #tpu.memory_space<vmem>>, vector<1x16xf32>,
      %get3A_644 = arith.index_cast %scan3A_626 : i32 to index
      %get3A_645 = arith.constant 16 : index
      %get3A_646 = tpu.vector_load %arg18[%get3A_644, %get3A_645] {strides = array<i32>} : memref<40x128xf32, #tpu.memory_space<vmem>>, vector<1x16xf32>,
      %get3A_647 = vector.shape_cast %get3A_646 : vector<1x16xf32> to vector<16xf32>
      %mul3A_648 = arith.mulf %get3A_647, %bitcast_convert_type3A_634 : vector<16xf32>
      %swap3A_649 = arith.index_cast %scan3A_626 : i32 to index
      %swap3A_650 = arith.constant 16 : index
      %swap3A_651 = tpu.vector_load %arg18[%swap3A_649, %swap3A_650] {strides = array<i32>} : memref<40x128xf32, #tpu.memory_space<vmem>>, vector<1x16xf32>,
      %swap3A_652 = vector.shape_cast %swap3A_651 : vector<1x16xf32> to vector<16xf32>
      %swap3A_653 = vector.shape_cast %mul3A_648 : vector<16xf32> to vector<1x16xf32>
      tpu.vector_store %arg18[%swap3A_649, %swap3A_650], %swap3A_653 {strides = array<i32>} : memref<40x128xf32, #tpu.memory_space<vmem>>, vector<1x16xf32>,
      %get3A_654 = arith.index_cast %scan3A_626 : i32 to index
      %get3A_655 = arith.constant 16 : index
      %get3A_656 = tpu.vector_load %arg22[%get3A_654, %get3A_655] {strides = array<i32>} : memref<40x64xi32, #tpu.memory_space<vmem>>, vector<1x16xi32>,
      %get3A_657 = vector.shape_cast %get3A_656 : vector<1x16xi32> to vector<16xi32>
      %shift_left3A_658 = arith.constant 16 : i32
      %shift_left3A_659 = vector.broadcast %shift_left3A_658 : i32 to vector<16xi32>
      %shift_left3A_660 = arith.shli %get3A_657, %shift_left3A_659 : vector<16xi32>
      %bitcast_convert_type3A_661 = tpu.bitcast %shift_left3A_660 : vector<16xi32> -> vector<16xf32>
      %and3A_662 = arith.constant -65536 : i32
      %and3A_663 = vector.broadcast %and3A_662 : i32 to vector<16xi32>
      %and3A_664 = arith.andi %get3A_657, %and3A_663 : vector<16xi32>
      %bitcast_convert_type3A_665 = tpu.bitcast %and3A_664 : vector<16xi32> -> vector<16xf32>
      %get3A_666 = arith.index_cast %scan3A_626 : i32 to index
      %get3A_667 = arith.constant 32 : index
      %get3A_668 = tpu.vector_load %arg18[%get3A_666, %get3A_667] {strides = array<i32>} : memref<40x128xf32, #tpu.memory_space<vmem>>, vector<1x16xf32>,
      %get3A_669 = vector.shape_cast %get3A_668 : vector<1x16xf32> to vector<16xf32>
      %mul3A_670 = arith.mulf %get3A_669, %bitcast_convert_type3A_661 : vector<16xf32>
      %swap3A_671 = arith.index_cast %scan3A_626 : i32 to index
      %swap3A_672 = arith.constant 32 : index
      %swap3A_673 = tpu.vector_load %arg18[%swap3A_671, %swap3A_672] {strides = array<i32>} : memref<40x128xf32, #tpu.memory_space<vmem>>, vector<1x16xf32>,
      %swap3A_674 = vector.shape_cast %swap3A_673 : vector<1x16xf32> to vector<16xf32>
      %swap3A_675 = vector.shape_cast %mul3A_670 : vector<16xf32> to vector<1x16xf32>
      tpu.vector_store %arg18[%swap3A_671, %swap3A_672], %swap3A_675 {strides = array<i32>} : memref<40x128xf32, #tpu.memory_space<vmem>>, vector<1x16xf32>,
      %get3A_676 = arith.index_cast %scan3A_626 : i32 to index
      %get3A_677 = arith.constant 48 : index
      %get3A_678 = tpu.vector_load %arg18[%get3A_676, %get3A_677] {strides = array<i32>} : memref<40x128xf32, #tpu.memory_space<vmem>>, vector<1x16xf32>,
      %get3A_679 = vector.shape_cast %get3A_678 : vector<1x16xf32> to vector<16xf32>
      %mul3A_680 = arith.mulf %get3A_679, %bitcast_convert_type3A_665 : vector<16xf32>
      %swap3A_681 = arith.index_cast %scan3A_626 : i32 to index
      %swap3A_682 = arith.constant 48 : index
      %swap3A_683 = tpu.vector_load %arg18[%swap3A_681, %swap3A_682] {strides = array<i32>} : memref<40x128xf32, #tpu.memory_space<vmem>>, vector<1x16xf32>,
      %swap3A_684 = vector.shape_cast %swap3A_683 : vector<1x16xf32> to vector<16xf32>
      %swap3A_685 = vector.shape_cast %mul3A_680 : vector<16xf32> to vector<1x16xf32>
      tpu.vector_store %arg18[%swap3A_681, %swap3A_682], %swap3A_685 {strides = array<i32>} : memref<40x128xf32, #tpu.memory_space<vmem>>, vector<1x16xf32>,
      %get3A_686 = arith.index_cast %scan3A_626 : i32 to index
      %get3A_687 = arith.constant 32 : index
      %get3A_688 = tpu.vector_load %arg22[%get3A_686, %get3A_687] {strides = array<i32>} : memref<40x64xi32, #tpu.memory_space<vmem>>, vector<1x16xi32>,
      %get3A_689 = vector.shape_cast %get3A_688 : vector<1x16xi32> to vector<16xi32>
      %shift_left3A_690 = arith.constant 16 : i32
      %shift_left3A_691 = vector.broadcast %shift_left3A_690 : i32 to vector<16xi32>
      %shift_left3A_692 = arith.shli %get3A_689, %shift_left3A_691 : vector<16xi32>
      %bitcast_convert_type3A_693 = tpu.bitcast %shift_left3A_692 : vector<16xi32> -> vector<16xf32>
      %and3A_694 = arith.constant -65536 : i32
      %and3A_695 = vector.broadcast %and3A_694 : i32 to vector<16xi32>
      %and3A_696 = arith.andi %get3A_689, %and3A_695 : vector<16xi32>
      %bitcast_convert_type3A_697 = tpu.bitcast %and3A_696 : vector<16xi32> -> vector<16xf32>
      %get3A_698 = arith.index_cast %scan3A_626 : i32 to index
      %get3A_699 = arith.constant 64 : index
      %get3A_700 = tpu.vector_load %arg18[%get3A_698, %get3A_699] {strides = array<i32>} : memref<40x128xf32, #tpu.memory_space<vmem>>, vector<1x16xf32>,
      %get3A_701 = vector.shape_cast %get3A_700 : vector<1x16xf32> to vector<16xf32>
      %mul3A_702 = arith.mulf %get3A_701, %bitcast_convert_type3A_693 : vector<16xf32>
      %swap3A_703 = arith.index_cast %scan3A_626 : i32 to index
      %swap3A_704 = arith.constant 64 : index
      %swap3A_705 = tpu.vector_load %arg18[%swap3A_703, %swap3A_704] {strides = array<i32>} : memref<40x128xf32, #tpu.memory_space<vmem>>, vector<1x16xf32>,
      %swap3A_706 = vector.shape_cast %swap3A_705 : vector<1x16xf32> to vector<16xf32>
      %swap3A_707 = vector.shape_cast %mul3A_702 : vector<16xf32> to vector<1x16xf32>
      tpu.vector_store %arg18[%swap3A_703, %swap3A_704], %swap3A_707 {strides = array<i32>} : memref<40x128xf32, #tpu.memory_space<vmem>>, vector<1x16xf32>,
      %get3A_708 = arith.index_cast %scan3A_626 : i32 to index
      %get3A_709 = arith.constant 80 : index
      %get3A_710 = tpu.vector_load %arg18[%get3A_708, %get3A_709] {strides = array<i32>} : memref<40x128xf32, #tpu.memory_space<vmem>>, vector<1x16xf32>,
      %get3A_711 = vector.shape_cast %get3A_710 : vector<1x16xf32> to vector<16xf32>
      %mul3A_712 = arith.mulf %get3A_711, %bitcast_convert_type3A_697 : vector<16xf32>
      %swap3A_713 = arith.index_cast %scan3A_626 : i32 to index
      %swap3A_714 = arith.constant 80 : index
      %swap3A_715 = tpu.vector_load %arg18[%swap3A_713, %swap3A_714] {strides = array<i32>} : memref<40x128xf32, #tpu.memory_space<vmem>>, vector<1x16xf32>,
      %swap3A_716 = vector.shape_cast %swap3A_715 : vector<1x16xf32> to vector<16xf32>
      %swap3A_717 = vector.shape_cast %mul3A_712 : vector<16xf32> to vector<1x16xf32>
      tpu.vector_store %arg18[%swap3A_713, %swap3A_714], %swap3A_717 {strides = array<i32>} : memref<40x128xf32, #tpu.memory_space<vmem>>, vector<1x16xf32>,
      %get3A_718 = arith.index_cast %scan3A_626 : i32 to index
      %get3A_719 = arith.constant 48 : index
      %get3A_720 = tpu.vector_load %arg22[%get3A_718, %get3A_719] {strides = array<i32>} : memref<40x64xi32, #tpu.memory_space<vmem>>, vector<1x16xi32>,
      %get3A_721 = vector.shape_cast %get3A_720 : vector<1x16xi32> to vector<16xi32>
      %shift_left3A_722 = arith.constant 16 : i32
      %shift_left3A_723 = vector.broadcast %shift_left3A_722 : i32 to vector<16xi32>
      %shift_left3A_724 = arith.shli %get3A_721, %shift_left3A_723 : vector<16xi32>
      %bitcast_convert_type3A_725 = tpu.bitcast %shift_left3A_724 : vector<16xi32> -> vector<16xf32>
      %and3A_726 = arith.constant -65536 : i32
      %and3A_727 = vector.broadcast %and3A_726 : i32 to vector<16xi32>
      %and3A_728 = arith.andi %get3A_721, %and3A_727 : vector<16xi32>
      %bitcast_convert_type3A_729 = tpu.bitcast %and3A_728 : vector<16xi32> -> vector<16xf32>
      %get3A_730 = arith.index_cast %scan3A_626 : i32 to index
      %get3A_731 = arith.constant 96 : index
      %get3A_732 = tpu.vector_load %arg18[%get3A_730, %get3A_731] {strides = array<i32>} : memref<40x128xf32, #tpu.memory_space<vmem>>, vector<1x16xf32>,
      %get3A_733 = vector.shape_cast %get3A_732 : vector<1x16xf32> to vector<16xf32>
      %mul3A_734 = arith.mulf %get3A_733, %bitcast_convert_type3A_725 : vector<16xf32>
      %swap3A_735 = arith.index_cast %scan3A_626 : i32 to index
      %swap3A_736 = arith.constant 96 : index
      %swap3A_737 = tpu.vector_load %arg18[%swap3A_735, %swap3A_736] {strides = array<i32>} : memref<40x128xf32, #tpu.memory_space<vmem>>, vector<1x16xf32>,
      %swap3A_738 = vector.shape_cast %swap3A_737 : vector<1x16xf32> to vector<16xf32>
      %swap3A_739 = vector.shape_cast %mul3A_734 : vector<16xf32> to vector<1x16xf32>
      tpu.vector_store %arg18[%swap3A_735, %swap3A_736], %swap3A_739 {strides = array<i32>} : memref<40x128xf32, #tpu.memory_space<vmem>>, vector<1x16xf32>,
      %get3A_740 = arith.index_cast %scan3A_626 : i32 to index
      %get3A_741 = arith.constant 112 : index
      %get3A_742 = tpu.vector_load %arg18[%get3A_740, %get3A_741] {strides = array<i32>} : memref<40x128xf32, #tpu.memory_space<vmem>>, vector<1x16xf32>,
      %get3A_743 = vector.shape_cast %get3A_742 : vector<1x16xf32> to vector<16xf32>
      %mul3A_744 = arith.mulf %get3A_743, %bitcast_convert_type3A_729 : vector<16xf32>
      %swap3A_745 = arith.index_cast %scan3A_626 : i32 to index
      %swap3A_746 = arith.constant 112 : index
      %swap3A_747 = tpu.vector_load %arg18[%swap3A_745, %swap3A_746] {strides = array<i32>} : memref<40x128xf32, #tpu.memory_space<vmem>>, vector<1x16xf32>,
      %swap3A_748 = vector.shape_cast %swap3A_747 : vector<1x16xf32> to vector<16xf32>
      %swap3A_749 = vector.shape_cast %mul3A_744 : vector<16xf32> to vector<1x16xf32>
      tpu.vector_store %arg18[%swap3A_745, %swap3A_746], %swap3A_749 {strides = array<i32>} : memref<40x128xf32, #tpu.memory_space<vmem>>, vector<1x16xf32>,
    }
    %scan3A_381 = arith.constant 40 : i32
    %dma_start3A_382 = arith.constant 2 : i32
    %dma_start3A_383 = arith.constant 0 : i32
    %dma_start3A_384 = arith.constant 0 : i32
    %dma_start3A_385 = tpu.memref_slice %arg7[%dma_start3A_383, %dma_start3A_384] : memref<10000x128xf32, #tpu.memory_space<vmem_shared>> -> memref<10000x128xf32, #tpu.memory_space<vmem_shared>>
    %dma_start3A_386 = tpu.memref_slice %arg27[%dma_start3A_382] : memref<4x!tpu.dma_semaphore, #tpu.memory_space<semaphore_mem>> -> memref<1x!tpu.dma_semaphore, #tpu.memory_space<semaphore_mem>>
    %dma_start3A_387 = tpu.memref_squeeze %dma_start3A_386 : memref<1x!tpu.dma_semaphore, #tpu.memory_space<semaphore_mem>> -> memref<!tpu.dma_semaphore, #tpu.memory_space<semaphore_mem>>
    tpu.enqueue_indirect_dma source(%arg18 : memref<40x128xf32, #tpu.memory_space<vmem>>) target(%dma_start3A_385 : memref<10000x128xf32, #tpu.memory_space<vmem_shared>>) offsets(%arg14 : memref<40xi32, #tpu.memory_space<vmem>>) semaphore(%dma_start3A_387 : memref<!tpu.dma_semaphore, #tpu.memory_space<semaphore_mem>>) {add = true}
    %dma_wait3A_388 = arith.constant 1 : i32
    %dma_wait3A_389 = arith.constant 0 : i32
    %dma_wait3A_390 = arith.constant 0 : i32
    %dma_wait3A_391 = arith.constant 0 : i32
    %dma_wait3A_392 = tpu.memref_slice %arg5[%dma_wait3A_388, %add3A, %dma_wait3A_389, %dma_wait3A_391] : memref<2x32x250x40xi32, #tpu.memory_space<hbm>> -> memref<1x1x1x40xi32, #tpu.memory_space<hbm>>
    %dma_wait3A_393 = tpu.memref_squeeze %dma_wait3A_392 : memref<1x1x1x40xi32, #tpu.memory_space<hbm>> -> memref<40xi32, #tpu.memory_space<hbm>>
    %dma_wait3A_394 = tpu.memref_slice %arg24[%dma_wait3A_390] : memref<4x!tpu.dma_semaphore, #tpu.memory_space<semaphore_mem>> -> memref<1x!tpu.dma_semaphore, #tpu.memory_space<semaphore_mem>>
    %dma_wait3A_395 = tpu.memref_squeeze %dma_wait3A_394 : memref<1x!tpu.dma_semaphore, #tpu.memory_space<semaphore_mem>> -> memref<!tpu.dma_semaphore, #tpu.memory_space<semaphore_mem>>
    %dma_wait3A_396 = arith.constant 0 : i32
    %dma_wait3A_397 = tpu.memref_slice %arg5[%dma_wait3A_388, %add3A, %dma_wait3A_389, %dma_wait3A_396] : memref<2x32x250x40xi32, #tpu.memory_space<hbm>> -> memref<1x1x1x40xi32, #tpu.memory_space<hbm>>
    %dma_wait3A_398 = tpu.memref_squeeze %dma_wait3A_397 : memref<1x1x1x40xi32, #tpu.memory_space<hbm>> -> memref<40xi32, #tpu.memory_space<hbm>>
    tpu.wait_dma2 semaphore(%dma_wait3A_395 : memref<!tpu.dma_semaphore, #tpu.memory_space<semaphore_mem>>) src(%dma_wait3A_398 : memref<40xi32, #tpu.memory_space<hbm>>) dst(%arg8 : memref<40xi32, #tpu.memory_space<vmem>>)
    %dma_wait3A_399 = arith.constant 0 : i32
    %dma_wait3A_400 = arith.constant 0 : i32
    %dma_wait3A_401 = arith.constant 0 : i32
    %dma_wait3A_402 = arith.constant 0 : i32
    %dma_wait3A_403 = tpu.memref_slice %arg5[%dma_wait3A_399, %add3A, %dma_wait3A_400, %dma_wait3A_402] : memref<2x32x250x40xi32, #tpu.memory_space<hbm>> -> memref<1x1x1x40xi32, #tpu.memory_space<hbm>>
    %dma_wait3A_404 = tpu.memref_squeeze %dma_wait3A_403 : memref<1x1x1x40xi32, #tpu.memory_space<hbm>> -> memref<40xi32, #tpu.memory_space<hbm>>
    %dma_wait3A_405 = tpu.memref_slice %arg24[%dma_wait3A_401] : memref<4x!tpu.dma_semaphore, #tpu.memory_space<semaphore_mem>> -> memref<1x!tpu.dma_semaphore, #tpu.memory_space<semaphore_mem>>
    %dma_wait3A_406 = tpu.memref_squeeze %dma_wait3A_405 : memref<1x!tpu.dma_semaphore, #tpu.memory_space<semaphore_mem>> -> memref<!tpu.dma_semaphore, #tpu.memory_space<semaphore_mem>>
    %dma_wait3A_407 = arith.constant 0 : i32
    %dma_wait3A_408 = tpu.memref_slice %arg5[%dma_wait3A_399, %add3A, %dma_wait3A_400, %dma_wait3A_407] : memref<2x32x250x40xi32, #tpu.memory_space<hbm>> -> memref<1x1x1x40xi32, #tpu.memory_space<hbm>>
    %dma_wait3A_409 = tpu.memref_squeeze %dma_wait3A_408 : memref<1x1x1x40xi32, #tpu.memory_space<hbm>> -> memref<40xi32, #tpu.memory_space<hbm>>
    tpu.wait_dma2 semaphore(%dma_wait3A_406 : memref<!tpu.dma_semaphore, #tpu.memory_space<semaphore_mem>>) src(%dma_wait3A_409 : memref<40xi32, #tpu.memory_space<hbm>>) dst(%arg12 : memref<40xi32, #tpu.memory_space<vmem>>)
    %dma_start3A_410 = arith.constant 0 : i32
    %dma_start3A_411 = arith.constant 0 : i32
    %dma_start3A_412 = arith.constant 0 : i32
    %dma_start3A_413 = tpu.memref_slice %arg3[%dma_start3A_411, %dma_start3A_412] : memref<10000x128xf32, #tpu.memory_space<hbm>> -> memref<10000x128xf32, #tpu.memory_space<hbm>>
    %dma_start3A_414 = tpu.memref_slice %arg25[%dma_start3A_410] : memref<4x!tpu.dma_semaphore, #tpu.memory_space<semaphore_mem>> -> memref<1x!tpu.dma_semaphore, #tpu.memory_space<semaphore_mem>>
    %dma_start3A_415 = tpu.memref_squeeze %dma_start3A_414 : memref<1x!tpu.dma_semaphore, #tpu.memory_space<semaphore_mem>> -> memref<!tpu.dma_semaphore, #tpu.memory_space<semaphore_mem>>
    tpu.enqueue_indirect_dma source(%dma_start3A_413 : memref<10000x128xf32, #tpu.memory_space<hbm>>) target(%arg16 : memref<40x128xf32, #tpu.memory_space<vmem>>) offsets(%arg8 : memref<40xi32, #tpu.memory_space<vmem>>) semaphore(%dma_start3A_415 : memref<!tpu.dma_semaphore, #tpu.memory_space<semaphore_mem>>)
    %mul3A_416 = arith.constant 250 : i32
    %mul3A_417 = arith.muli %add3A, %mul3A_416 : i32
    %add3A_418 = arith.constant 248 : i32
    %add3A_419 = arith.addi %mul3A_417, %add3A_418 : i32
    %dma_start3A_420 = arith.constant 0 : i32
    %dma_start3A_421 = arith.constant 0 : i32
    %dma_start3A_422 = arith.constant 0 : i32
    %dma_start3A_423 = tpu.memref_slice %arg4[%add3A_419, %dma_start3A_421, %dma_start3A_422] : memref<8000x40x64xi32, #tpu.memory_space<hbm>> -> memref<1x40x64xi32, #tpu.memory_space<hbm>>
    %dma_start3A_424 = tpu.memref_squeeze %dma_start3A_423 : memref<1x40x64xi32, #tpu.memory_space<hbm>> -> memref<40x64xi32, #tpu.memory_space<hbm>>
    %dma_start3A_425 = tpu.memref_slice %arg26[%dma_start3A_420] : memref<4x!tpu.dma_semaphore, #tpu.memory_space<semaphore_mem>> -> memref<1x!tpu.dma_semaphore, #tpu.memory_space<semaphore_mem>>
    %dma_start3A_426 = tpu.memref_squeeze %dma_start3A_425 : memref<1x!tpu.dma_semaphore, #tpu.memory_space<semaphore_mem>> -> memref<!tpu.dma_semaphore, #tpu.memory_space<semaphore_mem>>
    %dma_start3A_427 = arith.constant 0 : i32
    %dma_start3A_428 = arith.constant 0 : i32
    %dma_start3A_429 = tpu.memref_slice %arg4[%add3A_419, %dma_start3A_427, %dma_start3A_428] : memref<8000x40x64xi32, #tpu.memory_space<hbm>> -> memref<1x40x64xi32, #tpu.memory_space<hbm>>
    %dma_start3A_430 = tpu.memref_squeeze %dma_start3A_429 : memref<1x40x64xi32, #tpu.memory_space<hbm>> -> memref<40x64xi32, #tpu.memory_space<hbm>>
    tpu.enqueue_dma source(%dma_start3A_430 : memref<40x64xi32, #tpu.memory_space<hbm>>) target(%arg20 : memref<40x64xi32, #tpu.memory_space<vmem>>) target_semaphore(%dma_start3A_426 : memref<!tpu.dma_semaphore, #tpu.memory_space<semaphore_mem>>)
    %dma_wait3A_431 = arith.constant 1 : i32
    %dma_wait3A_432 = arith.constant 0 : i32
    %dma_wait3A_433 = arith.constant 0 : i32
    %dma_wait3A_434 = tpu.memref_slice %arg7[%dma_wait3A_432, %dma_wait3A_433] : memref<10000x128xf32, #tpu.memory_space<vmem_shared>> -> memref<10000x128xf32, #tpu.memory_space<vmem_shared>>
    %dma_wait3A_435 = tpu.memref_slice %arg27[%dma_wait3A_431] : memref<4x!tpu.dma_semaphore, #tpu.memory_space<semaphore_mem>> -> memref<1x!tpu.dma_semaphore, #tpu.memory_space<semaphore_mem>>
    %dma_wait3A_436 = tpu.memref_squeeze %dma_wait3A_435 : memref<1x!tpu.dma_semaphore, #tpu.memory_space<semaphore_mem>> -> memref<!tpu.dma_semaphore, #tpu.memory_space<semaphore_mem>>
    tpu.wait_indirect_dma semaphore(%dma_wait3A_436 : memref<!tpu.dma_semaphore, #tpu.memory_space<semaphore_mem>>) src(%arg17 : memref<40x128xf32, #tpu.memory_space<vmem>>) dst(%dma_wait3A_434 : memref<10000x128xf32, #tpu.memory_space<vmem_shared>>)
    %dma_start3A_437 = arith.constant 1 : i32
    %dma_start3A_438 = arith.constant 249 : i32
    %dma_start3A_439 = arith.constant 1 : i32
    %dma_start3A_440 = arith.constant 0 : i32
    %dma_start3A_441 = tpu.memref_slice %arg5[%dma_start3A_437, %add3A, %dma_start3A_438, %dma_start3A_440] : memref<2x32x250x40xi32, #tpu.memory_space<hbm>> -> memref<1x1x1x40xi32, #tpu.memory_space<hbm>>
    %dma_start3A_442 = tpu.memref_squeeze %dma_start3A_441 : memref<1x1x1x40xi32, #tpu.memory_space<hbm>> -> memref<40xi32, #tpu.memory_space<hbm>>
    %dma_start3A_443 = tpu.memref_slice %arg24[%dma_start3A_439] : memref<4x!tpu.dma_semaphore, #tpu.memory_space<semaphore_mem>> -> memref<1x!tpu.dma_semaphore, #tpu.memory_space<semaphore_mem>>
    %dma_start3A_444 = tpu.memref_squeeze %dma_start3A_443 : memref<1x!tpu.dma_semaphore, #tpu.memory_space<semaphore_mem>> -> memref<!tpu.dma_semaphore, #tpu.memory_space<semaphore_mem>>
    %dma_start3A_445 = arith.constant 0 : i32
    %dma_start3A_446 = tpu.memref_slice %arg5[%dma_start3A_437, %add3A, %dma_start3A_438, %dma_start3A_445] : memref<2x32x250x40xi32, #tpu.memory_space<hbm>> -> memref<1x1x1x40xi32, #tpu.memory_space<hbm>>
    %dma_start3A_447 = tpu.memref_squeeze %dma_start3A_446 : memref<1x1x1x40xi32, #tpu.memory_space<hbm>> -> memref<40xi32, #tpu.memory_space<hbm>>
    tpu.enqueue_dma source(%dma_start3A_447 : memref<40xi32, #tpu.memory_space<hbm>>) target(%arg9 : memref<40xi32, #tpu.memory_space<vmem>>) target_semaphore(%dma_start3A_444 : memref<!tpu.dma_semaphore, #tpu.memory_space<semaphore_mem>>)
    %dma_start3A_448 = arith.constant 0 : i32
    %dma_start3A_449 = arith.constant 249 : i32
    %dma_start3A_450 = arith.constant 1 : i32
    %dma_start3A_451 = arith.constant 0 : i32
    %dma_start3A_452 = tpu.memref_slice %arg5[%dma_start3A_448, %add3A, %dma_start3A_449, %dma_start3A_451] : memref<2x32x250x40xi32, #tpu.memory_space<hbm>> -> memref<1x1x1x40xi32, #tpu.memory_space<hbm>>
    %dma_start3A_453 = tpu.memref_squeeze %dma_start3A_452 : memref<1x1x1x40xi32, #tpu.memory_space<hbm>> -> memref<40xi32, #tpu.memory_space<hbm>>
    %dma_start3A_454 = tpu.memref_slice %arg24[%dma_start3A_450] : memref<4x!tpu.dma_semaphore, #tpu.memory_space<semaphore_mem>> -> memref<1x!tpu.dma_semaphore, #tpu.memory_space<semaphore_mem>>
    %dma_start3A_455 = tpu.memref_squeeze %dma_start3A_454 : memref<1x!tpu.dma_semaphore, #tpu.memory_space<semaphore_mem>> -> memref<!tpu.dma_semaphore, #tpu.memory_space<semaphore_mem>>
    %dma_start3A_456 = arith.constant 0 : i32
    %dma_start3A_457 = tpu.memref_slice %arg5[%dma_start3A_448, %add3A, %dma_start3A_449, %dma_start3A_456] : memref<2x32x250x40xi32, #tpu.memory_space<hbm>> -> memref<1x1x1x40xi32, #tpu.memory_space<hbm>>
    %dma_start3A_458 = tpu.memref_squeeze %dma_start3A_457 : memref<1x1x1x40xi32, #tpu.memory_space<hbm>> -> memref<40xi32, #tpu.memory_space<hbm>>
    tpu.enqueue_dma source(%dma_start3A_458 : memref<40xi32, #tpu.memory_space<hbm>>) target(%arg13 : memref<40xi32, #tpu.memory_space<vmem>>) target_semaphore(%dma_start3A_455 : memref<!tpu.dma_semaphore, #tpu.memory_space<semaphore_mem>>)
    %dma_wait3A_459 = arith.constant 3 : i32
    %dma_wait3A_460 = arith.constant 0 : i32
    %dma_wait3A_461 = arith.constant 0 : i32
    %dma_wait3A_462 = tpu.memref_slice %arg3[%dma_wait3A_460, %dma_wait3A_461] : memref<10000x128xf32, #tpu.memory_space<hbm>> -> memref<10000x128xf32, #tpu.memory_space<hbm>>
    %dma_wait3A_463 = tpu.memref_slice %arg25[%dma_wait3A_459] : memref<4x!tpu.dma_semaphore, #tpu.memory_space<semaphore_mem>> -> memref<1x!tpu.dma_semaphore, #tpu.memory_space<semaphore_mem>>
    %dma_wait3A_464 = tpu.memref_squeeze %dma_wait3A_463 : memref<1x!tpu.dma_semaphore, #tpu.memory_space<semaphore_mem>> -> memref<!tpu.dma_semaphore, #tpu.memory_space<semaphore_mem>>
    tpu.wait_indirect_dma semaphore(%dma_wait3A_464 : memref<!tpu.dma_semaphore, #tpu.memory_space<semaphore_mem>>) src(%dma_wait3A_462 : memref<10000x128xf32, #tpu.memory_space<hbm>>) dst(%arg19 : memref<40x128xf32, #tpu.memory_space<vmem>>)
    %dma_wait3A_465 = arith.constant 0 : i32
    %dma_wait3A_466 = arith.constant 3 : i32
    %dma_wait3A_467 = arith.constant 0 : i32
    %dma_wait3A_468 = arith.constant 0 : i32
    %dma_wait3A_469 = tpu.memref_slice %arg4[%dma_wait3A_465, %dma_wait3A_467, %dma_wait3A_468] : memref<8000x40x64xi32, #tpu.memory_space<hbm>> -> memref<1x40x64xi32, #tpu.memory_space<hbm>>
    %dma_wait3A_470 = tpu.memref_squeeze %dma_wait3A_469 : memref<1x40x64xi32, #tpu.memory_space<hbm>> -> memref<40x64xi32, #tpu.memory_space<hbm>>
    %dma_wait3A_471 = tpu.memref_slice %arg26[%dma_wait3A_466] : memref<4x!tpu.dma_semaphore, #tpu.memory_space<semaphore_mem>> -> memref<1x!tpu.dma_semaphore, #tpu.memory_space<semaphore_mem>>
    %dma_wait3A_472 = tpu.memref_squeeze %dma_wait3A_471 : memref<1x!tpu.dma_semaphore, #tpu.memory_space<semaphore_mem>> -> memref<!tpu.dma_semaphore, #tpu.memory_space<semaphore_mem>>
    %dma_wait3A_473 = arith.constant 0 : i32
    %dma_wait3A_474 = arith.constant 0 : i32
    %dma_wait3A_475 = tpu.memref_slice %arg4[%dma_wait3A_465, %dma_wait3A_473, %dma_wait3A_474] : memref<8000x40x64xi32, #tpu.memory_space<hbm>> -> memref<1x40x64xi32, #tpu.memory_space<hbm>>
    %dma_wait3A_476 = tpu.memref_squeeze %dma_wait3A_475 : memref<1x40x64xi32, #tpu.memory_space<hbm>> -> memref<40x64xi32, #tpu.memory_space<hbm>>
    tpu.wait_dma2 semaphore(%dma_wait3A_472 : memref<!tpu.dma_semaphore, #tpu.memory_space<semaphore_mem>>) src(%dma_wait3A_476 : memref<40x64xi32, #tpu.memory_space<hbm>>) dst(%arg23 : memref<40x64xi32, #tpu.memory_space<vmem>>)
    %scan3A_477 = arith.constant 0 : i32
    %scan3A_478 = arith.constant 0 : i32
    %scan3A_479 = arith.constant 40 : i32
    %scan3A_480 = arith.addi %scan3A_478, %scan3A_479 : i32
    %scan3A_481 = arith.constant 1 : i32
    scf.for %scan3A_626 = %scan3A_478 to %scan3A_480 step %scan3A_481  : i32 {
      %get3A = arith.index_cast %scan3A_626 : i32 to index
      %get3A_627 = arith.constant 0 : index
      %get3A_628 = tpu.vector_load %arg23[%get3A, %get3A_627] {strides = array<i32>} : memref<40x64xi32, #tpu.memory_space<vmem>>, vector<1x16xi32>,
      %get3A_629 = vector.shape_cast %get3A_628 : vector<1x16xi32> to vector<16xi32>
      %shift_left3A = arith.constant 16 : i32
      %shift_left3A_630 = vector.broadcast %shift_left3A : i32 to vector<16xi32>
      %shift_left3A_631 = arith.shli %get3A_629, %shift_left3A_630 : vector<16xi32>
      %bitcast_convert_type3A = tpu.bitcast %shift_left3A_631 : vector<16xi32> -> vector<16xf32>
      %and3A = arith.constant -65536 : i32
      %and3A_632 = vector.broadcast %and3A : i32 to vector<16xi32>
      %and3A_633 = arith.andi %get3A_629, %and3A_632 : vector<16xi32>
      %bitcast_convert_type3A_634 = tpu.bitcast %and3A_633 : vector<16xi32> -> vector<16xf32>
      %get3A_635 = arith.index_cast %scan3A_626 : i32 to index
      %get3A_636 = arith.constant 0 : index
      %get3A_637 = tpu.vector_load %arg19[%get3A_635, %get3A_636] {strides = array<i32>} : memref<40x128xf32, #tpu.memory_space<vmem>>, vector<1x16xf32>,
      %get3A_638 = vector.shape_cast %get3A_637 : vector<1x16xf32> to vector<16xf32>
      %mul3A_639 = arith.mulf %get3A_638, %bitcast_convert_type3A : vector<16xf32>
      %swap3A = arith.index_cast %scan3A_626 : i32 to index
      %swap3A_640 = arith.constant 0 : index
      %swap3A_641 = tpu.vector_load %arg19[%swap3A, %swap3A_640] {strides = array<i32>} : memref<40x128xf32, #tpu.memory_space<vmem>>, vector<1x16xf32>,
      %swap3A_642 = vector.shape_cast %swap3A_641 : vector<1x16xf32> to vector<16xf32>
      %swap3A_643 = vector.shape_cast %mul3A_639 : vector<16xf32> to vector<1x16xf32>
      tpu.vector_store %arg19[%swap3A, %swap3A_640], %swap3A_643 {strides = array<i32>} : memref<40x128xf32, #tpu.memory_space<vmem>>, vector<1x16xf32>,
      %get3A_644 = arith.index_cast %scan3A_626 : i32 to index
      %get3A_645 = arith.constant 16 : index
      %get3A_646 = tpu.vector_load %arg19[%get3A_644, %get3A_645] {strides = array<i32>} : memref<40x128xf32, #tpu.memory_space<vmem>>, vector<1x16xf32>,
      %get3A_647 = vector.shape_cast %get3A_646 : vector<1x16xf32> to vector<16xf32>
      %mul3A_648 = arith.mulf %get3A_647, %bitcast_convert_type3A_634 : vector<16xf32>
      %swap3A_649 = arith.index_cast %scan3A_626 : i32 to index
      %swap3A_650 = arith.constant 16 : index
      %swap3A_651 = tpu.vector_load %arg19[%swap3A_649, %swap3A_650] {strides = array<i32>} : memref<40x128xf32, #tpu.memory_space<vmem>>, vector<1x16xf32>,
      %swap3A_652 = vector.shape_cast %swap3A_651 : vector<1x16xf32> to vector<16xf32>
      %swap3A_653 = vector.shape_cast %mul3A_648 : vector<16xf32> to vector<1x16xf32>
      tpu.vector_store %arg19[%swap3A_649, %swap3A_650], %swap3A_653 {strides = array<i32>} : memref<40x128xf32, #tpu.memory_space<vmem>>, vector<1x16xf32>,
      %get3A_654 = arith.index_cast %scan3A_626 : i32 to index
      %get3A_655 = arith.constant 16 : index
      %get3A_656 = tpu.vector_load %arg23[%get3A_654, %get3A_655] {strides = array<i32>} : memref<40x64xi32, #tpu.memory_space<vmem>>, vector<1x16xi32>,
      %get3A_657 = vector.shape_cast %get3A_656 : vector<1x16xi32> to vector<16xi32>
      %shift_left3A_658 = arith.constant 16 : i32
      %shift_left3A_659 = vector.broadcast %shift_left3A_658 : i32 to vector<16xi32>
      %shift_left3A_660 = arith.shli %get3A_657, %shift_left3A_659 : vector<16xi32>
      %bitcast_convert_type3A_661 = tpu.bitcast %shift_left3A_660 : vector<16xi32> -> vector<16xf32>
      %and3A_662 = arith.constant -65536 : i32
      %and3A_663 = vector.broadcast %and3A_662 : i32 to vector<16xi32>
      %and3A_664 = arith.andi %get3A_657, %and3A_663 : vector<16xi32>
      %bitcast_convert_type3A_665 = tpu.bitcast %and3A_664 : vector<16xi32> -> vector<16xf32>
      %get3A_666 = arith.index_cast %scan3A_626 : i32 to index
      %get3A_667 = arith.constant 32 : index
      %get3A_668 = tpu.vector_load %arg19[%get3A_666, %get3A_667] {strides = array<i32>} : memref<40x128xf32, #tpu.memory_space<vmem>>, vector<1x16xf32>,
      %get3A_669 = vector.shape_cast %get3A_668 : vector<1x16xf32> to vector<16xf32>
      %mul3A_670 = arith.mulf %get3A_669, %bitcast_convert_type3A_661 : vector<16xf32>
      %swap3A_671 = arith.index_cast %scan3A_626 : i32 to index
      %swap3A_672 = arith.constant 32 : index
      %swap3A_673 = tpu.vector_load %arg19[%swap3A_671, %swap3A_672] {strides = array<i32>} : memref<40x128xf32, #tpu.memory_space<vmem>>, vector<1x16xf32>,
      %swap3A_674 = vector.shape_cast %swap3A_673 : vector<1x16xf32> to vector<16xf32>
      %swap3A_675 = vector.shape_cast %mul3A_670 : vector<16xf32> to vector<1x16xf32>
      tpu.vector_store %arg19[%swap3A_671, %swap3A_672], %swap3A_675 {strides = array<i32>} : memref<40x128xf32, #tpu.memory_space<vmem>>, vector<1x16xf32>,
      %get3A_676 = arith.index_cast %scan3A_626 : i32 to index
      %get3A_677 = arith.constant 48 : index
      %get3A_678 = tpu.vector_load %arg19[%get3A_676, %get3A_677] {strides = array<i32>} : memref<40x128xf32, #tpu.memory_space<vmem>>, vector<1x16xf32>,
      %get3A_679 = vector.shape_cast %get3A_678 : vector<1x16xf32> to vector<16xf32>
      %mul3A_680 = arith.mulf %get3A_679, %bitcast_convert_type3A_665 : vector<16xf32>
      %swap3A_681 = arith.index_cast %scan3A_626 : i32 to index
      %swap3A_682 = arith.constant 48 : index
      %swap3A_683 = tpu.vector_load %arg19[%swap3A_681, %swap3A_682] {strides = array<i32>} : memref<40x128xf32, #tpu.memory_space<vmem>>, vector<1x16xf32>,
      %swap3A_684 = vector.shape_cast %swap3A_683 : vector<1x16xf32> to vector<16xf32>
      %swap3A_685 = vector.shape_cast %mul3A_680 : vector<16xf32> to vector<1x16xf32>
      tpu.vector_store %arg19[%swap3A_681, %swap3A_682], %swap3A_685 {strides = array<i32>} : memref<40x128xf32, #tpu.memory_space<vmem>>, vector<1x16xf32>,
      %get3A_686 = arith.index_cast %scan3A_626 : i32 to index
      %get3A_687 = arith.constant 32 : index
      %get3A_688 = tpu.vector_load %arg23[%get3A_686, %get3A_687] {strides = array<i32>} : memref<40x64xi32, #tpu.memory_space<vmem>>, vector<1x16xi32>,
      %get3A_689 = vector.shape_cast %get3A_688 : vector<1x16xi32> to vector<16xi32>
      %shift_left3A_690 = arith.constant 16 : i32
      %shift_left3A_691 = vector.broadcast %shift_left3A_690 : i32 to vector<16xi32>
      %shift_left3A_692 = arith.shli %get3A_689, %shift_left3A_691 : vector<16xi32>
      %bitcast_convert_type3A_693 = tpu.bitcast %shift_left3A_692 : vector<16xi32> -> vector<16xf32>
      %and3A_694 = arith.constant -65536 : i32
      %and3A_695 = vector.broadcast %and3A_694 : i32 to vector<16xi32>
      %and3A_696 = arith.andi %get3A_689, %and3A_695 : vector<16xi32>
      %bitcast_convert_type3A_697 = tpu.bitcast %and3A_696 : vector<16xi32> -> vector<16xf32>
      %get3A_698 = arith.index_cast %scan3A_626 : i32 to index
      %get3A_699 = arith.constant 64 : index
      %get3A_700 = tpu.vector_load %arg19[%get3A_698, %get3A_699] {strides = array<i32>} : memref<40x128xf32, #tpu.memory_space<vmem>>, vector<1x16xf32>,
      %get3A_701 = vector.shape_cast %get3A_700 : vector<1x16xf32> to vector<16xf32>
      %mul3A_702 = arith.mulf %get3A_701, %bitcast_convert_type3A_693 : vector<16xf32>
      %swap3A_703 = arith.index_cast %scan3A_626 : i32 to index
      %swap3A_704 = arith.constant 64 : index
      %swap3A_705 = tpu.vector_load %arg19[%swap3A_703, %swap3A_704] {strides = array<i32>} : memref<40x128xf32, #tpu.memory_space<vmem>>, vector<1x16xf32>,
      %swap3A_706 = vector.shape_cast %swap3A_705 : vector<1x16xf32> to vector<16xf32>
      %swap3A_707 = vector.shape_cast %mul3A_702 : vector<16xf32> to vector<1x16xf32>
      tpu.vector_store %arg19[%swap3A_703, %swap3A_704], %swap3A_707 {strides = array<i32>} : memref<40x128xf32, #tpu.memory_space<vmem>>, vector<1x16xf32>,
      %get3A_708 = arith.index_cast %scan3A_626 : i32 to index
      %get3A_709 = arith.constant 80 : index
      %get3A_710 = tpu.vector_load %arg19[%get3A_708, %get3A_709] {strides = array<i32>} : memref<40x128xf32, #tpu.memory_space<vmem>>, vector<1x16xf32>,
      %get3A_711 = vector.shape_cast %get3A_710 : vector<1x16xf32> to vector<16xf32>
      %mul3A_712 = arith.mulf %get3A_711, %bitcast_convert_type3A_697 : vector<16xf32>
      %swap3A_713 = arith.index_cast %scan3A_626 : i32 to index
      %swap3A_714 = arith.constant 80 : index
      %swap3A_715 = tpu.vector_load %arg19[%swap3A_713, %swap3A_714] {strides = array<i32>} : memref<40x128xf32, #tpu.memory_space<vmem>>, vector<1x16xf32>,
      %swap3A_716 = vector.shape_cast %swap3A_715 : vector<1x16xf32> to vector<16xf32>
      %swap3A_717 = vector.shape_cast %mul3A_712 : vector<16xf32> to vector<1x16xf32>
      tpu.vector_store %arg19[%swap3A_713, %swap3A_714], %swap3A_717 {strides = array<i32>} : memref<40x128xf32, #tpu.memory_space<vmem>>, vector<1x16xf32>,
      %get3A_718 = arith.index_cast %scan3A_626 : i32 to index
      %get3A_719 = arith.constant 48 : index
      %get3A_720 = tpu.vector_load %arg23[%get3A_718, %get3A_719] {strides = array<i32>} : memref<40x64xi32, #tpu.memory_space<vmem>>, vector<1x16xi32>,
      %get3A_721 = vector.shape_cast %get3A_720 : vector<1x16xi32> to vector<16xi32>
      %shift_left3A_722 = arith.constant 16 : i32
      %shift_left3A_723 = vector.broadcast %shift_left3A_722 : i32 to vector<16xi32>
      %shift_left3A_724 = arith.shli %get3A_721, %shift_left3A_723 : vector<16xi32>
      %bitcast_convert_type3A_725 = tpu.bitcast %shift_left3A_724 : vector<16xi32> -> vector<16xf32>
      %and3A_726 = arith.constant -65536 : i32
      %and3A_727 = vector.broadcast %and3A_726 : i32 to vector<16xi32>
      %and3A_728 = arith.andi %get3A_721, %and3A_727 : vector<16xi32>
      %bitcast_convert_type3A_729 = tpu.bitcast %and3A_728 : vector<16xi32> -> vector<16xf32>
      %get3A_730 = arith.index_cast %scan3A_626 : i32 to index
      %get3A_731 = arith.constant 96 : index
      %get3A_732 = tpu.vector_load %arg19[%get3A_730, %get3A_731] {strides = array<i32>} : memref<40x128xf32, #tpu.memory_space<vmem>>, vector<1x16xf32>,
      %get3A_733 = vector.shape_cast %get3A_732 : vector<1x16xf32> to vector<16xf32>
      %mul3A_734 = arith.mulf %get3A_733, %bitcast_convert_type3A_725 : vector<16xf32>
      %swap3A_735 = arith.index_cast %scan3A_626 : i32 to index
      %swap3A_736 = arith.constant 96 : index
      %swap3A_737 = tpu.vector_load %arg19[%swap3A_735, %swap3A_736] {strides = array<i32>} : memref<40x128xf32, #tpu.memory_space<vmem>>, vector<1x16xf32>,
      %swap3A_738 = vector.shape_cast %swap3A_737 : vector<1x16xf32> to vector<16xf32>
      %swap3A_739 = vector.shape_cast %mul3A_734 : vector<16xf32> to vector<1x16xf32>
      tpu.vector_store %arg19[%swap3A_735, %swap3A_736], %swap3A_739 {strides = array<i32>} : memref<40x128xf32, #tpu.memory_space<vmem>>, vector<1x16xf32>,
      %get3A_740 = arith.index_cast %scan3A_626 : i32 to index
      %get3A_741 = arith.constant 112 : index
      %get3A_742 = tpu.vector_load %arg19[%get3A_740, %get3A_741] {strides = array<i32>} : memref<40x128xf32, #tpu.memory_space<vmem>>, vector<1x16xf32>,
      %get3A_743 = vector.shape_cast %get3A_742 : vector<1x16xf32> to vector<16xf32>
      %mul3A_744 = arith.mulf %get3A_743, %bitcast_convert_type3A_729 : vector<16xf32>
      %swap3A_745 = arith.index_cast %scan3A_626 : i32 to index
      %swap3A_746 = arith.constant 112 : index
      %swap3A_747 = tpu.vector_load %arg19[%swap3A_745, %swap3A_746] {strides = array<i32>} : memref<40x128xf32, #tpu.memory_space<vmem>>, vector<1x16xf32>,
      %swap3A_748 = vector.shape_cast %swap3A_747 : vector<1x16xf32> to vector<16xf32>
      %swap3A_749 = vector.shape_cast %mul3A_744 : vector<16xf32> to vector<1x16xf32>
      tpu.vector_store %arg19[%swap3A_745, %swap3A_746], %swap3A_749 {strides = array<i32>} : memref<40x128xf32, #tpu.memory_space<vmem>>, vector<1x16xf32>,
    }
    %scan3A_482 = arith.constant 40 : i32
    %dma_start3A_483 = arith.constant 3 : i32
    %dma_start3A_484 = arith.constant 0 : i32
    %dma_start3A_485 = arith.constant 0 : i32
    %dma_start3A_486 = tpu.memref_slice %arg7[%dma_start3A_484, %dma_start3A_485] : memref<10000x128xf32, #tpu.memory_space<vmem_shared>> -> memref<10000x128xf32, #tpu.memory_space<vmem_shared>>
    %dma_start3A_487 = tpu.memref_slice %arg27[%dma_start3A_483] : memref<4x!tpu.dma_semaphore, #tpu.memory_space<semaphore_mem>> -> memref<1x!tpu.dma_semaphore, #tpu.memory_space<semaphore_mem>>
    %dma_start3A_488 = tpu.memref_squeeze %dma_start3A_487 : memref<1x!tpu.dma_semaphore, #tpu.memory_space<semaphore_mem>> -> memref<!tpu.dma_semaphore, #tpu.memory_space<semaphore_mem>>
    tpu.enqueue_indirect_dma source(%arg19 : memref<40x128xf32, #tpu.memory_space<vmem>>) target(%dma_start3A_486 : memref<10000x128xf32, #tpu.memory_space<vmem_shared>>) offsets(%arg15 : memref<40xi32, #tpu.memory_space<vmem>>) semaphore(%dma_start3A_488 : memref<!tpu.dma_semaphore, #tpu.memory_space<semaphore_mem>>) {add = true}
    %dma_wait3A_489 = arith.constant 1 : i32
    %dma_wait3A_490 = arith.constant 0 : i32
    %dma_wait3A_491 = arith.constant 1 : i32
    %dma_wait3A_492 = arith.constant 0 : i32
    %dma_wait3A_493 = tpu.memref_slice %arg5[%dma_wait3A_489, %add3A, %dma_wait3A_490, %dma_wait3A_492] : memref<2x32x250x40xi32, #tpu.memory_space<hbm>> -> memref<1x1x1x40xi32, #tpu.memory_space<hbm>>
    %dma_wait3A_494 = tpu.memref_squeeze %dma_wait3A_493 : memref<1x1x1x40xi32, #tpu.memory_space<hbm>> -> memref<40xi32, #tpu.memory_space<hbm>>
    %dma_wait3A_495 = tpu.memref_slice %arg24[%dma_wait3A_491] : memref<4x!tpu.dma_semaphore, #tpu.memory_space<semaphore_mem>> -> memref<1x!tpu.dma_semaphore, #tpu.memory_space<semaphore_mem>>
    %dma_wait3A_496 = tpu.memref_squeeze %dma_wait3A_495 : memref<1x!tpu.dma_semaphore, #tpu.memory_space<semaphore_mem>> -> memref<!tpu.dma_semaphore, #tpu.memory_space<semaphore_mem>>
    %dma_wait3A_497 = arith.constant 0 : i32
    %dma_wait3A_498 = tpu.memref_slice %arg5[%dma_wait3A_489, %add3A, %dma_wait3A_490, %dma_wait3A_497] : memref<2x32x250x40xi32, #tpu.memory_space<hbm>> -> memref<1x1x1x40xi32, #tpu.memory_space<hbm>>
    %dma_wait3A_499 = tpu.memref_squeeze %dma_wait3A_498 : memref<1x1x1x40xi32, #tpu.memory_space<hbm>> -> memref<40xi32, #tpu.memory_space<hbm>>
    tpu.wait_dma2 semaphore(%dma_wait3A_496 : memref<!tpu.dma_semaphore, #tpu.memory_space<semaphore_mem>>) src(%dma_wait3A_499 : memref<40xi32, #tpu.memory_space<hbm>>) dst(%arg9 : memref<40xi32, #tpu.memory_space<vmem>>)
    %dma_wait3A_500 = arith.constant 0 : i32
    %dma_wait3A_501 = arith.constant 0 : i32
    %dma_wait3A_502 = arith.constant 1 : i32
    %dma_wait3A_503 = arith.constant 0 : i32
    %dma_wait3A_504 = tpu.memref_slice %arg5[%dma_wait3A_500, %add3A, %dma_wait3A_501, %dma_wait3A_503] : memref<2x32x250x40xi32, #tpu.memory_space<hbm>> -> memref<1x1x1x40xi32, #tpu.memory_space<hbm>>
    %dma_wait3A_505 = tpu.memref_squeeze %dma_wait3A_504 : memref<1x1x1x40xi32, #tpu.memory_space<hbm>> -> memref<40xi32, #tpu.memory_space<hbm>>
    %dma_wait3A_506 = tpu.memref_slice %arg24[%dma_wait3A_502] : memref<4x!tpu.dma_semaphore, #tpu.memory_space<semaphore_mem>> -> memref<1x!tpu.dma_semaphore, #tpu.memory_space<semaphore_mem>>
    %dma_wait3A_507 = tpu.memref_squeeze %dma_wait3A_506 : memref<1x!tpu.dma_semaphore, #tpu.memory_space<semaphore_mem>> -> memref<!tpu.dma_semaphore, #tpu.memory_space<semaphore_mem>>
    %dma_wait3A_508 = arith.constant 0 : i32
    %dma_wait3A_509 = tpu.memref_slice %arg5[%dma_wait3A_500, %add3A, %dma_wait3A_501, %dma_wait3A_508] : memref<2x32x250x40xi32, #tpu.memory_space<hbm>> -> memref<1x1x1x40xi32, #tpu.memory_space<hbm>>
    %dma_wait3A_510 = tpu.memref_squeeze %dma_wait3A_509 : memref<1x1x1x40xi32, #tpu.memory_space<hbm>> -> memref<40xi32, #tpu.memory_space<hbm>>
    tpu.wait_dma2 semaphore(%dma_wait3A_507 : memref<!tpu.dma_semaphore, #tpu.memory_space<semaphore_mem>>) src(%dma_wait3A_510 : memref<40xi32, #tpu.memory_space<hbm>>) dst(%arg13 : memref<40xi32, #tpu.memory_space<vmem>>)
    %dma_start3A_511 = arith.constant 1 : i32
    %dma_start3A_512 = arith.constant 0 : i32
    %dma_start3A_513 = arith.constant 0 : i32
    %dma_start3A_514 = tpu.memref_slice %arg3[%dma_start3A_512, %dma_start3A_513] : memref<10000x128xf32, #tpu.memory_space<hbm>> -> memref<10000x128xf32, #tpu.memory_space<hbm>>
    %dma_start3A_515 = tpu.memref_slice %arg25[%dma_start3A_511] : memref<4x!tpu.dma_semaphore, #tpu.memory_space<semaphore_mem>> -> memref<1x!tpu.dma_semaphore, #tpu.memory_space<semaphore_mem>>
    %dma_start3A_516 = tpu.memref_squeeze %dma_start3A_515 : memref<1x!tpu.dma_semaphore, #tpu.memory_space<semaphore_mem>> -> memref<!tpu.dma_semaphore, #tpu.memory_space<semaphore_mem>>
    tpu.enqueue_indirect_dma source(%dma_start3A_514 : memref<10000x128xf32, #tpu.memory_space<hbm>>) target(%arg17 : memref<40x128xf32, #tpu.memory_space<vmem>>) offsets(%arg9 : memref<40xi32, #tpu.memory_space<vmem>>) semaphore(%dma_start3A_516 : memref<!tpu.dma_semaphore, #tpu.memory_space<semaphore_mem>>)
    %mul3A_517 = arith.constant 250 : i32
    %mul3A_518 = arith.muli %add3A, %mul3A_517 : i32
    %add3A_519 = arith.constant 249 : i32
    %add3A_520 = arith.addi %mul3A_518, %add3A_519 : i32
    %dma_start3A_521 = arith.constant 1 : i32
    %dma_start3A_522 = arith.constant 0 : i32
    %dma_start3A_523 = arith.constant 0 : i32
    %dma_start3A_524 = tpu.memref_slice %arg4[%add3A_520, %dma_start3A_522, %dma_start3A_523] : memref<8000x40x64xi32, #tpu.memory_space<hbm>> -> memref<1x40x64xi32, #tpu.memory_space<hbm>>
    %dma_start3A_525 = tpu.memref_squeeze %dma_start3A_524 : memref<1x40x64xi32, #tpu.memory_space<hbm>> -> memref<40x64xi32, #tpu.memory_space<hbm>>
    %dma_start3A_526 = tpu.memref_slice %arg26[%dma_start3A_521] : memref<4x!tpu.dma_semaphore, #tpu.memory_space<semaphore_mem>> -> memref<1x!tpu.dma_semaphore, #tpu.memory_space<semaphore_mem>>
    %dma_start3A_527 = tpu.memref_squeeze %dma_start3A_526 : memref<1x!tpu.dma_semaphore, #tpu.memory_space<semaphore_mem>> -> memref<!tpu.dma_semaphore, #tpu.memory_space<semaphore_mem>>
    %dma_start3A_528 = arith.constant 0 : i32
    %dma_start3A_529 = arith.constant 0 : i32
    %dma_start3A_530 = tpu.memref_slice %arg4[%add3A_520, %dma_start3A_528, %dma_start3A_529] : memref<8000x40x64xi32, #tpu.memory_space<hbm>> -> memref<1x40x64xi32, #tpu.memory_space<hbm>>
    %dma_start3A_531 = tpu.memref_squeeze %dma_start3A_530 : memref<1x40x64xi32, #tpu.memory_space<hbm>> -> memref<40x64xi32, #tpu.memory_space<hbm>>
    tpu.enqueue_dma source(%dma_start3A_531 : memref<40x64xi32, #tpu.memory_space<hbm>>) target(%arg21 : memref<40x64xi32, #tpu.memory_space<vmem>>) target_semaphore(%dma_start3A_527 : memref<!tpu.dma_semaphore, #tpu.memory_space<semaphore_mem>>)
    %dma_wait3A_532 = arith.constant 2 : i32
    %dma_wait3A_533 = arith.constant 0 : i32
    %dma_wait3A_534 = arith.constant 0 : i32
    %dma_wait3A_535 = tpu.memref_slice %arg7[%dma_wait3A_533, %dma_wait3A_534] : memref<10000x128xf32, #tpu.memory_space<vmem_shared>> -> memref<10000x128xf32, #tpu.memory_space<vmem_shared>>
    %dma_wait3A_536 = tpu.memref_slice %arg27[%dma_wait3A_532] : memref<4x!tpu.dma_semaphore, #tpu.memory_space<semaphore_mem>> -> memref<1x!tpu.dma_semaphore, #tpu.memory_space<semaphore_mem>>
    %dma_wait3A_537 = tpu.memref_squeeze %dma_wait3A_536 : memref<1x!tpu.dma_semaphore, #tpu.memory_space<semaphore_mem>> -> memref<!tpu.dma_semaphore, #tpu.memory_space<semaphore_mem>>
    tpu.wait_indirect_dma semaphore(%dma_wait3A_537 : memref<!tpu.dma_semaphore, #tpu.memory_space<semaphore_mem>>) src(%arg18 : memref<40x128xf32, #tpu.memory_space<vmem>>) dst(%dma_wait3A_535 : memref<10000x128xf32, #tpu.memory_space<vmem_shared>>)
    %dma_wait3A_538 = arith.constant 0 : i32
    %dma_wait3A_539 = arith.constant 0 : i32
    %dma_wait3A_540 = arith.constant 0 : i32
    %dma_wait3A_541 = tpu.memref_slice %arg3[%dma_wait3A_539, %dma_wait3A_540] : memref<10000x128xf32, #tpu.memory_space<hbm>> -> memref<10000x128xf32, #tpu.memory_space<hbm>>
    %dma_wait3A_542 = tpu.memref_slice %arg25[%dma_wait3A_538] : memref<4x!tpu.dma_semaphore, #tpu.memory_space<semaphore_mem>> -> memref<1x!tpu.dma_semaphore, #tpu.memory_space<semaphore_mem>>
    %dma_wait3A_543 = tpu.memref_squeeze %dma_wait3A_542 : memref<1x!tpu.dma_semaphore, #tpu.memory_space<semaphore_mem>> -> memref<!tpu.dma_semaphore, #tpu.memory_space<semaphore_mem>>
    tpu.wait_indirect_dma semaphore(%dma_wait3A_543 : memref<!tpu.dma_semaphore, #tpu.memory_space<semaphore_mem>>) src(%dma_wait3A_541 : memref<10000x128xf32, #tpu.memory_space<hbm>>) dst(%arg16 : memref<40x128xf32, #tpu.memory_space<vmem>>)
    %dma_wait3A_544 = arith.constant 0 : i32
    %dma_wait3A_545 = arith.constant 0 : i32
    %dma_wait3A_546 = arith.constant 0 : i32
    %dma_wait3A_547 = arith.constant 0 : i32
    %dma_wait3A_548 = tpu.memref_slice %arg4[%dma_wait3A_544, %dma_wait3A_546, %dma_wait3A_547] : memref<8000x40x64xi32, #tpu.memory_space<hbm>> -> memref<1x40x64xi32, #tpu.memory_space<hbm>>
    %dma_wait3A_549 = tpu.memref_squeeze %dma_wait3A_548 : memref<1x40x64xi32, #tpu.memory_space<hbm>> -> memref<40x64xi32, #tpu.memory_space<hbm>>
    %dma_wait3A_550 = tpu.memref_slice %arg26[%dma_wait3A_545] : memref<4x!tpu.dma_semaphore, #tpu.memory_space<semaphore_mem>> -> memref<1x!tpu.dma_semaphore, #tpu.memory_space<semaphore_mem>>
    %dma_wait3A_551 = tpu.memref_squeeze %dma_wait3A_550 : memref<1x!tpu.dma_semaphore, #tpu.memory_space<semaphore_mem>> -> memref<!tpu.dma_semaphore, #tpu.memory_space<semaphore_mem>>
    %dma_wait3A_552 = arith.constant 0 : i32
    %dma_wait3A_553 = arith.constant 0 : i32
    %dma_wait3A_554 = tpu.memref_slice %arg4[%dma_wait3A_544, %dma_wait3A_552, %dma_wait3A_553] : memref<8000x40x64xi32, #tpu.memory_space<hbm>> -> memref<1x40x64xi32, #tpu.memory_space<hbm>>
    %dma_wait3A_555 = tpu.memref_squeeze %dma_wait3A_554 : memref<1x40x64xi32, #tpu.memory_space<hbm>> -> memref<40x64xi32, #tpu.memory_space<hbm>>
    tpu.wait_dma2 semaphore(%dma_wait3A_551 : memref<!tpu.dma_semaphore, #tpu.memory_space<semaphore_mem>>) src(%dma_wait3A_555 : memref<40x64xi32, #tpu.memory_space<hbm>>) dst(%arg20 : memref<40x64xi32, #tpu.memory_space<vmem>>)
    %scan3A_556 = arith.constant 0 : i32
    %scan3A_557 = arith.constant 0 : i32
    %scan3A_558 = arith.constant 40 : i32
    %scan3A_559 = arith.addi %scan3A_557, %scan3A_558 : i32
    %scan3A_560 = arith.constant 1 : i32
    scf.for %scan3A_626 = %scan3A_557 to %scan3A_559 step %scan3A_560  : i32 {
      %get3A = arith.index_cast %scan3A_626 : i32 to index
      %get3A_627 = arith.constant 0 : index
      %get3A_628 = tpu.vector_load %arg20[%get3A, %get3A_627] {strides = array<i32>} : memref<40x64xi32, #tpu.memory_space<vmem>>, vector<1x16xi32>,
      %get3A_629 = vector.shape_cast %get3A_628 : vector<1x16xi32> to vector<16xi32>
      %shift_left3A = arith.constant 16 : i32
      %shift_left3A_630 = vector.broadcast %shift_left3A : i32 to vector<16xi32>
      %shift_left3A_631 = arith.shli %get3A_629, %shift_left3A_630 : vector<16xi32>
      %bitcast_convert_type3A = tpu.bitcast %shift_left3A_631 : vector<16xi32> -> vector<16xf32>
      %and3A = arith.constant -65536 : i32
      %and3A_632 = vector.broadcast %and3A : i32 to vector<16xi32>
      %and3A_633 = arith.andi %get3A_629, %and3A_632 : vector<16xi32>
      %bitcast_convert_type3A_634 = tpu.bitcast %and3A_633 : vector<16xi32> -> vector<16xf32>
      %get3A_635 = arith.index_cast %scan3A_626 : i32 to index
      %get3A_636 = arith.constant 0 : index
      %get3A_637 = tpu.vector_load %arg16[%get3A_635, %get3A_636] {strides = array<i32>} : memref<40x128xf32, #tpu.memory_space<vmem>>, vector<1x16xf32>,
      %get3A_638 = vector.shape_cast %get3A_637 : vector<1x16xf32> to vector<16xf32>
      %mul3A_639 = arith.mulf %get3A_638, %bitcast_convert_type3A : vector<16xf32>
      %swap3A = arith.index_cast %scan3A_626 : i32 to index
      %swap3A_640 = arith.constant 0 : index
      %swap3A_641 = tpu.vector_load %arg16[%swap3A, %swap3A_640] {strides = array<i32>} : memref<40x128xf32, #tpu.memory_space<vmem>>, vector<1x16xf32>,
      %swap3A_642 = vector.shape_cast %swap3A_641 : vector<1x16xf32> to vector<16xf32>
      %swap3A_643 = vector.shape_cast %mul3A_639 : vector<16xf32> to vector<1x16xf32>
      tpu.vector_store %arg16[%swap3A, %swap3A_640], %swap3A_643 {strides = array<i32>} : memref<40x128xf32, #tpu.memory_space<vmem>>, vector<1x16xf32>,
      %get3A_644 = arith.index_cast %scan3A_626 : i32 to index
      %get3A_645 = arith.constant 16 : index
      %get3A_646 = tpu.vector_load %arg16[%get3A_644, %get3A_645] {strides = array<i32>} : memref<40x128xf32, #tpu.memory_space<vmem>>, vector<1x16xf32>,
      %get3A_647 = vector.shape_cast %get3A_646 : vector<1x16xf32> to vector<16xf32>
      %mul3A_648 = arith.mulf %get3A_647, %bitcast_convert_type3A_634 : vector<16xf32>
      %swap3A_649 = arith.index_cast %scan3A_626 : i32 to index
      %swap3A_650 = arith.constant 16 : index
      %swap3A_651 = tpu.vector_load %arg16[%swap3A_649, %swap3A_650] {strides = array<i32>} : memref<40x128xf32, #tpu.memory_space<vmem>>, vector<1x16xf32>,
      %swap3A_652 = vector.shape_cast %swap3A_651 : vector<1x16xf32> to vector<16xf32>
      %swap3A_653 = vector.shape_cast %mul3A_648 : vector<16xf32> to vector<1x16xf32>
      tpu.vector_store %arg16[%swap3A_649, %swap3A_650], %swap3A_653 {strides = array<i32>} : memref<40x128xf32, #tpu.memory_space<vmem>>, vector<1x16xf32>,
      %get3A_654 = arith.index_cast %scan3A_626 : i32 to index
      %get3A_655 = arith.constant 16 : index
      %get3A_656 = tpu.vector_load %arg20[%get3A_654, %get3A_655] {strides = array<i32>} : memref<40x64xi32, #tpu.memory_space<vmem>>, vector<1x16xi32>,
      %get3A_657 = vector.shape_cast %get3A_656 : vector<1x16xi32> to vector<16xi32>
      %shift_left3A_658 = arith.constant 16 : i32
      %shift_left3A_659 = vector.broadcast %shift_left3A_658 : i32 to vector<16xi32>
      %shift_left3A_660 = arith.shli %get3A_657, %shift_left3A_659 : vector<16xi32>
      %bitcast_convert_type3A_661 = tpu.bitcast %shift_left3A_660 : vector<16xi32> -> vector<16xf32>
      %and3A_662 = arith.constant -65536 : i32
      %and3A_663 = vector.broadcast %and3A_662 : i32 to vector<16xi32>
      %and3A_664 = arith.andi %get3A_657, %and3A_663 : vector<16xi32>
      %bitcast_convert_type3A_665 = tpu.bitcast %and3A_664 : vector<16xi32> -> vector<16xf32>
      %get3A_666 = arith.index_cast %scan3A_626 : i32 to index
      %get3A_667 = arith.constant 32 : index
      %get3A_668 = tpu.vector_load %arg16[%get3A_666, %get3A_667] {strides = array<i32>} : memref<40x128xf32, #tpu.memory_space<vmem>>, vector<1x16xf32>,
      %get3A_669 = vector.shape_cast %get3A_668 : vector<1x16xf32> to vector<16xf32>
      %mul3A_670 = arith.mulf %get3A_669, %bitcast_convert_type3A_661 : vector<16xf32>
      %swap3A_671 = arith.index_cast %scan3A_626 : i32 to index
      %swap3A_672 = arith.constant 32 : index
      %swap3A_673 = tpu.vector_load %arg16[%swap3A_671, %swap3A_672] {strides = array<i32>} : memref<40x128xf32, #tpu.memory_space<vmem>>, vector<1x16xf32>,
      %swap3A_674 = vector.shape_cast %swap3A_673 : vector<1x16xf32> to vector<16xf32>
      %swap3A_675 = vector.shape_cast %mul3A_670 : vector<16xf32> to vector<1x16xf32>
      tpu.vector_store %arg16[%swap3A_671, %swap3A_672], %swap3A_675 {strides = array<i32>} : memref<40x128xf32, #tpu.memory_space<vmem>>, vector<1x16xf32>,
      %get3A_676 = arith.index_cast %scan3A_626 : i32 to index
      %get3A_677 = arith.constant 48 : index
      %get3A_678 = tpu.vector_load %arg16[%get3A_676, %get3A_677] {strides = array<i32>} : memref<40x128xf32, #tpu.memory_space<vmem>>, vector<1x16xf32>,
      %get3A_679 = vector.shape_cast %get3A_678 : vector<1x16xf32> to vector<16xf32>
      %mul3A_680 = arith.mulf %get3A_679, %bitcast_convert_type3A_665 : vector<16xf32>
      %swap3A_681 = arith.index_cast %scan3A_626 : i32 to index
      %swap3A_682 = arith.constant 48 : index
      %swap3A_683 = tpu.vector_load %arg16[%swap3A_681, %swap3A_682] {strides = array<i32>} : memref<40x128xf32, #tpu.memory_space<vmem>>, vector<1x16xf32>,
      %swap3A_684 = vector.shape_cast %swap3A_683 : vector<1x16xf32> to vector<16xf32>
      %swap3A_685 = vector.shape_cast %mul3A_680 : vector<16xf32> to vector<1x16xf32>
      tpu.vector_store %arg16[%swap3A_681, %swap3A_682], %swap3A_685 {strides = array<i32>} : memref<40x128xf32, #tpu.memory_space<vmem>>, vector<1x16xf32>,
      %get3A_686 = arith.index_cast %scan3A_626 : i32 to index
      %get3A_687 = arith.constant 32 : index
      %get3A_688 = tpu.vector_load %arg20[%get3A_686, %get3A_687] {strides = array<i32>} : memref<40x64xi32, #tpu.memory_space<vmem>>, vector<1x16xi32>,
      %get3A_689 = vector.shape_cast %get3A_688 : vector<1x16xi32> to vector<16xi32>
      %shift_left3A_690 = arith.constant 16 : i32
      %shift_left3A_691 = vector.broadcast %shift_left3A_690 : i32 to vector<16xi32>
      %shift_left3A_692 = arith.shli %get3A_689, %shift_left3A_691 : vector<16xi32>
      %bitcast_convert_type3A_693 = tpu.bitcast %shift_left3A_692 : vector<16xi32> -> vector<16xf32>
      %and3A_694 = arith.constant -65536 : i32
      %and3A_695 = vector.broadcast %and3A_694 : i32 to vector<16xi32>
      %and3A_696 = arith.andi %get3A_689, %and3A_695 : vector<16xi32>
      %bitcast_convert_type3A_697 = tpu.bitcast %and3A_696 : vector<16xi32> -> vector<16xf32>
      %get3A_698 = arith.index_cast %scan3A_626 : i32 to index
      %get3A_699 = arith.constant 64 : index
      %get3A_700 = tpu.vector_load %arg16[%get3A_698, %get3A_699] {strides = array<i32>} : memref<40x128xf32, #tpu.memory_space<vmem>>, vector<1x16xf32>,
      %get3A_701 = vector.shape_cast %get3A_700 : vector<1x16xf32> to vector<16xf32>
      %mul3A_702 = arith.mulf %get3A_701, %bitcast_convert_type3A_693 : vector<16xf32>
      %swap3A_703 = arith.index_cast %scan3A_626 : i32 to index
      %swap3A_704 = arith.constant 64 : index
      %swap3A_705 = tpu.vector_load %arg16[%swap3A_703, %swap3A_704] {strides = array<i32>} : memref<40x128xf32, #tpu.memory_space<vmem>>, vector<1x16xf32>,
      %swap3A_706 = vector.shape_cast %swap3A_705 : vector<1x16xf32> to vector<16xf32>
      %swap3A_707 = vector.shape_cast %mul3A_702 : vector<16xf32> to vector<1x16xf32>
      tpu.vector_store %arg16[%swap3A_703, %swap3A_704], %swap3A_707 {strides = array<i32>} : memref<40x128xf32, #tpu.memory_space<vmem>>, vector<1x16xf32>,
      %get3A_708 = arith.index_cast %scan3A_626 : i32 to index
      %get3A_709 = arith.constant 80 : index
      %get3A_710 = tpu.vector_load %arg16[%get3A_708, %get3A_709] {strides = array<i32>} : memref<40x128xf32, #tpu.memory_space<vmem>>, vector<1x16xf32>,
      %get3A_711 = vector.shape_cast %get3A_710 : vector<1x16xf32> to vector<16xf32>
      %mul3A_712 = arith.mulf %get3A_711, %bitcast_convert_type3A_697 : vector<16xf32>
      %swap3A_713 = arith.index_cast %scan3A_626 : i32 to index
      %swap3A_714 = arith.constant 80 : index
      %swap3A_715 = tpu.vector_load %arg16[%swap3A_713, %swap3A_714] {strides = array<i32>} : memref<40x128xf32, #tpu.memory_space<vmem>>, vector<1x16xf32>,
      %swap3A_716 = vector.shape_cast %swap3A_715 : vector<1x16xf32> to vector<16xf32>
      %swap3A_717 = vector.shape_cast %mul3A_712 : vector<16xf32> to vector<1x16xf32>
      tpu.vector_store %arg16[%swap3A_713, %swap3A_714], %swap3A_717 {strides = array<i32>} : memref<40x128xf32, #tpu.memory_space<vmem>>, vector<1x16xf32>,
      %get3A_718 = arith.index_cast %scan3A_626 : i32 to index
      %get3A_719 = arith.constant 48 : index
      %get3A_720 = tpu.vector_load %arg20[%get3A_718, %get3A_719] {strides = array<i32>} : memref<40x64xi32, #tpu.memory_space<vmem>>, vector<1x16xi32>,
      %get3A_721 = vector.shape_cast %get3A_720 : vector<1x16xi32> to vector<16xi32>
      %shift_left3A_722 = arith.constant 16 : i32
      %shift_left3A_723 = vector.broadcast %shift_left3A_722 : i32 to vector<16xi32>
      %shift_left3A_724 = arith.shli %get3A_721, %shift_left3A_723 : vector<16xi32>
      %bitcast_convert_type3A_725 = tpu.bitcast %shift_left3A_724 : vector<16xi32> -> vector<16xf32>
      %and3A_726 = arith.constant -65536 : i32
      %and3A_727 = vector.broadcast %and3A_726 : i32 to vector<16xi32>
      %and3A_728 = arith.andi %get3A_721, %and3A_727 : vector<16xi32>
      %bitcast_convert_type3A_729 = tpu.bitcast %and3A_728 : vector<16xi32> -> vector<16xf32>
      %get3A_730 = arith.index_cast %scan3A_626 : i32 to index
      %get3A_731 = arith.constant 96 : index
      %get3A_732 = tpu.vector_load %arg16[%get3A_730, %get3A_731] {strides = array<i32>} : memref<40x128xf32, #tpu.memory_space<vmem>>, vector<1x16xf32>,
      %get3A_733 = vector.shape_cast %get3A_732 : vector<1x16xf32> to vector<16xf32>
      %mul3A_734 = arith.mulf %get3A_733, %bitcast_convert_type3A_725 : vector<16xf32>
      %swap3A_735 = arith.index_cast %scan3A_626 : i32 to index
      %swap3A_736 = arith.constant 96 : index
      %swap3A_737 = tpu.vector_load %arg16[%swap3A_735, %swap3A_736] {strides = array<i32>} : memref<40x128xf32, #tpu.memory_space<vmem>>, vector<1x16xf32>,
      %swap3A_738 = vector.shape_cast %swap3A_737 : vector<1x16xf32> to vector<16xf32>
      %swap3A_739 = vector.shape_cast %mul3A_734 : vector<16xf32> to vector<1x16xf32>
      tpu.vector_store %arg16[%swap3A_735, %swap3A_736], %swap3A_739 {strides = array<i32>} : memref<40x128xf32, #tpu.memory_space<vmem>>, vector<1x16xf32>,
      %get3A_740 = arith.index_cast %scan3A_626 : i32 to index
      %get3A_741 = arith.constant 112 : index
      %get3A_742 = tpu.vector_load %arg16[%get3A_740, %get3A_741] {strides = array<i32>} : memref<40x128xf32, #tpu.memory_space<vmem>>, vector<1x16xf32>,
      %get3A_743 = vector.shape_cast %get3A_742 : vector<1x16xf32> to vector<16xf32>
      %mul3A_744 = arith.mulf %get3A_743, %bitcast_convert_type3A_729 : vector<16xf32>
      %swap3A_745 = arith.index_cast %scan3A_626 : i32 to index
      %swap3A_746 = arith.constant 112 : index
      %swap3A_747 = tpu.vector_load %arg16[%swap3A_745, %swap3A_746] {strides = array<i32>} : memref<40x128xf32, #tpu.memory_space<vmem>>, vector<1x16xf32>,
      %swap3A_748 = vector.shape_cast %swap3A_747 : vector<1x16xf32> to vector<16xf32>
      %swap3A_749 = vector.shape_cast %mul3A_744 : vector<16xf32> to vector<1x16xf32>
      tpu.vector_store %arg16[%swap3A_745, %swap3A_746], %swap3A_749 {strides = array<i32>} : memref<40x128xf32, #tpu.memory_space<vmem>>, vector<1x16xf32>,
    }
    %scan3A_561 = arith.constant 40 : i32
    %dma_start3A_562 = arith.constant 0 : i32
    %dma_start3A_563 = arith.constant 0 : i32
    %dma_start3A_564 = arith.constant 0 : i32
    %dma_start3A_565 = tpu.memref_slice %arg7[%dma_start3A_563, %dma_start3A_564] : memref<10000x128xf32, #tpu.memory_space<vmem_shared>> -> memref<10000x128xf32, #tpu.memory_space<vmem_shared>>
    %dma_start3A_566 = tpu.memref_slice %arg27[%dma_start3A_562] : memref<4x!tpu.dma_semaphore, #tpu.memory_space<semaphore_mem>> -> memref<1x!tpu.dma_semaphore, #tpu.memory_space<semaphore_mem>>
    %dma_start3A_567 = tpu.memref_squeeze %dma_start3A_566 : memref<1x!tpu.dma_semaphore, #tpu.memory_space<semaphore_mem>> -> memref<!tpu.dma_semaphore, #tpu.memory_space<semaphore_mem>>
    tpu.enqueue_indirect_dma source(%arg16 : memref<40x128xf32, #tpu.memory_space<vmem>>) target(%dma_start3A_565 : memref<10000x128xf32, #tpu.memory_space<vmem_shared>>) offsets(%arg12 : memref<40xi32, #tpu.memory_space<vmem>>) semaphore(%dma_start3A_567 : memref<!tpu.dma_semaphore, #tpu.memory_space<semaphore_mem>>) {add = true}
    %dma_wait3A_568 = arith.constant 3 : i32
    %dma_wait3A_569 = arith.constant 0 : i32
    %dma_wait3A_570 = arith.constant 0 : i32
    %dma_wait3A_571 = tpu.memref_slice %arg7[%dma_wait3A_569, %dma_wait3A_570] : memref<10000x128xf32, #tpu.memory_space<vmem_shared>> -> memref<10000x128xf32, #tpu.memory_space<vmem_shared>>
    %dma_wait3A_572 = tpu.memref_slice %arg27[%dma_wait3A_568] : memref<4x!tpu.dma_semaphore, #tpu.memory_space<semaphore_mem>> -> memref<1x!tpu.dma_semaphore, #tpu.memory_space<semaphore_mem>>
    %dma_wait3A_573 = tpu.memref_squeeze %dma_wait3A_572 : memref<1x!tpu.dma_semaphore, #tpu.memory_space<semaphore_mem>> -> memref<!tpu.dma_semaphore, #tpu.memory_space<semaphore_mem>>
    tpu.wait_indirect_dma semaphore(%dma_wait3A_573 : memref<!tpu.dma_semaphore, #tpu.memory_space<semaphore_mem>>) src(%arg19 : memref<40x128xf32, #tpu.memory_space<vmem>>) dst(%dma_wait3A_571 : memref<10000x128xf32, #tpu.memory_space<vmem_shared>>)
    %dma_wait3A_574 = arith.constant 1 : i32
    %dma_wait3A_575 = arith.constant 0 : i32
    %dma_wait3A_576 = arith.constant 0 : i32
    %dma_wait3A_577 = tpu.memref_slice %arg3[%dma_wait3A_575, %dma_wait3A_576] : memref<10000x128xf32, #tpu.memory_space<hbm>> -> memref<10000x128xf32, #tpu.memory_space<hbm>>
    %dma_wait3A_578 = tpu.memref_slice %arg25[%dma_wait3A_574] : memref<4x!tpu.dma_semaphore, #tpu.memory_space<semaphore_mem>> -> memref<1x!tpu.dma_semaphore, #tpu.memory_space<semaphore_mem>>
    %dma_wait3A_579 = tpu.memref_squeeze %dma_wait3A_578 : memref<1x!tpu.dma_semaphore, #tpu.memory_space<semaphore_mem>> -> memref<!tpu.dma_semaphore, #tpu.memory_space<semaphore_mem>>
    tpu.wait_indirect_dma semaphore(%dma_wait3A_579 : memref<!tpu.dma_semaphore, #tpu.memory_space<semaphore_mem>>) src(%dma_wait3A_577 : memref<10000x128xf32, #tpu.memory_space<hbm>>) dst(%arg17 : memref<40x128xf32, #tpu.memory_space<vmem>>)
    %dma_wait3A_580 = arith.constant 0 : i32
    %dma_wait3A_581 = arith.constant 1 : i32
    %dma_wait3A_582 = arith.constant 0 : i32
    %dma_wait3A_583 = arith.constant 0 : i32
    %dma_wait3A_584 = tpu.memref_slice %arg4[%dma_wait3A_580, %dma_wait3A_582, %dma_wait3A_583] : memref<8000x40x64xi32, #tpu.memory_space<hbm>> -> memref<1x40x64xi32, #tpu.memory_space<hbm>>
    %dma_wait3A_585 = tpu.memref_squeeze %dma_wait3A_584 : memref<1x40x64xi32, #tpu.memory_space<hbm>> -> memref<40x64xi32, #tpu.memory_space<hbm>>
    %dma_wait3A_586 = tpu.memref_slice %arg26[%dma_wait3A_581] : memref<4x!tpu.dma_semaphore, #tpu.memory_space<semaphore_mem>> -> memref<1x!tpu.dma_semaphore, #tpu.memory_space<semaphore_mem>>
    %dma_wait3A_587 = tpu.memref_squeeze %dma_wait3A_586 : memref<1x!tpu.dma_semaphore, #tpu.memory_space<semaphore_mem>> -> memref<!tpu.dma_semaphore, #tpu.memory_space<semaphore_mem>>
    %dma_wait3A_588 = arith.constant 0 : i32
    %dma_wait3A_589 = arith.constant 0 : i32
    %dma_wait3A_590 = tpu.memref_slice %arg4[%dma_wait3A_580, %dma_wait3A_588, %dma_wait3A_589] : memref<8000x40x64xi32, #tpu.memory_space<hbm>> -> memref<1x40x64xi32, #tpu.memory_space<hbm>>
    %dma_wait3A_591 = tpu.memref_squeeze %dma_wait3A_590 : memref<1x40x64xi32, #tpu.memory_space<hbm>> -> memref<40x64xi32, #tpu.memory_space<hbm>>
    tpu.wait_dma2 semaphore(%dma_wait3A_587 : memref<!tpu.dma_semaphore, #tpu.memory_space<semaphore_mem>>) src(%dma_wait3A_591 : memref<40x64xi32, #tpu.memory_space<hbm>>) dst(%arg21 : memref<40x64xi32, #tpu.memory_space<vmem>>)
    %scan3A_592 = arith.constant 0 : i32
    %scan3A_593 = arith.constant 0 : i32
    %scan3A_594 = arith.constant 40 : i32
    %scan3A_595 = arith.addi %scan3A_593, %scan3A_594 : i32
    %scan3A_596 = arith.constant 1 : i32
    scf.for %scan3A_626 = %scan3A_593 to %scan3A_595 step %scan3A_596  : i32 {
      %get3A = arith.index_cast %scan3A_626 : i32 to index
      %get3A_627 = arith.constant 0 : index
      %get3A_628 = tpu.vector_load %arg21[%get3A, %get3A_627] {strides = array<i32>} : memref<40x64xi32, #tpu.memory_space<vmem>>, vector<1x16xi32>,
      %get3A_629 = vector.shape_cast %get3A_628 : vector<1x16xi32> to vector<16xi32>
      %shift_left3A = arith.constant 16 : i32
      %shift_left3A_630 = vector.broadcast %shift_left3A : i32 to vector<16xi32>
      %shift_left3A_631 = arith.shli %get3A_629, %shift_left3A_630 : vector<16xi32>
      %bitcast_convert_type3A = tpu.bitcast %shift_left3A_631 : vector<16xi32> -> vector<16xf32>
      %and3A = arith.constant -65536 : i32
      %and3A_632 = vector.broadcast %and3A : i32 to vector<16xi32>
      %and3A_633 = arith.andi %get3A_629, %and3A_632 : vector<16xi32>
      %bitcast_convert_type3A_634 = tpu.bitcast %and3A_633 : vector<16xi32> -> vector<16xf32>
      %get3A_635 = arith.index_cast %scan3A_626 : i32 to index
      %get3A_636 = arith.constant 0 : index
      %get3A_637 = tpu.vector_load %arg17[%get3A_635, %get3A_636] {strides = array<i32>} : memref<40x128xf32, #tpu.memory_space<vmem>>, vector<1x16xf32>,
      %get3A_638 = vector.shape_cast %get3A_637 : vector<1x16xf32> to vector<16xf32>
      %mul3A_639 = arith.mulf %get3A_638, %bitcast_convert_type3A : vector<16xf32>
      %swap3A = arith.index_cast %scan3A_626 : i32 to index
      %swap3A_640 = arith.constant 0 : index
      %swap3A_641 = tpu.vector_load %arg17[%swap3A, %swap3A_640] {strides = array<i32>} : memref<40x128xf32, #tpu.memory_space<vmem>>, vector<1x16xf32>,
      %swap3A_642 = vector.shape_cast %swap3A_641 : vector<1x16xf32> to vector<16xf32>
      %swap3A_643 = vector.shape_cast %mul3A_639 : vector<16xf32> to vector<1x16xf32>
      tpu.vector_store %arg17[%swap3A, %swap3A_640], %swap3A_643 {strides = array<i32>} : memref<40x128xf32, #tpu.memory_space<vmem>>, vector<1x16xf32>,
      %get3A_644 = arith.index_cast %scan3A_626 : i32 to index
      %get3A_645 = arith.constant 16 : index
      %get3A_646 = tpu.vector_load %arg17[%get3A_644, %get3A_645] {strides = array<i32>} : memref<40x128xf32, #tpu.memory_space<vmem>>, vector<1x16xf32>,
      %get3A_647 = vector.shape_cast %get3A_646 : vector<1x16xf32> to vector<16xf32>
      %mul3A_648 = arith.mulf %get3A_647, %bitcast_convert_type3A_634 : vector<16xf32>
      %swap3A_649 = arith.index_cast %scan3A_626 : i32 to index
      %swap3A_650 = arith.constant 16 : index
      %swap3A_651 = tpu.vector_load %arg17[%swap3A_649, %swap3A_650] {strides = array<i32>} : memref<40x128xf32, #tpu.memory_space<vmem>>, vector<1x16xf32>,
      %swap3A_652 = vector.shape_cast %swap3A_651 : vector<1x16xf32> to vector<16xf32>
      %swap3A_653 = vector.shape_cast %mul3A_648 : vector<16xf32> to vector<1x16xf32>
      tpu.vector_store %arg17[%swap3A_649, %swap3A_650], %swap3A_653 {strides = array<i32>} : memref<40x128xf32, #tpu.memory_space<vmem>>, vector<1x16xf32>,
      %get3A_654 = arith.index_cast %scan3A_626 : i32 to index
      %get3A_655 = arith.constant 16 : index
      %get3A_656 = tpu.vector_load %arg21[%get3A_654, %get3A_655] {strides = array<i32>} : memref<40x64xi32, #tpu.memory_space<vmem>>, vector<1x16xi32>,
      %get3A_657 = vector.shape_cast %get3A_656 : vector<1x16xi32> to vector<16xi32>
      %shift_left3A_658 = arith.constant 16 : i32
      %shift_left3A_659 = vector.broadcast %shift_left3A_658 : i32 to vector<16xi32>
      %shift_left3A_660 = arith.shli %get3A_657, %shift_left3A_659 : vector<16xi32>
      %bitcast_convert_type3A_661 = tpu.bitcast %shift_left3A_660 : vector<16xi32> -> vector<16xf32>
      %and3A_662 = arith.constant -65536 : i32
      %and3A_663 = vector.broadcast %and3A_662 : i32 to vector<16xi32>
      %and3A_664 = arith.andi %get3A_657, %and3A_663 : vector<16xi32>
      %bitcast_convert_type3A_665 = tpu.bitcast %and3A_664 : vector<16xi32> -> vector<16xf32>
      %get3A_666 = arith.index_cast %scan3A_626 : i32 to index
      %get3A_667 = arith.constant 32 : index
      %get3A_668 = tpu.vector_load %arg17[%get3A_666, %get3A_667] {strides = array<i32>} : memref<40x128xf32, #tpu.memory_space<vmem>>, vector<1x16xf32>,
      %get3A_669 = vector.shape_cast %get3A_668 : vector<1x16xf32> to vector<16xf32>
      %mul3A_670 = arith.mulf %get3A_669, %bitcast_convert_type3A_661 : vector<16xf32>
      %swap3A_671 = arith.index_cast %scan3A_626 : i32 to index
      %swap3A_672 = arith.constant 32 : index
      %swap3A_673 = tpu.vector_load %arg17[%swap3A_671, %swap3A_672] {strides = array<i32>} : memref<40x128xf32, #tpu.memory_space<vmem>>, vector<1x16xf32>,
      %swap3A_674 = vector.shape_cast %swap3A_673 : vector<1x16xf32> to vector<16xf32>
      %swap3A_675 = vector.shape_cast %mul3A_670 : vector<16xf32> to vector<1x16xf32>
      tpu.vector_store %arg17[%swap3A_671, %swap3A_672], %swap3A_675 {strides = array<i32>} : memref<40x128xf32, #tpu.memory_space<vmem>>, vector<1x16xf32>,
      %get3A_676 = arith.index_cast %scan3A_626 : i32 to index
      %get3A_677 = arith.constant 48 : index
      %get3A_678 = tpu.vector_load %arg17[%get3A_676, %get3A_677] {strides = array<i32>} : memref<40x128xf32, #tpu.memory_space<vmem>>, vector<1x16xf32>,
      %get3A_679 = vector.shape_cast %get3A_678 : vector<1x16xf32> to vector<16xf32>
      %mul3A_680 = arith.mulf %get3A_679, %bitcast_convert_type3A_665 : vector<16xf32>
      %swap3A_681 = arith.index_cast %scan3A_626 : i32 to index
      %swap3A_682 = arith.constant 48 : index
      %swap3A_683 = tpu.vector_load %arg17[%swap3A_681, %swap3A_682] {strides = array<i32>} : memref<40x128xf32, #tpu.memory_space<vmem>>, vector<1x16xf32>,
      %swap3A_684 = vector.shape_cast %swap3A_683 : vector<1x16xf32> to vector<16xf32>
      %swap3A_685 = vector.shape_cast %mul3A_680 : vector<16xf32> to vector<1x16xf32>
      tpu.vector_store %arg17[%swap3A_681, %swap3A_682], %swap3A_685 {strides = array<i32>} : memref<40x128xf32, #tpu.memory_space<vmem>>, vector<1x16xf32>,
      %get3A_686 = arith.index_cast %scan3A_626 : i32 to index
      %get3A_687 = arith.constant 32 : index
      %get3A_688 = tpu.vector_load %arg21[%get3A_686, %get3A_687] {strides = array<i32>} : memref<40x64xi32, #tpu.memory_space<vmem>>, vector<1x16xi32>,
      %get3A_689 = vector.shape_cast %get3A_688 : vector<1x16xi32> to vector<16xi32>
      %shift_left3A_690 = arith.constant 16 : i32
      %shift_left3A_691 = vector.broadcast %shift_left3A_690 : i32 to vector<16xi32>
      %shift_left3A_692 = arith.shli %get3A_689, %shift_left3A_691 : vector<16xi32>
      %bitcast_convert_type3A_693 = tpu.bitcast %shift_left3A_692 : vector<16xi32> -> vector<16xf32>
      %and3A_694 = arith.constant -65536 : i32
      %and3A_695 = vector.broadcast %and3A_694 : i32 to vector<16xi32>
      %and3A_696 = arith.andi %get3A_689, %and3A_695 : vector<16xi32>
      %bitcast_convert_type3A_697 = tpu.bitcast %and3A_696 : vector<16xi32> -> vector<16xf32>
      %get3A_698 = arith.index_cast %scan3A_626 : i32 to index
      %get3A_699 = arith.constant 64 : index
      %get3A_700 = tpu.vector_load %arg17[%get3A_698, %get3A_699] {strides = array<i32>} : memref<40x128xf32, #tpu.memory_space<vmem>>, vector<1x16xf32>,
      %get3A_701 = vector.shape_cast %get3A_700 : vector<1x16xf32> to vector<16xf32>
      %mul3A_702 = arith.mulf %get3A_701, %bitcast_convert_type3A_693 : vector<16xf32>
      %swap3A_703 = arith.index_cast %scan3A_626 : i32 to index
      %swap3A_704 = arith.constant 64 : index
      %swap3A_705 = tpu.vector_load %arg17[%swap3A_703, %swap3A_704] {strides = array<i32>} : memref<40x128xf32, #tpu.memory_space<vmem>>, vector<1x16xf32>,
      %swap3A_706 = vector.shape_cast %swap3A_705 : vector<1x16xf32> to vector<16xf32>
      %swap3A_707 = vector.shape_cast %mul3A_702 : vector<16xf32> to vector<1x16xf32>
      tpu.vector_store %arg17[%swap3A_703, %swap3A_704], %swap3A_707 {strides = array<i32>} : memref<40x128xf32, #tpu.memory_space<vmem>>, vector<1x16xf32>,
      %get3A_708 = arith.index_cast %scan3A_626 : i32 to index
      %get3A_709 = arith.constant 80 : index
      %get3A_710 = tpu.vector_load %arg17[%get3A_708, %get3A_709] {strides = array<i32>} : memref<40x128xf32, #tpu.memory_space<vmem>>, vector<1x16xf32>,
      %get3A_711 = vector.shape_cast %get3A_710 : vector<1x16xf32> to vector<16xf32>
      %mul3A_712 = arith.mulf %get3A_711, %bitcast_convert_type3A_697 : vector<16xf32>
      %swap3A_713 = arith.index_cast %scan3A_626 : i32 to index
      %swap3A_714 = arith.constant 80 : index
      %swap3A_715 = tpu.vector_load %arg17[%swap3A_713, %swap3A_714] {strides = array<i32>} : memref<40x128xf32, #tpu.memory_space<vmem>>, vector<1x16xf32>,
      %swap3A_716 = vector.shape_cast %swap3A_715 : vector<1x16xf32> to vector<16xf32>
      %swap3A_717 = vector.shape_cast %mul3A_712 : vector<16xf32> to vector<1x16xf32>
      tpu.vector_store %arg17[%swap3A_713, %swap3A_714], %swap3A_717 {strides = array<i32>} : memref<40x128xf32, #tpu.memory_space<vmem>>, vector<1x16xf32>,
      %get3A_718 = arith.index_cast %scan3A_626 : i32 to index
      %get3A_719 = arith.constant 48 : index
      %get3A_720 = tpu.vector_load %arg21[%get3A_718, %get3A_719] {strides = array<i32>} : memref<40x64xi32, #tpu.memory_space<vmem>>, vector<1x16xi32>,
      %get3A_721 = vector.shape_cast %get3A_720 : vector<1x16xi32> to vector<16xi32>
      %shift_left3A_722 = arith.constant 16 : i32
      %shift_left3A_723 = vector.broadcast %shift_left3A_722 : i32 to vector<16xi32>
      %shift_left3A_724 = arith.shli %get3A_721, %shift_left3A_723 : vector<16xi32>
      %bitcast_convert_type3A_725 = tpu.bitcast %shift_left3A_724 : vector<16xi32> -> vector<16xf32>
      %and3A_726 = arith.constant -65536 : i32
      %and3A_727 = vector.broadcast %and3A_726 : i32 to vector<16xi32>
      %and3A_728 = arith.andi %get3A_721, %and3A_727 : vector<16xi32>
      %bitcast_convert_type3A_729 = tpu.bitcast %and3A_728 : vector<16xi32> -> vector<16xf32>
      %get3A_730 = arith.index_cast %scan3A_626 : i32 to index
      %get3A_731 = arith.constant 96 : index
      %get3A_732 = tpu.vector_load %arg17[%get3A_730, %get3A_731] {strides = array<i32>} : memref<40x128xf32, #tpu.memory_space<vmem>>, vector<1x16xf32>,
      %get3A_733 = vector.shape_cast %get3A_732 : vector<1x16xf32> to vector<16xf32>
      %mul3A_734 = arith.mulf %get3A_733, %bitcast_convert_type3A_725 : vector<16xf32>
      %swap3A_735 = arith.index_cast %scan3A_626 : i32 to index
      %swap3A_736 = arith.constant 96 : index
      %swap3A_737 = tpu.vector_load %arg17[%swap3A_735, %swap3A_736] {strides = array<i32>} : memref<40x128xf32, #tpu.memory_space<vmem>>, vector<1x16xf32>,
      %swap3A_738 = vector.shape_cast %swap3A_737 : vector<1x16xf32> to vector<16xf32>
      %swap3A_739 = vector.shape_cast %mul3A_734 : vector<16xf32> to vector<1x16xf32>
      tpu.vector_store %arg17[%swap3A_735, %swap3A_736], %swap3A_739 {strides = array<i32>} : memref<40x128xf32, #tpu.memory_space<vmem>>, vector<1x16xf32>,
      %get3A_740 = arith.index_cast %scan3A_626 : i32 to index
      %get3A_741 = arith.constant 112 : index
      %get3A_742 = tpu.vector_load %arg17[%get3A_740, %get3A_741] {strides = array<i32>} : memref<40x128xf32, #tpu.memory_space<vmem>>, vector<1x16xf32>,
      %get3A_743 = vector.shape_cast %get3A_742 : vector<1x16xf32> to vector<16xf32>
      %mul3A_744 = arith.mulf %get3A_743, %bitcast_convert_type3A_729 : vector<16xf32>
      %swap3A_745 = arith.index_cast %scan3A_626 : i32 to index
      %swap3A_746 = arith.constant 112 : index
      %swap3A_747 = tpu.vector_load %arg17[%swap3A_745, %swap3A_746] {strides = array<i32>} : memref<40x128xf32, #tpu.memory_space<vmem>>, vector<1x16xf32>,
      %swap3A_748 = vector.shape_cast %swap3A_747 : vector<1x16xf32> to vector<16xf32>
      %swap3A_749 = vector.shape_cast %mul3A_744 : vector<16xf32> to vector<1x16xf32>
      tpu.vector_store %arg17[%swap3A_745, %swap3A_746], %swap3A_749 {strides = array<i32>} : memref<40x128xf32, #tpu.memory_space<vmem>>, vector<1x16xf32>,
    }
    %scan3A_597 = arith.constant 40 : i32
    %dma_start3A_598 = arith.constant 1 : i32
    %dma_start3A_599 = arith.constant 0 : i32
    %dma_start3A_600 = arith.constant 0 : i32
    %dma_start3A_601 = tpu.memref_slice %arg7[%dma_start3A_599, %dma_start3A_600] : memref<10000x128xf32, #tpu.memory_space<vmem_shared>> -> memref<10000x128xf32, #tpu.memory_space<vmem_shared>>
    %dma_start3A_602 = tpu.memref_slice %arg27[%dma_start3A_598] : memref<4x!tpu.dma_semaphore, #tpu.memory_space<semaphore_mem>> -> memref<1x!tpu.dma_semaphore, #tpu.memory_space<semaphore_mem>>
    %dma_start3A_603 = tpu.memref_squeeze %dma_start3A_602 : memref<1x!tpu.dma_semaphore, #tpu.memory_space<semaphore_mem>> -> memref<!tpu.dma_semaphore, #tpu.memory_space<semaphore_mem>>
    tpu.enqueue_indirect_dma source(%arg17 : memref<40x128xf32, #tpu.memory_space<vmem>>) target(%dma_start3A_601 : memref<10000x128xf32, #tpu.memory_space<vmem_shared>>) offsets(%arg13 : memref<40xi32, #tpu.memory_space<vmem>>) semaphore(%dma_start3A_603 : memref<!tpu.dma_semaphore, #tpu.memory_space<semaphore_mem>>) {add = true}
    %dma_wait3A_604 = arith.constant 0 : i32
    %dma_wait3A_605 = arith.constant 0 : i32
    %dma_wait3A_606 = arith.constant 0 : i32
    %dma_wait3A_607 = tpu.memref_slice %arg7[%dma_wait3A_605, %dma_wait3A_606] : memref<10000x128xf32, #tpu.memory_space<vmem_shared>> -> memref<10000x128xf32, #tpu.memory_space<vmem_shared>>
    %dma_wait3A_608 = tpu.memref_slice %arg27[%dma_wait3A_604] : memref<4x!tpu.dma_semaphore, #tpu.memory_space<semaphore_mem>> -> memref<1x!tpu.dma_semaphore, #tpu.memory_space<semaphore_mem>>
    %dma_wait3A_609 = tpu.memref_squeeze %dma_wait3A_608 : memref<1x!tpu.dma_semaphore, #tpu.memory_space<semaphore_mem>> -> memref<!tpu.dma_semaphore, #tpu.memory_space<semaphore_mem>>
    tpu.wait_indirect_dma semaphore(%dma_wait3A_609 : memref<!tpu.dma_semaphore, #tpu.memory_space<semaphore_mem>>) src(%arg16 : memref<40x128xf32, #tpu.memory_space<vmem>>) dst(%dma_wait3A_607 : memref<10000x128xf32, #tpu.memory_space<vmem_shared>>)
    %dma_wait3A_610 = arith.constant 1 : i32
    %dma_wait3A_611 = arith.constant 0 : i32
    %dma_wait3A_612 = arith.constant 0 : i32
    %dma_wait3A_613 = tpu.memref_slice %arg7[%dma_wait3A_611, %dma_wait3A_612] : memref<10000x128xf32, #tpu.memory_space<vmem_shared>> -> memref<10000x128xf32, #tpu.memory_space<vmem_shared>>
    %dma_wait3A_614 = tpu.memref_slice %arg27[%dma_wait3A_610] : memref<4x!tpu.dma_semaphore, #tpu.memory_space<semaphore_mem>> -> memref<1x!tpu.dma_semaphore, #tpu.memory_space<semaphore_mem>>
    %dma_wait3A_615 = tpu.memref_squeeze %dma_wait3A_614 : memref<1x!tpu.dma_semaphore, #tpu.memory_space<semaphore_mem>> -> memref<!tpu.dma_semaphore, #tpu.memory_space<semaphore_mem>>
    tpu.wait_indirect_dma semaphore(%dma_wait3A_615 : memref<!tpu.dma_semaphore, #tpu.memory_space<semaphore_mem>>) src(%arg17 : memref<40x128xf32, #tpu.memory_space<vmem>>) dst(%dma_wait3A_613 : memref<10000x128xf32, #tpu.memory_space<vmem_shared>>)
    %barrier3A_616 = arith.constant 0 : index
    tpu.barrier barrier_id(%barrier3A_616)
    %mul3A_617 = arith.constant 624 : i32
    %mul3A_618 = arith.muli %arg1, %mul3A_617 : i32
    %mul3A_619 = arith.constant 624 : i32
    %mul3A_620 = arith.muli %arg1, %mul3A_619 : i32
    "tpu.region"() ({
      %run_scoped3A = tpu.sem_alloc : memref<!tpu.dma_semaphore, #tpu.memory_space<semaphore_mem>>
      %dma_start3A_626 = arith.constant 0 : i32
      %dma_start3A_627 = tpu.memref_slice %arg6[%arg0, %mul3A_620, %dma_start3A_626] : memref<2x10000x128xf32, #tpu.memory_space<hbm>> -> memref<1x624x128xf32, #tpu.memory_space<hbm>>
      %dma_start3A_628 = tpu.memref_squeeze %dma_start3A_627 : memref<1x624x128xf32, #tpu.memory_space<hbm>> -> memref<624x128xf32, #tpu.memory_space<hbm>>
      %dma_start3A_629 = arith.constant 0 : i32
      %dma_start3A_630 = tpu.memref_slice %arg7[%mul3A_618, %dma_start3A_629] : memref<10000x128xf32, #tpu.memory_space<vmem_shared>> -> memref<624x128xf32, #tpu.memory_space<vmem_shared>>
      tpu.enqueue_dma source(%dma_start3A_630 : memref<624x128xf32, #tpu.memory_space<vmem_shared>>) target(%dma_start3A_628 : memref<624x128xf32, #tpu.memory_space<hbm>>) target_semaphore(%run_scoped3A : memref<!tpu.dma_semaphore, #tpu.memory_space<semaphore_mem>>)
      %dma_wait3A_631 = arith.constant 0 : i32
      %dma_wait3A_632 = tpu.memref_slice %arg6[%arg0, %mul3A_620, %dma_wait3A_631] : memref<2x10000x128xf32, #tpu.memory_space<hbm>> -> memref<1x624x128xf32, #tpu.memory_space<hbm>>
      %dma_wait3A_633 = tpu.memref_squeeze %dma_wait3A_632 : memref<1x624x128xf32, #tpu.memory_space<hbm>> -> memref<624x128xf32, #tpu.memory_space<hbm>>
      %dma_wait3A_634 = arith.constant 0 : i32
      %dma_wait3A_635 = tpu.memref_slice %arg7[%mul3A_618, %dma_wait3A_634] : memref<10000x128xf32, #tpu.memory_space<vmem_shared>> -> memref<624x128xf32, #tpu.memory_space<vmem_shared>>
      tpu.wait_dma2 semaphore(%run_scoped3A : memref<!tpu.dma_semaphore, #tpu.memory_space<semaphore_mem>>) src(%dma_wait3A_635 : memref<624x128xf32, #tpu.memory_space<vmem_shared>>) dst(%dma_wait3A_633 : memref<624x128xf32, #tpu.memory_space<hbm>>)
      tpu.yield
    }) : () -> ()
    %eq3A_621 = arith.constant 15 : i32
    %eq3A_622 = arith.cmpi eq, %arg1, %eq3A_621 : i32
    %convert_element_type3A_623 = arith.extui %eq3A_622 : i1 to i32
    %cond3A_624 = arith.constant 0 : i32
    %cond3A_625 = arith.cmpi ne, %convert_element_type3A_623, %cond3A_624 : i32
    scf.if %cond3A_625 {
      "tpu.region"() ({
        %run_scoped3A = tpu.sem_alloc : memref<!tpu.dma_semaphore, #tpu.memory_space<semaphore_mem>>
        %dma_start3A_626 = arith.constant 9984 : i32
        %dma_start3A_627 = arith.constant 0 : i32
        %dma_start3A_628 = tpu.memref_slice %arg6[%arg0, %dma_start3A_626, %dma_start3A_627] : memref<2x10000x128xf32, #tpu.memory_space<hbm>> -> memref<1x16x128xf32, #tpu.memory_space<hbm>>
        %dma_start3A_629 = tpu.memref_squeeze %dma_start3A_628 : memref<1x16x128xf32, #tpu.memory_space<hbm>> -> memref<16x128xf32, #tpu.memory_space<hbm>>
        %dma_start3A_630 = arith.constant 9984 : i32
        %dma_start3A_631 = arith.constant 0 : i32
        %dma_start3A_632 = tpu.memref_slice %arg7[%dma_start3A_630, %dma_start3A_631] : memref<10000x128xf32, #tpu.memory_space<vmem_shared>> -> memref<16x128xf32, #tpu.memory_space<vmem_shared>>
        tpu.enqueue_dma source(%dma_start3A_632 : memref<16x128xf32, #tpu.memory_space<vmem_shared>>) target(%dma_start3A_629 : memref<16x128xf32, #tpu.memory_space<hbm>>) target_semaphore(%run_scoped3A : memref<!tpu.dma_semaphore, #tpu.memory_space<semaphore_mem>>)
        %dma_wait3A_633 = arith.constant 9984 : i32
        %dma_wait3A_634 = arith.constant 0 : i32
        %dma_wait3A_635 = tpu.memref_slice %arg6[%arg0, %dma_wait3A_633, %dma_wait3A_634] : memref<2x10000x128xf32, #tpu.memory_space<hbm>> -> memref<1x16x128xf32, #tpu.memory_space<hbm>>
        %dma_wait3A_636 = tpu.memref_squeeze %dma_wait3A_635 : memref<1x16x128xf32, #tpu.memory_space<hbm>> -> memref<16x128xf32, #tpu.memory_space<hbm>>
        %dma_wait3A_637 = arith.constant 9984 : i32
        %dma_wait3A_638 = arith.constant 0 : i32
        %dma_wait3A_639 = tpu.memref_slice %arg7[%dma_wait3A_637, %dma_wait3A_638] : memref<10000x128xf32, #tpu.memory_space<vmem_shared>> -> memref<16x128xf32, #tpu.memory_space<vmem_shared>>
        tpu.wait_dma2 semaphore(%run_scoped3A : memref<!tpu.dma_semaphore, #tpu.memory_space<semaphore_mem>>) src(%dma_wait3A_639 : memref<16x128xf32, #tpu.memory_space<vmem_shared>>) dst(%dma_wait3A_636 : memref<16x128xf32, #tpu.memory_space<hbm>>)
        tpu.yield
      }) : () -> ()
    } else {
    }
    return
  }
}

module attributes {stable_mosaic.version = 14 : i64} {
  func.func @_node_fwd_body(%arg0: i32, %arg1: memref<1000x128xf32, #tpu.memory_space<vmem>>, %arg2: memref<128x128xf32, #tpu.memory_space<vmem>>, %arg3: memref<1x128xf32, #tpu.memory_space<vmem>>, %arg4: memref<128x128xf32, #tpu.memory_space<vmem>>, %arg5: memref<1x128xf32, #tpu.memory_space<vmem>>, %arg6: memref<1000x128xf32, #tpu.memory_space<vmem>>, %arg7: memref<1000x128xf32, #tpu.memory_space<vmem>>) attributes {dimension_semantics = [#tpu.dimension_semantics<arbitrary>], iteration_bounds = array<i64: 10>, scalar_prefetch = 0 : i64, scratch_operands = 0 : i64, tpu.core_type = #tpu.core_type<tc>, window_params = [{transform_indices = @transform_0, window_bounds = array<i64: 1000, 128>}, {pipeline_mode = #tpu.pipeline_mode<synchronous>, transform_indices = @transform_1, window_bounds = array<i64: 128, 128>}, {pipeline_mode = #tpu.pipeline_mode<synchronous>, transform_indices = @transform_2, window_bounds = array<i64: 1, 128>}, {pipeline_mode = #tpu.pipeline_mode<synchronous>, transform_indices = @transform_3, window_bounds = array<i64: 128, 128>}, {pipeline_mode = #tpu.pipeline_mode<synchronous>, transform_indices = @transform_4, window_bounds = array<i64: 1, 128>}, {transform_indices = @transform_5, window_bounds = array<i64: 1000, 128>}, {transform_indices = @transform_6, window_bounds = array<i64: 1000, 128>}]} {
    %get3A = arith.constant 0 : index
    %get3A_0 = arith.constant 0 : index
    %get3A_1 = vector.load %arg1[%get3A, %get3A_0] : memref<1000x128xf32, #tpu.memory_space<vmem>>, vector<1000x128xf32>
    %get3A_2 = arith.constant 0 : index
    %get3A_3 = arith.constant 0 : index
    %get3A_4 = vector.load %arg2[%get3A_2, %get3A_3] : memref<128x128xf32, #tpu.memory_space<vmem>>, vector<128x128xf32>
    %dot_general3A = arith.constant dense<0.000000e+00> : vector<1000x128xf32>
    %dot_general3A_5 = tpu.matmul %get3A_1, %get3A_4, %dot_general3A {dimension_numbers = #tpu.dot_dimension_numbers<[1], [0], [0], [1], [0, 0, 1, 1], [], []>, transpose_lhs_hint = false} : vector<1000x128xf32>, vector<128x128xf32>, vector<1000x128xf32> -> vector<1000x128xf32>
    %get3A_6 = arith.constant 0 : index
    %get3A_7 = arith.constant 0 : index
    %get3A_8 = vector.load %arg3[%get3A_6, %get3A_7] : memref<1x128xf32, #tpu.memory_space<vmem>>, vector<1x128xf32>
    %add3A = vector.broadcast %get3A_8 : vector<1x128xf32> to vector<1000x128xf32>
    %add3A_9 = arith.addf %dot_general3A_5, %add3A : vector<1000x128xf32>
    %max3A = arith.constant 0.000000e+00 : f32
    %max3A_10 = vector.broadcast %max3A : f32 to vector<1000x128xf32>
    %max3A_11 = arith.maximumf %add3A_9, %max3A_10 : vector<1000x128xf32>
    %mul3A = arith.constant 5.000000e-01 : f32
    %mul3A_12 = vector.broadcast %mul3A : f32 to vector<1000x128xf32>
    %mul3A_13 = arith.mulf %max3A_11, %mul3A_12 : vector<1000x128xf32>
    %swap3A = arith.constant 0 : index
    %swap3A_14 = arith.constant 0 : index
    %swap3A_15 = vector.load %arg6[%swap3A, %swap3A_14] : memref<1000x128xf32, #tpu.memory_space<vmem>>, vector<1000x128xf32>
    tpu.vector_store %arg6[%swap3A, %swap3A_14], %mul3A_13 {strides = array<i32>} : memref<1000x128xf32, #tpu.memory_space<vmem>>, vector<1000x128xf32>,
    %get3A_16 = arith.constant 0 : index
    %get3A_17 = arith.constant 0 : index
    %get3A_18 = vector.load %arg4[%get3A_16, %get3A_17] : memref<128x128xf32, #tpu.memory_space<vmem>>, vector<128x128xf32>
    %dot_general3A_19 = arith.constant dense<0.000000e+00> : vector<1000x128xf32>
    %dot_general3A_20 = tpu.matmul %get3A_1, %get3A_18, %dot_general3A_19 {dimension_numbers = #tpu.dot_dimension_numbers<[1], [0], [0], [1], [0, 0, 1, 1], [], []>, transpose_lhs_hint = false} : vector<1000x128xf32>, vector<128x128xf32>, vector<1000x128xf32> -> vector<1000x128xf32>
    %get3A_21 = arith.constant 0 : index
    %get3A_22 = arith.constant 0 : index
    %get3A_23 = vector.load %arg5[%get3A_21, %get3A_22] : memref<1x128xf32, #tpu.memory_space<vmem>>, vector<1x128xf32>
    %add3A_24 = vector.broadcast %get3A_23 : vector<1x128xf32> to vector<1000x128xf32>
    %add3A_25 = arith.addf %dot_general3A_20, %add3A_24 : vector<1000x128xf32>
    %max3A_26 = arith.constant 0.000000e+00 : f32
    %max3A_27 = vector.broadcast %max3A_26 : f32 to vector<1000x128xf32>
    %max3A_28 = arith.maximumf %add3A_25, %max3A_27 : vector<1000x128xf32>
    %swap3A_29 = arith.constant 0 : index
    %swap3A_30 = arith.constant 0 : index
    %swap3A_31 = vector.load %arg7[%swap3A_29, %swap3A_30] : memref<1000x128xf32, #tpu.memory_space<vmem>>, vector<1000x128xf32>
    tpu.vector_store %arg7[%swap3A_29, %swap3A_30], %max3A_28 {strides = array<i32>} : memref<1000x128xf32, #tpu.memory_space<vmem>>, vector<1000x128xf32>,
    return
  }
  func.func @transform_0(%arg0: i32) -> (i32, i32) {
    %c0_i32 = arith.constant 0 : i32
    %c0_i32_0 = arith.constant 0 : i32
    return %arg0, %c0_i32 : i32, i32
  }
  func.func @transform_1(%arg0: i32) -> (i32, i32) {
    %c0_i32 = arith.constant 0 : i32
    %c0_i32_0 = arith.constant 0 : i32
    %c0_i32_1 = arith.constant 0 : i32
    return %c0_i32, %c0_i32_0 : i32, i32
  }
  func.func @transform_2(%arg0: i32) -> (i32, i32) {
    %c0_i32 = arith.constant 0 : i32
    %c0_i32_0 = arith.constant 0 : i32
    %c0_i32_1 = arith.constant 0 : i32
    return %c0_i32, %c0_i32_0 : i32, i32
  }
  func.func @transform_3(%arg0: i32) -> (i32, i32) {
    %c0_i32 = arith.constant 0 : i32
    %c0_i32_0 = arith.constant 0 : i32
    %c0_i32_1 = arith.constant 0 : i32
    return %c0_i32, %c0_i32_0 : i32, i32
  }
  func.func @transform_4(%arg0: i32) -> (i32, i32) {
    %c0_i32 = arith.constant 0 : i32
    %c0_i32_0 = arith.constant 0 : i32
    %c0_i32_1 = arith.constant 0 : i32
    return %c0_i32, %c0_i32_0 : i32, i32
  }
  func.func @transform_5(%arg0: i32) -> (i32, i32) {
    %c0_i32 = arith.constant 0 : i32
    %c0_i32_0 = arith.constant 0 : i32
    return %arg0, %c0_i32 : i32, i32
  }
  func.func @transform_6(%arg0: i32) -> (i32, i32) {
    %c0_i32 = arith.constant 0 : i32
    %c0_i32_0 = arith.constant 0 : i32
    return %arg0, %c0_i32 : i32, i32
  }
}

module attributes {stable_mosaic.version = 14 : i64} {
  func.func @_g_body(%arg0: i32, %arg1: memref<320000x16xf32, #tpu.memory_space<hbm>>, %arg2: memref<16x64xf32, #tpu.memory_space<vmem>>, %arg3: memref<16x64xf32, #tpu.memory_space<vmem>>, %arg4: memref<200x40x64xi32, #tpu.memory_space<vmem>>, %arg5: memref<8000x16xf32, #tpu.memory_space<vmem>>, %arg6: memref<8000x16xf32, #tpu.memory_space<vmem>>, %arg7: memref<2x!tpu.dma_semaphore, #tpu.memory_space<semaphore_mem>>) attributes {dimension_semantics = [#tpu.dimension_semantics<arbitrary>], iteration_bounds = array<i64: 40>, scalar_prefetch = 0 : i64, scratch_operands = 3 : i64, tpu.core_type = #tpu.core_type<tc>, window_params = [{}, {pipeline_mode = #tpu.pipeline_mode<synchronous>, transform_indices = @transform_1, window_bounds = array<i64: 16, 64>}, {pipeline_mode = #tpu.pipeline_mode<synchronous>, transform_indices = @transform_2, window_bounds = array<i64: 16, 64>}, {transform_indices = @transform_3, window_bounds = array<i64: 200, 40, 64>}]} {
    %eq3A = arith.constant 0 : i32
    %eq3A_0 = arith.cmpi eq, %arg0, %eq3A : i32
    %convert_element_type3A = arith.extui %eq3A_0 : i1 to i32
    %cond3A = arith.constant 0 : i32
    %cond3A_1 = arith.cmpi ne, %convert_element_type3A, %cond3A : i32
    scf.if %cond3A_1 {
      %dma_start3A = arith.constant 0 : i32
      %dma_start3A_49 = tpu.memref_slice %arg7[%dma_start3A] : memref<2x!tpu.dma_semaphore, #tpu.memory_space<semaphore_mem>> -> memref<1x!tpu.dma_semaphore, #tpu.memory_space<semaphore_mem>>
      %dma_start3A_50 = tpu.memref_squeeze %dma_start3A_49 : memref<1x!tpu.dma_semaphore, #tpu.memory_space<semaphore_mem>> -> memref<!tpu.dma_semaphore, #tpu.memory_space<semaphore_mem>>
      %dma_start3A_51 = arith.constant 0 : i32
      %dma_start3A_52 = arith.constant 0 : i32
      %dma_start3A_53 = tpu.memref_slice %arg1[%dma_start3A_51, %dma_start3A_52] : memref<320000x16xf32, #tpu.memory_space<hbm>> -> memref<8000x16xf32, #tpu.memory_space<hbm>>
      tpu.enqueue_dma source(%dma_start3A_53 : memref<8000x16xf32, #tpu.memory_space<hbm>>) target(%arg5 : memref<8000x16xf32, #tpu.memory_space<vmem>>) target_semaphore(%dma_start3A_50 : memref<!tpu.dma_semaphore, #tpu.memory_space<semaphore_mem>>)
    } else {
    }
    %add3A = arith.constant 1 : i32
    %add3A_2 = arith.addi %arg0, %add3A : i32
    %lt3A = arith.constant 40 : i32
    %lt3A_3 = arith.cmpi slt, %add3A_2, %lt3A : i32
    %convert_element_type3A_4 = arith.extui %lt3A_3 : i1 to i32
    %cond3A_5 = arith.constant 0 : i32
    %cond3A_6 = arith.cmpi ne, %convert_element_type3A_4, %cond3A_5 : i32
    scf.if %cond3A_6 {
      %add3A_49 = arith.constant 1 : i32
      %add3A_50 = arith.addi %arg0, %add3A_49 : i32
      %rem3A_51 = arith.constant 2 : i32
      %rem3A_52 = arith.remsi %add3A_50, %rem3A_51 : i32
      %eq3A_53 = arith.constant 0 : i32
      %eq3A_54 = arith.cmpi eq, %rem3A_52, %eq3A_53 : i32
      %convert_element_type3A_55 = arith.extui %eq3A_54 : i1 to i32
      %cond3A_56 = arith.constant 0 : i32
      %cond3A_57 = arith.cmpi ne, %convert_element_type3A_55, %cond3A_56 : i32
      scf.if %cond3A_57 {
        %add3A_67 = arith.constant 1 : i32
        %add3A_68 = arith.addi %arg0, %add3A_67 : i32
        %mul3A = arith.constant 8000 : i32
        %mul3A_69 = arith.muli %add3A_68, %mul3A : i32
        %dma_start3A = arith.constant 0 : i32
        %dma_start3A_70 = tpu.memref_slice %arg7[%dma_start3A] : memref<2x!tpu.dma_semaphore, #tpu.memory_space<semaphore_mem>> -> memref<1x!tpu.dma_semaphore, #tpu.memory_space<semaphore_mem>>
        %dma_start3A_71 = tpu.memref_squeeze %dma_start3A_70 : memref<1x!tpu.dma_semaphore, #tpu.memory_space<semaphore_mem>> -> memref<!tpu.dma_semaphore, #tpu.memory_space<semaphore_mem>>
        %dma_start3A_72 = arith.constant 0 : i32
        %dma_start3A_73 = tpu.memref_slice %arg1[%mul3A_69, %dma_start3A_72] : memref<320000x16xf32, #tpu.memory_space<hbm>> -> memref<8000x16xf32, #tpu.memory_space<hbm>>
        tpu.enqueue_dma source(%dma_start3A_73 : memref<8000x16xf32, #tpu.memory_space<hbm>>) target(%arg5 : memref<8000x16xf32, #tpu.memory_space<vmem>>) target_semaphore(%dma_start3A_71 : memref<!tpu.dma_semaphore, #tpu.memory_space<semaphore_mem>>)
      } else {
      }
      %add3A_58 = arith.constant 1 : i32
      %add3A_59 = arith.addi %arg0, %add3A_58 : i32
      %rem3A_60 = arith.constant 2 : i32
      %rem3A_61 = arith.remsi %add3A_59, %rem3A_60 : i32
      %eq3A_62 = arith.constant 1 : i32
      %eq3A_63 = arith.cmpi eq, %rem3A_61, %eq3A_62 : i32
      %convert_element_type3A_64 = arith.extui %eq3A_63 : i1 to i32
      %cond3A_65 = arith.constant 0 : i32
      %cond3A_66 = arith.cmpi ne, %convert_element_type3A_64, %cond3A_65 : i32
      scf.if %cond3A_66 {
        %add3A_67 = arith.constant 1 : i32
        %add3A_68 = arith.addi %arg0, %add3A_67 : i32
        %mul3A = arith.constant 8000 : i32
        %mul3A_69 = arith.muli %add3A_68, %mul3A : i32
        %dma_start3A = arith.constant 1 : i32
        %dma_start3A_70 = tpu.memref_slice %arg7[%dma_start3A] : memref<2x!tpu.dma_semaphore, #tpu.memory_space<semaphore_mem>> -> memref<1x!tpu.dma_semaphore, #tpu.memory_space<semaphore_mem>>
        %dma_start3A_71 = tpu.memref_squeeze %dma_start3A_70 : memref<1x!tpu.dma_semaphore, #tpu.memory_space<semaphore_mem>> -> memref<!tpu.dma_semaphore, #tpu.memory_space<semaphore_mem>>
        %dma_start3A_72 = arith.constant 0 : i32
        %dma_start3A_73 = tpu.memref_slice %arg1[%mul3A_69, %dma_start3A_72] : memref<320000x16xf32, #tpu.memory_space<hbm>> -> memref<8000x16xf32, #tpu.memory_space<hbm>>
        tpu.enqueue_dma source(%dma_start3A_73 : memref<8000x16xf32, #tpu.memory_space<hbm>>) target(%arg6 : memref<8000x16xf32, #tpu.memory_space<vmem>>) target_semaphore(%dma_start3A_71 : memref<!tpu.dma_semaphore, #tpu.memory_space<semaphore_mem>>)
      } else {
      }
    } else {
    }
    %rem3A = arith.constant 2 : i32
    %rem3A_7 = arith.remsi %arg0, %rem3A : i32
    %eq3A_8 = arith.constant 0 : i32
    %eq3A_9 = arith.cmpi eq, %rem3A_7, %eq3A_8 : i32
    %convert_element_type3A_10 = arith.extui %eq3A_9 : i1 to i32
    %cond3A_11 = arith.constant 0 : i32
    %cond3A_12 = arith.cmpi ne, %convert_element_type3A_10, %cond3A_11 : i32
    scf.if %cond3A_12 {
      %dma_wait3A = arith.constant 0 : i32
      %dma_wait3A_49 = tpu.memref_slice %arg7[%dma_wait3A] : memref<2x!tpu.dma_semaphore, #tpu.memory_space<semaphore_mem>> -> memref<1x!tpu.dma_semaphore, #tpu.memory_space<semaphore_mem>>
      %dma_wait3A_50 = tpu.memref_squeeze %dma_wait3A_49 : memref<1x!tpu.dma_semaphore, #tpu.memory_space<semaphore_mem>> -> memref<!tpu.dma_semaphore, #tpu.memory_space<semaphore_mem>>
      %dma_wait3A_51 = arith.constant 0 : i32
      %dma_wait3A_52 = arith.constant 0 : i32
      %dma_wait3A_53 = tpu.memref_slice %arg1[%dma_wait3A_51, %dma_wait3A_52] : memref<320000x16xf32, #tpu.memory_space<hbm>> -> memref<8000x16xf32, #tpu.memory_space<hbm>>
      tpu.wait_dma2 semaphore(%dma_wait3A_50 : memref<!tpu.dma_semaphore, #tpu.memory_space<semaphore_mem>>) src(%dma_wait3A_53 : memref<8000x16xf32, #tpu.memory_space<hbm>>) dst(%arg5 : memref<8000x16xf32, #tpu.memory_space<vmem>>)
    } else {
    }
    %rem3A_13 = arith.constant 2 : i32
    %rem3A_14 = arith.remsi %arg0, %rem3A_13 : i32
    %eq3A_15 = arith.constant 1 : i32
    %eq3A_16 = arith.cmpi eq, %rem3A_14, %eq3A_15 : i32
    %convert_element_type3A_17 = arith.extui %eq3A_16 : i1 to i32
    %cond3A_18 = arith.constant 0 : i32
    %cond3A_19 = arith.cmpi ne, %convert_element_type3A_17, %cond3A_18 : i32
    scf.if %cond3A_19 {
      %dma_wait3A = arith.constant 1 : i32
      %dma_wait3A_49 = tpu.memref_slice %arg7[%dma_wait3A] : memref<2x!tpu.dma_semaphore, #tpu.memory_space<semaphore_mem>> -> memref<1x!tpu.dma_semaphore, #tpu.memory_space<semaphore_mem>>
      %dma_wait3A_50 = tpu.memref_squeeze %dma_wait3A_49 : memref<1x!tpu.dma_semaphore, #tpu.memory_space<semaphore_mem>> -> memref<!tpu.dma_semaphore, #tpu.memory_space<semaphore_mem>>
      %dma_wait3A_51 = arith.constant 0 : i32
      %dma_wait3A_52 = arith.constant 0 : i32
      %dma_wait3A_53 = tpu.memref_slice %arg1[%dma_wait3A_51, %dma_wait3A_52] : memref<320000x16xf32, #tpu.memory_space<hbm>> -> memref<8000x16xf32, #tpu.memory_space<hbm>>
      tpu.wait_dma2 semaphore(%dma_wait3A_50 : memref<!tpu.dma_semaphore, #tpu.memory_space<semaphore_mem>>) src(%dma_wait3A_53 : memref<8000x16xf32, #tpu.memory_space<hbm>>) dst(%arg6 : memref<8000x16xf32, #tpu.memory_space<vmem>>)
    } else {
    }
    %rem3A_20 = arith.constant 2 : i32
    %rem3A_21 = arith.remsi %arg0, %rem3A_20 : i32
    %eq3A_22 = arith.constant 0 : i32
    %eq3A_23 = arith.cmpi eq, %rem3A_21, %eq3A_22 : i32
    %get3A = arith.constant 0 : index
    %get3A_24 = arith.constant 0 : index
    %get3A_25 = vector.load %arg5[%get3A, %get3A_24] : memref<8000x16xf32, #tpu.memory_space<vmem>>, vector<8000x16xf32>
    %get3A_26 = arith.constant 0 : index
    %get3A_27 = arith.constant 0 : index
    %get3A_28 = vector.load %arg6[%get3A_26, %get3A_27] : memref<8000x16xf32, #tpu.memory_space<vmem>>, vector<8000x16xf32>
    %select_n3A = arith.select %eq3A_23, %get3A_25, %get3A_28 : vector<8000x16xf32>
    %get3A_29 = arith.constant 0 : index
    %get3A_30 = arith.constant 0 : index
    %get3A_31 = vector.load %arg2[%get3A_29, %get3A_30] : memref<16x64xf32, #tpu.memory_space<vmem>>, vector<16x64xf32>
    %dot_general3A = arith.constant dense<0.000000e+00> : vector<8000x64xf32>
    %dot_general3A_32 = tpu.matmul %select_n3A, %get3A_31, %dot_general3A {dimension_numbers = #tpu.dot_dimension_numbers<[1], [0], [0], [1], [0, 0, 1, 1], [], []>, transpose_lhs_hint = false} : vector<8000x16xf32>, vector<16x64xf32>, vector<8000x64xf32> -> vector<8000x64xf32>
    %get3A_33 = arith.constant 0 : index
    %get3A_34 = arith.constant 0 : index
    %get3A_35 = vector.load %arg3[%get3A_33, %get3A_34] : memref<16x64xf32, #tpu.memory_space<vmem>>, vector<16x64xf32>
    %dot_general3A_36 = arith.constant dense<0.000000e+00> : vector<8000x64xf32>
    %dot_general3A_37 = tpu.matmul %select_n3A, %get3A_35, %dot_general3A_36 {dimension_numbers = #tpu.dot_dimension_numbers<[1], [0], [0], [1], [0, 0, 1, 1], [], []>, transpose_lhs_hint = false} : vector<8000x16xf32>, vector<16x64xf32>, vector<8000x64xf32> -> vector<8000x64xf32>
    %convert_element_type3A_38 = arith.truncf %dot_general3A_32 : vector<8000x64xf32> to vector<8000x64xbf16>
    %bitcast_convert_type3A = tpu.bitcast %convert_element_type3A_38 : vector<8000x64xbf16> -> vector<8000x64xi16>
    %convert_element_type3A_39 = arith.extui %bitcast_convert_type3A : vector<8000x64xi16> to vector<8000x64xi32>
    %convert_element_type3A_40 = arith.truncf %dot_general3A_37 : vector<8000x64xf32> to vector<8000x64xbf16>
    %bitcast_convert_type3A_41 = tpu.bitcast %convert_element_type3A_40 : vector<8000x64xbf16> -> vector<8000x64xi16>
    %convert_element_type3A_42 = arith.extui %bitcast_convert_type3A_41 : vector<8000x64xi16> to vector<8000x64xi32>
    %shift_left3A = arith.constant 16 : i32
    %shift_left3A_43 = vector.broadcast %shift_left3A : i32 to vector<8000x64xi32>
    %shift_left3A_44 = arith.shli %convert_element_type3A_42, %shift_left3A_43 : vector<8000x64xi32>
    %or3A = arith.ori %convert_element_type3A_39, %shift_left3A_44 : vector<8000x64xi32>
    %bitcast_convert_type3A_45 = tpu.bitcast %or3A : vector<8000x64xi32> -> vector<8000x64xi32>
    %reshape3A = vector.shape_cast %bitcast_convert_type3A_45 : vector<8000x64xi32> to vector<200x40x64xi32>
    %swap3A = arith.constant 0 : index
    %swap3A_46 = arith.constant 0 : index
    %swap3A_47 = arith.constant 0 : index
    %swap3A_48 = vector.load %arg4[%swap3A, %swap3A_46, %swap3A_47] : memref<200x40x64xi32, #tpu.memory_space<vmem>>, vector<200x40x64xi32>
    tpu.vector_store %arg4[%swap3A, %swap3A_46, %swap3A_47], %reshape3A {strides = array<i32>} : memref<200x40x64xi32, #tpu.memory_space<vmem>>, vector<200x40x64xi32>,
    return
  }
  func.func @transform_1(%arg0: i32) -> (i32, i32) {
    %c0_i32 = arith.constant 0 : i32
    %c0_i32_0 = arith.constant 0 : i32
    %c0_i32_1 = arith.constant 0 : i32
    return %c0_i32, %c0_i32_0 : i32, i32
  }
  func.func @transform_2(%arg0: i32) -> (i32, i32) {
    %c0_i32 = arith.constant 0 : i32
    %c0_i32_0 = arith.constant 0 : i32
    %c0_i32_1 = arith.constant 0 : i32
    return %c0_i32, %c0_i32_0 : i32, i32
  }
  func.func @transform_3(%arg0: i32) -> (i32, i32, i32) {
    %c0_i32 = arith.constant 0 : i32
    %c0_i32_0 = arith.constant 0 : i32
    %c0_i32_1 = arith.constant 0 : i32
    return %arg0, %c0_i32, %c0_i32_0 : i32, i32, i32
  }
}

module attributes {stable_mosaic.version = 14 : i64} {
  func.func @_tail_body(%arg0: i32, %arg1: memref<1000x128xf32, #tpu.memory_space<vmem>>, %arg2: memref<1x1000x128xf32, #tpu.memory_space<vmem>>, %arg3: memref<1x1000x128xf32, #tpu.memory_space<vmem>>, %arg4: memref<128x128xf32, #tpu.memory_space<vmem>>, %arg5: memref<1x128xf32, #tpu.memory_space<vmem>>, %arg6: memref<128x128xf32, #tpu.memory_space<vmem>>, %arg7: memref<1x128xf32, #tpu.memory_space<vmem>>, %arg8: memref<128x128xf32, #tpu.memory_space<vmem>>, %arg9: memref<1x128xf32, #tpu.memory_space<vmem>>, %arg10: memref<128x128xf32, #tpu.memory_space<vmem>>, %arg11: memref<1x128xf32, #tpu.memory_space<vmem>>, %arg12: memref<128x128xf32, #tpu.memory_space<vmem>>, %arg13: memref<1x128xf32, #tpu.memory_space<vmem>>, %arg14: memref<1x128xf32, #tpu.memory_space<vmem>>, %arg15: memref<128x128xf32, #tpu.memory_space<vmem>>, %arg16: memref<1x128xf32, #tpu.memory_space<vmem>>, %arg17: memref<128x128xf32, #tpu.memory_space<vmem>>, %arg18: memref<1x128xf32, #tpu.memory_space<vmem>>, %arg19: memref<128x128xf32, #tpu.memory_space<vmem>>, %arg20: memref<1x128xf32, #tpu.memory_space<vmem>>, %arg21: memref<1000x128xf32, #tpu.memory_space<vmem>>, %arg22: memref<1000x128xf32, #tpu.memory_space<vmem>>) attributes {dimension_semantics = [#tpu.dimension_semantics<arbitrary>], iteration_bounds = array<i64: 10>, scalar_prefetch = 0 : i64, scratch_operands = 0 : i64, tpu.core_type = #tpu.core_type<tc>, window_params = [{transform_indices = @transform_0, window_bounds = array<i64: 1000, 128>}, {transform_indices = @transform_1, window_bounds = array<i64: 1, 1000, 128>}, {transform_indices = @transform_2, window_bounds = array<i64: 1, 1000, 128>}, {pipeline_mode = #tpu.pipeline_mode<synchronous>, transform_indices = @transform_3, window_bounds = array<i64: 128, 128>}, {pipeline_mode = #tpu.pipeline_mode<synchronous>, transform_indices = @transform_4, window_bounds = array<i64: 1, 128>}, {pipeline_mode = #tpu.pipeline_mode<synchronous>, transform_indices = @transform_5, window_bounds = array<i64: 128, 128>}, {pipeline_mode = #tpu.pipeline_mode<synchronous>, transform_indices = @transform_6, window_bounds = array<i64: 1, 128>}, {pipeline_mode = #tpu.pipeline_mode<synchronous>, transform_indices = @transform_7, window_bounds = array<i64: 128, 128>}, {pipeline_mode = #tpu.pipeline_mode<synchronous>, transform_indices = @transform_8, window_bounds = array<i64: 1, 128>}, {pipeline_mode = #tpu.pipeline_mode<synchronous>, transform_indices = @transform_9, window_bounds = array<i64: 128, 128>}, {pipeline_mode = #tpu.pipeline_mode<synchronous>, transform_indices = @transform_10, window_bounds = array<i64: 1, 128>}, {pipeline_mode = #tpu.pipeline_mode<synchronous>, transform_indices = @transform_11, window_bounds = array<i64: 128, 128>}, {pipeline_mode = #tpu.pipeline_mode<synchronous>, transform_indices = @transform_12, window_bounds = array<i64: 1, 128>}, {pipeline_mode = #tpu.pipeline_mode<synchronous>, transform_indices = @transform_13, window_bounds = array<i64: 1, 128>}, {pipeline_mode = #tpu.pipeline_mode<synchronous>, transform_indices = @transform_14, window_bounds = array<i64: 128, 128>}, {pipeline_mode = #tpu.pipeline_mode<synchronous>, transform_indices = @transform_15, window_bounds = array<i64: 1, 128>}, {pipeline_mode = #tpu.pipeline_mode<synchronous>, transform_indices = @transform_16, window_bounds = array<i64: 128, 128>}, {pipeline_mode = #tpu.pipeline_mode<synchronous>, transform_indices = @transform_17, window_bounds = array<i64: 1, 128>}, {pipeline_mode = #tpu.pipeline_mode<synchronous>, transform_indices = @transform_18, window_bounds = array<i64: 128, 128>}, {pipeline_mode = #tpu.pipeline_mode<synchronous>, transform_indices = @transform_19, window_bounds = array<i64: 1, 128>}, {transform_indices = @transform_20, window_bounds = array<i64: 1000, 128>}, {transform_indices = @transform_21, window_bounds = array<i64: 1000, 128>}]} {
    %get3A = arith.constant 0 : index
    %get3A_0 = arith.constant 0 : index
    %get3A_1 = arith.constant 0 : index
    %get3A_2 = vector.load %arg2[%get3A, %get3A_0, %get3A_1] : memref<1x1000x128xf32, #tpu.memory_space<vmem>>, vector<1x1000x128xf32>
    %get3A_3 = vector.shape_cast %get3A_2 : vector<1x1000x128xf32> to vector<1000x128xf32>
    %get3A_4 = arith.constant 0 : index
    %get3A_5 = arith.constant 0 : index
    %get3A_6 = arith.constant 0 : index
    %get3A_7 = vector.load %arg3[%get3A_4, %get3A_5, %get3A_6] : memref<1x1000x128xf32, #tpu.memory_space<vmem>>, vector<1x1000x128xf32>
    %get3A_8 = vector.shape_cast %get3A_7 : vector<1x1000x128xf32> to vector<1000x128xf32>
    %add3A = arith.addf %get3A_3, %get3A_8 : vector<1000x128xf32>
    %max3A = arith.constant 0.000000e+00 : f32
    %max3A_9 = vector.broadcast %max3A : f32 to vector<1000x128xf32>
    %max3A_10 = arith.maximumf %add3A, %max3A_9 : vector<1000x128xf32>
    %get3A_11 = arith.constant 0 : index
    %get3A_12 = arith.constant 0 : index
    %get3A_13 = vector.load %arg4[%get3A_11, %get3A_12] : memref<128x128xf32, #tpu.memory_space<vmem>>, vector<128x128xf32>
    %dot_general3A = arith.constant dense<0.000000e+00> : vector<1000x128xf32>
    %dot_general3A_14 = tpu.matmul %max3A_10, %get3A_13, %dot_general3A {dimension_numbers = #tpu.dot_dimension_numbers<[1], [0], [0], [1], [0, 0, 1, 1], [], []>, transpose_lhs_hint = false} : vector<1000x128xf32>, vector<128x128xf32>, vector<1000x128xf32> -> vector<1000x128xf32>
    %get3A_15 = arith.constant 0 : index
    %get3A_16 = arith.constant 0 : index
    %get3A_17 = vector.load %arg5[%get3A_15, %get3A_16] : memref<1x128xf32, #tpu.memory_space<vmem>>, vector<1x128xf32>
    %add3A_18 = vector.broadcast %get3A_17 : vector<1x128xf32> to vector<1000x128xf32>
    %add3A_19 = arith.addf %dot_general3A_14, %add3A_18 : vector<1000x128xf32>
    %max3A_20 = arith.constant 0.000000e+00 : f32
    %max3A_21 = vector.broadcast %max3A_20 : f32 to vector<1000x128xf32>
    %max3A_22 = arith.maximumf %add3A_19, %max3A_21 : vector<1000x128xf32>
    %get3A_23 = arith.constant 0 : index
    %get3A_24 = arith.constant 0 : index
    %get3A_25 = vector.load %arg6[%get3A_23, %get3A_24] : memref<128x128xf32, #tpu.memory_space<vmem>>, vector<128x128xf32>
    %dot_general3A_26 = arith.constant dense<0.000000e+00> : vector<1000x128xf32>
    %dot_general3A_27 = tpu.matmul %max3A_22, %get3A_25, %dot_general3A_26 {dimension_numbers = #tpu.dot_dimension_numbers<[1], [0], [0], [1], [0, 0, 1, 1], [], []>, transpose_lhs_hint = false} : vector<1000x128xf32>, vector<128x128xf32>, vector<1000x128xf32> -> vector<1000x128xf32>
    %add3A_28 = arith.addf %add3A, %dot_general3A_27 : vector<1000x128xf32>
    %get3A_29 = arith.constant 0 : index
    %get3A_30 = arith.constant 0 : index
    %get3A_31 = vector.load %arg7[%get3A_29, %get3A_30] : memref<1x128xf32, #tpu.memory_space<vmem>>, vector<1x128xf32>
    %add3A_32 = vector.broadcast %get3A_31 : vector<1x128xf32> to vector<1000x128xf32>
    %add3A_33 = arith.addf %add3A_28, %add3A_32 : vector<1000x128xf32>
    %max3A_34 = arith.constant 0.000000e+00 : f32
    %max3A_35 = vector.broadcast %max3A_34 : f32 to vector<1000x128xf32>
    %max3A_36 = arith.maximumf %add3A_33, %max3A_35 : vector<1000x128xf32>
    %get3A_37 = arith.constant 0 : index
    %get3A_38 = arith.constant 0 : index
    %get3A_39 = vector.load %arg8[%get3A_37, %get3A_38] : memref<128x128xf32, #tpu.memory_space<vmem>>, vector<128x128xf32>
    %dot_general3A_40 = arith.constant dense<0.000000e+00> : vector<1000x128xf32>
    %dot_general3A_41 = tpu.matmul %max3A_36, %get3A_39, %dot_general3A_40 {dimension_numbers = #tpu.dot_dimension_numbers<[1], [0], [0], [1], [0, 0, 1, 1], [], []>, transpose_lhs_hint = false} : vector<1000x128xf32>, vector<128x128xf32>, vector<1000x128xf32> -> vector<1000x128xf32>
    %get3A_42 = arith.constant 0 : index
    %get3A_43 = arith.constant 0 : index
    %get3A_44 = vector.load %arg9[%get3A_42, %get3A_43] : memref<1x128xf32, #tpu.memory_space<vmem>>, vector<1x128xf32>
    %add3A_45 = vector.broadcast %get3A_44 : vector<1x128xf32> to vector<1000x128xf32>
    %add3A_46 = arith.addf %dot_general3A_41, %add3A_45 : vector<1000x128xf32>
    %max3A_47 = arith.constant 0.000000e+00 : f32
    %max3A_48 = vector.broadcast %max3A_47 : f32 to vector<1000x128xf32>
    %max3A_49 = arith.maximumf %add3A_46, %max3A_48 : vector<1000x128xf32>
    %get3A_50 = arith.constant 0 : index
    %get3A_51 = arith.constant 0 : index
    %get3A_52 = vector.load %arg10[%get3A_50, %get3A_51] : memref<128x128xf32, #tpu.memory_space<vmem>>, vector<128x128xf32>
    %dot_general3A_53 = arith.constant dense<0.000000e+00> : vector<1000x128xf32>
    %dot_general3A_54 = tpu.matmul %max3A_49, %get3A_52, %dot_general3A_53 {dimension_numbers = #tpu.dot_dimension_numbers<[1], [0], [0], [1], [0, 0, 1, 1], [], []>, transpose_lhs_hint = false} : vector<1000x128xf32>, vector<128x128xf32>, vector<1000x128xf32> -> vector<1000x128xf32>
    %add3A_55 = arith.addf %add3A_33, %dot_general3A_54 : vector<1000x128xf32>
    %get3A_56 = arith.constant 0 : index
    %get3A_57 = arith.constant 0 : index
    %get3A_58 = vector.load %arg11[%get3A_56, %get3A_57] : memref<1x128xf32, #tpu.memory_space<vmem>>, vector<1x128xf32>
    %add3A_59 = vector.broadcast %get3A_58 : vector<1x128xf32> to vector<1000x128xf32>
    %add3A_60 = arith.addf %add3A_55, %add3A_59 : vector<1000x128xf32>
    %get3A_61 = arith.constant 0 : index
    %get3A_62 = arith.constant 0 : index
    %get3A_63 = vector.load %arg14[%get3A_61, %get3A_62] : memref<1x128xf32, #tpu.memory_space<vmem>>, vector<1x128xf32>
    %get3A_64 = arith.constant 0 : index
    %get3A_65 = arith.constant 0 : index
    %get3A_66 = vector.load %arg1[%get3A_64, %get3A_65] : memref<1000x128xf32, #tpu.memory_space<vmem>>, vector<1000x128xf32>
    %mul3A = vector.broadcast %get3A_63 : vector<1x128xf32> to vector<1000x128xf32>
    %mul3A_67 = arith.mulf %mul3A, %get3A_66 : vector<1000x128xf32>
    %max3A_68 = arith.constant 0.000000e+00 : f32
    %max3A_69 = vector.broadcast %max3A_68 : f32 to vector<1000x128xf32>
    %max3A_70 = arith.maximumf %add3A_60, %max3A_69 : vector<1000x128xf32>
    %get3A_71 = arith.constant 0 : index
    %get3A_72 = arith.constant 0 : index
    %get3A_73 = vector.load %arg12[%get3A_71, %get3A_72] : memref<128x128xf32, #tpu.memory_space<vmem>>, vector<128x128xf32>
    %dot_general3A_74 = arith.constant dense<0.000000e+00> : vector<1000x128xf32>
    %dot_general3A_75 = tpu.matmul %max3A_70, %get3A_73, %dot_general3A_74 {dimension_numbers = #tpu.dot_dimension_numbers<[1], [0], [0], [1], [0, 0, 1, 1], [], []>, transpose_lhs_hint = false} : vector<1000x128xf32>, vector<128x128xf32>, vector<1000x128xf32> -> vector<1000x128xf32>
    %add3A_76 = arith.addf %mul3A_67, %dot_general3A_75 : vector<1000x128xf32>
    %get3A_77 = arith.constant 0 : index
    %get3A_78 = arith.constant 0 : index
    %get3A_79 = vector.load %arg13[%get3A_77, %get3A_78] : memref<1x128xf32, #tpu.memory_space<vmem>>, vector<1x128xf32>
    %add3A_80 = vector.broadcast %get3A_79 : vector<1x128xf32> to vector<1000x128xf32>
    %add3A_81 = arith.addf %add3A_76, %add3A_80 : vector<1000x128xf32>
    %swap3A = arith.constant 0 : index
    %swap3A_82 = arith.constant 0 : index
    %swap3A_83 = vector.load %arg21[%swap3A, %swap3A_82] : memref<1000x128xf32, #tpu.memory_space<vmem>>, vector<1000x128xf32>
    tpu.vector_store %arg21[%swap3A, %swap3A_82], %add3A_81 {strides = array<i32>} : memref<1000x128xf32, #tpu.memory_space<vmem>>, vector<1000x128xf32>,
    %max3A_84 = arith.constant 0.000000e+00 : f32
    %max3A_85 = vector.broadcast %max3A_84 : f32 to vector<1000x128xf32>
    %max3A_86 = arith.maximumf %add3A_81, %max3A_85 : vector<1000x128xf32>
    %get3A_87 = arith.constant 0 : index
    %get3A_88 = arith.constant 0 : index
    %get3A_89 = vector.load %arg15[%get3A_87, %get3A_88] : memref<128x128xf32, #tpu.memory_space<vmem>>, vector<128x128xf32>
    %dot_general3A_90 = arith.constant dense<0.000000e+00> : vector<1000x128xf32>
    %dot_general3A_91 = tpu.matmul %max3A_86, %get3A_89, %dot_general3A_90 {dimension_numbers = #tpu.dot_dimension_numbers<[1], [0], [0], [1], [0, 0, 1, 1], [], []>, transpose_lhs_hint = false} : vector<1000x128xf32>, vector<128x128xf32>, vector<1000x128xf32> -> vector<1000x128xf32>
    %get3A_92 = arith.constant 0 : index
    %get3A_93 = arith.constant 0 : index
    %get3A_94 = vector.load %arg16[%get3A_92, %get3A_93] : memref<1x128xf32, #tpu.memory_space<vmem>>, vector<1x128xf32>
    %add3A_95 = vector.broadcast %get3A_94 : vector<1x128xf32> to vector<1000x128xf32>
    %add3A_96 = arith.addf %dot_general3A_91, %add3A_95 : vector<1000x128xf32>
    %max3A_97 = arith.constant 0.000000e+00 : f32
    %max3A_98 = vector.broadcast %max3A_97 : f32 to vector<1000x128xf32>
    %max3A_99 = arith.maximumf %add3A_96, %max3A_98 : vector<1000x128xf32>
    %get3A_100 = arith.constant 0 : index
    %get3A_101 = arith.constant 0 : index
    %get3A_102 = vector.load %arg17[%get3A_100, %get3A_101] : memref<128x128xf32, #tpu.memory_space<vmem>>, vector<128x128xf32>
    %dot_general3A_103 = arith.constant dense<0.000000e+00> : vector<1000x128xf32>
    %dot_general3A_104 = tpu.matmul %max3A_99, %get3A_102, %dot_general3A_103 {dimension_numbers = #tpu.dot_dimension_numbers<[1], [0], [0], [1], [0, 0, 1, 1], [], []>, transpose_lhs_hint = false} : vector<1000x128xf32>, vector<128x128xf32>, vector<1000x128xf32> -> vector<1000x128xf32>
    %add3A_105 = arith.addf %add3A_81, %dot_general3A_104 : vector<1000x128xf32>
    %get3A_106 = arith.constant 0 : index
    %get3A_107 = arith.constant 0 : index
    %get3A_108 = vector.load %arg18[%get3A_106, %get3A_107] : memref<1x128xf32, #tpu.memory_space<vmem>>, vector<1x128xf32>
    %add3A_109 = vector.broadcast %get3A_108 : vector<1x128xf32> to vector<1000x128xf32>
    %add3A_110 = arith.addf %add3A_105, %add3A_109 : vector<1000x128xf32>
    %get3A_111 = arith.constant 0 : index
    %get3A_112 = arith.constant 0 : index
    %get3A_113 = vector.load %arg19[%get3A_111, %get3A_112] : memref<128x128xf32, #tpu.memory_space<vmem>>, vector<128x128xf32>
    %dot_general3A_114 = arith.constant dense<0.000000e+00> : vector<1000x128xf32>
    %dot_general3A_115 = tpu.matmul %add3A_110, %get3A_113, %dot_general3A_114 {dimension_numbers = #tpu.dot_dimension_numbers<[1], [0], [0], [1], [0, 0, 1, 1], [], []>, transpose_lhs_hint = false} : vector<1000x128xf32>, vector<128x128xf32>, vector<1000x128xf32> -> vector<1000x128xf32>
    %get3A_116 = arith.constant 0 : index
    %get3A_117 = arith.constant 0 : index
    %get3A_118 = vector.load %arg20[%get3A_116, %get3A_117] : memref<1x128xf32, #tpu.memory_space<vmem>>, vector<1x128xf32>
    %add3A_119 = vector.broadcast %get3A_118 : vector<1x128xf32> to vector<1000x128xf32>
    %add3A_120 = arith.addf %dot_general3A_115, %add3A_119 : vector<1000x128xf32>
    %swap3A_121 = arith.constant 0 : index
    %swap3A_122 = arith.constant 0 : index
    %swap3A_123 = vector.load %arg22[%swap3A_121, %swap3A_122] : memref<1000x128xf32, #tpu.memory_space<vmem>>, vector<1000x128xf32>
    tpu.vector_store %arg22[%swap3A_121, %swap3A_122], %add3A_120 {strides = array<i32>} : memref<1000x128xf32, #tpu.memory_space<vmem>>, vector<1000x128xf32>,
    return
  }
  func.func @transform_0(%arg0: i32) -> (i32, i32) {
    %c0_i32 = arith.constant 0 : i32
    %c0_i32_0 = arith.constant 0 : i32
    return %arg0, %c0_i32 : i32, i32
  }
  func.func @transform_1(%arg0: i32) -> (i32, i32, i32) {
    %c0_i32 = arith.constant 0 : i32
    %c0_i32_0 = arith.constant 0 : i32
    %c0_i32_1 = arith.constant 0 : i32
    return %c0_i32, %arg0, %c0_i32_0 : i32, i32, i32
  }
  func.func @transform_2(%arg0: i32) -> (i32, i32, i32) {
    %c1_i32 = arith.constant 1 : i32
    %c0_i32 = arith.constant 0 : i32
    %c0_i32_0 = arith.constant 0 : i32
    return %c1_i32, %arg0, %c0_i32 : i32, i32, i32
  }
  func.func @transform_3(%arg0: i32) -> (i32, i32) {
    %c0_i32 = arith.constant 0 : i32
    %c0_i32_0 = arith.constant 0 : i32
    %c0_i32_1 = arith.constant 0 : i32
    return %c0_i32, %c0_i32_0 : i32, i32
  }
  func.func @transform_4(%arg0: i32) -> (i32, i32) {
    %c0_i32 = arith.constant 0 : i32
    %c0_i32_0 = arith.constant 0 : i32
    %c0_i32_1 = arith.constant 0 : i32
    return %c0_i32, %c0_i32_0 : i32, i32
  }
  func.func @transform_5(%arg0: i32) -> (i32, i32) {
    %c0_i32 = arith.constant 0 : i32
    %c0_i32_0 = arith.constant 0 : i32
    %c0_i32_1 = arith.constant 0 : i32
    return %c0_i32, %c0_i32_0 : i32, i32
  }
  func.func @transform_6(%arg0: i32) -> (i32, i32) {
    %c0_i32 = arith.constant 0 : i32
    %c0_i32_0 = arith.constant 0 : i32
    %c0_i32_1 = arith.constant 0 : i32
    return %c0_i32, %c0_i32_0 : i32, i32
  }
  func.func @transform_7(%arg0: i32) -> (i32, i32) {
    %c0_i32 = arith.constant 0 : i32
    %c0_i32_0 = arith.constant 0 : i32
    %c0_i32_1 = arith.constant 0 : i32
    return %c0_i32, %c0_i32_0 : i32, i32
  }
  func.func @transform_8(%arg0: i32) -> (i32, i32) {
    %c0_i32 = arith.constant 0 : i32
    %c0_i32_0 = arith.constant 0 : i32
    %c0_i32_1 = arith.constant 0 : i32
    return %c0_i32, %c0_i32_0 : i32, i32
  }
  func.func @transform_9(%arg0: i32) -> (i32, i32) {
    %c0_i32 = arith.constant 0 : i32
    %c0_i32_0 = arith.constant 0 : i32
    %c0_i32_1 = arith.constant 0 : i32
    return %c0_i32, %c0_i32_0 : i32, i32
  }
  func.func @transform_10(%arg0: i32) -> (i32, i32) {
    %c0_i32 = arith.constant 0 : i32
    %c0_i32_0 = arith.constant 0 : i32
    %c0_i32_1 = arith.constant 0 : i32
    return %c0_i32, %c0_i32_0 : i32, i32
  }
  func.func @transform_11(%arg0: i32) -> (i32, i32) {
    %c0_i32 = arith.constant 0 : i32
    %c0_i32_0 = arith.constant 0 : i32
    %c0_i32_1 = arith.constant 0 : i32
    return %c0_i32, %c0_i32_0 : i32, i32
  }
  func.func @transform_12(%arg0: i32) -> (i32, i32) {
    %c0_i32 = arith.constant 0 : i32
    %c0_i32_0 = arith.constant 0 : i32
    %c0_i32_1 = arith.constant 0 : i32
    return %c0_i32, %c0_i32_0 : i32, i32
  }
  func.func @transform_13(%arg0: i32) -> (i32, i32) {
    %c0_i32 = arith.constant 0 : i32
    %c0_i32_0 = arith.constant 0 : i32
    %c0_i32_1 = arith.constant 0 : i32
    return %c0_i32, %c0_i32_0 : i32, i32
  }
  func.func @transform_14(%arg0: i32) -> (i32, i32) {
    %c0_i32 = arith.constant 0 : i32
    %c0_i32_0 = arith.constant 0 : i32
    %c0_i32_1 = arith.constant 0 : i32
    return %c0_i32, %c0_i32_0 : i32, i32
  }
  func.func @transform_15(%arg0: i32) -> (i32, i32) {
    %c0_i32 = arith.constant 0 : i32
    %c0_i32_0 = arith.constant 0 : i32
    %c0_i32_1 = arith.constant 0 : i32
    return %c0_i32, %c0_i32_0 : i32, i32
  }
  func.func @transform_16(%arg0: i32) -> (i32, i32) {
    %c0_i32 = arith.constant 0 : i32
    %c0_i32_0 = arith.constant 0 : i32
    %c0_i32_1 = arith.constant 0 : i32
    return %c0_i32, %c0_i32_0 : i32, i32
  }
  func.func @transform_17(%arg0: i32) -> (i32, i32) {
    %c0_i32 = arith.constant 0 : i32
    %c0_i32_0 = arith.constant 0 : i32
    %c0_i32_1 = arith.constant 0 : i32
    return %c0_i32, %c0_i32_0 : i32, i32
  }
  func.func @transform_18(%arg0: i32) -> (i32, i32) {
    %c0_i32 = arith.constant 0 : i32
    %c0_i32_0 = arith.constant 0 : i32
    %c0_i32_1 = arith.constant 0 : i32
    return %c0_i32, %c0_i32_0 : i32, i32
  }
  func.func @transform_19(%arg0: i32) -> (i32, i32) {
    %c0_i32 = arith.constant 0 : i32
    %c0_i32_0 = arith.constant 0 : i32
    %c0_i32_1 = arith.constant 0 : i32
    return %c0_i32, %c0_i32_0 : i32, i32
  }
  func.func @transform_20(%arg0: i32) -> (i32, i32) {
    %c0_i32 = arith.constant 0 : i32
    %c0_i32_0 = arith.constant 0 : i32
    return %arg0, %c0_i32 : i32, i32
  }
  func.func @transform_21(%arg0: i32) -> (i32, i32) {
    %c0_i32 = arith.constant 0 : i32
    %c0_i32_0 = arith.constant 0 : i32
    return %arg0, %c0_i32 : i32, i32
  }
}

</mosaic_0001>

<sc_bundles>
// kernel: kernel.6.cloned.1.call-start
scs
__scs_entry_jumppad:
0x0: {  	(pc) =	sbr.rel $0x88, $3  }
0x1: {  	(tag) =	ssettag $0x0;
	lr =	simm.s32 $0x1  }
0x2: {  	[smem:$0x3F88] =	sst lr;
	_ =	strace $0xD0000000  }
0x3: {  	_ = 	snop  }
0x4: {  	_ = 	snop  }
0x5: {  	_ = 	snop  }
0x6: {  	_ = 	snop  }
0x7: {  	_ = 	snop  }
__scs_overlays_trampoline_lowered:
0x8: {  	[smem:$0x3F97] =	sst s0  }
0x9: {  	[smem:$0x3F98] =	sst s1  }
0xa: {  	[smem:$0x3F99] =	sst s2  }
0xb: {  	[smem:$0x3F9A] =	sst s3  }
0xc: {  	[smem:$0x3F9B] =	sst s4  }
0xd: {  	[smem:$0x3F9C] =	sst s5  }
0xe: {  	[smem:$0x3F9D] =	sst s6  }
0xf: {  	[smem:$0x3F9E] =	sst s7  }
0x10: {  	[smem:$0x3F9F] =	sst s8  }
0x11: {  	[smem:$0x3FA0] =	sst s9;
	s0 =	simm.s32 @!p0 $0x0  }
0x12: {  	s1 =	sld [smem:$0x3F86];
	s0 =	simm.s32 @p0 $0x1  }
0x13: {  	[smem:$0x3FA1] =	sst s0;
	s0 =	simm.s32 @!p1 $0x0  }
0x14: {  	s2 =	sld [smem:$0x3F85];
	s0 =	simm.s32 @p1 $0x1  }
0x15: {  	[smem:$0x3FA2] =	sst s0;
	s0 =	simm.s32 @!p2 $0x0  }
0x16: {  	s3 =	sld [smem:$0x3FDB];
	s0 =	simm.s32 @p2 $0x1  }
0x17: {  	s4 =	simm.s32 $0x1BF5;
	[smem:$0x3FA4] =	sst s0  }
0x18: {  	s0 =	sld [smem:$0x3F87];
	_ =	swait.ge [sflag:s4], $0x0  }
0x19: {  	s7 =	sld [smem:$0x3F88]  }
0x1a: {  	s8 =	sadd.s32 $0xFFFFE003, lr  }
0x1b: {  	s9 =	sadd.s32 $0xFFFFFEF7, lr;
	s5 =	simm.s32 $0xFFFFFFFF;
	p2 =	slt.u32 s8, $0xFFFFF086  }
0x1c: {  	p1 =	slt.u32 s9, $0xF7A;
	s5 =	simm.s32 @!p2 $0x0  }
0x1d: {  	s5 =	simm.s32 @p1 $0x1;
	p0 =	seq.s32 s7, s2  }
0x1e: {  	s7 =	smul.u32 @!p0 $0xF7A, s2;
	p2 =	seq.s32 @!p0 s5, $0x0  }
0x1f: {  	s9 =	smul.u32 $0xF7A, s1;
	s8 =	simm.s32 @!p0 $0x1BF5;
	p2 =	por !p2, p0  }
0x20: {  	[sflag:s8] =	ssyncset.s32 @!p0 $0xFFFFF086;
	s6 =	sadd.s32 @!p0 s3, s7;
	s7 =	simm.s32 @!p0 $0x108  }
0x21: {  	s3 =	sadd.s32 s3, s9;
	s6 =	sadd.s32 @!p0 $0x88, s6;
	s7 =	simm.s32 @p2 $0x1082  }
0x22: {  	[simem:s7], [sflag:s8] =	dma.local @!p0 [hbm:s6], $0xF7A  }
0x23: {  	s9 =	sor.u32 $0xD0000000, s2;
	s6 =	simm.s32 $0x108;
	_ =	swait.ge @!p0 [sflag:s8], $0x0  }
0x24: {  	s3 =	sadd.s32 $0x88, s3;
	s6 =	simm.s32 @!p1 $0x1082;
	[sflag:s4] =	ssyncset.s32 $0xFFFFF086  }
0x25: {  	[simem:s6], [sflag:s4] =	dma.local [hbm:s3], $0xF7A  }
0x26: {  	[smem:$0x3F88] =	sst s1;
	(tag) =	ssettag s2;
	_ =	strace s9  }
0x27: {  	s1 =	sld [smem:$0x3F98]  }
0x28: {  	s2 =	sld [smem:$0x3F99]  }
0x29: {  	s4 =	sld [smem:$0x3F9B]  }
0x2a: {  	p0 =	seq.s32 s5, $0x0;
	s5 =	sld [smem:$0x3F9C]  }
0x2b: {  	s6 =	sld [smem:$0x3F9D]  }
0x2c: {  	s7 =	sld [smem:$0x3F9E]  }
0x2d: {  	s3 =	simm.s32 $0x108;
	s8 =	sld [smem:$0x3F9F]  }
0x2e: {  	s3 =	simm.s32 @!p0 $0x1082;
	s9 =	sld [smem:$0x3FA0]  }
0x2f: {  	lr =	sadd.s32 s0, s3;
	s0 =	sld [smem:$0x3F97]  }
0x30: {  	s3 =	sld [smem:$0x3F9A]  }
0x31: {  	[smem:$0x3FA3] =	sst s10  }
0x32: {  	s10 =	sld [smem:$0x3FA1];
	_ =	sdelay $0x3  }
0x33: {  	p0 =	seq.s32 s10, $0x1;
	s10 =	sld [smem:$0x3FA3];
	_ =	sdelay $0x3  }
0x34: {  	[smem:$0x3FA3] =	sst s10  }
0x35: {  	s10 =	sld [smem:$0x3FA2];
	_ =	sdelay $0x3  }
0x36: {  	p1 =	seq.s32 s10, $0x1;
	s10 =	sld [smem:$0x3FA3];
	_ =	sdelay $0x3  }
0x37: {  	[smem:$0x3FA3] =	sst s10  }
0x38: {  	s10 =	sld [smem:$0x3FA4]  }
0x39: {  	_ = 	snop;
	(pc) =	sbr.ind lr, $3  }
0x3a: {  	_ = 	snop  }
0x3b: {  	_ = 	snop  }
0x3c: {  	p2 =	seq.s32 s10, $0x1;
	s10 =	sld [smem:$0x3FA3]  }
0x3d: {  	_ =	shalt  }
0x3e: {  	_ =	shalt  }
0x3f: {  	_ =	shalt  }
0x40: {  	_ =	shalt  }
0x41: {  	_ =	shalt  }
0x42: {  	_ =	shalt  }
0x43: {  	_ =	shalt  }
0x44: {  	_ =	shalt  }
0x45: {  	_ =	shalt  }
0x46: {  	_ =	shalt  }
0x47: {  	_ =	shalt  }
0x48: {  	_ =	shalt  }
0x49: {  	_ =	shalt  }
0x4a: {  	_ =	shalt  }
0x4b: {  	_ =	shalt  }
0x4c: {  	_ =	shalt  }
0x4d: {  	_ =	shalt  }
0x4e: {  	_ =	shalt  }
0x4f: {  	_ =	shalt  }
0x50: {  	_ =	shalt  }
0x51: {  	_ =	shalt  }
0x52: {  	_ =	shalt  }
0x53: {  	_ =	shalt  }
0x54: {  	_ =	shalt  }
0x55: {  	_ =	shalt  }
0x56: {  	_ =	shalt  }
0x57: {  	_ =	shalt  }
0x58: {  	_ =	shalt  }
0x59: {  	_ =	shalt  }
0x5a: {  	_ =	shalt  }
0x5b: {  	_ =	shalt  }
0x5c: {  	_ =	shalt  }
0x5d: {  	_ =	shalt  }
0x5e: {  	_ =	shalt  }
0x5f: {  	_ =	shalt  }
0x60: {  	_ =	shalt  }
0x61: {  	_ =	shalt  }
0x62: {  	_ =	shalt  }
0x63: {  	_ =	shalt  }
0x64: {  	_ =	shalt  }
0x65: {  	_ =	shalt  }
0x66: {  	_ =	shalt  }
0x67: {  	_ =	shalt  }
0x68: {  	_ =	shalt  }
0x69: {  	_ =	shalt  }
0x6a: {  	_ =	shalt  }
0x6b: {  	_ =	shalt  }
0x6c: {  	_ =	shalt  }
0x6d: {  	_ =	shalt  }
0x6e: {  	_ =	shalt  }
0x6f: {  	_ =	shalt  }
0x70: {  	_ =	shalt  }
0x71: {  	_ =	shalt  }
0x72: {  	_ =	shalt  }
0x73: {  	_ =	shalt  }
0x74: {  	_ =	shalt  }
0x75: {  	_ =	shalt  }
0x76: {  	_ =	shalt  }
0x77: {  	_ =	shalt  }
0x78: {  	_ =	shalt  }
0x79: {  	_ =	shalt  }
0x7a: {  	_ =	shalt  }
0x7b: {  	_ =	shalt  }
0x7c: {  	_ =	shalt  }
0x7d: {  	_ =	shalt  }
0x7e: {  	_ =	shalt  }
0x7f: {  	_ =	shalt  }
0x80: {  	_ =	shalt  }
0x81: {  	_ =	shalt  }
0x82: {  	_ =	shalt  }
0x83: {  	_ =	shalt  }
0x84: {  	_ =	shalt  }
0x85: {  	_ =	shalt  }
0x86: {  	_ =	shalt  }
0x87: {  	_ =	shalt  }
.Lfunc_end0:
.L_simem_size_0:
called_computation_lowered:
.L_overlay_start_0:
0x88: {  	s2 =	sld [smem:$0x3FD9]  }
0x89: {  	s3 =	sld [smem:$0x3FFE];
	_ =	sdelay $0x1  }
0x8a: {  	s1 =	srdreg.scid  }
0x8b: {  	s0 =	sand.u32 $0x1, s1  }
0x8c: {  	s14 =	sshll.u32 s0, $0xA;
	s2 =	sadd.s32 s3, s2  }
0x8d: {  	s2 =	sadd.s32 s2, s14  }
0x8e: {  	[smem:$0x3FAF] =	sst s2  }
0x8f: {  	_ = 	snop  }
0x90: {  	s2 =	sld [smem:$0x3FD0];
	_ =	sdelay $0x2  }
0x91: {  	s15 =	simm.s32 $0xA;
	s4 =	simm.s32 $0x10  }
0x92: {  	[smem:s4], [sflag:s15] =	dma.local [hbm:s2], $0x1  }
0x93: {  	_ =	swait.eq [sflag:s15], $0x1  }
0x94: {  	[sflag:s15] =	ssyncset.done $0x0  }
0x95: {  	[sflag:s15] =	ssyncadd.s32 $0xFFFFFFFF  }
0x96: {  	s16 =	sld [smem:$0x11];
	(tm) =	ssettm $0x1  }
0x97: {  	s17 =	sld [smem:$0x3FFB];
	_ =	sdelay $0x3  }
0x98: {  	_ =	strace s17  }
0x99: {  	s3 =	sld [smem:$0x3FFC];
	_ =	sdelay $0x3  }
0x9a: {  	_ =	strace s3  }
0x9b: {  	s3 =	sld [smem:$0x3FFD];
	_ =	sdelay $0x3  }
0x9c: {  	_ =	strace s3  }
0x9d: {  	_ =	strace $0x8FFFFFFF  }
0x9e: {  	s18 =	sld [smem:$0x3FDB];
	_ =	sdelay $0x1  }
0x9f: {  	s19 =	simm.s32 $_scs_section_size  }
0xa0: {  	s5 =	simm.s32 $_size__tile_overlayer_lowered;
	s6 =	simm.s32 $_tile_overlayer_lowered  }
0xa1: {  	s22 =	simm.s32 $0x1BFF;
	s21 =	sshll.u32 s6, $0x1;
	s3 =	sadd.s32 s19, s18  }
0xa2: {  	s7 =	simm.s32 $0x0;
	s20 =	sshll.u32 s5, $0x1;
	s5 =	sadd.s32 s21, s3  }
0xa3: {  	[timem:s7], [sflag:s22] =	dma.local [hbm:s5], s20  }
0xa4: {  	_ =	swait.ge [sflag:s22], s20  }
0xa5: {  	s4 =	ssub.s32 $0x0, s20;
	[sflag:s22] =	ssyncset.done $0x0  }
0xa6: {  	[sflag:s22] =	ssyncadd.s32 s4;
	_ =	sdelay $0x1  }
0xa7: {  	s23 =	simm.s32 $0x1B8B  }
0xa8: {  	_ =	swait.ge [sflag:s23], $0x1  }
0xa9: {  	[sflag:s23] =	ssyncset.done $0x0  }
0xaa: {  	s25 =	simm.s32 $0x1B8E;
	s24 =	sld [smem:$0x3FFE];
	[sflag:s23] =	ssyncadd.s32 $0xFFFFFFFF  }
0xab: {  	s26 =	simm.s32 $execute0_lowered;
	[smem:$0x3FD2] =	sst s25  }
0xac: {  	s5 =	sshll.u32 s26, $0x1;
	_ =	strace $0x80000046;
	[dreg:$0x1] =	wrdreg $0xFFFFFFFF  }
0xad: {  	s28 =	simm.s32 $_size_execute0_lowered;
	s3 =	sadd.s32 s3, s5;
	[dreg:$0x0] =	wrdreg $0x0  }
0xae: {  	s5 =	sshll.u32 s28, $0x1;
	[dreg:$0x2] =	wrdreg s3  }
0xaf: {  	[dreg:$0x3] =	wrdreg s5  }
0xb0: {  	[dreg:$0x4] =	wrdreg $0xC0  }
0xb1: {  	_ =	task [dreg:s7], $0x5FFFF  }
0xb2: {  	[dreg:$0x1] =	wrdreg $0xFFFFFFFF  }
0xb3: {  	[dreg:$0x0] =	wrdreg $0x60  }
0xb4: {  	[dreg:$0x2] =	wrdreg s16  }
0xb5: {  	[dreg:$0x3] =	wrdreg s24  }
0xb6: {  	[dreg:$0x4] =	wrdreg $0x0  }
0xb7: {  	[dreg:$0x5] =	wrdreg $0x9  }
0xb8: {  	_ =	task.clear_ibuf [dreg:s7], $0x6FFFF;
	_ =	strace $0x90000046  }
0xb9: {  	s29 =	simm.s32 $0x9;
	_ =	strace $0x80000048  }
0xba: {  	_ =	swait.ge [sflag:s29], $0x1  }
0xbb: {  	[sflag:s29] =	ssyncadd.s32 $0xFFFFFFFF  }
0xbc: {  	_ =	strace $0x90000048  }
0xbd: {  	_ =	sfence  }
0xbe: {  	s30 =	sld [smem:$0x0];
	_ =	sdelay $0x2  }
0xbf: {  	s31 =	sshll.u32 s1, $0xD;
	s1 =	sshrl.u32 s1, $0x2  }
0xc0: {  	s3 =	sand.u32 $0x4000, s31;
	s1 =	sadd.s32 s1, s30  }
0xc1: {  	s0 =	sor.u32 s3, s0;
	s1 =	sshll.u32 s1, $0x11  }
0xc2: {  	s0 =	sor.u32 s1, s0  }
0xc3: {  	s0 =	sadd.s32 $0x8F2B, s0  }
0xc4: {  	[sflag:s0] =	ssyncadd.remote.s32 $0x1  }
0xc5: {  	_ =	sfence.sel $0xFFFF  }
0xc6: {  	[dreg:$0x0] =	wrdreg $0xFFFFFFFF;
	(pc) =	sbr.abs _section_cstart, $3  }
0xc7: {  	[dreg:$0x1] =	wrdreg $0xFFFFFFFF  }
0xc8: {  	_ =	task.clear_ibuf [dreg:s7], $0x2FFFF;
	_ =	strace $0x9FFFFFFF  }
0xc9: {  	(tm) =	ssettm $0x7FFFFFFF  }
tec
execute0_lowered:
.L_overlay_start_1:
0x0: {  	(tag) =	ssettag $0x1  }
0x1: {  	s0 =	rddreg [dreg:$0x0]  }
0x2: {  	s2 =	rddreg [dreg:$0x1]  }
0x3: {  	s1 =	rddreg [dreg:$0x2];
	s3 =	simm.s32 $0x0;
	s25 =	srdreg.scid  }
0x4: {  	s14 =	stileid.u32;
	s28 =	simm.s32 $0x13880;
	s30 =	simm.s32 $0x15080  }
0x5: {  	s31 =	simm.s32 $0x5;
	s29 =	simm.s32 $0xE;
	[smem:$0x7FF] =	sst s3  }
0x6: {  	s4 =	sadd.s32 $0x4000, s2;
	s3 =	sand.u32 $0x1, s25;
	s5 =	sadd.s32 $0x526000, s2  }
0x7: {  	s8 =	smul.u32 $0x4E000, s14;
	s6 =	sadd.s32 $0x4E6000, s2;
	s2 =	sadd.s32 $0x2B200, s2  }
0x8: {  	s12 =	smul.u32 $0x13800, s14;
	s11 =	sshll.u32 s14, $0x6;
	s15 =	sadd.s32 $0x138000, s1  }
0x9: {  	p0 =	sne.s32 s14, $0xF;
	_ =	strace $0x80000047;
	s7 =	ssub.s32 $0x2, s3  }
0xa: {  	s10 =	sshll.u32 s3, $0x4;
	s17 =	sor.u32 $0x1C11, s11;
	[dreg:$0x7] =	wrdreg s15  }
0xb: {  	s3 =	smul.u32 $0x138800, s3;
	s9 =	sshrl.u32 s7, $0x1;
	s8 =	sshrl.u32 s8, $0x2  }
0xc: {  	s26 =	sor.u32 s14, s10;
	s13 =	sshrl.u32 s12, $0x3;
	[dreg:$0x6] =	wrdreg s17  }
0xd: {  	s7 =	ssub.s32 s7, s9;
	s8 =	sadd.s32 s8, s1;
	s10 =	sadd.s32 s0, s13  }
0xe: {  	s13 =	smul.u32 $0x138800, s26;
	s0 =	sadd.s32 $0x27000, s0;
	[dreg:$0x4] =	wrdreg s8  }
0xf: {  	s19 =	smul.u32 $0x27100, s26;
	s20 =	sshll.u32 s26, $0xC;
	[dreg:$0x5] =	wrdreg s10  }
0x10: {  	s23 =	sadd.s32 s12, s3;
	[dreg:$0x8] =	wrdreg s0;
	s10 =	sadd.s32 s6, s20  }
0x11: {  	s3 =	sshrl.u32 s3, $0x3;
	s0 =	sadd.s32 s5, s19;
	[dreg:$0xa] =	wrdreg s10  }
0x12: {  	s8 =	sshll.u32 s26, $0xF;
	s14 =	sadd.s32 $0x20010, s10;
	[dreg:$0xb] =	wrdreg s0  }
0x13: {  	s11 =	sor.u32 $0x100000, s8;
	s15 =	sadd.s32 $0x10, s10;
	[dreg:$0x14] =	wrdreg s14  }
0x14: {  	s13 =	sshrl.u32 s13, $0x3;
	s19 =	sadd.s32 $0x20, s10;
	[dreg:$0x15] =	wrdreg s15  }
0x15: {  	s20 =	sadd.s32 $0x20030, s10;
	s16 =	sshrl.u32 s11, $0x3;
	[dreg:$0x17] =	wrdreg s19  }
0x16: {  	s21 =	sadd.s32 s5, s13;
	s13 =	smax.u32 s7, $0x1;
	[dreg:$0x18] =	wrdreg s20  }
0x17: {  	s0 =	sshrl.u32 s23, $0x3;
	s23 =	sadd.s32 $0x20F80, s10;
	[dreg:$0x13] =	wrdreg s13  }
0x18: {  	s9 =	simm.s32 $0xC;
	s18 =	sadd.s32 s6, s16;
	[dreg:$0x1b] =	wrdreg s23  }
0x19: {  	s19 =	simm.s32 $0x11;
	s22 =	sadd.s32 $0x280, s21;
	[dreg:$0x9] =	wrdreg s18  }
0x1a: {  	s20 =	simm.s32 $0x13B00;
	s24 =	sadd.s32 $0x500, s21;
	[dreg:$0xc] =	wrdreg s22  }
0x1b: {  	s7 =	simm.s32 $0x3;
	s25 =	sadd.s32 $0x26980, s21;
	[dreg:$0xd] =	wrdreg s24  }
0x1c: {  	s16 =	smul.u32 $0xFA, s26;
	s0 =	sadd.s32 s2, s0;
	[dreg:$0xe] =	wrdreg s25  }
0x1d: {  	s26 =	sadd.s32 s2, s3;
	s3 =	sadd.s32 $0x26C00, s21;
	[dreg:$0xf] =	wrdreg s0  }
0x1e: {  	s14 =	simm.s32 $0x6;
	s12 =	sadd.s32 $0x26E80, s21;
	[dreg:$0x10] =	wrdreg s3  }
0x1f: {  	s15 =	simm.s32 $0x10;
	s21 =	sadd.s32 $0x30, s10;
	[dreg:$0x11] =	wrdreg s12  }
0x20: {  	s23 =	simm.s32 $0x13A00;
	s0 =	sadd.s32 $0x27000, s26;
	[dreg:$0x19] =	wrdreg s21  }
0x21: {  	s2 =	simm.s32 $0xA;
	s18 =	sadd.s32 $0x20020, s10;
	[dreg:$0x12] =	wrdreg s0  }
0x22: {  	s13 =	simm.s32 $0xF;
	s24 =	sadd.s32 $0xF80, s10;
	[dreg:$0x16] =	wrdreg s18  }
0x23: {  	s25 =	sadd.s32 $0x20F90, s10;
	s26 =	sadd.s32 $0xF90, s10;
	[dreg:$0x1c] =	wrdreg s24  }
0x24: {  	s21 =	simm.s32 $0x1;
	s10 =	simm.s32 $0x4;
	[dreg:$0x1d] =	wrdreg s25  }
0x25: {  	s3 =	simm.s32 $0x0;
	s22 =	sadd.s32 $0x3, s16;
	[dreg:$0x1e] =	wrdreg s26  }
0x26: {  	s25 =	simm.s32 $0x2;
	s26 =	simm.s32 $0x13980;
	s0 =	simm.s32 $0x9  }
0x27: {  	s24 =	simm.s32 $0xD;
	[dreg:$0x1a] =	wrdreg s22;
	s22 =	simm.s32 $0x28  }
.LBB2_1:
0x28: {  	[dreg:$0x1f] =	wrdreg s3  }
0x29: {  	s12 =	rddreg [dreg:$0x4]  }
0x2a: {  	s18 =	rddreg [dreg:$0x5];
	s12 =	sshrl.u32 s12, $0x3  }
0x2b: {  	[smem:$0x7FC] =	sst s12  }
0x2c: {  	[spmem:s12], [sflag:s17] =	dma.local [hbm:s18], $0x2700  }
0x2d: {  	_ =	swait.ge [sflag:s19], $0x2700  }
0x2e: {  	s12 =	rddreg [dreg:$0x7]  }
0x2f: {  	[sflag:s19] =	ssyncset.done $0x0;
	s3 =	sshrl.u32 @!p0 s12, $0x3;
	s12 =	rddreg [dreg:$0x8]  }
0x30: {  	[sflag:s19] =	ssyncadd.s32 $0xFFFFD900;
	[smem:$0x7FD] =	sst s3  }
0x31: {  	[spmem:s3], [sflag:s17] =	dma.local @!p0 [hbm:s12], $0x100  }
0x32: {  	s12 =	simm.s32 @!p0 $0x11  }
0x33: {  	_ =	swait.ge @!p0 [sflag:s12], $0x100  }
0x34: {  	[sflag:s12] =	ssyncset.done @!p0 $0x0  }
0x35: {  	[sflag:s12] =	ssyncadd.s32 @!p0 $0xFFFFFF00  }
0x36: {  	[bflag:$0x0] =	sbarrier.arrive $0xFFFF  }
0x37: {  	s12 =	simm.s32 $0x0;
	s19 =	rddreg [dreg:$0x9]  }
0x38: {  	[tilespmem:s28], [sflag:$0x1] =	stream.linear.gather [hbm4b:s19+s12], $0x80, $0x38;
	[tilespmem:$0x1DC80] =	vst v63  }
0x39: {  	s18 =	simm.s32 $0x13A80;
	s3 =	rddreg [dreg:$0xa]  }
0x3a: {  	[tilespmem:s18], [sflag:$0x1] =	stream.linear.gather [hbm4b:s3+s12], $0x80, $0x38;
	[tilespmem:$0x1DC80] =	vst v63  }
0x3b: {  	s19 =	rddreg [dreg:$0x14];
	s3 =	simm.s32 $0x13900  }
0x3c: {  	[tilespmem:s3], [sflag:$0x2] =	stream.linear.gather [hbm4b:s19+s12], $0x80, $0x38;
	[tilespmem:$0x1DC80] =	vst v63  }
0x3d: {  	s18 =	rddreg [dreg:$0x15]  }
0x3e: {  	[tilespmem:s20], [sflag:$0x2] =	stream.linear.gather [hbm4b:s18+s12], $0x80, $0x38;
	[tilespmem:$0x1DC80] =	vst v63  }
0x3f: {  	_ =	swait.ge [sflag:s21], $0x80  }
0x40: {  	[sflag:s21] =	ssyncset.done $0x0  }
0x41: {  	[sflag:s21] =	ssyncadd.s32 $0xFFFFFF80  }
0x42: {  	_ =	swait.ge [sflag:s21], $0x80  }
0x43: {  	[sflag:s21] =	ssyncset.done $0x0  }
0x44: {  	s19 =	simm.s32 $0x13C80;
	[sflag:s21] =	ssyncadd.s32 $0xFFFFFF80  }
0x45: {  	[tilespmem:s19], [sflag:$0x5] =	stream.indirect.gather [hbm4b:s4+s22], $0x80, s28, s22, $0xb8;
	[tilespmem:$0x1DC80] =	vst v63  }
0x46: {  	s18 =	rddreg [dreg:$0xb];
	s19 =	simm.s32 $0x18C80  }
0x47: {  	[tilespmem:s19], [sflag:$0x9] =	stream.linear.gather [hbm4b:s18+s12], $0x1400, $0x38;
	[tilespmem:$0x1DC80] =	vst v63  }
0x48: {  	_ =	swait.ge [sflag:s25], $0x80  }
0x49: {  	[sflag:s25] =	ssyncset.done $0x0  }
0x4a: {  	[sflag:s25] =	ssyncadd.s32 $0xFFFFFF80  }
0x4b: {  	_ =	swait.ge [sflag:s25], $0x80  }
0x4c: {  	[sflag:s25] =	ssyncset.done $0x0  }
0x4d: {  	[sflag:s25] =	ssyncadd.s32 $0xFFFFFF80  }
0x4e: {  	[tilespmem:s30], [sflag:$0x6] =	stream.indirect.gather [hbm4b:s4+s22], $0x80, s3, s22, $0xb8;
	[tilespmem:$0x1DC80] =	vst v63  }
0x4f: {  	s19 =	simm.s32 $0x1A080;
	s18 =	rddreg [dreg:$0xc]  }
0x50: {  	[tilespmem:s19], [sflag:$0xA] =	stream.linear.gather [hbm4b:s18+s12], $0x1400, $0x38;
	[tilespmem:$0x1DC80] =	vst v63  }
0x51: {  	s3 =	rddreg [dreg:$0x16]  }
0x52: {  	[tilespmem:s26], [sflag:$0x3] =	stream.linear.gather [hbm4b:s3+s12], $0x80, $0x38;
	[tilespmem:$0x1DC80] =	vst v63  }
0x53: {  	s18 =	rddreg [dreg:$0x17];
	s19 =	simm.s32 $0x13B80  }
0x54: {  	[tilespmem:s19], [sflag:$0x3] =	stream.linear.gather [hbm4b:s18+s12], $0x80, $0x38;
	[tilespmem:$0x1DC80] =	vst v63  }
0x55: {  	_ =	swait.ge [sflag:s31], $0x1400  }
0x56: {  	[sflag:s31] =	ssyncset.done $0x0  }
0x57: {  	[sflag:s31] =	ssyncadd.s32 $0xFFFFEC00  }
0x58: {  	_ =	swait.ge [sflag:s0], $0x1400  }
0x59: {  	[sflag:s0] =	ssyncset.done $0x0  }
0x5a: {  	s12 =	simm.s32 $0x0;
	[sflag:s0] =	ssyncadd.s32 $0xFFFFEC00  }
0x5b: {  	v4 =	vld [tilespmem:s12+$0x18C80]  }
0x5c: {  	v2 =	vld [tilespmem:s12+$0x18C90]  }
0x5d: {  	v1 =	vld [tilespmem:s12+$0x18CA0]  }
0x5e: {  	v0 =	vld [tilespmem:s12+$0x18CB0]  }
0x5f: {  	v8 =	vld [tilespmem:s12+$0x13C80]  }
0x60: {  	v7 =	vld [tilespmem:s12+$0x13C90]  }
0x61: {  	v6 =	vld [tilespmem:s12+$0x13CA0]  }
0x62: {  	v5 =	vld [tilespmem:s12+$0x13CB0]  }
0x63: {  	v3 =	vld [tilespmem:s12+$0x13CC0];
	v10 =	vshll.u32 v4, $0x10  }
0x64: {  	s17 =	simm.s32 $0x200;
	v9 =	vand.u32 $0xFFFF0000, v4;
	v4 =	vld [tilespmem:s12+$0x13CD0];
	v8 =	vmul.f32 v10, v8  }
.LBB2_2:
0x65: {  	p1 =	sne.s32 s17, $0x4E00;
	v7 =	vmul.f32 v9, v7;
	v9 =	vshll.u32 v2, $0x10;
	v10 =	vld [tilespmem:s12+$0x13CE0]  }
0x66: {  	s18 =	sshra.s32 s17, $0x2;
	v2 =	vand.u32 $0xFFFF0000, v2;
	[tilespmem:s12+$0x13C80] =	vst v8;
	v6 =	vmul.f32 v9, v6;
	v8 =	vld [tilespmem:s12+$0x13CF0]  }
0x67: {  	v9 =	vld [tilespmem:s18+$0x18C80];
	[tilespmem:s12+$0x13C90] =	vst v7;
	v5 =	vmul.f32 v2, v5;
	v7 =	vshll.u32 v1, $0x10  }
0x68: {  	v2 =	vld [tilespmem:s18+$0x18C90];
	[tilespmem:s12+$0x13CA0] =	vst v6;
	v6 =	vand.u32 $0xFFFF0000, v1;
	v3 =	vmul.f32 v7, v3  }
0x69: {  	v1 =	vld [tilespmem:s18+$0x18CA0];
	[tilespmem:s12+$0x13CB0] =	vst v5;
	v4 =	vmul.f32 v6, v4;
	v5 =	vshll.u32 v0, $0x10  }
0x6a: {  	[tilespmem:s12+$0x13CC0] =	vst v3;
	v3 =	vand.u32 $0xFFFF0000, v0;
	v0 =	vld [tilespmem:s18+$0x18CB0];
	v5 =	vmul.f32 v5, v10  }
0x6b: {  	v10 =	vld [tilespmem:s18+$0x13C80];
	[tilespmem:s12+$0x13CD0] =	vst v4;
	v3 =	vmul.f32 v3, v8  }
.Ltmp0:
0x6c: {  	v7 =	vld [tilespmem:s18+$0x13C90];
	[tilespmem:s12+$0x13CE0] =	vst v5;
	(pc) =	sbr.rel @p1 .LBB2_2-.Ltmp0, $4  }
0x6d: {  	v6 =	vld [tilespmem:s18+$0x13CA0];
	[tilespmem:s12+$0x13CF0] =	vst v3;
	s12 =	smov.u32 s18  }
0x6e: {  	v5 =	vld [tilespmem:s12+$0x13CB0]  }
0x6f: {  	v4 =	vshll.u32 v9, $0x10;
	v3 =	vld [tilespmem:s12+$0x13CC0]  }
0x70: {  	s17 =	sadd.s32 $0x200, s17;
	v9 =	vand.u32 $0xFFFF0000, v9;
	v8 =	vmul.f32 v4, v10;
	v4 =	vld [tilespmem:s12+$0x13CD0]  }
0x71: {  	v10 =	vld [tilespmem:s12+$0x13CE0];
	v7 =	vmul.f32 v9, v7;
	v9 =	vshll.u32 v2, $0x10  }
0x72: {  	v2 =	vand.u32 $0xFFFF0000, v2;
	[tilespmem:s12+$0x13C80] =	vst v8;
	v6 =	vmul.f32 v9, v6;
	v8 =	vld [tilespmem:s12+$0x13CF0]  }
0x73: {  	[tilespmem:s12+$0x13C90] =	vst v7;
	v2 =	vmul.f32 v2, v5;
	v5 =	vshll.u32 v1, $0x10  }
0x74: {  	v1 =	vand.u32 $0xFFFF0000, v1;
	[tilespmem:s12+$0x13CA0] =	vst v6;
	v3 =	vmul.f32 v5, v3  }
0x75: {  	[tilespmem:s12+$0x13CB0] =	vst v2;
	v1 =	vmul.f32 v1, v4;
	v2 =	vshll.u32 v0, $0x10  }
0x76: {  	v0 =	vand.u32 $0xFFFF0000, v0;
	[tilespmem:s12+$0x13CC0] =	vst v3;
	v2 =	vmul.f32 v2, v10  }
0x77: {  	[tilespmem:s12+$0x13CD0] =	vst v1;
	v0 =	vmul.f32 v0, v8  }
0x78: {  	[tilespmem:s12+$0x13CE0] =	vst v2  }
0x79: {  	s18 =	simm.s32 $0x13A80;
	s3 =	simm.s32 $0x13C80;
	[tilespmem:s12+$0x13CF0] =	vst v0  }
0x7a: {  	[spmem:s1] =	stream.indirect.scatter.add.f32 [tilespmem:s3], [sflag:$0xD], $0x80, s18, s22, $0xb8;
	[tilespmem:$0x1DC80] =	vst v63  }
0x7b: {  	_ =	swait.ge [sflag:s7], $0x80  }
0x7c: {  	[sflag:s7] =	ssyncset.done $0x0  }
0x7d: {  	[sflag:s7] =	ssyncadd.s32 $0xFFFFFF80  }
0x7e: {  	_ =	swait.ge [sflag:s7], $0x80  }
0x7f: {  	[sflag:s7] =	ssyncset.done $0x0  }
0x80: {  	s19 =	simm.s32 $0x16480;
	[sflag:s7] =	ssyncadd.s32 $0xFFFFFF80  }
0x81: {  	[tilespmem:s19], [sflag:$0x7] =	stream.indirect.gather [hbm4b:s4+s22], $0x80, s26, s22, $0xb8;
	[tilespmem:$0x1DC80] =	vst v63  }
0x82: {  	s12 =	simm.s32 $0x0;
	s17 =	rddreg [dreg:$0xd];
	s26 =	simm.s32 $0x1B480  }
0x83: {  	[tilespmem:s26], [sflag:$0xB] =	stream.linear.gather [hbm4b:s17+s12], $0x1400, $0x38;
	[tilespmem:$0x1DC80] =	vst v63  }
0x84: {  	s18 =	rddreg [dreg:$0x18]  }
0x85: {  	[tilespmem:s23], [sflag:$0x4] =	stream.linear.gather [hbm4b:s18+s12], $0x80, $0x38;
	[tilespmem:$0x1DC80] =	vst v63  }
0x86: {  	s19 =	rddreg [dreg:$0x19];
	s26 =	simm.s32 $0x13C00  }
0x87: {  	[tilespmem:s26], [sflag:$0x4] =	stream.linear.gather [hbm4b:s19+s12], $0x80, $0x38;
	[tilespmem:$0x1DC80] =	vst v63  }
0x88: {  	_ =	swait.ge [sflag:s14], $0x1400  }
0x89: {  	[sflag:s14] =	ssyncset.done $0x0  }
0x8a: {  	[sflag:s14] =	ssyncadd.s32 $0xFFFFEC00  }
0x8b: {  	_ =	swait.ge [sflag:s2], $0x1400  }
0x8c: {  	[sflag:s2] =	ssyncset.done $0x0  }
0x8d: {  	s12 =	simm.s32 $0x0;
	[sflag:s2] =	ssyncadd.s32 $0xFFFFEC00  }
0x8e: {  	v4 =	vld [tilespmem:s12+$0x1A080]  }
0x8f: {  	v2 =	vld [tilespmem:s12+$0x1A090]  }
0x90: {  	v1 =	vld [tilespmem:s12+$0x1A0A0]  }
0x91: {  	v0 =	vld [tilespmem:s12+$0x1A0B0]  }
0x92: {  	v8 =	vld [tilespmem:s12+$0x15080]  }
0x93: {  	v7 =	vld [tilespmem:s12+$0x15090]  }
0x94: {  	v6 =	vld [tilespmem:s12+$0x150A0]  }
0x95: {  	v5 =	vld [tilespmem:s12+$0x150B0]  }
0x96: {  	v3 =	vld [tilespmem:s12+$0x150C0];
	v10 =	vshll.u32 v4, $0x10  }
0x97: {  	s17 =	simm.s32 $0x200;
	v9 =	vand.u32 $0xFFFF0000, v4;
	v4 =	vld [tilespmem:s12+$0x150D0];
	v8 =	vmul.f32 v10, v8  }
.LBB2_4:
0x98: {  	p1 =	sne.s32 s17, $0x4E00;
	v7 =	vmul.f32 v9, v7;
	v9 =	vshll.u32 v2, $0x10;
	v10 =	vld [tilespmem:s12+$0x150E0]  }
0x99: {  	s18 =	sshra.s32 s17, $0x2;
	v2 =	vand.u32 $0xFFFF0000, v2;
	[tilespmem:s12+$0x15080] =	vst v8;
	v6 =	vmul.f32 v9, v6;
	v8 =	vld [tilespmem:s12+$0x150F0]  }
0x9a: {  	v9 =	vld [tilespmem:s18+$0x1A080];
	[tilespmem:s12+$0x15090] =	vst v7;
	v5 =	vmul.f32 v2, v5;
	v7 =	vshll.u32 v1, $0x10  }
0x9b: {  	v2 =	vld [tilespmem:s18+$0x1A090];
	[tilespmem:s12+$0x150A0] =	vst v6;
	v6 =	vand.u32 $0xFFFF0000, v1;
	v3 =	vmul.f32 v7, v3  }
0x9c: {  	v1 =	vld [tilespmem:s18+$0x1A0A0];
	[tilespmem:s12+$0x150B0] =	vst v5;
	v4 =	vmul.f32 v6, v4;
	v5 =	vshll.u32 v0, $0x10  }
0x9d: {  	[tilespmem:s12+$0x150C0] =	vst v3;
	v3 =	vand.u32 $0xFFFF0000, v0;
	v0 =	vld [tilespmem:s18+$0x1A0B0];
	v5 =	vmul.f32 v5, v10  }
0x9e: {  	v10 =	vld [tilespmem:s18+$0x15080];
	[tilespmem:s12+$0x150D0] =	vst v4;
	v3 =	vmul.f32 v3, v8  }
.Ltmp1:
0x9f: {  	v7 =	vld [tilespmem:s18+$0x15090];
	[tilespmem:s12+$0x150E0] =	vst v5;
	(pc) =	sbr.rel @p1 .LBB2_4-.Ltmp1, $4  }
0xa0: {  	v6 =	vld [tilespmem:s18+$0x150A0];
	[tilespmem:s12+$0x150F0] =	vst v3;
	s12 =	smov.u32 s18  }
0xa1: {  	v5 =	vld [tilespmem:s12+$0x150B0]  }
0xa2: {  	v4 =	vshll.u32 v9, $0x10;
	v3 =	vld [tilespmem:s12+$0x150C0]  }
0xa3: {  	s17 =	sadd.s32 $0x200, s17;
	v9 =	vand.u32 $0xFFFF0000, v9;
	v8 =	vmul.f32 v4, v10;
	v4 =	vld [tilespmem:s12+$0x150D0]  }
0xa4: {  	v10 =	vld [tilespmem:s12+$0x150E0];
	v7 =	vmul.f32 v9, v7;
	v57 =	vshll.u32 v2, $0x10  }
0xa5: {  	v58 =	vand.u32 $0xFFFF0000, v2;
	v59 =	vld [tilespmem:s12+$0x150F0];
	[tilespmem:s12+$0x15080] =	vst v8;
	v6 =	vmul.f32 v57, v6  }
0xa6: {  	v60 =	vshll.u32 v1, $0x10;
	[tilespmem:s12+$0x15090] =	vst v7;
	v2 =	vmul.f32 v58, v5  }
0xa7: {  	v61 =	vand.u32 $0xFFFF0000, v1;
	[tilespmem:s12+$0x150A0] =	vst v6;
	v3 =	vmul.f32 v60, v3  }
0xa8: {  	v62 =	vshll.u32 v0, $0x10;
	[tilespmem:s12+$0x150B0] =	vst v2;
	v1 =	vmul.f32 v61, v4  }
0xa9: {  	v63 =	vand.u32 $0xFFFF0000, v0;
	[tilespmem:s12+$0x150C0] =	vst v3;
	v2 =	vmul.f32 v62, v10  }
0xaa: {  	v0 =	vmul.f32 v63, v59;
	[tilespmem:s12+$0x150D0] =	vst v1  }
0xab: {  	[tilespmem:s12+$0x150E0] =	vst v2  }
0xac: {  	s17 =	simm.s32 $0x0;
	[tilespmem:s12+$0x150F0] =	vst v0;
	s12 =	simm.s32 $0x0  }
0xad: {  	[spmem:s1] =	stream.indirect.scatter.add.f32 [tilespmem:s30], [sflag:$0xE], $0x80, s20, s22, $0xb8;
	[tilespmem:$0x1DC80] =	vst v63  }
.LBB2_6:
0xae: {  	_ =	swait.ge [sflag:s10], $0x80  }
0xaf: {  	[sflag:s10] =	ssyncset.done $0x0  }
0xb0: {  	[sflag:s10] =	ssyncadd.s32 $0xFFFFFF80  }
0xb1: {  	_ =	swait.ge [sflag:s10], $0x80  }
0xb2: {  	s18 =	sshll.u32 s17, $0x2;
	s19 =	rddreg [dreg:$0x1a]  }
0xb3: {  	[sflag:s10] =	ssyncset.done $0x0;
	s19 =	sadd.s32 s18, s19  }
0xb4: {  	s3 =	simm.s32 $0x17880;
	[sflag:s10] =	ssyncadd.s32 $0xFFFFFF80;
	s19 =	smul.u32 $0x280, s19  }
0xb5: {  	[tilespmem:s3], [sflag:$0x8] =	stream.indirect.gather [hbm4b:s4+s22], $0x80, s23, s22, $0xb8;
	[tilespmem:$0x1DC80] =	vst v63  }
0xb6: {  	s26 =	simm.s32 $0x1C880;
	s19 =	sadd.s32 s5, s19  }
0xb7: {  	[tilespmem:s26], [sflag:$0xC] =	stream.linear.gather [hbm4b:s19+s12], $0x1400, $0x38;
	[tilespmem:$0x1DC80] =	vst v63  }
0xb8: {  	s19 =	sadd.s32 $0x4, s18  }
0xb9: {  	s20 =	sshll.u32 s19, $0x7  }
0xba: {  	s3 =	sand.u32 $0xFC00, s20  }
0xbb: {  	s20 =	sand.u32 $0x200, s20;
	s26 =	sadd.s32 s11, s3  }
0xbc: {  	_ =	swait.ge [sflag:s24], $0x1400;
	s23 =	sadd.s32 s8, s3;
	s26 =	sor.u32 s20, s26  }
0xbd: {  	[sflag:s24] =	ssyncset.done $0x0;
	s20 =	sor.u32 s20, s23;
	s26 =	sshrl.u32 s26, $0x3  }
0xbe: {  	[sflag:s24] =	ssyncadd.s32 $0xFFFFEC00;
	s20 =	sshrl.u32 s20, $0x3;
	s26 =	sadd.s32 s6, s26  }
0xbf: {  	[tilespmem:s28], [sflag:$0x1] =	stream.linear.gather [hbm4b:s26+s12], $0x80, $0x38;
	[tilespmem:$0x1DC80] =	vst v63  }
0xc0: {  	s3 =	simm.s32 $0x13A80;
	s23 =	simm.s32 $0x7;
	s20 =	sadd.s32 s6, s20  }
0xc1: {  	[tilespmem:s3], [sflag:$0x1] =	stream.linear.gather [hbm4b:s20+s12], $0x80, $0x38;
	[tilespmem:$0x1DC80] =	vst v63  }
0xc2: {  	_ =	swait.ge [sflag:s23], $0x1400  }
0xc3: {  	[sflag:s23] =	ssyncset.done $0x0  }
0xc4: {  	s26 =	simm.s32 $0xB;
	[sflag:s23] =	ssyncadd.s32 $0xFFFFEC00  }
0xc5: {  	_ =	swait.ge [sflag:s26], $0x1400  }
0xc6: {  	[sflag:s26] =	ssyncset.done $0x0  }
0xc7: {  	s20 =	simm.s32 $0x0;
	[sflag:s26] =	ssyncadd.s32 $0xFFFFEC00  }
0xc8: {  	v4 =	vld [tilespmem:s20+$0x1B480]  }
0xc9: {  	v2 =	vld [tilespmem:s20+$0x1B490]  }
0xca: {  	v1 =	vld [tilespmem:s20+$0x1B4A0]  }
0xcb: {  	v0 =	vld [tilespmem:s20+$0x1B4B0]  }
0xcc: {  	v8 =	vld [tilespmem:s20+$0x16480]  }
0xcd: {  	v7 =	vld [tilespmem:s20+$0x16490]  }
0xce: {  	v6 =	vld [tilespmem:s20+$0x164A0]  }
0xcf: {  	v5 =	vld [tilespmem:s20+$0x164B0]  }
0xd0: {  	v3 =	vld [tilespmem:s20+$0x164C0];
	v10 =	vshll.u32 v4, $0x10  }
0xd1: {  	s30 =	simm.s32 $0x13B00;
	s23 =	simm.s32 $0x200;
	v9 =	vand.u32 $0xFFFF0000, v4;
	v4 =	vld [tilespmem:s20+$0x164D0];
	v8 =	vmul.f32 v10, v8  }
.LBB2_7:
0xd2: {  	p1 =	sne.s32 s23, $0x4E00;
	v7 =	vmul.f32 v9, v7;
	v9 =	vshll.u32 v2, $0x10;
	v10 =	vld [tilespmem:s20+$0x164E0]  }
0xd3: {  	s26 =	sshra.s32 s23, $0x2;
	v2 =	vand.u32 $0xFFFF0000, v2;
	[tilespmem:s20+$0x16480] =	vst v8;
	v6 =	vmul.f32 v9, v6;
	v8 =	vld [tilespmem:s20+$0x164F0]  }
0xd4: {  	v9 =	vld [tilespmem:s26+$0x1B480];
	[tilespmem:s20+$0x16490] =	vst v7;
	v5 =	vmul.f32 v2, v5;
	v7 =	vshll.u32 v1, $0x10  }
0xd5: {  	v2 =	vld [tilespmem:s26+$0x1B490];
	[tilespmem:s20+$0x164A0] =	vst v6;
	v6 =	vand.u32 $0xFFFF0000, v1;
	v3 =	vmul.f32 v7, v3  }
0xd6: {  	v1 =	vld [tilespmem:s26+$0x1B4A0];
	[tilespmem:s20+$0x164B0] =	vst v5;
	v4 =	vmul.f32 v6, v4;
	v5 =	vshll.u32 v0, $0x10  }
0xd7: {  	[tilespmem:s20+$0x164C0] =	vst v3;
	v3 =	vand.u32 $0xFFFF0000, v0;
	v0 =	vld [tilespmem:s26+$0x1B4B0];
	v5 =	vmul.f32 v5, v10  }
0xd8: {  	v10 =	vld [tilespmem:s26+$0x16480];
	[tilespmem:s20+$0x164D0] =	vst v4;
	v3 =	vmul.f32 v3, v8  }
.Ltmp2:
0xd9: {  	v7 =	vld [tilespmem:s26+$0x16490];
	[tilespmem:s20+$0x164E0] =	vst v5;
	(pc) =	sbr.rel @p1 .LBB2_7-.Ltmp2, $4  }
0xda: {  	v6 =	vld [tilespmem:s26+$0x164A0];
	[tilespmem:s20+$0x164F0] =	vst v3;
	s20 =	smov.u32 s26  }
0xdb: {  	v5 =	vld [tilespmem:s20+$0x164B0]  }
0xdc: {  	v4 =	vshll.u32 v9, $0x10;
	v3 =	vld [tilespmem:s20+$0x164C0]  }
0xdd: {  	s23 =	sadd.s32 $0x200, s23;
	v9 =	vand.u32 $0xFFFF0000, v9;
	v8 =	vmul.f32 v4, v10;
	v4 =	vld [tilespmem:s20+$0x164D0]  }
0xde: {  	v10 =	vld [tilespmem:s20+$0x164E0];
	v7 =	vmul.f32 v9, v7;
	v9 =	vshll.u32 v2, $0x10  }
0xdf: {  	v2 =	vand.u32 $0xFFFF0000, v2;
	[tilespmem:s20+$0x16480] =	vst v8;
	v6 =	vmul.f32 v9, v6;
	v8 =	vld [tilespmem:s20+$0x164F0]  }
0xe0: {  	[tilespmem:s20+$0x16490] =	vst v7;
	v2 =	vmul.f32 v2, v5;
	v5 =	vshll.u32 v1, $0x10  }
0xe1: {  	v1 =	vand.u32 $0xFFFF0000, v1;
	[tilespmem:s20+$0x164A0] =	vst v6;
	v3 =	vmul.f32 v5, v3  }
0xe2: {  	[tilespmem:s20+$0x164B0] =	vst v2;
	v1 =	vmul.f32 v1, v4;
	v2 =	vshll.u32 v0, $0x10  }
0xe3: {  	v0 =	vand.u32 $0xFFFF0000, v0;
	[tilespmem:s20+$0x164C0] =	vst v3;
	v2 =	vmul.f32 v2, v10  }
0xe4: {  	[tilespmem:s20+$0x164D0] =	vst v1;
	v0 =	vmul.f32 v0, v8  }
0xe5: {  	[tilespmem:s20+$0x164E0] =	vst v2  }
0xe6: {  	s3 =	simm.s32 $0x13B80;
	s23 =	simm.s32 $0x16480;
	[tilespmem:s20+$0x164F0] =	vst v0  }
0xe7: {  	[spmem:s1] =	stream.indirect.scatter.add.f32 [tilespmem:s23], [sflag:$0xF], $0x80, s3, s22, $0xb8;
	[tilespmem:$0x1DC80] =	vst v63  }
0xe8: {  	_ =	swait.ge [sflag:s21], $0x80  }
0xe9: {  	[sflag:s21] =	ssyncset.done $0x0  }
0xea: {  	[sflag:s21] =	ssyncadd.s32 $0xFFFFFF80  }
0xeb: {  	_ =	swait.ge [sflag:s21], $0x80  }
0xec: {  	s19 =	sadd.s32 s16, s19;
	[sflag:s21] =	ssyncset.done $0x0  }
0xed: {  	s26 =	simm.s32 $0x13C80;
	s19 =	smul.u32 $0x280, s19;
	[sflag:s21] =	ssyncadd.s32 $0xFFFFFF80  }
0xee: {  	[tilespmem:s26], [sflag:$0x5] =	stream.indirect.gather [hbm4b:s4+s22], $0x80, s28, s22, $0xb8;
	[tilespmem:$0x1DC80] =	vst v63  }
0xef: {  	s19 =	sadd.s32 s5, s19;
	s20 =	simm.s32 $0x0;
	s28 =	simm.s32 $0x18C80  }
0xf0: {  	[tilespmem:s28], [sflag:$0x9] =	stream.linear.gather [hbm4b:s19+s20], $0x1400, $0x38;
	[tilespmem:$0x1DC80] =	vst v63  }
0xf1: {  	s19 =	sadd.s32 $0x5, s18  }
0xf2: {  	s23 =	sshll.u32 s19, $0x7  }
0xf3: {  	s26 =	sand.u32 $0xFC00, s23  }
0xf4: {  	_ =	swait.ge [sflag:s29], $0x1400;
	s23 =	sand.u32 $0x280, s23;
	s3 =	sadd.s32 s11, s26  }
0xf5: {  	[sflag:s29] =	ssyncset.done $0x0;
	s26 =	sadd.s32 s8, s26;
	s28 =	sor.u32 s23, s3  }
0xf6: {  	[sflag:s29] =	ssyncadd.s32 $0xFFFFEC00;
	s23 =	sor.u32 s23, s26;
	s28 =	sshrl.u32 s28, $0x3  }
0xf7: {  	s3 =	simm.s32 $0x13900;
	s23 =	sshrl.u32 s23, $0x3;
	s28 =	sadd.s32 s6, s28  }
0xf8: {  	[tilespmem:s3], [sflag:$0x2] =	stream.linear.gather [hbm4b:s28+s20], $0x80, $0x38;
	[tilespmem:$0x1DC80] =	vst v63  }
0xf9: {  	s23 =	sadd.s32 s6, s23  }
0xfa: {  	[tilespmem:s30], [sflag:$0x2] =	stream.linear.gather [hbm4b:s23+s20], $0x80, $0x38;
	[tilespmem:$0x1DC80] =	vst v63  }
0xfb: {  	s30 =	simm.s32 $0x8  }
0xfc: {  	_ =	swait.ge [sflag:s30], $0x1400  }
0xfd: {  	[sflag:s30] =	ssyncset.done $0x0  }
0xfe: {  	[sflag:s30] =	ssyncadd.s32 $0xFFFFEC00  }
0xff: {  	_ =	swait.ge [sflag:s9], $0x1400  }
0x100: {  	[sflag:s9] =	ssyncset.done $0x0  }
0x101: {  	s20 =	simm.s32 $0x0;
	[sflag:s9] =	ssyncadd.s32 $0xFFFFEC00  }
0x102: {  	v4 =	vld [tilespmem:s20+$0x1C880]  }
0x103: {  	v2 =	vld [tilespmem:s20+$0x1C890]  }
0x104: {  	v1 =	vld [tilespmem:s20+$0x1C8A0]  }
0x105: {  	v0 =	vld [tilespmem:s20+$0x1C8B0]  }
0x106: {  	v8 =	vld [tilespmem:s20+$0x17880]  }
0x107: {  	v7 =	vld [tilespmem:s20+$0x17890]  }
0x108: {  	v6 =	vld [tilespmem:s20+$0x178A0]  }
0x109: {  	v5 =	vld [tilespmem:s20+$0x178B0]  }
0x10a: {  	v3 =	vld [tilespmem:s20+$0x178C0];
	v10 =	vshll.u32 v4, $0x10  }
0x10b: {  	s23 =	simm.s32 $0x200;
	v9 =	vand.u32 $0xFFFF0000, v4;
	v4 =	vld [tilespmem:s20+$0x178D0];
	v8 =	vmul.f32 v10, v8  }
.LBB2_9:
0x10c: {  	p1 =	sne.s32 s23, $0x4E00;
	v7 =	vmul.f32 v9, v7;
	v9 =	vshll.u32 v2, $0x10;
	v10 =	vld [tilespmem:s20+$0x178E0]  }
0x10d: {  	s26 =	sshra.s32 s23, $0x2;
	v2 =	vand.u32 $0xFFFF0000, v2;
	[tilespmem:s20+$0x17880] =	vst v8;
	v6 =	vmul.f32 v9, v6;
	v8 =	vld [tilespmem:s20+$0x178F0]  }
0x10e: {  	v9 =	vld [tilespmem:s26+$0x1C880];
	[tilespmem:s20+$0x17890] =	vst v7;
	v5 =	vmul.f32 v2, v5;
	v7 =	vshll.u32 v1, $0x10  }
0x10f: {  	v2 =	vld [tilespmem:s26+$0x1C890];
	[tilespmem:s20+$0x178A0] =	vst v6;
	v6 =	vand.u32 $0xFFFF0000, v1;
	v3 =	vmul.f32 v7, v3  }
0x110: {  	v1 =	vld [tilespmem:s26+$0x1C8A0];
	[tilespmem:s20+$0x178B0] =	vst v5;
	v4 =	vmul.f32 v6, v4;
	v5 =	vshll.u32 v0, $0x10  }
0x111: {  	[tilespmem:s20+$0x178C0] =	vst v3;
	v3 =	vand.u32 $0xFFFF0000, v0;
	v0 =	vld [tilespmem:s26+$0x1C8B0];
	v5 =	vmul.f32 v5, v10  }
0x112: {  	v10 =	vld [tilespmem:s26+$0x17880];
	[tilespmem:s20+$0x178D0] =	vst v4;
	v3 =	vmul.f32 v3, v8  }
.Ltmp3:
0x113: {  	v7 =	vld [tilespmem:s26+$0x17890];
	[tilespmem:s20+$0x178E0] =	vst v5;
	(pc) =	sbr.rel @p1 .LBB2_9-.Ltmp3, $4  }
0x114: {  	v6 =	vld [tilespmem:s26+$0x178A0];
	[tilespmem:s20+$0x178F0] =	vst v3;
	s20 =	smov.u32 s26  }
0x115: {  	v5 =	vld [tilespmem:s20+$0x178B0]  }
0x116: {  	v4 =	vshll.u32 v9, $0x10;
	v3 =	vld [tilespmem:s20+$0x178C0]  }
0x117: {  	s23 =	sadd.s32 $0x200, s23;
	v9 =	vand.u32 $0xFFFF0000, v9;
	v8 =	vmul.f32 v4, v10;
	v4 =	vld [tilespmem:s20+$0x178D0]  }
0x118: {  	v10 =	vld [tilespmem:s20+$0x178E0];
	v7 =	vmul.f32 v9, v7;
	v9 =	vshll.u32 v2, $0x10  }
0x119: {  	v2 =	vand.u32 $0xFFFF0000, v2;
	[tilespmem:s20+$0x17880] =	vst v8;
	v6 =	vmul.f32 v9, v6;
	v8 =	vld [tilespmem:s20+$0x178F0]  }
0x11a: {  	[tilespmem:s20+$0x17890] =	vst v7;
	v2 =	vmul.f32 v2, v5;
	v5 =	vshll.u32 v1, $0x10  }
0x11b: {  	v1 =	vand.u32 $0xFFFF0000, v1;
	[tilespmem:s20+$0x178A0] =	vst v6;
	v3 =	vmul.f32 v5, v3  }
0x11c: {  	[tilespmem:s20+$0x178B0] =	vst v2;
	v1 =	vmul.f32 v1, v4;
	v2 =	vshll.u32 v0, $0x10  }
0x11d: {  	v0 =	vand.u32 $0xFFFF0000, v0;
	[tilespmem:s20+$0x178C0] =	vst v3;
	v2 =	vmul.f32 v2, v10  }
0x11e: {  	[tilespmem:s20+$0x178D0] =	vst v1;
	v0 =	vmul.f32 v0, v8  }
0x11f: {  	[tilespmem:s20+$0x178E0] =	vst v2  }
0x120: {  	s3 =	simm.s32 $0x13C00;
	s23 =	simm.s32 $0x17880;
	[tilespmem:s20+$0x178F0] =	vst v0  }
0x121: {  	[spmem:s1] =	stream.indirect.scatter.add.f32 [tilespmem:s23], [sflag:$0x10], $0x80, s3, s22, $0xb8;
	[tilespmem:$0x1DC80] =	vst v63  }
0x122: {  	_ =	swait.ge [sflag:s25], $0x80  }
0x123: {  	[sflag:s25] =	ssyncset.done $0x0  }
0x124: {  	s19 =	sadd.s32 s16, s19;
	[sflag:s25] =	ssyncadd.s32 $0xFFFFFF80  }
0x125: {  	s26 =	simm.s32 $0x13900;
	s30 =	simm.s32 $0x15080;
	_ =	swait.ge [sflag:s25], $0x80  }
0x126: {  	s28 =	simm.s32 $0x1A080;
	s18 =	sadd.s32 $0x6, s18;
	[sflag:s25] =	ssyncset.done $0x0  }
0x127: {  	s19 =	smul.u32 $0x280, s19;
	s3 =	sshll.u32 s18, $0x7;
	[sflag:s25] =	ssyncadd.s32 $0xFFFFFF80  }
0x128: {  	[tilespmem:s30], [sflag:$0x6] =	stream.indirect.gather [hbm4b:s4+s22], $0x80, s26, s22, $0xb8;
	[tilespmem:$0x1DC80] =	vst v63  }
0x129: {  	s19 =	sadd.s32 s5, s19;
	s20 =	simm.s32 $0x0;
	s23 =	sand.u32 $0xFC00, s3  }
0x12a: {  	[tilespmem:s28], [sflag:$0xA] =	stream.linear.gather [hbm4b:s19+s20], $0x1400, $0x38;
	[tilespmem:$0x1DC80] =	vst v63  }
0x12b: {  	s26 =	sadd.s32 s11, s23;
	s23 =	sadd.s32 s8, s23;
	s19 =	sand.u32 $0x300, s3  }
0x12c: {  	s28 =	simm.s32 $0x13980;
	_ =	swait.ge [sflag:s13], $0x1400;
	s26 =	sor.u32 s19, s26  }
0x12d: {  	s19 =	sor.u32 s19, s23;
	[sflag:s13] =	ssyncset.done $0x0;
	s26 =	sshrl.u32 s26, $0x3  }
0x12e: {  	s19 =	sshrl.u32 s19, $0x3;
	[sflag:s13] =	ssyncadd.s32 $0xFFFFEC00;
	s26 =	sadd.s32 s6, s26  }
0x12f: {  	[tilespmem:s28], [sflag:$0x3] =	stream.linear.gather [hbm4b:s26+s20], $0x80, $0x38;
	[tilespmem:$0x1DC80] =	vst v63  }
0x130: {  	s19 =	sadd.s32 s6, s19;
	s28 =	simm.s32 $0x13B80  }
0x131: {  	[tilespmem:s28], [sflag:$0x3] =	stream.linear.gather [hbm4b:s19+s20], $0x80, $0x38;
	[tilespmem:$0x1DC80] =	vst v63  }
0x132: {  	_ =	swait.ge [sflag:s31], $0x1400  }
0x133: {  	[sflag:s31] =	ssyncset.done $0x0  }
0x134: {  	[sflag:s31] =	ssyncadd.s32 $0xFFFFEC00  }
0x135: {  	_ =	swait.ge [sflag:s0], $0x1400  }
0x136: {  	[sflag:s0] =	ssyncset.done $0x0  }
0x137: {  	s19 =	simm.s32 $0x0;
	[sflag:s0] =	ssyncadd.s32 $0xFFFFEC00  }
0x138: {  	v4 =	vld [tilespmem:s19+$0x18C80]  }
0x139: {  	v2 =	vld [tilespmem:s19+$0x18C90]  }
0x13a: {  	v1 =	vld [tilespmem:s19+$0x18CA0]  }
0x13b: {  	v0 =	vld [tilespmem:s19+$0x18CB0]  }
0x13c: {  	v8 =	vld [tilespmem:s19+$0x13C80]  }
0x13d: {  	v7 =	vld [tilespmem:s19+$0x13C90]  }
0x13e: {  	v6 =	vld [tilespmem:s19+$0x13CA0]  }
0x13f: {  	v5 =	vld [tilespmem:s19+$0x13CB0]  }
0x140: {  	v3 =	vld [tilespmem:s19+$0x13CC0];
	v10 =	vshll.u32 v4, $0x10  }
0x141: {  	s26 =	simm.s32 $0x13980;
	s20 =	simm.s32 $0x200;
	v9 =	vand.u32 $0xFFFF0000, v4;
	v4 =	vld [tilespmem:s19+$0x13CD0];
	v8 =	vmul.f32 v10, v8  }
.LBB2_11:
0x142: {  	p1 =	sne.s32 s20, $0x4E00;
	v7 =	vmul.f32 v9, v7;
	v9 =	vshll.u32 v2, $0x10;
	v10 =	vld [tilespmem:s19+$0x13CE0]  }
0x143: {  	s23 =	sshra.s32 s20, $0x2;
	v2 =	vand.u32 $0xFFFF0000, v2;
	[tilespmem:s19+$0x13C80] =	vst v8;
	v6 =	vmul.f32 v9, v6;
	v8 =	vld [tilespmem:s19+$0x13CF0]  }
0x144: {  	v9 =	vld [tilespmem:s23+$0x18C80];
	[tilespmem:s19+$0x13C90] =	vst v7;
	v5 =	vmul.f32 v2, v5;
	v7 =	vshll.u32 v1, $0x10  }
0x145: {  	v2 =	vld [tilespmem:s23+$0x18C90];
	[tilespmem:s19+$0x13CA0] =	vst v6;
	v6 =	vand.u32 $0xFFFF0000, v1;
	v3 =	vmul.f32 v7, v3  }
0x146: {  	v1 =	vld [tilespmem:s23+$0x18CA0];
	[tilespmem:s19+$0x13CB0] =	vst v5;
	v4 =	vmul.f32 v6, v4;
	v5 =	vshll.u32 v0, $0x10  }
0x147: {  	[tilespmem:s19+$0x13CC0] =	vst v3;
	v3 =	vand.u32 $0xFFFF0000, v0;
	v0 =	vld [tilespmem:s23+$0x18CB0];
	v5 =	vmul.f32 v5, v10  }
0x148: {  	v10 =	vld [tilespmem:s23+$0x13C80];
	[tilespmem:s19+$0x13CD0] =	vst v4;
	v3 =	vmul.f32 v3, v8  }
.Ltmp4:
0x149: {  	v7 =	vld [tilespmem:s23+$0x13C90];
	[tilespmem:s19+$0x13CE0] =	vst v5;
	(pc) =	sbr.rel @p1 .LBB2_11-.Ltmp4, $4  }
0x14a: {  	v6 =	vld [tilespmem:s23+$0x13CA0];
	[tilespmem:s19+$0x13CF0] =	vst v3;
	s19 =	smov.u32 s23  }
0x14b: {  	v5 =	vld [tilespmem:s19+$0x13CB0]  }
0x14c: {  	v4 =	vshll.u32 v9, $0x10;
	v3 =	vld [tilespmem:s19+$0x13CC0]  }
0x14d: {  	s20 =	sadd.s32 $0x200, s20;
	v9 =	vand.u32 $0xFFFF0000, v9;
	v8 =	vmul.f32 v4, v10;
	v4 =	vld [tilespmem:s19+$0x13CD0]  }
0x14e: {  	v10 =	vld [tilespmem:s19+$0x13CE0];
	v7 =	vmul.f32 v9, v7;
	v9 =	vshll.u32 v2, $0x10  }
0x14f: {  	v2 =	vand.u32 $0xFFFF0000, v2;
	[tilespmem:s19+$0x13C80] =	vst v8;
	v6 =	vmul.f32 v9, v6;
	v8 =	vld [tilespmem:s19+$0x13CF0]  }
0x150: {  	[tilespmem:s19+$0x13C90] =	vst v7;
	v2 =	vmul.f32 v2, v5;
	v5 =	vshll.u32 v1, $0x10  }
0x151: {  	v1 =	vand.u32 $0xFFFF0000, v1;
	[tilespmem:s19+$0x13CA0] =	vst v6;
	v3 =	vmul.f32 v5, v3  }
0x152: {  	[tilespmem:s19+$0x13CB0] =	vst v2;
	v1 =	vmul.f32 v1, v4;
	v2 =	vshll.u32 v0, $0x10  }
0x153: {  	v0 =	vand.u32 $0xFFFF0000, v0;
	[tilespmem:s19+$0x13CC0] =	vst v3;
	v2 =	vmul.f32 v2, v10  }
0x154: {  	[tilespmem:s19+$0x13CD0] =	vst v1;
	v0 =	vmul.f32 v0, v8  }
0x155: {  	[tilespmem:s19+$0x13CE0] =	vst v2  }
0x156: {  	s23 =	simm.s32 $0x13A80;
	s3 =	simm.s32 $0x13C80;
	[tilespmem:s19+$0x13CF0] =	vst v0  }
0x157: {  	[spmem:s1] =	stream.indirect.scatter.add.f32 [tilespmem:s3], [sflag:$0xD], $0x80, s23, s22, $0xb8;
	[tilespmem:$0x1DC80] =	vst v63  }
0x158: {  	_ =	swait.ge [sflag:s7], $0x80  }
0x159: {  	[sflag:s7] =	ssyncset.done $0x0  }
0x15a: {  	s18 =	sadd.s32 s16, s18;
	[sflag:s7] =	ssyncadd.s32 $0xFFFFFF80  }
0x15b: {  	s18 =	smul.u32 $0x280, s18;
	_ =	swait.ge [sflag:s7], $0x80  }
0x15c: {  	[sflag:s7] =	ssyncset.done $0x0  }
0x15d: {  	s20 =	simm.s32 $0x16480;
	s18 =	sadd.s32 s5, s18;
	[sflag:s7] =	ssyncadd.s32 $0xFFFFFF80  }
0x15e: {  	[tilespmem:s20], [sflag:$0x7] =	stream.indirect.gather [hbm4b:s4+s22], $0x80, s26, s22, $0xb8;
	[tilespmem:$0x1DC80] =	vst v63  }
0x15f: {  	s19 =	simm.s32 $0x0;
	s23 =	simm.s32 $0x1B480;
	s3 =	sshll.u32 s17, $0x9  }
0x160: {  	[tilespmem:s23], [sflag:$0xB] =	stream.linear.gather [hbm4b:s18+s19], $0x1400, $0x38;
	[tilespmem:$0x1DC80] =	vst v63  }
0x161: {  	s18 =	sadd.s32 $0x380, s3  }
0x162: {  	s20 =	sand.u32 $0xFC00, s18  }
0x163: {  	s3 =	simm.s32 $0x13A00;
	s18 =	sand.u32 $0x380, s18;
	s23 =	sadd.s32 s11, s20  }
0x164: {  	_ =	swait.ge [sflag:s15], $0x1400;
	s20 =	sadd.s32 s8, s20;
	s23 =	sor.u32 s18, s23  }
0x165: {  	[sflag:s15] =	ssyncset.done $0x0;
	s18 =	sor.u32 s18, s20;
	s23 =	sshrl.u32 s23, $0x3  }
0x166: {  	[sflag:s15] =	ssyncadd.s32 $0xFFFFEC00;
	s18 =	sshrl.u32 s18, $0x3;
	s23 =	sadd.s32 s6, s23  }
0x167: {  	[tilespmem:s3], [sflag:$0x4] =	stream.linear.gather [hbm4b:s23+s19], $0x80, $0x38;
	[tilespmem:$0x1DC80] =	vst v63  }
0x168: {  	s20 =	simm.s32 $0x13C00;
	s18 =	sadd.s32 s6, s18  }
0x169: {  	[tilespmem:s20], [sflag:$0x4] =	stream.linear.gather [hbm4b:s18+s19], $0x80, $0x38;
	[tilespmem:$0x1DC80] =	vst v63  }
0x16a: {  	_ =	swait.ge [sflag:s14], $0x1400  }
0x16b: {  	[sflag:s14] =	ssyncset.done $0x0  }
0x16c: {  	[sflag:s14] =	ssyncadd.s32 $0xFFFFEC00  }
0x16d: {  	_ =	swait.ge [sflag:s2], $0x1400  }
0x16e: {  	[sflag:s2] =	ssyncset.done $0x0  }
0x16f: {  	s18 =	simm.s32 $0x0;
	[sflag:s2] =	ssyncadd.s32 $0xFFFFEC00  }
0x170: {  	v4 =	vld [tilespmem:s18+$0x1A080]  }
0x171: {  	v2 =	vld [tilespmem:s18+$0x1A090]  }
0x172: {  	v1 =	vld [tilespmem:s18+$0x1A0A0]  }
0x173: {  	v0 =	vld [tilespmem:s18+$0x1A0B0]  }
0x174: {  	v8 =	vld [tilespmem:s18+$0x15080]  }
0x175: {  	v7 =	vld [tilespmem:s18+$0x15090]  }
0x176: {  	v6 =	vld [tilespmem:s18+$0x150A0]  }
0x177: {  	v5 =	vld [tilespmem:s18+$0x150B0]  }
0x178: {  	v3 =	vld [tilespmem:s18+$0x150C0];
	v10 =	vshll.u32 v4, $0x10  }
0x179: {  	s28 =	simm.s32 $0x13880;
	s23 =	simm.s32 $0x13A00;
	s19 =	simm.s32 $0x200;
	v9 =	vand.u32 $0xFFFF0000, v4;
	v4 =	vld [tilespmem:s18+$0x150D0];
	v8 =	vmul.f32 v10, v8  }
.LBB2_13:
0x17a: {  	p1 =	sne.s32 s19, $0x4E00;
	v7 =	vmul.f32 v9, v7;
	v9 =	vshll.u32 v2, $0x10;
	v10 =	vld [tilespmem:s18+$0x150E0]  }
0x17b: {  	s20 =	sshra.s32 s19, $0x2;
	v2 =	vand.u32 $0xFFFF0000, v2;
	[tilespmem:s18+$0x15080] =	vst v8;
	v6 =	vmul.f32 v9, v6;
	v8 =	vld [tilespmem:s18+$0x150F0]  }
0x17c: {  	v9 =	vld [tilespmem:s20+$0x1A080];
	[tilespmem:s18+$0x15090] =	vst v7;
	v5 =	vmul.f32 v2, v5;
	v7 =	vshll.u32 v1, $0x10  }
0x17d: {  	v2 =	vld [tilespmem:s20+$0x1A090];
	[tilespmem:s18+$0x150A0] =	vst v6;
	v6 =	vand.u32 $0xFFFF0000, v1;
	v3 =	vmul.f32 v7, v3  }
0x17e: {  	v1 =	vld [tilespmem:s20+$0x1A0A0];
	[tilespmem:s18+$0x150B0] =	vst v5;
	v4 =	vmul.f32 v6, v4;
	v5 =	vshll.u32 v0, $0x10  }
0x17f: {  	[tilespmem:s18+$0x150C0] =	vst v3;
	v3 =	vand.u32 $0xFFFF0000, v0;
	v0 =	vld [tilespmem:s20+$0x1A0B0];
	v5 =	vmul.f32 v5, v10  }
0x180: {  	v10 =	vld [tilespmem:s20+$0x15080];
	[tilespmem:s18+$0x150D0] =	vst v4;
	v3 =	vmul.f32 v3, v8  }
.Ltmp5:
0x181: {  	v7 =	vld [tilespmem:s20+$0x15090];
	[tilespmem:s18+$0x150E0] =	vst v5;
	(pc) =	sbr.rel @p1 .LBB2_13-.Ltmp5, $4  }
0x182: {  	v6 =	vld [tilespmem:s20+$0x150A0];
	[tilespmem:s18+$0x150F0] =	vst v3;
	s18 =	smov.u32 s20  }
0x183: {  	v5 =	vld [tilespmem:s18+$0x150B0]  }
0x184: {  	v4 =	vshll.u32 v9, $0x10;
	v3 =	vld [tilespmem:s18+$0x150C0]  }
0x185: {  	s19 =	sadd.s32 $0x200, s19;
	v9 =	vand.u32 $0xFFFF0000, v9;
	v8 =	vmul.f32 v4, v10;
	v4 =	vld [tilespmem:s18+$0x150D0]  }
0x186: {  	v10 =	vld [tilespmem:s18+$0x150E0];
	v7 =	vmul.f32 v9, v7;
	v57 =	vshll.u32 v2, $0x10  }
0x187: {  	v58 =	vand.u32 $0xFFFF0000, v2;
	v59 =	vld [tilespmem:s18+$0x150F0];
	[tilespmem:s18+$0x15080] =	vst v8;
	v6 =	vmul.f32 v57, v6  }
0x188: {  	v60 =	vshll.u32 v1, $0x10;
	[tilespmem:s18+$0x15090] =	vst v7;
	v2 =	vmul.f32 v58, v5  }
0x189: {  	v61 =	vand.u32 $0xFFFF0000, v1;
	s17 =	sadd.s32 $0x1, s17;
	[tilespmem:s18+$0x150A0] =	vst v6;
	v3 =	vmul.f32 v60, v3  }
0x18a: {  	v62 =	vshll.u32 v0, $0x10;
	p1 =	sne.s32 s17, $0x3D;
	[tilespmem:s18+$0x150B0] =	vst v2;
	v1 =	vmul.f32 v61, v4  }
.Ltmp6:
0x18b: {  	v63 =	vand.u32 $0xFFFF0000, v0;
	[tilespmem:s18+$0x150C0] =	vst v3;
	v2 =	vmul.f32 v62, v10;
	(pc) =	sbr.rel @p1 .LBB2_6-.Ltmp6, $4  }
0x18c: {  	v0 =	vmul.f32 v63, v59;
	[tilespmem:s18+$0x150D0] =	vst v1  }
0x18d: {  	[tilespmem:s18+$0x150E0] =	vst v2  }
0x18e: {  	s20 =	simm.s32 $0x13B00;
	[tilespmem:s18+$0x150F0] =	vst v0  }
0x18f: {  	[spmem:s1] =	stream.indirect.scatter.add.f32 [tilespmem:s30], [sflag:$0xE], $0x80, s20, s22, $0xb8;
	[tilespmem:$0x1DC80] =	vst v63  }
0x190: {  	_ =	swait.ge [sflag:s10], $0x80  }
0x191: {  	[sflag:s10] =	ssyncset.done $0x0  }
0x192: {  	[sflag:s10] =	ssyncadd.s32 $0xFFFFFF80  }
0x193: {  	_ =	swait.ge [sflag:s10], $0x80  }
0x194: {  	[sflag:s10] =	ssyncset.done $0x0  }
0x195: {  	s3 =	simm.s32 $0x17880;
	[sflag:s10] =	ssyncadd.s32 $0xFFFFFF80  }
0x196: {  	[tilespmem:s3], [sflag:$0x8] =	stream.indirect.gather [hbm4b:s4+s22], $0x80, s23, s22, $0xb8;
	[tilespmem:$0x1DC80] =	vst v63  }
0x197: {  	s12 =	simm.s32 $0x0;
	s18 =	simm.s32 $0x1C880;
	s17 =	rddreg [dreg:$0xe]  }
0x198: {  	[tilespmem:s18], [sflag:$0xC] =	stream.linear.gather [hbm4b:s17+s12], $0x1400, $0x38;
	[tilespmem:$0x1DC80] =	vst v63  }
0x199: {  	_ =	swait.ge [sflag:s24], $0x1400  }
0x19a: {  	[sflag:s24] =	ssyncset.done $0x0  }
0x19b: {  	s19 =	rddreg [dreg:$0x1b];
	[sflag:s24] =	ssyncadd.s32 $0xFFFFEC00  }
0x19c: {  	[tilespmem:s28], [sflag:$0x1] =	stream.linear.gather [hbm4b:s19+s12], $0x80, $0x38;
	[tilespmem:$0x1DC80] =	vst v63  }
0x19d: {  	s18 =	simm.s32 $0x13A80;
	s3 =	rddreg [dreg:$0x1c]  }
0x19e: {  	[tilespmem:s18], [sflag:$0x1] =	stream.linear.gather [hbm4b:s3+s12], $0x80, $0x38;
	[tilespmem:$0x1DC80] =	vst v63  }
0x19f: {  	s18 =	simm.s32 $0x7  }
0x1a0: {  	_ =	swait.ge [sflag:s18], $0x1400  }
0x1a1: {  	[sflag:s18] =	ssyncset.done $0x0  }
0x1a2: {  	s19 =	simm.s32 $0xB;
	[sflag:s18] =	ssyncadd.s32 $0xFFFFEC00  }
0x1a3: {  	_ =	swait.ge [sflag:s19], $0x1400  }
0x1a4: {  	[sflag:s19] =	ssyncset.done $0x0  }
0x1a5: {  	s12 =	simm.s32 $0x0;
	[sflag:s19] =	ssyncadd.s32 $0xFFFFEC00  }
0x1a6: {  	v4 =	vld [tilespmem:s12+$0x1B480]  }
0x1a7: {  	v2 =	vld [tilespmem:s12+$0x1B490]  }
0x1a8: {  	v1 =	vld [tilespmem:s12+$0x1B4A0]  }
0x1a9: {  	v0 =	vld [tilespmem:s12+$0x1B4B0]  }
0x1aa: {  	v8 =	vld [tilespmem:s12+$0x16480]  }
0x1ab: {  	v7 =	vld [tilespmem:s12+$0x16490]  }
0x1ac: {  	v6 =	vld [tilespmem:s12+$0x164A0]  }
0x1ad: {  	v5 =	vld [tilespmem:s12+$0x164B0]  }
0x1ae: {  	v3 =	vld [tilespmem:s12+$0x164C0];
	v10 =	vshll.u32 v4, $0x10  }
0x1af: {  	s17 =	simm.s32 $0x200;
	v9 =	vand.u32 $0xFFFF0000, v4;
	v4 =	vld [tilespmem:s12+$0x164D0];
	v8 =	vmul.f32 v10, v8  }
.LBB2_16:
0x1b0: {  	p1 =	sne.s32 s17, $0x4E00;
	v7 =	vmul.f32 v9, v7;
	v9 =	vshll.u32 v2, $0x10;
	v10 =	vld [tilespmem:s12+$0x164E0]  }
0x1b1: {  	s18 =	sshra.s32 s17, $0x2;
	v2 =	vand.u32 $0xFFFF0000, v2;
	[tilespmem:s12+$0x16480] =	vst v8;
	v6 =	vmul.f32 v9, v6;
	v8 =	vld [tilespmem:s12+$0x164F0]  }
0x1b2: {  	v9 =	vld [tilespmem:s18+$0x1B480];
	[tilespmem:s12+$0x16490] =	vst v7;
	v5 =	vmul.f32 v2, v5;
	v7 =	vshll.u32 v1, $0x10  }
0x1b3: {  	v2 =	vld [tilespmem:s18+$0x1B490];
	[tilespmem:s12+$0x164A0] =	vst v6;
	v6 =	vand.u32 $0xFFFF0000, v1;
	v3 =	vmul.f32 v7, v3  }
0x1b4: {  	v1 =	vld [tilespmem:s18+$0x1B4A0];
	[tilespmem:s12+$0x164B0] =	vst v5;
	v4 =	vmul.f32 v6, v4;
	v5 =	vshll.u32 v0, $0x10  }
0x1b5: {  	[tilespmem:s12+$0x164C0] =	vst v3;
	v3 =	vand.u32 $0xFFFF0000, v0;
	v0 =	vld [tilespmem:s18+$0x1B4B0];
	v5 =	vmul.f32 v5, v10  }
0x1b6: {  	v10 =	vld [tilespmem:s18+$0x16480];
	[tilespmem:s12+$0x164D0] =	vst v4;
	v3 =	vmul.f32 v3, v8  }
.Ltmp7:
0x1b7: {  	v7 =	vld [tilespmem:s18+$0x16490];
	[tilespmem:s12+$0x164E0] =	vst v5;
	(pc) =	sbr.rel @p1 .LBB2_16-.Ltmp7, $4  }
0x1b8: {  	v6 =	vld [tilespmem:s18+$0x164A0];
	[tilespmem:s12+$0x164F0] =	vst v3;
	s12 =	smov.u32 s18  }
0x1b9: {  	v5 =	vld [tilespmem:s12+$0x164B0]  }
0x1ba: {  	v4 =	vshll.u32 v9, $0x10;
	v3 =	vld [tilespmem:s12+$0x164C0]  }
0x1bb: {  	s17 =	sadd.s32 $0x200, s17;
	v9 =	vand.u32 $0xFFFF0000, v9;
	v8 =	vmul.f32 v4, v10;
	v4 =	vld [tilespmem:s12+$0x164D0]  }
0x1bc: {  	v10 =	vld [tilespmem:s12+$0x164E0];
	v7 =	vmul.f32 v9, v7;
	v9 =	vshll.u32 v2, $0x10  }
0x1bd: {  	v2 =	vand.u32 $0xFFFF0000, v2;
	[tilespmem:s12+$0x16480] =	vst v8;
	v6 =	vmul.f32 v9, v6;
	v8 =	vld [tilespmem:s12+$0x164F0]  }
0x1be: {  	[tilespmem:s12+$0x16490] =	vst v7;
	v2 =	vmul.f32 v2, v5;
	v5 =	vshll.u32 v1, $0x10  }
0x1bf: {  	v1 =	vand.u32 $0xFFFF0000, v1;
	[tilespmem:s12+$0x164A0] =	vst v6;
	v3 =	vmul.f32 v5, v3  }
0x1c0: {  	[tilespmem:s12+$0x164B0] =	vst v2;
	v1 =	vmul.f32 v1, v4;
	v2 =	vshll.u32 v0, $0x10  }
0x1c1: {  	v0 =	vand.u32 $0xFFFF0000, v0;
	[tilespmem:s12+$0x164C0] =	vst v3;
	v2 =	vmul.f32 v2, v10  }
0x1c2: {  	[tilespmem:s12+$0x164D0] =	vst v1;
	v0 =	vmul.f32 v0, v8  }
0x1c3: {  	[tilespmem:s12+$0x164E0] =	vst v2  }
0x1c4: {  	s3 =	simm.s32 $0x13B80;
	s17 =	simm.s32 $0x16480;
	[tilespmem:s12+$0x164F0] =	vst v0  }
0x1c5: {  	[spmem:s1] =	stream.indirect.scatter.add.f32 [tilespmem:s17], [sflag:$0xF], $0x80, s3, s22, $0xb8;
	[tilespmem:$0x1DC80] =	vst v63  }
0x1c6: {  	_ =	swait.ge [sflag:s21], $0x80  }
0x1c7: {  	[sflag:s21] =	ssyncset.done $0x0  }
0x1c8: {  	[sflag:s21] =	ssyncadd.s32 $0xFFFFFF80  }
0x1c9: {  	_ =	swait.ge [sflag:s21], $0x80  }
0x1ca: {  	[sflag:s21] =	ssyncset.done $0x0  }
0x1cb: {  	s18 =	simm.s32 $0x13C80;
	[sflag:s21] =	ssyncadd.s32 $0xFFFFFF80  }
0x1cc: {  	[tilespmem:s18], [sflag:$0x5] =	stream.indirect.gather [hbm4b:s4+s22], $0x80, s28, s22, $0xb8;
	[tilespmem:$0x1DC80] =	vst v63  }
0x1cd: {  	s19 =	simm.s32 $0x18C80;
	s12 =	simm.s32 $0x0;
	s17 =	rddreg [dreg:$0x10]  }
0x1ce: {  	[tilespmem:s19], [sflag:$0x9] =	stream.linear.gather [hbm4b:s17+s12], $0x1400, $0x38;
	[tilespmem:$0x1DC80] =	vst v63  }
0x1cf: {  	_ =	swait.ge [sflag:s29], $0x1400  }
0x1d0: {  	[sflag:s29] =	ssyncset.done $0x0  }
0x1d1: {  	s19 =	simm.s32 $0x13900;
	s18 =	rddreg [dreg:$0x1d];
	[sflag:s29] =	ssyncadd.s32 $0xFFFFEC00  }
0x1d2: {  	[tilespmem:s19], [sflag:$0x2] =	stream.linear.gather [hbm4b:s18+s12], $0x80, $0x38;
	[tilespmem:$0x1DC80] =	vst v63  }
0x1d3: {  	s18 =	rddreg [dreg:$0x1e];
	s19 =	simm.s32 $0x8  }
0x1d4: {  	[tilespmem:s20], [sflag:$0x2] =	stream.linear.gather [hbm4b:s18+s12], $0x80, $0x38;
	[tilespmem:$0x1DC80] =	vst v63  }
0x1d5: {  	_ =	swait.ge [sflag:s19], $0x1400  }
0x1d6: {  	[sflag:s19] =	ssyncset.done $0x0  }
0x1d7: {  	[sflag:s19] =	ssyncadd.s32 $0xFFFFEC00  }
0x1d8: {  	_ =	swait.ge [sflag:s9], $0x1400  }
0x1d9: {  	[sflag:s9] =	ssyncset.done $0x0  }
0x1da: {  	s12 =	simm.s32 $0x0;
	[sflag:s9] =	ssyncadd.s32 $0xFFFFEC00  }
0x1db: {  	v4 =	vld [tilespmem:s12+$0x1C880]  }
0x1dc: {  	v2 =	vld [tilespmem:s12+$0x1C890]  }
0x1dd: {  	v1 =	vld [tilespmem:s12+$0x1C8A0]  }
0x1de: {  	v0 =	vld [tilespmem:s12+$0x1C8B0]  }
0x1df: {  	v8 =	vld [tilespmem:s12+$0x17880]  }
0x1e0: {  	v7 =	vld [tilespmem:s12+$0x17890]  }
0x1e1: {  	v6 =	vld [tilespmem:s12+$0x178A0]  }
0x1e2: {  	v5 =	vld [tilespmem:s12+$0x178B0]  }
0x1e3: {  	v3 =	vld [tilespmem:s12+$0x178C0];
	v10 =	vshll.u32 v4, $0x10  }
0x1e4: {  	s17 =	simm.s32 $0x200;
	s19 =	simm.s32 $0x11;
	v9 =	vand.u32 $0xFFFF0000, v4;
	v4 =	vld [tilespmem:s12+$0x178D0];
	v8 =	vmul.f32 v10, v8  }
.LBB2_18:
0x1e5: {  	p1 =	sne.s32 s17, $0x4E00;
	v7 =	vmul.f32 v9, v7;
	v9 =	vshll.u32 v2, $0x10;
	v10 =	vld [tilespmem:s12+$0x178E0]  }
0x1e6: {  	s18 =	sshra.s32 s17, $0x2;
	v2 =	vand.u32 $0xFFFF0000, v2;
	[tilespmem:s12+$0x17880] =	vst v8;
	v6 =	vmul.f32 v9, v6;
	v8 =	vld [tilespmem:s12+$0x178F0]  }
0x1e7: {  	v9 =	vld [tilespmem:s18+$0x1C880];
	[tilespmem:s12+$0x17890] =	vst v7;
	v5 =	vmul.f32 v2, v5;
	v7 =	vshll.u32 v1, $0x10  }
0x1e8: {  	v2 =	vld [tilespmem:s18+$0x1C890];
	[tilespmem:s12+$0x178A0] =	vst v6;
	v6 =	vand.u32 $0xFFFF0000, v1;
	v3 =	vmul.f32 v7, v3  }
0x1e9: {  	v1 =	vld [tilespmem:s18+$0x1C8A0];
	[tilespmem:s12+$0x178B0] =	vst v5;
	v4 =	vmul.f32 v6, v4;
	v5 =	vshll.u32 v0, $0x10  }
0x1ea: {  	[tilespmem:s12+$0x178C0] =	vst v3;
	v3 =	vand.u32 $0xFFFF0000, v0;
	v0 =	vld [tilespmem:s18+$0x1C8B0];
	v5 =	vmul.f32 v5, v10  }
0x1eb: {  	v10 =	vld [tilespmem:s18+$0x17880];
	[tilespmem:s12+$0x178D0] =	vst v4;
	v3 =	vmul.f32 v3, v8  }
.Ltmp8:
0x1ec: {  	v7 =	vld [tilespmem:s18+$0x17890];
	[tilespmem:s12+$0x178E0] =	vst v5;
	(pc) =	sbr.rel @p1 .LBB2_18-.Ltmp8, $4  }
0x1ed: {  	v6 =	vld [tilespmem:s18+$0x178A0];
	[tilespmem:s12+$0x178F0] =	vst v3;
	s12 =	smov.u32 s18  }
0x1ee: {  	v5 =	vld [tilespmem:s12+$0x178B0]  }
0x1ef: {  	v4 =	vshll.u32 v9, $0x10;
	v3 =	vld [tilespmem:s12+$0x178C0]  }
0x1f0: {  	s17 =	sadd.s32 $0x200, s17;
	v9 =	vand.u32 $0xFFFF0000, v9;
	v8 =	vmul.f32 v4, v10;
	v4 =	vld [tilespmem:s12+$0x178D0]  }
0x1f1: {  	v10 =	vld [tilespmem:s12+$0x178E0];
	v7 =	vmul.f32 v9, v7;
	v9 =	vshll.u32 v2, $0x10  }
0x1f2: {  	v2 =	vand.u32 $0xFFFF0000, v2;
	[tilespmem:s12+$0x17880] =	vst v8;
	v6 =	vmul.f32 v9, v6;
	v8 =	vld [tilespmem:s12+$0x178F0]  }
0x1f3: {  	[tilespmem:s12+$0x17890] =	vst v7;
	v2 =	vmul.f32 v2, v5;
	v5 =	vshll.u32 v1, $0x10  }
0x1f4: {  	v1 =	vand.u32 $0xFFFF0000, v1;
	[tilespmem:s12+$0x178A0] =	vst v6;
	v3 =	vmul.f32 v5, v3  }
0x1f5: {  	[tilespmem:s12+$0x178B0] =	vst v2;
	v1 =	vmul.f32 v1, v4;
	v2 =	vshll.u32 v0, $0x10  }
0x1f6: {  	v0 =	vand.u32 $0xFFFF0000, v0;
	[tilespmem:s12+$0x178C0] =	vst v3;
	v2 =	vmul.f32 v2, v10  }
0x1f7: {  	[tilespmem:s12+$0x178D0] =	vst v1;
	v0 =	vmul.f32 v0, v8  }
0x1f8: {  	[tilespmem:s12+$0x178E0] =	vst v2  }
0x1f9: {  	s3 =	simm.s32 $0x13C00;
	s17 =	simm.s32 $0x17880;
	[tilespmem:s12+$0x178F0] =	vst v0  }
0x1fa: {  	[spmem:s1] =	stream.indirect.scatter.add.f32 [tilespmem:s17], [sflag:$0x10], $0x80, s3, s22, $0xb8;
	[tilespmem:$0x1DC80] =	vst v63  }
0x1fb: {  	_ =	swait.ge [sflag:s25], $0x80  }
0x1fc: {  	[sflag:s25] =	ssyncset.done $0x0  }
0x1fd: {  	[sflag:s25] =	ssyncadd.s32 $0xFFFFFF80  }
0x1fe: {  	_ =	swait.ge [sflag:s25], $0x80  }
0x1ff: {  	[sflag:s25] =	ssyncset.done $0x0  }
0x200: {  	s18 =	simm.s32 $0x13900;
	[sflag:s25] =	ssyncadd.s32 $0xFFFFFF80  }
0x201: {  	[tilespmem:s30], [sflag:$0x6] =	stream.indirect.gather [hbm4b:s4+s22], $0x80, s18, s22, $0xb8;
	[tilespmem:$0x1DC80] =	vst v63  }
0x202: {  	s3 =	simm.s32 $0x0;
	s17 =	rddreg [dreg:$0x11];
	s18 =	simm.s32 $0x1A080  }
0x203: {  	[tilespmem:s18], [sflag:$0xA] =	stream.linear.gather [hbm4b:s17+s3], $0x1400, $0x38;
	[tilespmem:$0x1DC80] =	vst v63  }
0x204: {  	_ =	swait.ge [sflag:s13], $0x1400  }
0x205: {  	[sflag:s13] =	ssyncset.done $0x0  }
0x206: {  	[sflag:s13] =	ssyncadd.s32 $0xFFFFEC00  }
0x207: {  	_ =	swait.ge [sflag:s31], $0x1400  }
0x208: {  	[sflag:s31] =	ssyncset.done $0x0  }
0x209: {  	[sflag:s31] =	ssyncadd.s32 $0xFFFFEC00  }
0x20a: {  	_ =	swait.ge [sflag:s0], $0x1400  }
0x20b: {  	[sflag:s0] =	ssyncset.done $0x0  }
0x20c: {  	s12 =	simm.s32 $0x0;
	[sflag:s0] =	ssyncadd.s32 $0xFFFFEC00  }
0x20d: {  	v4 =	vld [tilespmem:s12+$0x18C80]  }
0x20e: {  	v2 =	vld [tilespmem:s12+$0x18C90]  }
0x20f: {  	v1 =	vld [tilespmem:s12+$0x18CA0]  }
0x210: {  	v0 =	vld [tilespmem:s12+$0x18CB0]  }
0x211: {  	v8 =	vld [tilespmem:s12+$0x13C80]  }
0x212: {  	v7 =	vld [tilespmem:s12+$0x13C90]  }
0x213: {  	v6 =	vld [tilespmem:s12+$0x13CA0]  }
0x214: {  	v5 =	vld [tilespmem:s12+$0x13CB0]  }
0x215: {  	v3 =	vld [tilespmem:s12+$0x13CC0];
	v10 =	vshll.u32 v4, $0x10  }
0x216: {  	s17 =	simm.s32 $0x200;
	v9 =	vand.u32 $0xFFFF0000, v4;
	v4 =	vld [tilespmem:s12+$0x13CD0];
	v8 =	vmul.f32 v10, v8  }
.LBB2_20:
0x217: {  	p1 =	sne.s32 s17, $0x4E00;
	v7 =	vmul.f32 v9, v7;
	v9 =	vshll.u32 v2, $0x10;
	v10 =	vld [tilespmem:s12+$0x13CE0]  }
0x218: {  	s18 =	sshra.s32 s17, $0x2;
	v2 =	vand.u32 $0xFFFF0000, v2;
	[tilespmem:s12+$0x13C80] =	vst v8;
	v6 =	vmul.f32 v9, v6;
	v8 =	vld [tilespmem:s12+$0x13CF0]  }
0x219: {  	v9 =	vld [tilespmem:s18+$0x18C80];
	[tilespmem:s12+$0x13C90] =	vst v7;
	v5 =	vmul.f32 v2, v5;
	v7 =	vshll.u32 v1, $0x10  }
0x21a: {  	v2 =	vld [tilespmem:s18+$0x18C90];
	[tilespmem:s12+$0x13CA0] =	vst v6;
	v6 =	vand.u32 $0xFFFF0000, v1;
	v3 =	vmul.f32 v7, v3  }
0x21b: {  	v1 =	vld [tilespmem:s18+$0x18CA0];
	[tilespmem:s12+$0x13CB0] =	vst v5;
	v4 =	vmul.f32 v6, v4;
	v5 =	vshll.u32 v0, $0x10  }
0x21c: {  	[tilespmem:s12+$0x13CC0] =	vst v3;
	v3 =	vand.u32 $0xFFFF0000, v0;
	v0 =	vld [tilespmem:s18+$0x18CB0];
	v5 =	vmul.f32 v5, v10  }
0x21d: {  	v10 =	vld [tilespmem:s18+$0x13C80];
	[tilespmem:s12+$0x13CD0] =	vst v4;
	v3 =	vmul.f32 v3, v8  }
.Ltmp9:
0x21e: {  	v7 =	vld [tilespmem:s18+$0x13C90];
	[tilespmem:s12+$0x13CE0] =	vst v5;
	(pc) =	sbr.rel @p1 .LBB2_20-.Ltmp9, $4  }
0x21f: {  	v6 =	vld [tilespmem:s18+$0x13CA0];
	[tilespmem:s12+$0x13CF0] =	vst v3;
	s12 =	smov.u32 s18  }
0x220: {  	v5 =	vld [tilespmem:s12+$0x13CB0]  }
0x221: {  	v4 =	vshll.u32 v9, $0x10;
	v3 =	vld [tilespmem:s12+$0x13CC0]  }
0x222: {  	s17 =	sadd.s32 $0x200, s17;
	v9 =	vand.u32 $0xFFFF0000, v9;
	v8 =	vmul.f32 v4, v10;
	v4 =	vld [tilespmem:s12+$0x13CD0]  }
0x223: {  	v10 =	vld [tilespmem:s12+$0x13CE0];
	v7 =	vmul.f32 v9, v7;
	v9 =	vshll.u32 v2, $0x10  }
0x224: {  	v2 =	vand.u32 $0xFFFF0000, v2;
	[tilespmem:s12+$0x13C80] =	vst v8;
	v6 =	vmul.f32 v9, v6;
	v8 =	vld [tilespmem:s12+$0x13CF0]  }
0x225: {  	[tilespmem:s12+$0x13C90] =	vst v7;
	v2 =	vmul.f32 v2, v5;
	v5 =	vshll.u32 v1, $0x10  }
0x226: {  	v1 =	vand.u32 $0xFFFF0000, v1;
	[tilespmem:s12+$0x13CA0] =	vst v6;
	v3 =	vmul.f32 v5, v3  }
0x227: {  	[tilespmem:s12+$0x13CB0] =	vst v2;
	v1 =	vmul.f32 v1, v4;
	v2 =	vshll.u32 v0, $0x10  }
0x228: {  	v0 =	vand.u32 $0xFFFF0000, v0;
	[tilespmem:s12+$0x13CC0] =	vst v3;
	v2 =	vmul.f32 v2, v10  }
0x229: {  	[tilespmem:s12+$0x13CD0] =	vst v1;
	v0 =	vmul.f32 v0, v8  }
0x22a: {  	[tilespmem:s12+$0x13CE0] =	vst v2  }
0x22b: {  	s18 =	simm.s32 $0x13A80;
	s3 =	simm.s32 $0x13C80;
	[tilespmem:s12+$0x13CF0] =	vst v0  }
0x22c: {  	[spmem:s1] =	stream.indirect.scatter.add.f32 [tilespmem:s3], [sflag:$0xD], $0x80, s18, s22, $0xb8;
	[tilespmem:$0x1DC80] =	vst v63  }
0x22d: {  	_ =	swait.ge [sflag:s15], $0x1400  }
0x22e: {  	[sflag:s15] =	ssyncset.done $0x0  }
0x22f: {  	[sflag:s15] =	ssyncadd.s32 $0xFFFFEC00  }
0x230: {  	_ =	swait.ge [sflag:s14], $0x1400  }
0x231: {  	[sflag:s14] =	ssyncset.done $0x0  }
0x232: {  	[sflag:s14] =	ssyncadd.s32 $0xFFFFEC00  }
0x233: {  	_ =	swait.ge [sflag:s2], $0x1400  }
0x234: {  	[sflag:s2] =	ssyncset.done $0x0  }
0x235: {  	s12 =	simm.s32 $0x0;
	[sflag:s2] =	ssyncadd.s32 $0xFFFFEC00  }
0x236: {  	v4 =	vld [tilespmem:s12+$0x1A080]  }
0x237: {  	v2 =	vld [tilespmem:s12+$0x1A090]  }
0x238: {  	v1 =	vld [tilespmem:s12+$0x1A0A0]  }
0x239: {  	v0 =	vld [tilespmem:s12+$0x1A0B0]  }
0x23a: {  	v8 =	vld [tilespmem:s12+$0x15080]  }
0x23b: {  	v7 =	vld [tilespmem:s12+$0x15090]  }
0x23c: {  	v6 =	vld [tilespmem:s12+$0x150A0]  }
0x23d: {  	v5 =	vld [tilespmem:s12+$0x150B0]  }
0x23e: {  	v3 =	vld [tilespmem:s12+$0x150C0];
	v10 =	vshll.u32 v4, $0x10  }
0x23f: {  	s17 =	simm.s32 $0x200;
	v9 =	vand.u32 $0xFFFF0000, v4;
	v4 =	vld [tilespmem:s12+$0x150D0];
	v8 =	vmul.f32 v10, v8  }
.LBB2_22:
0x240: {  	p1 =	sne.s32 s17, $0x4E00;
	v7 =	vmul.f32 v9, v7;
	v9 =	vshll.u32 v2, $0x10;
	v10 =	vld [tilespmem:s12+$0x150E0]  }
0x241: {  	s18 =	sshra.s32 s17, $0x2;
	v2 =	vand.u32 $0xFFFF0000, v2;
	[tilespmem:s12+$0x15080] =	vst v8;
	v6 =	vmul.f32 v9, v6;
	v8 =	vld [tilespmem:s12+$0x150F0]  }
0x242: {  	v9 =	vld [tilespmem:s18+$0x1A080];
	[tilespmem:s12+$0x15090] =	vst v7;
	v5 =	vmul.f32 v2, v5;
	v7 =	vshll.u32 v1, $0x10  }
0x243: {  	v2 =	vld [tilespmem:s18+$0x1A090];
	[tilespmem:s12+$0x150A0] =	vst v6;
	v6 =	vand.u32 $0xFFFF0000, v1;
	v3 =	vmul.f32 v7, v3  }
0x244: {  	v1 =	vld [tilespmem:s18+$0x1A0A0];
	[tilespmem:s12+$0x150B0] =	vst v5;
	v4 =	vmul.f32 v6, v4;
	v5 =	vshll.u32 v0, $0x10  }
0x245: {  	[tilespmem:s12+$0x150C0] =	vst v3;
	v3 =	vand.u32 $0xFFFF0000, v0;
	v0 =	vld [tilespmem:s18+$0x1A0B0];
	v5 =	vmul.f32 v5, v10  }
0x246: {  	v10 =	vld [tilespmem:s18+$0x15080];
	[tilespmem:s12+$0x150D0] =	vst v4;
	v3 =	vmul.f32 v3, v8  }
.Ltmp10:
0x247: {  	v7 =	vld [tilespmem:s18+$0x15090];
	[tilespmem:s12+$0x150E0] =	vst v5;
	(pc) =	sbr.rel @p1 .LBB2_22-.Ltmp10, $4  }
0x248: {  	v6 =	vld [tilespmem:s18+$0x150A0];
	[tilespmem:s12+$0x150F0] =	vst v3;
	s12 =	smov.u32 s18  }
0x249: {  	v5 =	vld [tilespmem:s12+$0x150B0]  }
0x24a: {  	v4 =	vshll.u32 v9, $0x10;
	v3 =	vld [tilespmem:s12+$0x150C0]  }
0x24b: {  	s17 =	sadd.s32 $0x200, s17;
	v9 =	vand.u32 $0xFFFF0000, v9;
	v8 =	vmul.f32 v4, v10;
	v4 =	vld [tilespmem:s12+$0x150D0]  }
0x24c: {  	v10 =	vld [tilespmem:s12+$0x150E0];
	v7 =	vmul.f32 v9, v7;
	v57 =	vshll.u32 v2, $0x10  }
0x24d: {  	v58 =	vand.u32 $0xFFFF0000, v2;
	v59 =	vld [tilespmem:s12+$0x150F0];
	[tilespmem:s12+$0x15080] =	vst v8;
	v6 =	vmul.f32 v57, v6  }
0x24e: {  	v60 =	vshll.u32 v1, $0x10;
	[tilespmem:s12+$0x15090] =	vst v7;
	v2 =	vmul.f32 v58, v5  }
0x24f: {  	v61 =	vand.u32 $0xFFFF0000, v1;
	[tilespmem:s12+$0x150A0] =	vst v6;
	v3 =	vmul.f32 v60, v3  }
0x250: {  	v62 =	vshll.u32 v0, $0x10;
	[tilespmem:s12+$0x150B0] =	vst v2;
	v1 =	vmul.f32 v61, v4  }
0x251: {  	v63 =	vand.u32 $0xFFFF0000, v0;
	[tilespmem:s12+$0x150C0] =	vst v3;
	v2 =	vmul.f32 v62, v10  }
0x252: {  	v0 =	vmul.f32 v63, v59;
	[tilespmem:s12+$0x150D0] =	vst v1  }
0x253: {  	[tilespmem:s12+$0x150E0] =	vst v2  }
0x254: {  	[tilespmem:s12+$0x150F0] =	vst v0  }
0x255: {  	[spmem:s1] =	stream.indirect.scatter.add.f32 [tilespmem:s30], [sflag:$0xE], $0x80, s20, s22, $0xb8;
	[tilespmem:$0x1DC80] =	vst v63  }
0x256: {  	_ =	swait.ge [sflag:s24], $0x1400  }
0x257: {  	[sflag:s24] =	ssyncset.done $0x0  }
0x258: {  	[sflag:s24] =	ssyncadd.s32 $0xFFFFEC00  }
0x259: {  	_ =	swait.ge [sflag:s29], $0x1400  }
0x25a: {  	[sflag:s29] =	ssyncset.done $0x0  }
0x25b: {  	[sflag:s29] =	ssyncadd.s32 $0xFFFFEC00  }
0x25c: {  	[bflag:$0x0] =	sbarrier.arrive $0xFFFF  }
0x25d: {  	s3 =	sld [smem:$0x7FC]  }
0x25e: {  	s17 =	rddreg [dreg:$0x6]  }
0x25f: {  	s18 =	rddreg [dreg:$0xf]  }
0x260: {  	[hbm:s18], [sflag:s17] =	dma.local [spmem:s3], $0x2700  }
0x261: {  	_ =	swait.ge [sflag:s19], $0x2700  }
0x262: {  	s3 =	sld [smem:$0x7FD]  }
0x263: {  	[sflag:s19] =	ssyncset.done $0x0  }
0x264: {  	s12 =	rddreg [dreg:$0x12];
	[sflag:s19] =	ssyncadd.s32 $0xFFFFD900  }
0x265: {  	[hbm:s12], [sflag:s17] =	dma.local @!p0 [spmem:s3], $0x100  }
0x266: {  	s12 =	simm.s32 @!p0 $0x11  }
0x267: {  	_ =	swait.ge @!p0 [sflag:s12], $0x100  }
0x268: {  	s18 =	rddreg [dreg:$0x1f]  }
0x269: {  	s3 =	sadd.s32 $0x1, s18;
	s18 =	rddreg [dreg:$0x13]  }
0x26a: {  	p1 =	sne.s32 s3, s18  }
.Ltmp11:
0x26b: {  	_ = 	snop;
	(pc) =	sbr.rel @p1 .LBB2_1-.Ltmp11, $3  }
0x26c: {  	_ =	sdelay $0x1  }
0x26d: {  	[sflag:s12] =	ssyncset.done @!p0 $0x0  }
0x26e: {  	[sflag:s12] =	ssyncadd.s32 @!p0 $0xFFFFFF00  }
0x26f: {  	_ =	sfence.sel $0x180000  }
0x270: {  	[bflag:$0x0] =	sbarrier.arrive $0xFFFF  }
0x271: {  	_ =	strace $0x90000047  }
0x272: {  	s0 =	stileid.u32;
	[bflag:$0x2] =	sbarrier.arrive $0xFFFF  }
0x273: {  	p0 =	sne.s32 s0, $0x0;
	s0 =	rddreg [dreg:$0x3]  }
0x274: {  	s0 =	sadd.s32 @!p0 $0x100000, s0  }
0x275: {  	[sflag:s0] =	ssyncadd.tile.s32 @!p0 $0x1;
	_ =	shalt  }
.Lfunc_end2:
_tile_overlayer_lowered:
.L_overlay_start_2:
0x276: {  	(tag) =	ssettag $0x2  }
0x277: {  	s0 =	rddreg [dreg:$0x0];
	s2 =	stileid.u32  }
0x278: {  	s1 =	rddreg [dreg:$0x1];
	p0 =	sne.s32 s2, $0x0  }
0x279: {  	s3 =	rddreg [dreg:$0x2];
	[bflag:$0x3] =	sbarrier.arrive $0xFFFF;
	s2 =	simm.s32 @!p0 $0x1C11  }
0x27a: {  	[timem:s3], [sflag:s2] =	dma.local @!p0 [hbm:s0], s1  }
0x27b: {  	s0 =	simm.s32 @!p0 $0x11  }
0x27c: {  	_ =	swait.ge @!p0 [sflag:s0], s1  }
0x27d: {  	s1 =	ssub.s32 @!p0 $0x0, s1;
	[sflag:s0] =	ssyncset.done @!p0 $0x0  }
0x27e: {  	[sflag:s0] =	ssyncadd.s32 @!p0 s1  }
0x27f: {  	[bflag:$0x3] =	sbarrier.arrive $0xFFFF  }
0x280: {  	_ =	shalt  }

</sc_bundles>
